<compile_context>
chip_gen: v7x
topology: tpu7x:2x2x1
jax: 0.10.2.dev20260603
libtpu: 0.0.44.dev20260713+nightly
codegen_flags: <defaults>
</compile_context>

<pallas_src>
import functools

import jax
import jax.numpy as jnp
from jax import lax
from jax.experimental import pallas as pl
from jax.experimental.pallas import tpu as pltpu
from jax.experimental.pallas import tpu_sc as plsc

NC = 2
NS = 16
NW = NC * NS
BATCH = 80
NSLOT = 4
BLK = 1280


def _sc_agg(h, src, dst):
  npad, d = h.shape
  e = src.shape[0]
  per_w = e // NW
  nb = per_w // BATCH
  assert per_w * NW == e and nb * BATCH == per_w
  rpt = npad // NS
  nchunk = rpt // BATCH
  assert rpt * NS == npad and nchunk * BATCH == rpt

  mesh = plsc.VectorSubcoreMesh(core_axis_name="c", subcore_axis_name="s")

  @functools.partial(
      pl.kernel,
      out_type=[
          jax.ShapeDtypeStruct((NC * npad, d), jnp.float32),
          jax.ShapeDtypeStruct((NC * npad,), jnp.float32),
      ],
      mesh=mesh,
      scratch_types=(
          [pltpu.VMEM((BATCH,), jnp.int32) for _ in range(2 * NSLOT)]
          + [pltpu.VMEM((BATCH, d), jnp.float32) for _ in range(NSLOT)]
          + [pltpu.VMEM((BATCH,), jnp.float32),
             pltpu.VMEM_SHARED((npad, d), jnp.float32),
             pltpu.VMEM_SHARED((npad,), jnp.float32)]
          + [pltpu.SemaphoreType.DMA for _ in range(2 * NSLOT)]
      ),
  )
  def k(h_hbm, src_hbm, dst_hbm, agg_out, deg_out, *refs):
    srcs = refs[0:NSLOT]
    dsts = refs[NSLOT:2 * NSLOT]
    rows = refs[2 * NSLOT:3 * NSLOT]
    ones_v = refs[3 * NSLOT]
    agg_sh = refs[3 * NSLOT + 1]
    deg_sh = refs[3 * NSLOT + 2]
    gsem = refs[3 * NSLOT + 3:4 * NSLOT + 3]
    ssem = refs[4 * NSLOT + 3:5 * NSLOT + 3]
    rows_a = rows[0]
    c = lax.axis_index("c")
    s = lax.axis_index("s")
    wid = s * NC + c
    zed = jnp.zeros((16,), jnp.float32)

    def zrow(i, carry):
      for j in range(d // 16):
        rows_a[i, pl.ds(j * 16, 16)] = zed
      return carry

    lax.fori_loop(0, BATCH, zrow, 0)
    for j in range(BATCH // 16):
      ones_v[pl.ds(j * 16, 16)] = zed
    for j in range(nchunk):
      off = pl.multiple_of(s * rpt + j * BATCH, 8)
      pltpu.sync_copy(rows_a, agg_sh.at[pl.ds(off, BATCH)])
      pltpu.sync_copy(ones_v, deg_sh.at[pl.ds(off, BATCH)])
    one = jnp.ones((16,), jnp.float32)
    for j in range(BATCH // 16):
      ones_v[pl.ds(j * 16, 16)] = one
    plsc.subcore_barrier()

    base = wid * per_w
    ngroup = nb // NSLOT
    tail = nb - ngroup * NSLOT
    assert ngroup >= 2

    def ldidx(bi, sref, dref):
      off = pl.multiple_of(base + bi * BATCH, 8)
      pltpu.sync_copy(src_hbm.at[pl.ds(off, BATCH)], sref)
      pltpu.sync_copy(dst_hbm.at[pl.ds(off, BATCH)], dref)

    def gwait(j):
      pltpu.make_async_copy(h_hbm.at[srcs[j]], rows[j], gsem[j]).wait()

    def scat(j):
      pltpu.async_copy(rows[j], agg_sh.at[dsts[j]], ssem[j], add=True)
      pltpu.async_copy(ones_v, deg_sh.at[dsts[j]], ssem[j], add=True)

    def scat_wait(j):
      pltpu.make_async_copy(rows[j], agg_sh.at[dsts[j]], ssem[j]).wait()
      pltpu.make_async_copy(ones_v, deg_sh.at[dsts[j]], ssem[j]).wait()

    for j in range(NSLOT):
      ldidx(j, srcs[j], dsts[j])
      pltpu.async_copy(h_hbm.at[srcs[j]], rows[j], gsem[j])

    def body(i, carry):
      for j in range(NSLOT):
        gwait(j)
        scat(j)
        scat_wait(j)
        ldidx(NSLOT * i + j + NSLOT, srcs[j], dsts[j])
        pltpu.async_copy(h_hbm.at[srcs[j]], rows[j], gsem[j])
      return carry

    lax.fori_loop(0, ngroup - 1, body, 0)
    for j in range(NSLOT):
      gwait(j)
      scat(j)
    for j in range(NSLOT):
      scat_wait(j)
    for t in range(tail):
      ldidx(ngroup * NSLOT + t, srcs[0], dsts[0])
      pltpu.async_copy(h_hbm.at[srcs[0]], rows[0], gsem[0])
      gwait(0)
      scat(0)
      scat_wait(0)

    plsc.subcore_barrier()
    for j in range(nchunk):
      off = pl.multiple_of(s * rpt + j * BATCH, 8)
      oo = pl.multiple_of(c * npad + s * rpt + j * BATCH, 8)
      pltpu.sync_copy(agg_sh.at[pl.ds(off, BATCH)], rows_a)
      pltpu.sync_copy(rows_a, agg_out.at[pl.ds(oo, BATCH)])
      pltpu.sync_copy(deg_sh.at[pl.ds(off, BATCH)], ones_v)
      pltpu.sync_copy(ones_v, deg_out.at[pl.ds(oo, BATCH)])

  return k(h, src, dst)


def _tc_init(features, w, b):
  npad, kdim = features.shape
  d = w.shape[1]

  def body(x_ref, w_ref, b_ref, o_ref):
    o = jnp.dot(x_ref[...], w_ref[...], preferred_element_type=jnp.float32)
    o_ref[...] = jnp.maximum(o + b_ref[...], 0.0)

  return pl.pallas_call(
      body,
      grid=(npad // BLK,),
      in_specs=[
          pl.BlockSpec((BLK, kdim), lambda i: (i, 0)),
          pl.BlockSpec((kdim, d), lambda i: (0, 0)),
          pl.BlockSpec((1, d), lambda i: (0, 0)),
      ],
      out_specs=pl.BlockSpec((BLK, d), lambda i: (i, 0)),
      out_shape=jax.ShapeDtypeStruct((npad, d), jnp.float32),
  )(features, w, b.reshape(1, d))


def _tc_combine(h, agg2, deg4, ws, bs, wn, bn, act):
  npad, d = h.shape
  nblk = npad // BLK

  def body(h_ref, a_ref, g_ref, ws_ref, bs_ref, wn_ref, bn_ref, o_ref):
    a = a_ref[0] + a_ref[1]
    deg = g_ref[0, 0, 0] + g_ref[1, 0, 0]
    hn = a * (1.0 / jnp.maximum(deg, 1.0))[:, None]
    o = (jnp.dot(h_ref[...], ws_ref[...], preferred_element_type=jnp.float32)
         + jnp.dot(hn, wn_ref[...], preferred_element_type=jnp.float32)
         + bs_ref[...] + bn_ref[...])
    if act:
      o = jnp.maximum(o, 0.0)
    o_ref[...] = o

  return pl.pallas_call(
      body,
      grid=(nblk,),
      in_specs=[
          pl.BlockSpec((BLK, d), lambda i: (i, 0)),
          pl.BlockSpec((NC, BLK, d), lambda i: (0, i, 0)),
          pl.BlockSpec((NC, 1, 1, BLK), lambda i: (0, i, 0, 0)),
          pl.BlockSpec((d, d), lambda i: (0, 0)),
          pl.BlockSpec((1, d), lambda i: (0, 0)),
          pl.BlockSpec((d, d), lambda i: (0, 0)),
          pl.BlockSpec((1, d), lambda i: (0, 0)),
      ],
      out_specs=pl.BlockSpec((BLK, d), lambda i: (i, 0)),
      out_shape=jax.ShapeDtypeStruct((npad, d), jnp.float32),
  )(h, agg2, deg4, ws, bs.reshape(1, d), wn, bn.reshape(1, d))


def kernel(features, edge_index0, edge_index1, fc_init_W, fc_init_b,
           fc_self_W, fc_self_b, fc_neigh_W, fc_neigh_b):
  n = features.shape[0]
  d = fc_init_W.shape[1]
  npad = -(-n // (NS * BATCH)) * (NS * BATCH)

  fpad = jnp.pad(features, ((0, npad - n), (0, 0)))
  h0 = _tc_init(fpad, fc_init_W, fc_init_b)

  src0 = edge_index0[0].astype(jnp.int32)
  dst0 = edge_index0[1].astype(jnp.int32)
  agg0, deg0 = _sc_agg(h0, src0, dst0)
  h1 = _tc_combine(h0, agg0.reshape(NC, npad, d),
                   deg0.reshape(NC, npad // BLK, 1, BLK),
                   fc_self_W, fc_self_b, fc_neigh_W, fc_neigh_b, True)

  src1 = edge_index1[0].astype(jnp.int32)
  dst1 = edge_index1[1].astype(jnp.int32)
  agg1, deg1 = _sc_agg(h1, src1, dst1)
  h2 = _tc_combine(h1, agg1.reshape(NC, npad, d),
                   deg1.reshape(NC, npad // BLK, 1, BLK),
                   fc_self_W, fc_self_b, fc_neigh_W, fc_neigh_b, False)
  return h2[:n]

# --- scband reference (transcript-rebuilt; emitter-appended) ---
"""Pipeline reference for scband-abgnn-13022340841660 (READ-ONLY COPY).

The authoritative reference and input builder live on the scoring server;
editing this copy changes nothing except your own understanding.
"""

import jax, jax.numpy as jnp
import numpy as np

N = 10000
E = 640000
IN_DIM = 16
HID = 128


def setup_inputs(seed: int = 0) -> dict:
    key = jax.random.key(seed)
    ks = jax.random.split(key, 10)
    features = jax.random.normal(ks[0], (N, IN_DIM), dtype=jnp.float32)
    edge_index0 = jax.random.randint(ks[1], (2, E), 0, N)
    edge_index1 = jax.random.randint(ks[2], (2, E), 0, N)
    fc_init_W = jax.random.normal(ks[3], (IN_DIM, HID), dtype=jnp.float32) * (1.0 / np.sqrt(IN_DIM))
    fc_init_b = jnp.zeros((HID,), dtype=jnp.float32)
    fc_self_W = jax.random.normal(ks[4], (HID, HID), dtype=jnp.float32) * (1.0 / np.sqrt(HID))
    fc_self_b = jnp.zeros((HID,), dtype=jnp.float32)
    fc_neigh_W = jax.random.normal(ks[5], (HID, HID), dtype=jnp.float32) * (1.0 / np.sqrt(HID))
    fc_neigh_b = jnp.zeros((HID,), dtype=jnp.float32)
    return {
        "features": features,
        "edge_index0": edge_index0,
        "edge_index1": edge_index1,
        "fc_init_W": fc_init_W,
        "fc_init_b": fc_init_b,
        "fc_self_W": fc_self_W,
        "fc_self_b": fc_self_b,
        "fc_neigh_W": fc_neigh_W,
        "fc_neigh_b": fc_neigh_b,
    }


def _sage_layer(h, edge_index, fc_self_W, fc_self_b, fc_neigh_W, fc_neigh_b, act):
    # SAGEConv(aggregator_type='mean', combine_type='sum', include=False)
    src = edge_index[0]
    dst = edge_index[1]
    msg = jnp.take(h, src, axis=0)  # gather src features along edges
    agg = jax.ops.segment_sum(msg, dst, num_segments=N)
    deg = jax.ops.segment_sum(jnp.ones((edge_index.shape[1],), dtype=h.dtype), dst, num_segments=N)
    h_neigh = agg / jnp.clip(deg, 1.0)[:, None]
    out = (h @ fc_self_W + fc_self_b) + (h_neigh @ fc_neigh_W + fc_neigh_b)
    if act:
        out = jax.nn.relu(out)
    return out


def reference(features, edge_index0, edge_index1, fc_init_W, fc_init_b,
              fc_self_W, fc_self_b, fc_neigh_W, fc_neigh_b):
    # ABGNN.forward: h = activation(fc_init(features)); then conv over each block.
    h = jax.nn.relu(features @ fc_init_W + fc_init_b)
    # block 0: act_flag = True (not last); dropout skipped at i==0 and is identity in eval
    h = _sage_layer(h, edge_index0, fc_self_W, fc_self_b, fc_neigh_W, fc_neigh_b, True)
    # block 1 (last): dropout (identity in eval), act_flag = False
    h = _sage_layer(h, edge_index1, fc_self_W, fc_self_b, fc_neigh_W, fc_neigh_b, False)
    # h.squeeze(1) is a no-op for a 2-D [N, out] tensor
    return h

if __name__ == "__main__":
    import jax
    _d = setup_inputs()
    print(jax.jit(kernel)(*tuple(_d.values())))

</pallas_src>

<mosaic_0001>
#map = affine_map<(d0, d1) -> (0, 0)>
#map1 = affine_map<(d0, d1) -> (0)>
module attributes {stable_mosaic.version = 14 : i64} {
  func.func @k(%arg0: i32, %arg1: i32, %arg2: memref<10240x128xf32, #tpu.memory_space<hbm>>, %arg3: memref<640000xi32, #tpu.memory_space<hbm>>, %arg4: memref<640000xi32, #tpu.memory_space<hbm>>, %arg5: memref<20480x128xf32, #tpu.memory_space<hbm>>, %arg6: memref<20480xf32, #tpu.memory_space<hbm>>, %arg7: memref<80xi32, #tpu.memory_space<vmem>>, %arg8: memref<80xi32, #tpu.memory_space<vmem>>, %arg9: memref<80xi32, #tpu.memory_space<vmem>>, %arg10: memref<80xi32, #tpu.memory_space<vmem>>, %arg11: memref<80xi32, #tpu.memory_space<vmem>>, %arg12: memref<80xi32, #tpu.memory_space<vmem>>, %arg13: memref<80xi32, #tpu.memory_space<vmem>>, %arg14: memref<80xi32, #tpu.memory_space<vmem>>, %arg15: memref<80x128xf32, #tpu.memory_space<vmem>>, %arg16: memref<80x128xf32, #tpu.memory_space<vmem>>, %arg17: memref<80x128xf32, #tpu.memory_space<vmem>>, %arg18: memref<80x128xf32, #tpu.memory_space<vmem>>, %arg19: memref<80xf32, #tpu.memory_space<vmem>>, %arg20: memref<10240x128xf32, #tpu.memory_space<vmem_shared>>, %arg21: memref<10240xf32, #tpu.memory_space<vmem_shared>>, %arg22: memref<!tpu.dma_semaphore, #tpu.memory_space<semaphore_mem>>, %arg23: memref<!tpu.dma_semaphore, #tpu.memory_space<semaphore_mem>>, %arg24: memref<!tpu.dma_semaphore, #tpu.memory_space<semaphore_mem>>, %arg25: memref<!tpu.dma_semaphore, #tpu.memory_space<semaphore_mem>>, %arg26: memref<!tpu.dma_semaphore, #tpu.memory_space<semaphore_mem>>, %arg27: memref<!tpu.dma_semaphore, #tpu.memory_space<semaphore_mem>>, %arg28: memref<!tpu.dma_semaphore, #tpu.memory_space<semaphore_mem>>, %arg29: memref<!tpu.dma_semaphore, #tpu.memory_space<semaphore_mem>>) attributes {dimension_semantics = [#tpu.dimension_semantics<core_parallel>, #tpu.dimension_semantics<subcore_parallel>], iteration_bounds = array<i64: 2, 16>, scalar_prefetch = 0 : i64, scratch_operands = 23 : i64, tpu.core_type = #tpu.core_type<sc_vector_subcore>, window_params = [{transform_indices = #map}, {transform_indices = #map1}, {transform_indices = #map1}, {transform_indices = #map}, {transform_indices = #map1}]} {
    %mul3A = arith.constant 2 : i32
    %mul3A_0 = arith.muli %arg1, %mul3A : i32
    %add3A = arith.addi %mul3A_0, %arg0 : i32
    %broadcast_in_dim3A = arith.constant 0.000000e+00 : f32
    %broadcast_in_dim3A_1 = vector.broadcast %broadcast_in_dim3A : f32 to vector<16xf32>
    %scan3A = arith.constant 0 : i32
    %scan3A_2 = arith.constant 0 : i32
    %scan3A_3 = arith.constant 80 : i32
    %scan3A_4 = arith.addi %scan3A_2, %scan3A_3 : i32
    %scan3A_5 = arith.constant 1 : i32
    scf.for %scan3A_312 = %scan3A_2 to %scan3A_4 step %scan3A_5  : i32 {
      %swap3A_313 = arith.index_cast %scan3A_312 : i32 to index
      %swap3A_314 = arith.constant 0 : index
      %swap3A_315 = tpu.vector_load %arg15[%swap3A_313, %swap3A_314] {strides = array<i32>} : memref<80x128xf32, #tpu.memory_space<vmem>>, vector<1x16xf32>,
      %swap3A_316 = vector.shape_cast %swap3A_315 : vector<1x16xf32> to vector<16xf32>
      %swap3A_317 = vector.shape_cast %broadcast_in_dim3A_1 : vector<16xf32> to vector<1x16xf32>
      tpu.vector_store %arg15[%swap3A_313, %swap3A_314], %swap3A_317 {strides = array<i32>} : memref<80x128xf32, #tpu.memory_space<vmem>>, vector<1x16xf32>,
      %swap3A_318 = arith.index_cast %scan3A_312 : i32 to index
      %swap3A_319 = arith.constant 16 : index
      %swap3A_320 = tpu.vector_load %arg15[%swap3A_318, %swap3A_319] {strides = array<i32>} : memref<80x128xf32, #tpu.memory_space<vmem>>, vector<1x16xf32>,
      %swap3A_321 = vector.shape_cast %swap3A_320 : vector<1x16xf32> to vector<16xf32>
      %swap3A_322 = vector.shape_cast %broadcast_in_dim3A_1 : vector<16xf32> to vector<1x16xf32>
      tpu.vector_store %arg15[%swap3A_318, %swap3A_319], %swap3A_322 {strides = array<i32>} : memref<80x128xf32, #tpu.memory_space<vmem>>, vector<1x16xf32>,
      %swap3A_323 = arith.index_cast %scan3A_312 : i32 to index
      %swap3A_324 = arith.constant 32 : index
      %swap3A_325 = tpu.vector_load %arg15[%swap3A_323, %swap3A_324] {strides = array<i32>} : memref<80x128xf32, #tpu.memory_space<vmem>>, vector<1x16xf32>,
      %swap3A_326 = vector.shape_cast %swap3A_325 : vector<1x16xf32> to vector<16xf32>
      %swap3A_327 = vector.shape_cast %broadcast_in_dim3A_1 : vector<16xf32> to vector<1x16xf32>
      tpu.vector_store %arg15[%swap3A_323, %swap3A_324], %swap3A_327 {strides = array<i32>} : memref<80x128xf32, #tpu.memory_space<vmem>>, vector<1x16xf32>,
      %swap3A_328 = arith.index_cast %scan3A_312 : i32 to index
      %swap3A_329 = arith.constant 48 : index
      %swap3A_330 = tpu.vector_load %arg15[%swap3A_328, %swap3A_329] {strides = array<i32>} : memref<80x128xf32, #tpu.memory_space<vmem>>, vector<1x16xf32>,
      %swap3A_331 = vector.shape_cast %swap3A_330 : vector<1x16xf32> to vector<16xf32>
      %swap3A_332 = vector.shape_cast %broadcast_in_dim3A_1 : vector<16xf32> to vector<1x16xf32>
      tpu.vector_store %arg15[%swap3A_328, %swap3A_329], %swap3A_332 {strides = array<i32>} : memref<80x128xf32, #tpu.memory_space<vmem>>, vector<1x16xf32>,
      %swap3A_333 = arith.index_cast %scan3A_312 : i32 to index
      %swap3A_334 = arith.constant 64 : index
      %swap3A_335 = tpu.vector_load %arg15[%swap3A_333, %swap3A_334] {strides = array<i32>} : memref<80x128xf32, #tpu.memory_space<vmem>>, vector<1x16xf32>,
      %swap3A_336 = vector.shape_cast %swap3A_335 : vector<1x16xf32> to vector<16xf32>
      %swap3A_337 = vector.shape_cast %broadcast_in_dim3A_1 : vector<16xf32> to vector<1x16xf32>
      tpu.vector_store %arg15[%swap3A_333, %swap3A_334], %swap3A_337 {strides = array<i32>} : memref<80x128xf32, #tpu.memory_space<vmem>>, vector<1x16xf32>,
      %swap3A_338 = arith.index_cast %scan3A_312 : i32 to index
      %swap3A_339 = arith.constant 80 : index
      %swap3A_340 = tpu.vector_load %arg15[%swap3A_338, %swap3A_339] {strides = array<i32>} : memref<80x128xf32, #tpu.memory_space<vmem>>, vector<1x16xf32>,
      %swap3A_341 = vector.shape_cast %swap3A_340 : vector<1x16xf32> to vector<16xf32>
      %swap3A_342 = vector.shape_cast %broadcast_in_dim3A_1 : vector<16xf32> to vector<1x16xf32>
      tpu.vector_store %arg15[%swap3A_338, %swap3A_339], %swap3A_342 {strides = array<i32>} : memref<80x128xf32, #tpu.memory_space<vmem>>, vector<1x16xf32>,
      %swap3A_343 = arith.index_cast %scan3A_312 : i32 to index
      %swap3A_344 = arith.constant 96 : index
      %swap3A_345 = tpu.vector_load %arg15[%swap3A_343, %swap3A_344] {strides = array<i32>} : memref<80x128xf32, #tpu.memory_space<vmem>>, vector<1x16xf32>,
      %swap3A_346 = vector.shape_cast %swap3A_345 : vector<1x16xf32> to vector<16xf32>
      %swap3A_347 = vector.shape_cast %broadcast_in_dim3A_1 : vector<16xf32> to vector<1x16xf32>
      tpu.vector_store %arg15[%swap3A_343, %swap3A_344], %swap3A_347 {strides = array<i32>} : memref<80x128xf32, #tpu.memory_space<vmem>>, vector<1x16xf32>,
      %swap3A_348 = arith.index_cast %scan3A_312 : i32 to index
      %swap3A_349 = arith.constant 112 : index
      %swap3A_350 = tpu.vector_load %arg15[%swap3A_348, %swap3A_349] {strides = array<i32>} : memref<80x128xf32, #tpu.memory_space<vmem>>, vector<1x16xf32>,
      %swap3A_351 = vector.shape_cast %swap3A_350 : vector<1x16xf32> to vector<16xf32>
      %swap3A_352 = vector.shape_cast %broadcast_in_dim3A_1 : vector<16xf32> to vector<1x16xf32>
      tpu.vector_store %arg15[%swap3A_348, %swap3A_349], %swap3A_352 {strides = array<i32>} : memref<80x128xf32, #tpu.memory_space<vmem>>, vector<1x16xf32>,
    }
    %scan3A_6 = arith.constant 80 : i32
    %swap3A = arith.constant 0 : index
    %swap3A_7 = tpu.vector_load %arg19[%swap3A] {strides = array<i32>} : memref<80xf32, #tpu.memory_space<vmem>>, vector<16xf32>,
    %swap3A_8 = vector.shape_cast %swap3A_7 : vector<16xf32> to vector<16xf32>
    %swap3A_9 = vector.shape_cast %broadcast_in_dim3A_1 : vector<16xf32> to vector<16xf32>
    tpu.vector_store %arg19[%swap3A], %swap3A_9 {strides = array<i32>} : memref<80xf32, #tpu.memory_space<vmem>>, vector<16xf32>,
    %swap3A_10 = arith.constant 16 : index
    %swap3A_11 = tpu.vector_load %arg19[%swap3A_10] {strides = array<i32>} : memref<80xf32, #tpu.memory_space<vmem>>, vector<16xf32>,
    %swap3A_12 = vector.shape_cast %swap3A_11 : vector<16xf32> to vector<16xf32>
    %swap3A_13 = vector.shape_cast %broadcast_in_dim3A_1 : vector<16xf32> to vector<16xf32>
    tpu.vector_store %arg19[%swap3A_10], %swap3A_13 {strides = array<i32>} : memref<80xf32, #tpu.memory_space<vmem>>, vector<16xf32>,
    %swap3A_14 = arith.constant 32 : index
    %swap3A_15 = tpu.vector_load %arg19[%swap3A_14] {strides = array<i32>} : memref<80xf32, #tpu.memory_space<vmem>>, vector<16xf32>,
    %swap3A_16 = vector.shape_cast %swap3A_15 : vector<16xf32> to vector<16xf32>
    %swap3A_17 = vector.shape_cast %broadcast_in_dim3A_1 : vector<16xf32> to vector<16xf32>
    tpu.vector_store %arg19[%swap3A_14], %swap3A_17 {strides = array<i32>} : memref<80xf32, #tpu.memory_space<vmem>>, vector<16xf32>,
    %swap3A_18 = arith.constant 48 : index
    %swap3A_19 = tpu.vector_load %arg19[%swap3A_18] {strides = array<i32>} : memref<80xf32, #tpu.memory_space<vmem>>, vector<16xf32>,
    %swap3A_20 = vector.shape_cast %swap3A_19 : vector<16xf32> to vector<16xf32>
    %swap3A_21 = vector.shape_cast %broadcast_in_dim3A_1 : vector<16xf32> to vector<16xf32>
    tpu.vector_store %arg19[%swap3A_18], %swap3A_21 {strides = array<i32>} : memref<80xf32, #tpu.memory_space<vmem>>, vector<16xf32>,
    %swap3A_22 = arith.constant 64 : index
    %swap3A_23 = tpu.vector_load %arg19[%swap3A_22] {strides = array<i32>} : memref<80xf32, #tpu.memory_space<vmem>>, vector<16xf32>,
    %swap3A_24 = vector.shape_cast %swap3A_23 : vector<16xf32> to vector<16xf32>
    %swap3A_25 = vector.shape_cast %broadcast_in_dim3A_1 : vector<16xf32> to vector<16xf32>
    tpu.vector_store %arg19[%swap3A_22], %swap3A_25 {strides = array<i32>} : memref<80xf32, #tpu.memory_space<vmem>>, vector<16xf32>,
    %mul3A_26 = arith.constant 640 : i32
    %mul3A_27 = arith.muli %arg1, %mul3A_26 : i32
    %add3A_28 = arith.constant 0 : i32
    %add3A_29 = arith.addi %mul3A_27, %add3A_28 : i32
    %multiple_of3A = tpu.assume_multiple %add3A_29, 8 : i32
    "tpu.region"() ({
      %run_scoped3A = tpu.sem_alloc : memref<!tpu.dma_semaphore, #tpu.memory_space<semaphore_mem>>
      %dma_start3A_312 = arith.constant 0 : i32
      %dma_start3A_313 = tpu.memref_slice %arg20[%multiple_of3A, %dma_start3A_312] : memref<10240x128xf32, #tpu.memory_space<vmem_shared>> -> memref<80x128xf32, #tpu.memory_space<vmem_shared>>
      %dma_start3A_314 = arith.constant 0 : i32
      %dma_start3A_315 = tpu.memref_slice %arg20[%multiple_of3A, %dma_start3A_314] : memref<10240x128xf32, #tpu.memory_space<vmem_shared>> -> memref<80x128xf32, #tpu.memory_space<vmem_shared>>
      tpu.enqueue_dma source(%arg15 : memref<80x128xf32, #tpu.memory_space<vmem>>) target(%dma_start3A_315 : memref<80x128xf32, #tpu.memory_space<vmem_shared>>) target_semaphore(%run_scoped3A : memref<!tpu.dma_semaphore, #tpu.memory_space<semaphore_mem>>)
      %dma_wait3A_316 = arith.constant 0 : i32
      %dma_wait3A_317 = tpu.memref_slice %arg20[%multiple_of3A, %dma_wait3A_316] : memref<10240x128xf32, #tpu.memory_space<vmem_shared>> -> memref<80x128xf32, #tpu.memory_space<vmem_shared>>
      %dma_wait3A_318 = arith.constant 0 : i32
      %dma_wait3A_319 = tpu.memref_slice %arg20[%multiple_of3A, %dma_wait3A_318] : memref<10240x128xf32, #tpu.memory_space<vmem_shared>> -> memref<80x128xf32, #tpu.memory_space<vmem_shared>>
      tpu.wait_dma2 semaphore(%run_scoped3A : memref<!tpu.dma_semaphore, #tpu.memory_space<semaphore_mem>>) src(%arg15 : memref<80x128xf32, #tpu.memory_space<vmem>>) dst(%dma_wait3A_319 : memref<80x128xf32, #tpu.memory_space<vmem_shared>>)
      tpu.yield
    }) : () -> ()
    "tpu.region"() ({
      %run_scoped3A = tpu.sem_alloc : memref<!tpu.dma_semaphore, #tpu.memory_space<semaphore_mem>>
      %dma_start3A_312 = tpu.memref_slice %arg21[%multiple_of3A] : memref<10240xf32, #tpu.memory_space<vmem_shared>> -> memref<80xf32, #tpu.memory_space<vmem_shared>>
      %dma_start3A_313 = tpu.memref_slice %arg21[%multiple_of3A] : memref<10240xf32, #tpu.memory_space<vmem_shared>> -> memref<80xf32, #tpu.memory_space<vmem_shared>>
      tpu.enqueue_dma source(%arg19 : memref<80xf32, #tpu.memory_space<vmem>>) target(%dma_start3A_313 : memref<80xf32, #tpu.memory_space<vmem_shared>>) target_semaphore(%run_scoped3A : memref<!tpu.dma_semaphore, #tpu.memory_space<semaphore_mem>>)
      %dma_wait3A_314 = tpu.memref_slice %arg21[%multiple_of3A] : memref<10240xf32, #tpu.memory_space<vmem_shared>> -> memref<80xf32, #tpu.memory_space<vmem_shared>>
      %dma_wait3A_315 = tpu.memref_slice %arg21[%multiple_of3A] : memref<10240xf32, #tpu.memory_space<vmem_shared>> -> memref<80xf32, #tpu.memory_space<vmem_shared>>
      tpu.wait_dma2 semaphore(%run_scoped3A : memref<!tpu.dma_semaphore, #tpu.memory_space<semaphore_mem>>) src(%arg19 : memref<80xf32, #tpu.memory_space<vmem>>) dst(%dma_wait3A_315 : memref<80xf32, #tpu.memory_space<vmem_shared>>)
      tpu.yield
    }) : () -> ()
    %mul3A_30 = arith.constant 640 : i32
    %mul3A_31 = arith.muli %arg1, %mul3A_30 : i32
    %add3A_32 = arith.constant 80 : i32
    %add3A_33 = arith.addi %mul3A_31, %add3A_32 : i32
    %multiple_of3A_34 = tpu.assume_multiple %add3A_33, 8 : i32
    "tpu.region"() ({
      %run_scoped3A = tpu.sem_alloc : memref<!tpu.dma_semaphore, #tpu.memory_space<semaphore_mem>>
      %dma_start3A_312 = arith.constant 0 : i32
      %dma_start3A_313 = tpu.memref_slice %arg20[%multiple_of3A_34, %dma_start3A_312] : memref<10240x128xf32, #tpu.memory_space<vmem_shared>> -> memref<80x128xf32, #tpu.memory_space<vmem_shared>>
      %dma_start3A_314 = arith.constant 0 : i32
      %dma_start3A_315 = tpu.memref_slice %arg20[%multiple_of3A_34, %dma_start3A_314] : memref<10240x128xf32, #tpu.memory_space<vmem_shared>> -> memref<80x128xf32, #tpu.memory_space<vmem_shared>>
      tpu.enqueue_dma source(%arg15 : memref<80x128xf32, #tpu.memory_space<vmem>>) target(%dma_start3A_315 : memref<80x128xf32, #tpu.memory_space<vmem_shared>>) target_semaphore(%run_scoped3A : memref<!tpu.dma_semaphore, #tpu.memory_space<semaphore_mem>>)
      %dma_wait3A_316 = arith.constant 0 : i32
      %dma_wait3A_317 = tpu.memref_slice %arg20[%multiple_of3A_34, %dma_wait3A_316] : memref<10240x128xf32, #tpu.memory_space<vmem_shared>> -> memref<80x128xf32, #tpu.memory_space<vmem_shared>>
      %dma_wait3A_318 = arith.constant 0 : i32
      %dma_wait3A_319 = tpu.memref_slice %arg20[%multiple_of3A_34, %dma_wait3A_318] : memref<10240x128xf32, #tpu.memory_space<vmem_shared>> -> memref<80x128xf32, #tpu.memory_space<vmem_shared>>
      tpu.wait_dma2 semaphore(%run_scoped3A : memref<!tpu.dma_semaphore, #tpu.memory_space<semaphore_mem>>) src(%arg15 : memref<80x128xf32, #tpu.memory_space<vmem>>) dst(%dma_wait3A_319 : memref<80x128xf32, #tpu.memory_space<vmem_shared>>)
      tpu.yield
    }) : () -> ()
    "tpu.region"() ({
      %run_scoped3A = tpu.sem_alloc : memref<!tpu.dma_semaphore, #tpu.memory_space<semaphore_mem>>
      %dma_start3A_312 = tpu.memref_slice %arg21[%multiple_of3A_34] : memref<10240xf32, #tpu.memory_space<vmem_shared>> -> memref<80xf32, #tpu.memory_space<vmem_shared>>
      %dma_start3A_313 = tpu.memref_slice %arg21[%multiple_of3A_34] : memref<10240xf32, #tpu.memory_space<vmem_shared>> -> memref<80xf32, #tpu.memory_space<vmem_shared>>
      tpu.enqueue_dma source(%arg19 : memref<80xf32, #tpu.memory_space<vmem>>) target(%dma_start3A_313 : memref<80xf32, #tpu.memory_space<vmem_shared>>) target_semaphore(%run_scoped3A : memref<!tpu.dma_semaphore, #tpu.memory_space<semaphore_mem>>)
      %dma_wait3A_314 = tpu.memref_slice %arg21[%multiple_of3A_34] : memref<10240xf32, #tpu.memory_space<vmem_shared>> -> memref<80xf32, #tpu.memory_space<vmem_shared>>
      %dma_wait3A_315 = tpu.memref_slice %arg21[%multiple_of3A_34] : memref<10240xf32, #tpu.memory_space<vmem_shared>> -> memref<80xf32, #tpu.memory_space<vmem_shared>>
      tpu.wait_dma2 semaphore(%run_scoped3A : memref<!tpu.dma_semaphore, #tpu.memory_space<semaphore_mem>>) src(%arg19 : memref<80xf32, #tpu.memory_space<vmem>>) dst(%dma_wait3A_315 : memref<80xf32, #tpu.memory_space<vmem_shared>>)
      tpu.yield
    }) : () -> ()
    %mul3A_35 = arith.constant 640 : i32
    %mul3A_36 = arith.muli %arg1, %mul3A_35 : i32
    %add3A_37 = arith.constant 160 : i32
    %add3A_38 = arith.addi %mul3A_36, %add3A_37 : i32
    %multiple_of3A_39 = tpu.assume_multiple %add3A_38, 8 : i32
    "tpu.region"() ({
      %run_scoped3A = tpu.sem_alloc : memref<!tpu.dma_semaphore, #tpu.memory_space<semaphore_mem>>
      %dma_start3A_312 = arith.constant 0 : i32
      %dma_start3A_313 = tpu.memref_slice %arg20[%multiple_of3A_39, %dma_start3A_312] : memref<10240x128xf32, #tpu.memory_space<vmem_shared>> -> memref<80x128xf32, #tpu.memory_space<vmem_shared>>
      %dma_start3A_314 = arith.constant 0 : i32
      %dma_start3A_315 = tpu.memref_slice %arg20[%multiple_of3A_39, %dma_start3A_314] : memref<10240x128xf32, #tpu.memory_space<vmem_shared>> -> memref<80x128xf32, #tpu.memory_space<vmem_shared>>
      tpu.enqueue_dma source(%arg15 : memref<80x128xf32, #tpu.memory_space<vmem>>) target(%dma_start3A_315 : memref<80x128xf32, #tpu.memory_space<vmem_shared>>) target_semaphore(%run_scoped3A : memref<!tpu.dma_semaphore, #tpu.memory_space<semaphore_mem>>)
      %dma_wait3A_316 = arith.constant 0 : i32
      %dma_wait3A_317 = tpu.memref_slice %arg20[%multiple_of3A_39, %dma_wait3A_316] : memref<10240x128xf32, #tpu.memory_space<vmem_shared>> -> memref<80x128xf32, #tpu.memory_space<vmem_shared>>
      %dma_wait3A_318 = arith.constant 0 : i32
      %dma_wait3A_319 = tpu.memref_slice %arg20[%multiple_of3A_39, %dma_wait3A_318] : memref<10240x128xf32, #tpu.memory_space<vmem_shared>> -> memref<80x128xf32, #tpu.memory_space<vmem_shared>>
      tpu.wait_dma2 semaphore(%run_scoped3A : memref<!tpu.dma_semaphore, #tpu.memory_space<semaphore_mem>>) src(%arg15 : memref<80x128xf32, #tpu.memory_space<vmem>>) dst(%dma_wait3A_319 : memref<80x128xf32, #tpu.memory_space<vmem_shared>>)
      tpu.yield
    }) : () -> ()
    "tpu.region"() ({
      %run_scoped3A = tpu.sem_alloc : memref<!tpu.dma_semaphore, #tpu.memory_space<semaphore_mem>>
      %dma_start3A_312 = tpu.memref_slice %arg21[%multiple_of3A_39] : memref<10240xf32, #tpu.memory_space<vmem_shared>> -> memref<80xf32, #tpu.memory_space<vmem_shared>>
      %dma_start3A_313 = tpu.memref_slice %arg21[%multiple_of3A_39] : memref<10240xf32, #tpu.memory_space<vmem_shared>> -> memref<80xf32, #tpu.memory_space<vmem_shared>>
      tpu.enqueue_dma source(%arg19 : memref<80xf32, #tpu.memory_space<vmem>>) target(%dma_start3A_313 : memref<80xf32, #tpu.memory_space<vmem_shared>>) target_semaphore(%run_scoped3A : memref<!tpu.dma_semaphore, #tpu.memory_space<semaphore_mem>>)
      %dma_wait3A_314 = tpu.memref_slice %arg21[%multiple_of3A_39] : memref<10240xf32, #tpu.memory_space<vmem_shared>> -> memref<80xf32, #tpu.memory_space<vmem_shared>>
      %dma_wait3A_315 = tpu.memref_slice %arg21[%multiple_of3A_39] : memref<10240xf32, #tpu.memory_space<vmem_shared>> -> memref<80xf32, #tpu.memory_space<vmem_shared>>
      tpu.wait_dma2 semaphore(%run_scoped3A : memref<!tpu.dma_semaphore, #tpu.memory_space<semaphore_mem>>) src(%arg19 : memref<80xf32, #tpu.memory_space<vmem>>) dst(%dma_wait3A_315 : memref<80xf32, #tpu.memory_space<vmem_shared>>)
      tpu.yield
    }) : () -> ()
    %mul3A_40 = arith.constant 640 : i32
    %mul3A_41 = arith.muli %arg1, %mul3A_40 : i32
    %add3A_42 = arith.constant 240 : i32
    %add3A_43 = arith.addi %mul3A_41, %add3A_42 : i32
    %multiple_of3A_44 = tpu.assume_multiple %add3A_43, 8 : i32
    "tpu.region"() ({
      %run_scoped3A = tpu.sem_alloc : memref<!tpu.dma_semaphore, #tpu.memory_space<semaphore_mem>>
      %dma_start3A_312 = arith.constant 0 : i32
      %dma_start3A_313 = tpu.memref_slice %arg20[%multiple_of3A_44, %dma_start3A_312] : memref<10240x128xf32, #tpu.memory_space<vmem_shared>> -> memref<80x128xf32, #tpu.memory_space<vmem_shared>>
      %dma_start3A_314 = arith.constant 0 : i32
      %dma_start3A_315 = tpu.memref_slice %arg20[%multiple_of3A_44, %dma_start3A_314] : memref<10240x128xf32, #tpu.memory_space<vmem_shared>> -> memref<80x128xf32, #tpu.memory_space<vmem_shared>>
      tpu.enqueue_dma source(%arg15 : memref<80x128xf32, #tpu.memory_space<vmem>>) target(%dma_start3A_315 : memref<80x128xf32, #tpu.memory_space<vmem_shared>>) target_semaphore(%run_scoped3A : memref<!tpu.dma_semaphore, #tpu.memory_space<semaphore_mem>>)
      %dma_wait3A_316 = arith.constant 0 : i32
      %dma_wait3A_317 = tpu.memref_slice %arg20[%multiple_of3A_44, %dma_wait3A_316] : memref<10240x128xf32, #tpu.memory_space<vmem_shared>> -> memref<80x128xf32, #tpu.memory_space<vmem_shared>>
      %dma_wait3A_318 = arith.constant 0 : i32
      %dma_wait3A_319 = tpu.memref_slice %arg20[%multiple_of3A_44, %dma_wait3A_318] : memref<10240x128xf32, #tpu.memory_space<vmem_shared>> -> memref<80x128xf32, #tpu.memory_space<vmem_shared>>
      tpu.wait_dma2 semaphore(%run_scoped3A : memref<!tpu.dma_semaphore, #tpu.memory_space<semaphore_mem>>) src(%arg15 : memref<80x128xf32, #tpu.memory_space<vmem>>) dst(%dma_wait3A_319 : memref<80x128xf32, #tpu.memory_space<vmem_shared>>)
      tpu.yield
    }) : () -> ()
    "tpu.region"() ({
      %run_scoped3A = tpu.sem_alloc : memref<!tpu.dma_semaphore, #tpu.memory_space<semaphore_mem>>
      %dma_start3A_312 = tpu.memref_slice %arg21[%multiple_of3A_44] : memref<10240xf32, #tpu.memory_space<vmem_shared>> -> memref<80xf32, #tpu.memory_space<vmem_shared>>
      %dma_start3A_313 = tpu.memref_slice %arg21[%multiple_of3A_44] : memref<10240xf32, #tpu.memory_space<vmem_shared>> -> memref<80xf32, #tpu.memory_space<vmem_shared>>
      tpu.enqueue_dma source(%arg19 : memref<80xf32, #tpu.memory_space<vmem>>) target(%dma_start3A_313 : memref<80xf32, #tpu.memory_space<vmem_shared>>) target_semaphore(%run_scoped3A : memref<!tpu.dma_semaphore, #tpu.memory_space<semaphore_mem>>)
      %dma_wait3A_314 = tpu.memref_slice %arg21[%multiple_of3A_44] : memref<10240xf32, #tpu.memory_space<vmem_shared>> -> memref<80xf32, #tpu.memory_space<vmem_shared>>
      %dma_wait3A_315 = tpu.memref_slice %arg21[%multiple_of3A_44] : memref<10240xf32, #tpu.memory_space<vmem_shared>> -> memref<80xf32, #tpu.memory_space<vmem_shared>>
      tpu.wait_dma2 semaphore(%run_scoped3A : memref<!tpu.dma_semaphore, #tpu.memory_space<semaphore_mem>>) src(%arg19 : memref<80xf32, #tpu.memory_space<vmem>>) dst(%dma_wait3A_315 : memref<80xf32, #tpu.memory_space<vmem_shared>>)
      tpu.yield
    }) : () -> ()
    %mul3A_45 = arith.constant 640 : i32
    %mul3A_46 = arith.muli %arg1, %mul3A_45 : i32
    %add3A_47 = arith.constant 320 : i32
    %add3A_48 = arith.addi %mul3A_46, %add3A_47 : i32
    %multiple_of3A_49 = tpu.assume_multiple %add3A_48, 8 : i32
    "tpu.region"() ({
      %run_scoped3A = tpu.sem_alloc : memref<!tpu.dma_semaphore, #tpu.memory_space<semaphore_mem>>
      %dma_start3A_312 = arith.constant 0 : i32
      %dma_start3A_313 = tpu.memref_slice %arg20[%multiple_of3A_49, %dma_start3A_312] : memref<10240x128xf32, #tpu.memory_space<vmem_shared>> -> memref<80x128xf32, #tpu.memory_space<vmem_shared>>
      %dma_start3A_314 = arith.constant 0 : i32
      %dma_start3A_315 = tpu.memref_slice %arg20[%multiple_of3A_49, %dma_start3A_314] : memref<10240x128xf32, #tpu.memory_space<vmem_shared>> -> memref<80x128xf32, #tpu.memory_space<vmem_shared>>
      tpu.enqueue_dma source(%arg15 : memref<80x128xf32, #tpu.memory_space<vmem>>) target(%dma_start3A_315 : memref<80x128xf32, #tpu.memory_space<vmem_shared>>) target_semaphore(%run_scoped3A : memref<!tpu.dma_semaphore, #tpu.memory_space<semaphore_mem>>)
      %dma_wait3A_316 = arith.constant 0 : i32
      %dma_wait3A_317 = tpu.memref_slice %arg20[%multiple_of3A_49, %dma_wait3A_316] : memref<10240x128xf32, #tpu.memory_space<vmem_shared>> -> memref<80x128xf32, #tpu.memory_space<vmem_shared>>
      %dma_wait3A_318 = arith.constant 0 : i32
      %dma_wait3A_319 = tpu.memref_slice %arg20[%multiple_of3A_49, %dma_wait3A_318] : memref<10240x128xf32, #tpu.memory_space<vmem_shared>> -> memref<80x128xf32, #tpu.memory_space<vmem_shared>>
      tpu.wait_dma2 semaphore(%run_scoped3A : memref<!tpu.dma_semaphore, #tpu.memory_space<semaphore_mem>>) src(%arg15 : memref<80x128xf32, #tpu.memory_space<vmem>>) dst(%dma_wait3A_319 : memref<80x128xf32, #tpu.memory_space<vmem_shared>>)
      tpu.yield
    }) : () -> ()
    "tpu.region"() ({
      %run_scoped3A = tpu.sem_alloc : memref<!tpu.dma_semaphore, #tpu.memory_space<semaphore_mem>>
      %dma_start3A_312 = tpu.memref_slice %arg21[%multiple_of3A_49] : memref<10240xf32, #tpu.memory_space<vmem_shared>> -> memref<80xf32, #tpu.memory_space<vmem_shared>>
      %dma_start3A_313 = tpu.memref_slice %arg21[%multiple_of3A_49] : memref<10240xf32, #tpu.memory_space<vmem_shared>> -> memref<80xf32, #tpu.memory_space<vmem_shared>>
      tpu.enqueue_dma source(%arg19 : memref<80xf32, #tpu.memory_space<vmem>>) target(%dma_start3A_313 : memref<80xf32, #tpu.memory_space<vmem_shared>>) target_semaphore(%run_scoped3A : memref<!tpu.dma_semaphore, #tpu.memory_space<semaphore_mem>>)
      %dma_wait3A_314 = tpu.memref_slice %arg21[%multiple_of3A_49] : memref<10240xf32, #tpu.memory_space<vmem_shared>> -> memref<80xf32, #tpu.memory_space<vmem_shared>>
      %dma_wait3A_315 = tpu.memref_slice %arg21[%multiple_of3A_49] : memref<10240xf32, #tpu.memory_space<vmem_shared>> -> memref<80xf32, #tpu.memory_space<vmem_shared>>
      tpu.wait_dma2 semaphore(%run_scoped3A : memref<!tpu.dma_semaphore, #tpu.memory_space<semaphore_mem>>) src(%arg19 : memref<80xf32, #tpu.memory_space<vmem>>) dst(%dma_wait3A_315 : memref<80xf32, #tpu.memory_space<vmem_shared>>)
      tpu.yield
    }) : () -> ()
    %mul3A_50 = arith.constant 640 : i32
    %mul3A_51 = arith.muli %arg1, %mul3A_50 : i32
    %add3A_52 = arith.constant 400 : i32
    %add3A_53 = arith.addi %mul3A_51, %add3A_52 : i32
    %multiple_of3A_54 = tpu.assume_multiple %add3A_53, 8 : i32
    "tpu.region"() ({
      %run_scoped3A = tpu.sem_alloc : memref<!tpu.dma_semaphore, #tpu.memory_space<semaphore_mem>>
      %dma_start3A_312 = arith.constant 0 : i32
      %dma_start3A_313 = tpu.memref_slice %arg20[%multiple_of3A_54, %dma_start3A_312] : memref<10240x128xf32, #tpu.memory_space<vmem_shared>> -> memref<80x128xf32, #tpu.memory_space<vmem_shared>>
      %dma_start3A_314 = arith.constant 0 : i32
      %dma_start3A_315 = tpu.memref_slice %arg20[%multiple_of3A_54, %dma_start3A_314] : memref<10240x128xf32, #tpu.memory_space<vmem_shared>> -> memref<80x128xf32, #tpu.memory_space<vmem_shared>>
      tpu.enqueue_dma source(%arg15 : memref<80x128xf32, #tpu.memory_space<vmem>>) target(%dma_start3A_315 : memref<80x128xf32, #tpu.memory_space<vmem_shared>>) target_semaphore(%run_scoped3A : memref<!tpu.dma_semaphore, #tpu.memory_space<semaphore_mem>>)
      %dma_wait3A_316 = arith.constant 0 : i32
      %dma_wait3A_317 = tpu.memref_slice %arg20[%multiple_of3A_54, %dma_wait3A_316] : memref<10240x128xf32, #tpu.memory_space<vmem_shared>> -> memref<80x128xf32, #tpu.memory_space<vmem_shared>>
      %dma_wait3A_318 = arith.constant 0 : i32
      %dma_wait3A_319 = tpu.memref_slice %arg20[%multiple_of3A_54, %dma_wait3A_318] : memref<10240x128xf32, #tpu.memory_space<vmem_shared>> -> memref<80x128xf32, #tpu.memory_space<vmem_shared>>
      tpu.wait_dma2 semaphore(%run_scoped3A : memref<!tpu.dma_semaphore, #tpu.memory_space<semaphore_mem>>) src(%arg15 : memref<80x128xf32, #tpu.memory_space<vmem>>) dst(%dma_wait3A_319 : memref<80x128xf32, #tpu.memory_space<vmem_shared>>)
      tpu.yield
    }) : () -> ()
    "tpu.region"() ({
      %run_scoped3A = tpu.sem_alloc : memref<!tpu.dma_semaphore, #tpu.memory_space<semaphore_mem>>
      %dma_start3A_312 = tpu.memref_slice %arg21[%multiple_of3A_54] : memref<10240xf32, #tpu.memory_space<vmem_shared>> -> memref<80xf32, #tpu.memory_space<vmem_shared>>
      %dma_start3A_313 = tpu.memref_slice %arg21[%multiple_of3A_54] : memref<10240xf32, #tpu.memory_space<vmem_shared>> -> memref<80xf32, #tpu.memory_space<vmem_shared>>
      tpu.enqueue_dma source(%arg19 : memref<80xf32, #tpu.memory_space<vmem>>) target(%dma_start3A_313 : memref<80xf32, #tpu.memory_space<vmem_shared>>) target_semaphore(%run_scoped3A : memref<!tpu.dma_semaphore, #tpu.memory_space<semaphore_mem>>)
      %dma_wait3A_314 = tpu.memref_slice %arg21[%multiple_of3A_54] : memref<10240xf32, #tpu.memory_space<vmem_shared>> -> memref<80xf32, #tpu.memory_space<vmem_shared>>
      %dma_wait3A_315 = tpu.memref_slice %arg21[%multiple_of3A_54] : memref<10240xf32, #tpu.memory_space<vmem_shared>> -> memref<80xf32, #tpu.memory_space<vmem_shared>>
      tpu.wait_dma2 semaphore(%run_scoped3A : memref<!tpu.dma_semaphore, #tpu.memory_space<semaphore_mem>>) src(%arg19 : memref<80xf32, #tpu.memory_space<vmem>>) dst(%dma_wait3A_315 : memref<80xf32, #tpu.memory_space<vmem_shared>>)
      tpu.yield
    }) : () -> ()
    %mul3A_55 = arith.constant 640 : i32
    %mul3A_56 = arith.muli %arg1, %mul3A_55 : i32
    %add3A_57 = arith.constant 480 : i32
    %add3A_58 = arith.addi %mul3A_56, %add3A_57 : i32
    %multiple_of3A_59 = tpu.assume_multiple %add3A_58, 8 : i32
    "tpu.region"() ({
      %run_scoped3A = tpu.sem_alloc : memref<!tpu.dma_semaphore, #tpu.memory_space<semaphore_mem>>
      %dma_start3A_312 = arith.constant 0 : i32
      %dma_start3A_313 = tpu.memref_slice %arg20[%multiple_of3A_59, %dma_start3A_312] : memref<10240x128xf32, #tpu.memory_space<vmem_shared>> -> memref<80x128xf32, #tpu.memory_space<vmem_shared>>
      %dma_start3A_314 = arith.constant 0 : i32
      %dma_start3A_315 = tpu.memref_slice %arg20[%multiple_of3A_59, %dma_start3A_314] : memref<10240x128xf32, #tpu.memory_space<vmem_shared>> -> memref<80x128xf32, #tpu.memory_space<vmem_shared>>
      tpu.enqueue_dma source(%arg15 : memref<80x128xf32, #tpu.memory_space<vmem>>) target(%dma_start3A_315 : memref<80x128xf32, #tpu.memory_space<vmem_shared>>) target_semaphore(%run_scoped3A : memref<!tpu.dma_semaphore, #tpu.memory_space<semaphore_mem>>)
      %dma_wait3A_316 = arith.constant 0 : i32
      %dma_wait3A_317 = tpu.memref_slice %arg20[%multiple_of3A_59, %dma_wait3A_316] : memref<10240x128xf32, #tpu.memory_space<vmem_shared>> -> memref<80x128xf32, #tpu.memory_space<vmem_shared>>
      %dma_wait3A_318 = arith.constant 0 : i32
      %dma_wait3A_319 = tpu.memref_slice %arg20[%multiple_of3A_59, %dma_wait3A_318] : memref<10240x128xf32, #tpu.memory_space<vmem_shared>> -> memref<80x128xf32, #tpu.memory_space<vmem_shared>>
      tpu.wait_dma2 semaphore(%run_scoped3A : memref<!tpu.dma_semaphore, #tpu.memory_space<semaphore_mem>>) src(%arg15 : memref<80x128xf32, #tpu.memory_space<vmem>>) dst(%dma_wait3A_319 : memref<80x128xf32, #tpu.memory_space<vmem_shared>>)
      tpu.yield
    }) : () -> ()
    "tpu.region"() ({
      %run_scoped3A = tpu.sem_alloc : memref<!tpu.dma_semaphore, #tpu.memory_space<semaphore_mem>>
      %dma_start3A_312 = tpu.memref_slice %arg21[%multiple_of3A_59] : memref<10240xf32, #tpu.memory_space<vmem_shared>> -> memref<80xf32, #tpu.memory_space<vmem_shared>>
      %dma_start3A_313 = tpu.memref_slice %arg21[%multiple_of3A_59] : memref<10240xf32, #tpu.memory_space<vmem_shared>> -> memref<80xf32, #tpu.memory_space<vmem_shared>>
      tpu.enqueue_dma source(%arg19 : memref<80xf32, #tpu.memory_space<vmem>>) target(%dma_start3A_313 : memref<80xf32, #tpu.memory_space<vmem_shared>>) target_semaphore(%run_scoped3A : memref<!tpu.dma_semaphore, #tpu.memory_space<semaphore_mem>>)
      %dma_wait3A_314 = tpu.memref_slice %arg21[%multiple_of3A_59] : memref<10240xf32, #tpu.memory_space<vmem_shared>> -> memref<80xf32, #tpu.memory_space<vmem_shared>>
      %dma_wait3A_315 = tpu.memref_slice %arg21[%multiple_of3A_59] : memref<10240xf32, #tpu.memory_space<vmem_shared>> -> memref<80xf32, #tpu.memory_space<vmem_shared>>
      tpu.wait_dma2 semaphore(%run_scoped3A : memref<!tpu.dma_semaphore, #tpu.memory_space<semaphore_mem>>) src(%arg19 : memref<80xf32, #tpu.memory_space<vmem>>) dst(%dma_wait3A_315 : memref<80xf32, #tpu.memory_space<vmem_shared>>)
      tpu.yield
    }) : () -> ()
    %mul3A_60 = arith.constant 640 : i32
    %mul3A_61 = arith.muli %arg1, %mul3A_60 : i32
    %add3A_62 = arith.constant 560 : i32
    %add3A_63 = arith.addi %mul3A_61, %add3A_62 : i32
    %multiple_of3A_64 = tpu.assume_multiple %add3A_63, 8 : i32
    "tpu.region"() ({
      %run_scoped3A = tpu.sem_alloc : memref<!tpu.dma_semaphore, #tpu.memory_space<semaphore_mem>>
      %dma_start3A_312 = arith.constant 0 : i32
      %dma_start3A_313 = tpu.memref_slice %arg20[%multiple_of3A_64, %dma_start3A_312] : memref<10240x128xf32, #tpu.memory_space<vmem_shared>> -> memref<80x128xf32, #tpu.memory_space<vmem_shared>>
      %dma_start3A_314 = arith.constant 0 : i32
      %dma_start3A_315 = tpu.memref_slice %arg20[%multiple_of3A_64, %dma_start3A_314] : memref<10240x128xf32, #tpu.memory_space<vmem_shared>> -> memref<80x128xf32, #tpu.memory_space<vmem_shared>>
      tpu.enqueue_dma source(%arg15 : memref<80x128xf32, #tpu.memory_space<vmem>>) target(%dma_start3A_315 : memref<80x128xf32, #tpu.memory_space<vmem_shared>>) target_semaphore(%run_scoped3A : memref<!tpu.dma_semaphore, #tpu.memory_space<semaphore_mem>>)
      %dma_wait3A_316 = arith.constant 0 : i32
      %dma_wait3A_317 = tpu.memref_slice %arg20[%multiple_of3A_64, %dma_wait3A_316] : memref<10240x128xf32, #tpu.memory_space<vmem_shared>> -> memref<80x128xf32, #tpu.memory_space<vmem_shared>>
      %dma_wait3A_318 = arith.constant 0 : i32
      %dma_wait3A_319 = tpu.memref_slice %arg20[%multiple_of3A_64, %dma_wait3A_318] : memref<10240x128xf32, #tpu.memory_space<vmem_shared>> -> memref<80x128xf32, #tpu.memory_space<vmem_shared>>
      tpu.wait_dma2 semaphore(%run_scoped3A : memref<!tpu.dma_semaphore, #tpu.memory_space<semaphore_mem>>) src(%arg15 : memref<80x128xf32, #tpu.memory_space<vmem>>) dst(%dma_wait3A_319 : memref<80x128xf32, #tpu.memory_space<vmem_shared>>)
      tpu.yield
    }) : () -> ()
    "tpu.region"() ({
      %run_scoped3A = tpu.sem_alloc : memref<!tpu.dma_semaphore, #tpu.memory_space<semaphore_mem>>
      %dma_start3A_312 = tpu.memref_slice %arg21[%multiple_of3A_64] : memref<10240xf32, #tpu.memory_space<vmem_shared>> -> memref<80xf32, #tpu.memory_space<vmem_shared>>
      %dma_start3A_313 = tpu.memref_slice %arg21[%multiple_of3A_64] : memref<10240xf32, #tpu.memory_space<vmem_shared>> -> memref<80xf32, #tpu.memory_space<vmem_shared>>
      tpu.enqueue_dma source(%arg19 : memref<80xf32, #tpu.memory_space<vmem>>) target(%dma_start3A_313 : memref<80xf32, #tpu.memory_space<vmem_shared>>) target_semaphore(%run_scoped3A : memref<!tpu.dma_semaphore, #tpu.memory_space<semaphore_mem>>)
      %dma_wait3A_314 = tpu.memref_slice %arg21[%multiple_of3A_64] : memref<10240xf32, #tpu.memory_space<vmem_shared>> -> memref<80xf32, #tpu.memory_space<vmem_shared>>
      %dma_wait3A_315 = tpu.memref_slice %arg21[%multiple_of3A_64] : memref<10240xf32, #tpu.memory_space<vmem_shared>> -> memref<80xf32, #tpu.memory_space<vmem_shared>>
      tpu.wait_dma2 semaphore(%run_scoped3A : memref<!tpu.dma_semaphore, #tpu.memory_space<semaphore_mem>>) src(%arg19 : memref<80xf32, #tpu.memory_space<vmem>>) dst(%dma_wait3A_315 : memref<80xf32, #tpu.memory_space<vmem_shared>>)
      tpu.yield
    }) : () -> ()
    %broadcast_in_dim3A_65 = arith.constant 1.000000e+00 : f32
    %broadcast_in_dim3A_66 = vector.broadcast %broadcast_in_dim3A_65 : f32 to vector<16xf32>
    %swap3A_67 = arith.constant 0 : index
    %swap3A_68 = tpu.vector_load %arg19[%swap3A_67] {strides = array<i32>} : memref<80xf32, #tpu.memory_space<vmem>>, vector<16xf32>,
    %swap3A_69 = vector.shape_cast %swap3A_68 : vector<16xf32> to vector<16xf32>
    %swap3A_70 = vector.shape_cast %broadcast_in_dim3A_66 : vector<16xf32> to vector<16xf32>
    tpu.vector_store %arg19[%swap3A_67], %swap3A_70 {strides = array<i32>} : memref<80xf32, #tpu.memory_space<vmem>>, vector<16xf32>,
    %swap3A_71 = arith.constant 16 : index
    %swap3A_72 = tpu.vector_load %arg19[%swap3A_71] {strides = array<i32>} : memref<80xf32, #tpu.memory_space<vmem>>, vector<16xf32>,
    %swap3A_73 = vector.shape_cast %swap3A_72 : vector<16xf32> to vector<16xf32>
    %swap3A_74 = vector.shape_cast %broadcast_in_dim3A_66 : vector<16xf32> to vector<16xf32>
    tpu.vector_store %arg19[%swap3A_71], %swap3A_74 {strides = array<i32>} : memref<80xf32, #tpu.memory_space<vmem>>, vector<16xf32>,
    %swap3A_75 = arith.constant 32 : index
    %swap3A_76 = tpu.vector_load %arg19[%swap3A_75] {strides = array<i32>} : memref<80xf32, #tpu.memory_space<vmem>>, vector<16xf32>,
    %swap3A_77 = vector.shape_cast %swap3A_76 : vector<16xf32> to vector<16xf32>
    %swap3A_78 = vector.shape_cast %broadcast_in_dim3A_66 : vector<16xf32> to vector<16xf32>
    tpu.vector_store %arg19[%swap3A_75], %swap3A_78 {strides = array<i32>} : memref<80xf32, #tpu.memory_space<vmem>>, vector<16xf32>,
    %swap3A_79 = arith.constant 48 : index
    %swap3A_80 = tpu.vector_load %arg19[%swap3A_79] {strides = array<i32>} : memref<80xf32, #tpu.memory_space<vmem>>, vector<16xf32>,
    %swap3A_81 = vector.shape_cast %swap3A_80 : vector<16xf32> to vector<16xf32>
    %swap3A_82 = vector.shape_cast %broadcast_in_dim3A_66 : vector<16xf32> to vector<16xf32>
    tpu.vector_store %arg19[%swap3A_79], %swap3A_82 {strides = array<i32>} : memref<80xf32, #tpu.memory_space<vmem>>, vector<16xf32>,
    %swap3A_83 = arith.constant 64 : index
    %swap3A_84 = tpu.vector_load %arg19[%swap3A_83] {strides = array<i32>} : memref<80xf32, #tpu.memory_space<vmem>>, vector<16xf32>,
    %swap3A_85 = vector.shape_cast %swap3A_84 : vector<16xf32> to vector<16xf32>
    %swap3A_86 = vector.shape_cast %broadcast_in_dim3A_66 : vector<16xf32> to vector<16xf32>
    tpu.vector_store %arg19[%swap3A_83], %swap3A_86 {strides = array<i32>} : memref<80xf32, #tpu.memory_space<vmem>>, vector<16xf32>,
    %barrier3A = arith.constant 0 : index
    tpu.barrier barrier_id(%barrier3A)
    %mul3A_87 = arith.constant 20000 : i32
    %mul3A_88 = arith.muli %add3A, %mul3A_87 : i32
    %add3A_89 = arith.constant 0 : i32
    %add3A_90 = arith.addi %mul3A_88, %add3A_89 : i32
    %multiple_of3A_91 = tpu.assume_multiple %add3A_90, 8 : i32
    "tpu.region"() ({
      %run_scoped3A = tpu.sem_alloc : memref<!tpu.dma_semaphore, #tpu.memory_space<semaphore_mem>>
      %dma_start3A_312 = tpu.memref_slice %arg3[%multiple_of3A_91] : memref<640000xi32, #tpu.memory_space<hbm>> -> memref<80xi32, #tpu.memory_space<hbm>>
      %dma_start3A_313 = tpu.memref_slice %arg3[%multiple_of3A_91] : memref<640000xi32, #tpu.memory_space<hbm>> -> memref<80xi32, #tpu.memory_space<hbm>>
      tpu.enqueue_dma source(%dma_start3A_313 : memref<80xi32, #tpu.memory_space<hbm>>) target(%arg7 : memref<80xi32, #tpu.memory_space<vmem>>) target_semaphore(%run_scoped3A : memref<!tpu.dma_semaphore, #tpu.memory_space<semaphore_mem>>)
      %dma_wait3A_314 = tpu.memref_slice %arg3[%multiple_of3A_91] : memref<640000xi32, #tpu.memory_space<hbm>> -> memref<80xi32, #tpu.memory_space<hbm>>
      %dma_wait3A_315 = tpu.memref_slice %arg3[%multiple_of3A_91] : memref<640000xi32, #tpu.memory_space<hbm>> -> memref<80xi32, #tpu.memory_space<hbm>>
      tpu.wait_dma2 semaphore(%run_scoped3A : memref<!tpu.dma_semaphore, #tpu.memory_space<semaphore_mem>>) src(%dma_wait3A_315 : memref<80xi32, #tpu.memory_space<hbm>>) dst(%arg7 : memref<80xi32, #tpu.memory_space<vmem>>)
      tpu.yield
    }) : () -> ()
    "tpu.region"() ({
      %run_scoped3A = tpu.sem_alloc : memref<!tpu.dma_semaphore, #tpu.memory_space<semaphore_mem>>
      %dma_start3A_312 = tpu.memref_slice %arg4[%multiple_of3A_91] : memref<640000xi32, #tpu.memory_space<hbm>> -> memref<80xi32, #tpu.memory_space<hbm>>
      %dma_start3A_313 = tpu.memref_slice %arg4[%multiple_of3A_91] : memref<640000xi32, #tpu.memory_space<hbm>> -> memref<80xi32, #tpu.memory_space<hbm>>
      tpu.enqueue_dma source(%dma_start3A_313 : memref<80xi32, #tpu.memory_space<hbm>>) target(%arg11 : memref<80xi32, #tpu.memory_space<vmem>>) target_semaphore(%run_scoped3A : memref<!tpu.dma_semaphore, #tpu.memory_space<semaphore_mem>>)
      %dma_wait3A_314 = tpu.memref_slice %arg4[%multiple_of3A_91] : memref<640000xi32, #tpu.memory_space<hbm>> -> memref<80xi32, #tpu.memory_space<hbm>>
      %dma_wait3A_315 = tpu.memref_slice %arg4[%multiple_of3A_91] : memref<640000xi32, #tpu.memory_space<hbm>> -> memref<80xi32, #tpu.memory_space<hbm>>
      tpu.wait_dma2 semaphore(%run_scoped3A : memref<!tpu.dma_semaphore, #tpu.memory_space<semaphore_mem>>) src(%dma_wait3A_315 : memref<80xi32, #tpu.memory_space<hbm>>) dst(%arg11 : memref<80xi32, #tpu.memory_space<vmem>>)
      tpu.yield
    }) : () -> ()
    %dma_start3A = arith.constant 0 : i32
    %dma_start3A_92 = arith.constant 0 : i32
    %dma_start3A_93 = tpu.memref_slice %arg2[%dma_start3A, %dma_start3A_92] : memref<10240x128xf32, #tpu.memory_space<hbm>> -> memref<10240x128xf32, #tpu.memory_space<hbm>>
    tpu.enqueue_indirect_dma source(%dma_start3A_93 : memref<10240x128xf32, #tpu.memory_space<hbm>>) target(%arg15 : memref<80x128xf32, #tpu.memory_space<vmem>>) offsets(%arg7 : memref<80xi32, #tpu.memory_space<vmem>>) semaphore(%arg22 : memref<!tpu.dma_semaphore, #tpu.memory_space<semaphore_mem>>)
    %add3A_94 = arith.constant 80 : i32
    %add3A_95 = arith.addi %mul3A_88, %add3A_94 : i32
    %multiple_of3A_96 = tpu.assume_multiple %add3A_95, 8 : i32
    "tpu.region"() ({
      %run_scoped3A = tpu.sem_alloc : memref<!tpu.dma_semaphore, #tpu.memory_space<semaphore_mem>>
      %dma_start3A_312 = tpu.memref_slice %arg3[%multiple_of3A_96] : memref<640000xi32, #tpu.memory_space<hbm>> -> memref<80xi32, #tpu.memory_space<hbm>>
      %dma_start3A_313 = tpu.memref_slice %arg3[%multiple_of3A_96] : memref<640000xi32, #tpu.memory_space<hbm>> -> memref<80xi32, #tpu.memory_space<hbm>>
      tpu.enqueue_dma source(%dma_start3A_313 : memref<80xi32, #tpu.memory_space<hbm>>) target(%arg8 : memref<80xi32, #tpu.memory_space<vmem>>) target_semaphore(%run_scoped3A : memref<!tpu.dma_semaphore, #tpu.memory_space<semaphore_mem>>)
      %dma_wait3A_314 = tpu.memref_slice %arg3[%multiple_of3A_96] : memref<640000xi32, #tpu.memory_space<hbm>> -> memref<80xi32, #tpu.memory_space<hbm>>
      %dma_wait3A_315 = tpu.memref_slice %arg3[%multiple_of3A_96] : memref<640000xi32, #tpu.memory_space<hbm>> -> memref<80xi32, #tpu.memory_space<hbm>>
      tpu.wait_dma2 semaphore(%run_scoped3A : memref<!tpu.dma_semaphore, #tpu.memory_space<semaphore_mem>>) src(%dma_wait3A_315 : memref<80xi32, #tpu.memory_space<hbm>>) dst(%arg8 : memref<80xi32, #tpu.memory_space<vmem>>)
      tpu.yield
    }) : () -> ()
    "tpu.region"() ({
      %run_scoped3A = tpu.sem_alloc : memref<!tpu.dma_semaphore, #tpu.memory_space<semaphore_mem>>
      %dma_start3A_312 = tpu.memref_slice %arg4[%multiple_of3A_96] : memref<640000xi32, #tpu.memory_space<hbm>> -> memref<80xi32, #tpu.memory_space<hbm>>
      %dma_start3A_313 = tpu.memref_slice %arg4[%multiple_of3A_96] : memref<640000xi32, #tpu.memory_space<hbm>> -> memref<80xi32, #tpu.memory_space<hbm>>
      tpu.enqueue_dma source(%dma_start3A_313 : memref<80xi32, #tpu.memory_space<hbm>>) target(%arg12 : memref<80xi32, #tpu.memory_space<vmem>>) target_semaphore(%run_scoped3A : memref<!tpu.dma_semaphore, #tpu.memory_space<semaphore_mem>>)
      %dma_wait3A_314 = tpu.memref_slice %arg4[%multiple_of3A_96] : memref<640000xi32, #tpu.memory_space<hbm>> -> memref<80xi32, #tpu.memory_space<hbm>>
      %dma_wait3A_315 = tpu.memref_slice %arg4[%multiple_of3A_96] : memref<640000xi32, #tpu.memory_space<hbm>> -> memref<80xi32, #tpu.memory_space<hbm>>
      tpu.wait_dma2 semaphore(%run_scoped3A : memref<!tpu.dma_semaphore, #tpu.memory_space<semaphore_mem>>) src(%dma_wait3A_315 : memref<80xi32, #tpu.memory_space<hbm>>) dst(%arg12 : memref<80xi32, #tpu.memory_space<vmem>>)
      tpu.yield
    }) : () -> ()
    %dma_start3A_97 = arith.constant 0 : i32
    %dma_start3A_98 = arith.constant 0 : i32
    %dma_start3A_99 = tpu.memref_slice %arg2[%dma_start3A_97, %dma_start3A_98] : memref<10240x128xf32, #tpu.memory_space<hbm>> -> memref<10240x128xf32, #tpu.memory_space<hbm>>
    tpu.enqueue_indirect_dma source(%dma_start3A_99 : memref<10240x128xf32, #tpu.memory_space<hbm>>) target(%arg16 : memref<80x128xf32, #tpu.memory_space<vmem>>) offsets(%arg8 : memref<80xi32, #tpu.memory_space<vmem>>) semaphore(%arg23 : memref<!tpu.dma_semaphore, #tpu.memory_space<semaphore_mem>>)
    %add3A_100 = arith.constant 160 : i32
    %add3A_101 = arith.addi %mul3A_88, %add3A_100 : i32
    %multiple_of3A_102 = tpu.assume_multiple %add3A_101, 8 : i32
    "tpu.region"() ({
      %run_scoped3A = tpu.sem_alloc : memref<!tpu.dma_semaphore, #tpu.memory_space<semaphore_mem>>
      %dma_start3A_312 = tpu.memref_slice %arg3[%multiple_of3A_102] : memref<640000xi32, #tpu.memory_space<hbm>> -> memref<80xi32, #tpu.memory_space<hbm>>
      %dma_start3A_313 = tpu.memref_slice %arg3[%multiple_of3A_102] : memref<640000xi32, #tpu.memory_space<hbm>> -> memref<80xi32, #tpu.memory_space<hbm>>
      tpu.enqueue_dma source(%dma_start3A_313 : memref<80xi32, #tpu.memory_space<hbm>>) target(%arg9 : memref<80xi32, #tpu.memory_space<vmem>>) target_semaphore(%run_scoped3A : memref<!tpu.dma_semaphore, #tpu.memory_space<semaphore_mem>>)
      %dma_wait3A_314 = tpu.memref_slice %arg3[%multiple_of3A_102] : memref<640000xi32, #tpu.memory_space<hbm>> -> memref<80xi32, #tpu.memory_space<hbm>>
      %dma_wait3A_315 = tpu.memref_slice %arg3[%multiple_of3A_102] : memref<640000xi32, #tpu.memory_space<hbm>> -> memref<80xi32, #tpu.memory_space<hbm>>
      tpu.wait_dma2 semaphore(%run_scoped3A : memref<!tpu.dma_semaphore, #tpu.memory_space<semaphore_mem>>) src(%dma_wait3A_315 : memref<80xi32, #tpu.memory_space<hbm>>) dst(%arg9 : memref<80xi32, #tpu.memory_space<vmem>>)
      tpu.yield
    }) : () -> ()
    "tpu.region"() ({
      %run_scoped3A = tpu.sem_alloc : memref<!tpu.dma_semaphore, #tpu.memory_space<semaphore_mem>>
      %dma_start3A_312 = tpu.memref_slice %arg4[%multiple_of3A_102] : memref<640000xi32, #tpu.memory_space<hbm>> -> memref<80xi32, #tpu.memory_space<hbm>>
      %dma_start3A_313 = tpu.memref_slice %arg4[%multiple_of3A_102] : memref<640000xi32, #tpu.memory_space<hbm>> -> memref<80xi32, #tpu.memory_space<hbm>>
      tpu.enqueue_dma source(%dma_start3A_313 : memref<80xi32, #tpu.memory_space<hbm>>) target(%arg13 : memref<80xi32, #tpu.memory_space<vmem>>) target_semaphore(%run_scoped3A : memref<!tpu.dma_semaphore, #tpu.memory_space<semaphore_mem>>)
      %dma_wait3A_314 = tpu.memref_slice %arg4[%multiple_of3A_102] : memref<640000xi32, #tpu.memory_space<hbm>> -> memref<80xi32, #tpu.memory_space<hbm>>
      %dma_wait3A_315 = tpu.memref_slice %arg4[%multiple_of3A_102] : memref<640000xi32, #tpu.memory_space<hbm>> -> memref<80xi32, #tpu.memory_space<hbm>>
      tpu.wait_dma2 semaphore(%run_scoped3A : memref<!tpu.dma_semaphore, #tpu.memory_space<semaphore_mem>>) src(%dma_wait3A_315 : memref<80xi32, #tpu.memory_space<hbm>>) dst(%arg13 : memref<80xi32, #tpu.memory_space<vmem>>)
      tpu.yield
    }) : () -> ()
    %dma_start3A_103 = arith.constant 0 : i32
    %dma_start3A_104 = arith.constant 0 : i32
    %dma_start3A_105 = tpu.memref_slice %arg2[%dma_start3A_103, %dma_start3A_104] : memref<10240x128xf32, #tpu.memory_space<hbm>> -> memref<10240x128xf32, #tpu.memory_space<hbm>>
    tpu.enqueue_indirect_dma source(%dma_start3A_105 : memref<10240x128xf32, #tpu.memory_space<hbm>>) target(%arg17 : memref<80x128xf32, #tpu.memory_space<vmem>>) offsets(%arg9 : memref<80xi32, #tpu.memory_space<vmem>>) semaphore(%arg24 : memref<!tpu.dma_semaphore, #tpu.memory_space<semaphore_mem>>)
    %add3A_106 = arith.constant 240 : i32
    %add3A_107 = arith.addi %mul3A_88, %add3A_106 : i32
    %multiple_of3A_108 = tpu.assume_multiple %add3A_107, 8 : i32
    "tpu.region"() ({
      %run_scoped3A = tpu.sem_alloc : memref<!tpu.dma_semaphore, #tpu.memory_space<semaphore_mem>>
      %dma_start3A_312 = tpu.memref_slice %arg3[%multiple_of3A_108] : memref<640000xi32, #tpu.memory_space<hbm>> -> memref<80xi32, #tpu.memory_space<hbm>>
      %dma_start3A_313 = tpu.memref_slice %arg3[%multiple_of3A_108] : memref<640000xi32, #tpu.memory_space<hbm>> -> memref<80xi32, #tpu.memory_space<hbm>>
      tpu.enqueue_dma source(%dma_start3A_313 : memref<80xi32, #tpu.memory_space<hbm>>) target(%arg10 : memref<80xi32, #tpu.memory_space<vmem>>) target_semaphore(%run_scoped3A : memref<!tpu.dma_semaphore, #tpu.memory_space<semaphore_mem>>)
      %dma_wait3A_314 = tpu.memref_slice %arg3[%multiple_of3A_108] : memref<640000xi32, #tpu.memory_space<hbm>> -> memref<80xi32, #tpu.memory_space<hbm>>
      %dma_wait3A_315 = tpu.memref_slice %arg3[%multiple_of3A_108] : memref<640000xi32, #tpu.memory_space<hbm>> -> memref<80xi32, #tpu.memory_space<hbm>>
      tpu.wait_dma2 semaphore(%run_scoped3A : memref<!tpu.dma_semaphore, #tpu.memory_space<semaphore_mem>>) src(%dma_wait3A_315 : memref<80xi32, #tpu.memory_space<hbm>>) dst(%arg10 : memref<80xi32, #tpu.memory_space<vmem>>)
      tpu.yield
    }) : () -> ()
    "tpu.region"() ({
      %run_scoped3A = tpu.sem_alloc : memref<!tpu.dma_semaphore, #tpu.memory_space<semaphore_mem>>
      %dma_start3A_312 = tpu.memref_slice %arg4[%multiple_of3A_108] : memref<640000xi32, #tpu.memory_space<hbm>> -> memref<80xi32, #tpu.memory_space<hbm>>
      %dma_start3A_313 = tpu.memref_slice %arg4[%multiple_of3A_108] : memref<640000xi32, #tpu.memory_space<hbm>> -> memref<80xi32, #tpu.memory_space<hbm>>
      tpu.enqueue_dma source(%dma_start3A_313 : memref<80xi32, #tpu.memory_space<hbm>>) target(%arg14 : memref<80xi32, #tpu.memory_space<vmem>>) target_semaphore(%run_scoped3A : memref<!tpu.dma_semaphore, #tpu.memory_space<semaphore_mem>>)
      %dma_wait3A_314 = tpu.memref_slice %arg4[%multiple_of3A_108] : memref<640000xi32, #tpu.memory_space<hbm>> -> memref<80xi32, #tpu.memory_space<hbm>>
      %dma_wait3A_315 = tpu.memref_slice %arg4[%multiple_of3A_108] : memref<640000xi32, #tpu.memory_space<hbm>> -> memref<80xi32, #tpu.memory_space<hbm>>
      tpu.wait_dma2 semaphore(%run_scoped3A : memref<!tpu.dma_semaphore, #tpu.memory_space<semaphore_mem>>) src(%dma_wait3A_315 : memref<80xi32, #tpu.memory_space<hbm>>) dst(%arg14 : memref<80xi32, #tpu.memory_space<vmem>>)
      tpu.yield
    }) : () -> ()
    %dma_start3A_109 = arith.constant 0 : i32
    %dma_start3A_110 = arith.constant 0 : i32
    %dma_start3A_111 = tpu.memref_slice %arg2[%dma_start3A_109, %dma_start3A_110] : memref<10240x128xf32, #tpu.memory_space<hbm>> -> memref<10240x128xf32, #tpu.memory_space<hbm>>
    tpu.enqueue_indirect_dma source(%dma_start3A_111 : memref<10240x128xf32, #tpu.memory_space<hbm>>) target(%arg18 : memref<80x128xf32, #tpu.memory_space<vmem>>) offsets(%arg10 : memref<80xi32, #tpu.memory_space<vmem>>) semaphore(%arg25 : memref<!tpu.dma_semaphore, #tpu.memory_space<semaphore_mem>>)
    %scan3A_112 = arith.constant 0 : i32
    %scan3A_113 = arith.constant 0 : i32
    %scan3A_114 = arith.constant 61 : i32
    %scan3A_115 = arith.addi %scan3A_113, %scan3A_114 : i32
    %scan3A_116 = arith.constant 1 : i32
    scf.for %scan3A_312 = %scan3A_113 to %scan3A_115 step %scan3A_116  : i32 {
      %dma_wait3A_313 = arith.constant 0 : i32
      %dma_wait3A_314 = arith.constant 0 : i32
      %dma_wait3A_315 = tpu.memref_slice %arg2[%dma_wait3A_313, %dma_wait3A_314] : memref<10240x128xf32, #tpu.memory_space<hbm>> -> memref<10240x128xf32, #tpu.memory_space<hbm>>
      tpu.wait_indirect_dma semaphore(%arg22 : memref<!tpu.dma_semaphore, #tpu.memory_space<semaphore_mem>>) src(%dma_wait3A_315 : memref<10240x128xf32, #tpu.memory_space<hbm>>) dst(%arg15 : memref<80x128xf32, #tpu.memory_space<vmem>>)
      %dma_start3A_316 = arith.constant 0 : i32
      %dma_start3A_317 = arith.constant 0 : i32
      %dma_start3A_318 = tpu.memref_slice %arg20[%dma_start3A_316, %dma_start3A_317] : memref<10240x128xf32, #tpu.memory_space<vmem_shared>> -> memref<10240x128xf32, #tpu.memory_space<vmem_shared>>
      tpu.enqueue_indirect_dma source(%arg15 : memref<80x128xf32, #tpu.memory_space<vmem>>) target(%dma_start3A_318 : memref<10240x128xf32, #tpu.memory_space<vmem_shared>>) offsets(%arg11 : memref<80xi32, #tpu.memory_space<vmem>>) semaphore(%arg26 : memref<!tpu.dma_semaphore, #tpu.memory_space<semaphore_mem>>) {add = true}
      %dma_start3A_319 = arith.constant 0 : i32
      %dma_start3A_320 = tpu.memref_slice %arg21[%dma_start3A_319] : memref<10240xf32, #tpu.memory_space<vmem_shared>> -> memref<10240xf32, #tpu.memory_space<vmem_shared>>
      tpu.enqueue_indirect_dma source(%arg19 : memref<80xf32, #tpu.memory_space<vmem>>) target(%dma_start3A_320 : memref<10240xf32, #tpu.memory_space<vmem_shared>>) offsets(%arg11 : memref<80xi32, #tpu.memory_space<vmem>>) semaphore(%arg26 : memref<!tpu.dma_semaphore, #tpu.memory_space<semaphore_mem>>) {add = true}
      %dma_wait3A_321 = arith.constant 0 : i32
      %dma_wait3A_322 = arith.constant 0 : i32
      %dma_wait3A_323 = tpu.memref_slice %arg20[%dma_wait3A_321, %dma_wait3A_322] : memref<10240x128xf32, #tpu.memory_space<vmem_shared>> -> memref<10240x128xf32, #tpu.memory_space<vmem_shared>>
      tpu.wait_indirect_dma semaphore(%arg26 : memref<!tpu.dma_semaphore, #tpu.memory_space<semaphore_mem>>) src(%arg15 : memref<80x128xf32, #tpu.memory_space<vmem>>) dst(%dma_wait3A_323 : memref<10240x128xf32, #tpu.memory_space<vmem_shared>>)
      %dma_wait3A_324 = arith.constant 0 : i32
      %dma_wait3A_325 = tpu.memref_slice %arg21[%dma_wait3A_324] : memref<10240xf32, #tpu.memory_space<vmem_shared>> -> memref<10240xf32, #tpu.memory_space<vmem_shared>>
      tpu.wait_indirect_dma semaphore(%arg26 : memref<!tpu.dma_semaphore, #tpu.memory_space<semaphore_mem>>) src(%arg19 : memref<80xf32, #tpu.memory_space<vmem>>) dst(%dma_wait3A_325 : memref<10240xf32, #tpu.memory_space<vmem_shared>>)
      %mul3A_326 = arith.constant 4 : i32
      %mul3A_327 = arith.muli %mul3A_326, %scan3A_312 : i32
      %add3A_328 = arith.constant 0 : i32
      %add3A_329 = arith.addi %mul3A_327, %add3A_328 : i32
      %add3A_330 = arith.constant 4 : i32
      %add3A_331 = arith.addi %add3A_329, %add3A_330 : i32
      %mul3A_332 = arith.constant 80 : i32
      %mul3A_333 = arith.muli %add3A_331, %mul3A_332 : i32
      %add3A_334 = arith.addi %mul3A_88, %mul3A_333 : i32
      %multiple_of3A_335 = tpu.assume_multiple %add3A_334, 8 : i32
      "tpu.region"() ({
        %run_scoped3A = tpu.sem_alloc : memref<!tpu.dma_semaphore, #tpu.memory_space<semaphore_mem>>
        %dma_start3A_417 = tpu.memref_slice %arg3[%multiple_of3A_335] : memref<640000xi32, #tpu.memory_space<hbm>> -> memref<80xi32, #tpu.memory_space<hbm>>
        %dma_start3A_418 = tpu.memref_slice %arg3[%multiple_of3A_335] : memref<640000xi32, #tpu.memory_space<hbm>> -> memref<80xi32, #tpu.memory_space<hbm>>
        tpu.enqueue_dma source(%dma_start3A_418 : memref<80xi32, #tpu.memory_space<hbm>>) target(%arg7 : memref<80xi32, #tpu.memory_space<vmem>>) target_semaphore(%run_scoped3A : memref<!tpu.dma_semaphore, #tpu.memory_space<semaphore_mem>>)
        %dma_wait3A_419 = tpu.memref_slice %arg3[%multiple_of3A_335] : memref<640000xi32, #tpu.memory_space<hbm>> -> memref<80xi32, #tpu.memory_space<hbm>>
        %dma_wait3A_420 = tpu.memref_slice %arg3[%multiple_of3A_335] : memref<640000xi32, #tpu.memory_space<hbm>> -> memref<80xi32, #tpu.memory_space<hbm>>
        tpu.wait_dma2 semaphore(%run_scoped3A : memref<!tpu.dma_semaphore, #tpu.memory_space<semaphore_mem>>) src(%dma_wait3A_420 : memref<80xi32, #tpu.memory_space<hbm>>) dst(%arg7 : memref<80xi32, #tpu.memory_space<vmem>>)
        tpu.yield
      }) : () -> ()
      "tpu.region"() ({
        %run_scoped3A = tpu.sem_alloc : memref<!tpu.dma_semaphore, #tpu.memory_space<semaphore_mem>>
        %dma_start3A_417 = tpu.memref_slice %arg4[%multiple_of3A_335] : memref<640000xi32, #tpu.memory_space<hbm>> -> memref<80xi32, #tpu.memory_space<hbm>>
        %dma_start3A_418 = tpu.memref_slice %arg4[%multiple_of3A_335] : memref<640000xi32, #tpu.memory_space<hbm>> -> memref<80xi32, #tpu.memory_space<hbm>>
        tpu.enqueue_dma source(%dma_start3A_418 : memref<80xi32, #tpu.memory_space<hbm>>) target(%arg11 : memref<80xi32, #tpu.memory_space<vmem>>) target_semaphore(%run_scoped3A : memref<!tpu.dma_semaphore, #tpu.memory_space<semaphore_mem>>)
        %dma_wait3A_419 = tpu.memref_slice %arg4[%multiple_of3A_335] : memref<640000xi32, #tpu.memory_space<hbm>> -> memref<80xi32, #tpu.memory_space<hbm>>
        %dma_wait3A_420 = tpu.memref_slice %arg4[%multiple_of3A_335] : memref<640000xi32, #tpu.memory_space<hbm>> -> memref<80xi32, #tpu.memory_space<hbm>>
        tpu.wait_dma2 semaphore(%run_scoped3A : memref<!tpu.dma_semaphore, #tpu.memory_space<semaphore_mem>>) src(%dma_wait3A_420 : memref<80xi32, #tpu.memory_space<hbm>>) dst(%arg11 : memref<80xi32, #tpu.memory_space<vmem>>)
        tpu.yield
      }) : () -> ()
      %dma_start3A_336 = arith.constant 0 : i32
      %dma_start3A_337 = arith.constant 0 : i32
      %dma_start3A_338 = tpu.memref_slice %arg2[%dma_start3A_336, %dma_start3A_337] : memref<10240x128xf32, #tpu.memory_space<hbm>> -> memref<10240x128xf32, #tpu.memory_space<hbm>>
      tpu.enqueue_indirect_dma source(%dma_start3A_338 : memref<10240x128xf32, #tpu.memory_space<hbm>>) target(%arg15 : memref<80x128xf32, #tpu.memory_space<vmem>>) offsets(%arg7 : memref<80xi32, #tpu.memory_space<vmem>>) semaphore(%arg22 : memref<!tpu.dma_semaphore, #tpu.memory_space<semaphore_mem>>)
      %dma_wait3A_339 = arith.constant 0 : i32
      %dma_wait3A_340 = arith.constant 0 : i32
      %dma_wait3A_341 = tpu.memref_slice %arg2[%dma_wait3A_339, %dma_wait3A_340] : memref<10240x128xf32, #tpu.memory_space<hbm>> -> memref<10240x128xf32, #tpu.memory_space<hbm>>
      tpu.wait_indirect_dma semaphore(%arg23 : memref<!tpu.dma_semaphore, #tpu.memory_space<semaphore_mem>>) src(%dma_wait3A_341 : memref<10240x128xf32, #tpu.memory_space<hbm>>) dst(%arg16 : memref<80x128xf32, #tpu.memory_space<vmem>>)
      %dma_start3A_342 = arith.constant 0 : i32
      %dma_start3A_343 = arith.constant 0 : i32
      %dma_start3A_344 = tpu.memref_slice %arg20[%dma_start3A_342, %dma_start3A_343] : memref<10240x128xf32, #tpu.memory_space<vmem_shared>> -> memref<10240x128xf32, #tpu.memory_space<vmem_shared>>
      tpu.enqueue_indirect_dma source(%arg16 : memref<80x128xf32, #tpu.memory_space<vmem>>) target(%dma_start3A_344 : memref<10240x128xf32, #tpu.memory_space<vmem_shared>>) offsets(%arg12 : memref<80xi32, #tpu.memory_space<vmem>>) semaphore(%arg27 : memref<!tpu.dma_semaphore, #tpu.memory_space<semaphore_mem>>) {add = true}
      %dma_start3A_345 = arith.constant 0 : i32
      %dma_start3A_346 = tpu.memref_slice %arg21[%dma_start3A_345] : memref<10240xf32, #tpu.memory_space<vmem_shared>> -> memref<10240xf32, #tpu.memory_space<vmem_shared>>
      tpu.enqueue_indirect_dma source(%arg19 : memref<80xf32, #tpu.memory_space<vmem>>) target(%dma_start3A_346 : memref<10240xf32, #tpu.memory_space<vmem_shared>>) offsets(%arg12 : memref<80xi32, #tpu.memory_space<vmem>>) semaphore(%arg27 : memref<!tpu.dma_semaphore, #tpu.memory_space<semaphore_mem>>) {add = true}
      %dma_wait3A_347 = arith.constant 0 : i32
      %dma_wait3A_348 = arith.constant 0 : i32
      %dma_wait3A_349 = tpu.memref_slice %arg20[%dma_wait3A_347, %dma_wait3A_348] : memref<10240x128xf32, #tpu.memory_space<vmem_shared>> -> memref<10240x128xf32, #tpu.memory_space<vmem_shared>>
      tpu.wait_indirect_dma semaphore(%arg27 : memref<!tpu.dma_semaphore, #tpu.memory_space<semaphore_mem>>) src(%arg16 : memref<80x128xf32, #tpu.memory_space<vmem>>) dst(%dma_wait3A_349 : memref<10240x128xf32, #tpu.memory_space<vmem_shared>>)
      %dma_wait3A_350 = arith.constant 0 : i32
      %dma_wait3A_351 = tpu.memref_slice %arg21[%dma_wait3A_350] : memref<10240xf32, #tpu.memory_space<vmem_shared>> -> memref<10240xf32, #tpu.memory_space<vmem_shared>>
      tpu.wait_indirect_dma semaphore(%arg27 : memref<!tpu.dma_semaphore, #tpu.memory_space<semaphore_mem>>) src(%arg19 : memref<80xf32, #tpu.memory_space<vmem>>) dst(%dma_wait3A_351 : memref<10240xf32, #tpu.memory_space<vmem_shared>>)
      %mul3A_352 = arith.constant 4 : i32
      %mul3A_353 = arith.muli %mul3A_352, %scan3A_312 : i32
      %add3A_354 = arith.constant 1 : i32
      %add3A_355 = arith.addi %mul3A_353, %add3A_354 : i32
      %add3A_356 = arith.constant 4 : i32
      %add3A_357 = arith.addi %add3A_355, %add3A_356 : i32
      %mul3A_358 = arith.constant 80 : i32
      %mul3A_359 = arith.muli %add3A_357, %mul3A_358 : i32
      %add3A_360 = arith.addi %mul3A_88, %mul3A_359 : i32
      %multiple_of3A_361 = tpu.assume_multiple %add3A_360, 8 : i32
      "tpu.region"() ({
        %run_scoped3A = tpu.sem_alloc : memref<!tpu.dma_semaphore, #tpu.memory_space<semaphore_mem>>
        %dma_start3A_417 = tpu.memref_slice %arg3[%multiple_of3A_361] : memref<640000xi32, #tpu.memory_space<hbm>> -> memref<80xi32, #tpu.memory_space<hbm>>
        %dma_start3A_418 = tpu.memref_slice %arg3[%multiple_of3A_361] : memref<640000xi32, #tpu.memory_space<hbm>> -> memref<80xi32, #tpu.memory_space<hbm>>
        tpu.enqueue_dma source(%dma_start3A_418 : memref<80xi32, #tpu.memory_space<hbm>>) target(%arg8 : memref<80xi32, #tpu.memory_space<vmem>>) target_semaphore(%run_scoped3A : memref<!tpu.dma_semaphore, #tpu.memory_space<semaphore_mem>>)
        %dma_wait3A_419 = tpu.memref_slice %arg3[%multiple_of3A_361] : memref<640000xi32, #tpu.memory_space<hbm>> -> memref<80xi32, #tpu.memory_space<hbm>>
        %dma_wait3A_420 = tpu.memref_slice %arg3[%multiple_of3A_361] : memref<640000xi32, #tpu.memory_space<hbm>> -> memref<80xi32, #tpu.memory_space<hbm>>
        tpu.wait_dma2 semaphore(%run_scoped3A : memref<!tpu.dma_semaphore, #tpu.memory_space<semaphore_mem>>) src(%dma_wait3A_420 : memref<80xi32, #tpu.memory_space<hbm>>) dst(%arg8 : memref<80xi32, #tpu.memory_space<vmem>>)
        tpu.yield
      }) : () -> ()
      "tpu.region"() ({
        %run_scoped3A = tpu.sem_alloc : memref<!tpu.dma_semaphore, #tpu.memory_space<semaphore_mem>>
        %dma_start3A_417 = tpu.memref_slice %arg4[%multiple_of3A_361] : memref<640000xi32, #tpu.memory_space<hbm>> -> memref<80xi32, #tpu.memory_space<hbm>>
        %dma_start3A_418 = tpu.memref_slice %arg4[%multiple_of3A_361] : memref<640000xi32, #tpu.memory_space<hbm>> -> memref<80xi32, #tpu.memory_space<hbm>>
        tpu.enqueue_dma source(%dma_start3A_418 : memref<80xi32, #tpu.memory_space<hbm>>) target(%arg12 : memref<80xi32, #tpu.memory_space<vmem>>) target_semaphore(%run_scoped3A : memref<!tpu.dma_semaphore, #tpu.memory_space<semaphore_mem>>)
        %dma_wait3A_419 = tpu.memref_slice %arg4[%multiple_of3A_361] : memref<640000xi32, #tpu.memory_space<hbm>> -> memref<80xi32, #tpu.memory_space<hbm>>
        %dma_wait3A_420 = tpu.memref_slice %arg4[%multiple_of3A_361] : memref<640000xi32, #tpu.memory_space<hbm>> -> memref<80xi32, #tpu.memory_space<hbm>>
        tpu.wait_dma2 semaphore(%run_scoped3A : memref<!tpu.dma_semaphore, #tpu.memory_space<semaphore_mem>>) src(%dma_wait3A_420 : memref<80xi32, #tpu.memory_space<hbm>>) dst(%arg12 : memref<80xi32, #tpu.memory_space<vmem>>)
        tpu.yield
      }) : () -> ()
      %dma_start3A_362 = arith.constant 0 : i32
      %dma_start3A_363 = arith.constant 0 : i32
      %dma_start3A_364 = tpu.memref_slice %arg2[%dma_start3A_362, %dma_start3A_363] : memref<10240x128xf32, #tpu.memory_space<hbm>> -> memref<10240x128xf32, #tpu.memory_space<hbm>>
      tpu.enqueue_indirect_dma source(%dma_start3A_364 : memref<10240x128xf32, #tpu.memory_space<hbm>>) target(%arg16 : memref<80x128xf32, #tpu.memory_space<vmem>>) offsets(%arg8 : memref<80xi32, #tpu.memory_space<vmem>>) semaphore(%arg23 : memref<!tpu.dma_semaphore, #tpu.memory_space<semaphore_mem>>)
      %dma_wait3A_365 = arith.constant 0 : i32
      %dma_wait3A_366 = arith.constant 0 : i32
      %dma_wait3A_367 = tpu.memref_slice %arg2[%dma_wait3A_365, %dma_wait3A_366] : memref<10240x128xf32, #tpu.memory_space<hbm>> -> memref<10240x128xf32, #tpu.memory_space<hbm>>
      tpu.wait_indirect_dma semaphore(%arg24 : memref<!tpu.dma_semaphore, #tpu.memory_space<semaphore_mem>>) src(%dma_wait3A_367 : memref<10240x128xf32, #tpu.memory_space<hbm>>) dst(%arg17 : memref<80x128xf32, #tpu.memory_space<vmem>>)
      %dma_start3A_368 = arith.constant 0 : i32
      %dma_start3A_369 = arith.constant 0 : i32
      %dma_start3A_370 = tpu.memref_slice %arg20[%dma_start3A_368, %dma_start3A_369] : memref<10240x128xf32, #tpu.memory_space<vmem_shared>> -> memref<10240x128xf32, #tpu.memory_space<vmem_shared>>
      tpu.enqueue_indirect_dma source(%arg17 : memref<80x128xf32, #tpu.memory_space<vmem>>) target(%dma_start3A_370 : memref<10240x128xf32, #tpu.memory_space<vmem_shared>>) offsets(%arg13 : memref<80xi32, #tpu.memory_space<vmem>>) semaphore(%arg28 : memref<!tpu.dma_semaphore, #tpu.memory_space<semaphore_mem>>) {add = true}
      %dma_start3A_371 = arith.constant 0 : i32
      %dma_start3A_372 = tpu.memref_slice %arg21[%dma_start3A_371] : memref<10240xf32, #tpu.memory_space<vmem_shared>> -> memref<10240xf32, #tpu.memory_space<vmem_shared>>
      tpu.enqueue_indirect_dma source(%arg19 : memref<80xf32, #tpu.memory_space<vmem>>) target(%dma_start3A_372 : memref<10240xf32, #tpu.memory_space<vmem_shared>>) offsets(%arg13 : memref<80xi32, #tpu.memory_space<vmem>>) semaphore(%arg28 : memref<!tpu.dma_semaphore, #tpu.memory_space<semaphore_mem>>) {add = true}
      %dma_wait3A_373 = arith.constant 0 : i32
      %dma_wait3A_374 = arith.constant 0 : i32
      %dma_wait3A_375 = tpu.memref_slice %arg20[%dma_wait3A_373, %dma_wait3A_374] : memref<10240x128xf32, #tpu.memory_space<vmem_shared>> -> memref<10240x128xf32, #tpu.memory_space<vmem_shared>>
      tpu.wait_indirect_dma semaphore(%arg28 : memref<!tpu.dma_semaphore, #tpu.memory_space<semaphore_mem>>) src(%arg17 : memref<80x128xf32, #tpu.memory_space<vmem>>) dst(%dma_wait3A_375 : memref<10240x128xf32, #tpu.memory_space<vmem_shared>>)
      %dma_wait3A_376 = arith.constant 0 : i32
      %dma_wait3A_377 = tpu.memref_slice %arg21[%dma_wait3A_376] : memref<10240xf32, #tpu.memory_space<vmem_shared>> -> memref<10240xf32, #tpu.memory_space<vmem_shared>>
      tpu.wait_indirect_dma semaphore(%arg28 : memref<!tpu.dma_semaphore, #tpu.memory_space<semaphore_mem>>) src(%arg19 : memref<80xf32, #tpu.memory_space<vmem>>) dst(%dma_wait3A_377 : memref<10240xf32, #tpu.memory_space<vmem_shared>>)
      %mul3A_378 = arith.constant 4 : i32
      %mul3A_379 = arith.muli %mul3A_378, %scan3A_312 : i32
      %add3A_380 = arith.constant 2 : i32
      %add3A_381 = arith.addi %mul3A_379, %add3A_380 : i32
      %add3A_382 = arith.constant 4 : i32
      %add3A_383 = arith.addi %add3A_381, %add3A_382 : i32
      %mul3A_384 = arith.constant 80 : i32
      %mul3A_385 = arith.muli %add3A_383, %mul3A_384 : i32
      %add3A_386 = arith.addi %mul3A_88, %mul3A_385 : i32
      %multiple_of3A_387 = tpu.assume_multiple %add3A_386, 8 : i32
      "tpu.region"() ({
        %run_scoped3A = tpu.sem_alloc : memref<!tpu.dma_semaphore, #tpu.memory_space<semaphore_mem>>
        %dma_start3A_417 = tpu.memref_slice %arg3[%multiple_of3A_387] : memref<640000xi32, #tpu.memory_space<hbm>> -> memref<80xi32, #tpu.memory_space<hbm>>
        %dma_start3A_418 = tpu.memref_slice %arg3[%multiple_of3A_387] : memref<640000xi32, #tpu.memory_space<hbm>> -> memref<80xi32, #tpu.memory_space<hbm>>
        tpu.enqueue_dma source(%dma_start3A_418 : memref<80xi32, #tpu.memory_space<hbm>>) target(%arg9 : memref<80xi32, #tpu.memory_space<vmem>>) target_semaphore(%run_scoped3A : memref<!tpu.dma_semaphore, #tpu.memory_space<semaphore_mem>>)
        %dma_wait3A_419 = tpu.memref_slice %arg3[%multiple_of3A_387] : memref<640000xi32, #tpu.memory_space<hbm>> -> memref<80xi32, #tpu.memory_space<hbm>>
        %dma_wait3A_420 = tpu.memref_slice %arg3[%multiple_of3A_387] : memref<640000xi32, #tpu.memory_space<hbm>> -> memref<80xi32, #tpu.memory_space<hbm>>
        tpu.wait_dma2 semaphore(%run_scoped3A : memref<!tpu.dma_semaphore, #tpu.memory_space<semaphore_mem>>) src(%dma_wait3A_420 : memref<80xi32, #tpu.memory_space<hbm>>) dst(%arg9 : memref<80xi32, #tpu.memory_space<vmem>>)
        tpu.yield
      }) : () -> ()
      "tpu.region"() ({
        %run_scoped3A = tpu.sem_alloc : memref<!tpu.dma_semaphore, #tpu.memory_space<semaphore_mem>>
        %dma_start3A_417 = tpu.memref_slice %arg4[%multiple_of3A_387] : memref<640000xi32, #tpu.memory_space<hbm>> -> memref<80xi32, #tpu.memory_space<hbm>>
        %dma_start3A_418 = tpu.memref_slice %arg4[%multiple_of3A_387] : memref<640000xi32, #tpu.memory_space<hbm>> -> memref<80xi32, #tpu.memory_space<hbm>>
        tpu.enqueue_dma source(%dma_start3A_418 : memref<80xi32, #tpu.memory_space<hbm>>) target(%arg13 : memref<80xi32, #tpu.memory_space<vmem>>) target_semaphore(%run_scoped3A : memref<!tpu.dma_semaphore, #tpu.memory_space<semaphore_mem>>)
        %dma_wait3A_419 = tpu.memref_slice %arg4[%multiple_of3A_387] : memref<640000xi32, #tpu.memory_space<hbm>> -> memref<80xi32, #tpu.memory_space<hbm>>
        %dma_wait3A_420 = tpu.memref_slice %arg4[%multiple_of3A_387] : memref<640000xi32, #tpu.memory_space<hbm>> -> memref<80xi32, #tpu.memory_space<hbm>>
        tpu.wait_dma2 semaphore(%run_scoped3A : memref<!tpu.dma_semaphore, #tpu.memory_space<semaphore_mem>>) src(%dma_wait3A_420 : memref<80xi32, #tpu.memory_space<hbm>>) dst(%arg13 : memref<80xi32, #tpu.memory_space<vmem>>)
        tpu.yield
      }) : () -> ()
      %dma_start3A_388 = arith.constant 0 : i32
      %dma_start3A_389 = arith.constant 0 : i32
      %dma_start3A_390 = tpu.memref_slice %arg2[%dma_start3A_388, %dma_start3A_389] : memref<10240x128xf32, #tpu.memory_space<hbm>> -> memref<10240x128xf32, #tpu.memory_space<hbm>>
      tpu.enqueue_indirect_dma source(%dma_start3A_390 : memref<10240x128xf32, #tpu.memory_space<hbm>>) target(%arg17 : memref<80x128xf32, #tpu.memory_space<vmem>>) offsets(%arg9 : memref<80xi32, #tpu.memory_space<vmem>>) semaphore(%arg24 : memref<!tpu.dma_semaphore, #tpu.memory_space<semaphore_mem>>)
      %dma_wait3A_391 = arith.constant 0 : i32
      %dma_wait3A_392 = arith.constant 0 : i32
      %dma_wait3A_393 = tpu.memref_slice %arg2[%dma_wait3A_391, %dma_wait3A_392] : memref<10240x128xf32, #tpu.memory_space<hbm>> -> memref<10240x128xf32, #tpu.memory_space<hbm>>
      tpu.wait_indirect_dma semaphore(%arg25 : memref<!tpu.dma_semaphore, #tpu.memory_space<semaphore_mem>>) src(%dma_wait3A_393 : memref<10240x128xf32, #tpu.memory_space<hbm>>) dst(%arg18 : memref<80x128xf32, #tpu.memory_space<vmem>>)
      %dma_start3A_394 = arith.constant 0 : i32
      %dma_start3A_395 = arith.constant 0 : i32
      %dma_start3A_396 = tpu.memref_slice %arg20[%dma_start3A_394, %dma_start3A_395] : memref<10240x128xf32, #tpu.memory_space<vmem_shared>> -> memref<10240x128xf32, #tpu.memory_space<vmem_shared>>
      tpu.enqueue_indirect_dma source(%arg18 : memref<80x128xf32, #tpu.memory_space<vmem>>) target(%dma_start3A_396 : memref<10240x128xf32, #tpu.memory_space<vmem_shared>>) offsets(%arg14 : memref<80xi32, #tpu.memory_space<vmem>>) semaphore(%arg29 : memref<!tpu.dma_semaphore, #tpu.memory_space<semaphore_mem>>) {add = true}
      %dma_start3A_397 = arith.constant 0 : i32
      %dma_start3A_398 = tpu.memref_slice %arg21[%dma_start3A_397] : memref<10240xf32, #tpu.memory_space<vmem_shared>> -> memref<10240xf32, #tpu.memory_space<vmem_shared>>
      tpu.enqueue_indirect_dma source(%arg19 : memref<80xf32, #tpu.memory_space<vmem>>) target(%dma_start3A_398 : memref<10240xf32, #tpu.memory_space<vmem_shared>>) offsets(%arg14 : memref<80xi32, #tpu.memory_space<vmem>>) semaphore(%arg29 : memref<!tpu.dma_semaphore, #tpu.memory_space<semaphore_mem>>) {add = true}
      %dma_wait3A_399 = arith.constant 0 : i32
      %dma_wait3A_400 = arith.constant 0 : i32
      %dma_wait3A_401 = tpu.memref_slice %arg20[%dma_wait3A_399, %dma_wait3A_400] : memref<10240x128xf32, #tpu.memory_space<vmem_shared>> -> memref<10240x128xf32, #tpu.memory_space<vmem_shared>>
      tpu.wait_indirect_dma semaphore(%arg29 : memref<!tpu.dma_semaphore, #tpu.memory_space<semaphore_mem>>) src(%arg18 : memref<80x128xf32, #tpu.memory_space<vmem>>) dst(%dma_wait3A_401 : memref<10240x128xf32, #tpu.memory_space<vmem_shared>>)
      %dma_wait3A_402 = arith.constant 0 : i32
      %dma_wait3A_403 = tpu.memref_slice %arg21[%dma_wait3A_402] : memref<10240xf32, #tpu.memory_space<vmem_shared>> -> memref<10240xf32, #tpu.memory_space<vmem_shared>>
      tpu.wait_indirect_dma semaphore(%arg29 : memref<!tpu.dma_semaphore, #tpu.memory_space<semaphore_mem>>) src(%arg19 : memref<80xf32, #tpu.memory_space<vmem>>) dst(%dma_wait3A_403 : memref<10240xf32, #tpu.memory_space<vmem_shared>>)
      %mul3A_404 = arith.constant 4 : i32
      %mul3A_405 = arith.muli %mul3A_404, %scan3A_312 : i32
      %add3A_406 = arith.constant 3 : i32
      %add3A_407 = arith.addi %mul3A_405, %add3A_406 : i32
      %add3A_408 = arith.constant 4 : i32
      %add3A_409 = arith.addi %add3A_407, %add3A_408 : i32
      %mul3A_410 = arith.constant 80 : i32
      %mul3A_411 = arith.muli %add3A_409, %mul3A_410 : i32
      %add3A_412 = arith.addi %mul3A_88, %mul3A_411 : i32
      %multiple_of3A_413 = tpu.assume_multiple %add3A_412, 8 : i32
      "tpu.region"() ({
        %run_scoped3A = tpu.sem_alloc : memref<!tpu.dma_semaphore, #tpu.memory_space<semaphore_mem>>
        %dma_start3A_417 = tpu.memref_slice %arg3[%multiple_of3A_413] : memref<640000xi32, #tpu.memory_space<hbm>> -> memref<80xi32, #tpu.memory_space<hbm>>
        %dma_start3A_418 = tpu.memref_slice %arg3[%multiple_of3A_413] : memref<640000xi32, #tpu.memory_space<hbm>> -> memref<80xi32, #tpu.memory_space<hbm>>
        tpu.enqueue_dma source(%dma_start3A_418 : memref<80xi32, #tpu.memory_space<hbm>>) target(%arg10 : memref<80xi32, #tpu.memory_space<vmem>>) target_semaphore(%run_scoped3A : memref<!tpu.dma_semaphore, #tpu.memory_space<semaphore_mem>>)
        %dma_wait3A_419 = tpu.memref_slice %arg3[%multiple_of3A_413] : memref<640000xi32, #tpu.memory_space<hbm>> -> memref<80xi32, #tpu.memory_space<hbm>>
        %dma_wait3A_420 = tpu.memref_slice %arg3[%multiple_of3A_413] : memref<640000xi32, #tpu.memory_space<hbm>> -> memref<80xi32, #tpu.memory_space<hbm>>
        tpu.wait_dma2 semaphore(%run_scoped3A : memref<!tpu.dma_semaphore, #tpu.memory_space<semaphore_mem>>) src(%dma_wait3A_420 : memref<80xi32, #tpu.memory_space<hbm>>) dst(%arg10 : memref<80xi32, #tpu.memory_space<vmem>>)
        tpu.yield
      }) : () -> ()
      "tpu.region"() ({
        %run_scoped3A = tpu.sem_alloc : memref<!tpu.dma_semaphore, #tpu.memory_space<semaphore_mem>>
        %dma_start3A_417 = tpu.memref_slice %arg4[%multiple_of3A_413] : memref<640000xi32, #tpu.memory_space<hbm>> -> memref<80xi32, #tpu.memory_space<hbm>>
        %dma_start3A_418 = tpu.memref_slice %arg4[%multiple_of3A_413] : memref<640000xi32, #tpu.memory_space<hbm>> -> memref<80xi32, #tpu.memory_space<hbm>>
        tpu.enqueue_dma source(%dma_start3A_418 : memref<80xi32, #tpu.memory_space<hbm>>) target(%arg14 : memref<80xi32, #tpu.memory_space<vmem>>) target_semaphore(%run_scoped3A : memref<!tpu.dma_semaphore, #tpu.memory_space<semaphore_mem>>)
        %dma_wait3A_419 = tpu.memref_slice %arg4[%multiple_of3A_413] : memref<640000xi32, #tpu.memory_space<hbm>> -> memref<80xi32, #tpu.memory_space<hbm>>
        %dma_wait3A_420 = tpu.memref_slice %arg4[%multiple_of3A_413] : memref<640000xi32, #tpu.memory_space<hbm>> -> memref<80xi32, #tpu.memory_space<hbm>>
        tpu.wait_dma2 semaphore(%run_scoped3A : memref<!tpu.dma_semaphore, #tpu.memory_space<semaphore_mem>>) src(%dma_wait3A_420 : memref<80xi32, #tpu.memory_space<hbm>>) dst(%arg14 : memref<80xi32, #tpu.memory_space<vmem>>)
        tpu.yield
      }) : () -> ()
      %dma_start3A_414 = arith.constant 0 : i32
      %dma_start3A_415 = arith.constant 0 : i32
      %dma_start3A_416 = tpu.memref_slice %arg2[%dma_start3A_414, %dma_start3A_415] : memref<10240x128xf32, #tpu.memory_space<hbm>> -> memref<10240x128xf32, #tpu.memory_space<hbm>>
      tpu.enqueue_indirect_dma source(%dma_start3A_416 : memref<10240x128xf32, #tpu.memory_space<hbm>>) target(%arg18 : memref<80x128xf32, #tpu.memory_space<vmem>>) offsets(%arg10 : memref<80xi32, #tpu.memory_space<vmem>>) semaphore(%arg25 : memref<!tpu.dma_semaphore, #tpu.memory_space<semaphore_mem>>)
    }
    %scan3A_117 = arith.constant 61 : i32
    %dma_wait3A = arith.constant 0 : i32
    %dma_wait3A_118 = arith.constant 0 : i32
    %dma_wait3A_119 = tpu.memref_slice %arg2[%dma_wait3A, %dma_wait3A_118] : memref<10240x128xf32, #tpu.memory_space<hbm>> -> memref<10240x128xf32, #tpu.memory_space<hbm>>
    tpu.wait_indirect_dma semaphore(%arg22 : memref<!tpu.dma_semaphore, #tpu.memory_space<semaphore_mem>>) src(%dma_wait3A_119 : memref<10240x128xf32, #tpu.memory_space<hbm>>) dst(%arg15 : memref<80x128xf32, #tpu.memory_space<vmem>>)
    %dma_start3A_120 = arith.constant 0 : i32
    %dma_start3A_121 = arith.constant 0 : i32
    %dma_start3A_122 = tpu.memref_slice %arg20[%dma_start3A_120, %dma_start3A_121] : memref<10240x128xf32, #tpu.memory_space<vmem_shared>> -> memref<10240x128xf32, #tpu.memory_space<vmem_shared>>
    tpu.enqueue_indirect_dma source(%arg15 : memref<80x128xf32, #tpu.memory_space<vmem>>) target(%dma_start3A_122 : memref<10240x128xf32, #tpu.memory_space<vmem_shared>>) offsets(%arg11 : memref<80xi32, #tpu.memory_space<vmem>>) semaphore(%arg26 : memref<!tpu.dma_semaphore, #tpu.memory_space<semaphore_mem>>) {add = true}
    %dma_start3A_123 = arith.constant 0 : i32
    %dma_start3A_124 = tpu.memref_slice %arg21[%dma_start3A_123] : memref<10240xf32, #tpu.memory_space<vmem_shared>> -> memref<10240xf32, #tpu.memory_space<vmem_shared>>
    tpu.enqueue_indirect_dma source(%arg19 : memref<80xf32, #tpu.memory_space<vmem>>) target(%dma_start3A_124 : memref<10240xf32, #tpu.memory_space<vmem_shared>>) offsets(%arg11 : memref<80xi32, #tpu.memory_space<vmem>>) semaphore(%arg26 : memref<!tpu.dma_semaphore, #tpu.memory_space<semaphore_mem>>) {add = true}
    %dma_wait3A_125 = arith.constant 0 : i32
    %dma_wait3A_126 = arith.constant 0 : i32
    %dma_wait3A_127 = tpu.memref_slice %arg2[%dma_wait3A_125, %dma_wait3A_126] : memref<10240x128xf32, #tpu.memory_space<hbm>> -> memref<10240x128xf32, #tpu.memory_space<hbm>>
    tpu.wait_indirect_dma semaphore(%arg23 : memref<!tpu.dma_semaphore, #tpu.memory_space<semaphore_mem>>) src(%dma_wait3A_127 : memref<10240x128xf32, #tpu.memory_space<hbm>>) dst(%arg16 : memref<80x128xf32, #tpu.memory_space<vmem>>)
    %dma_start3A_128 = arith.constant 0 : i32
    %dma_start3A_129 = arith.constant 0 : i32
    %dma_start3A_130 = tpu.memref_slice %arg20[%dma_start3A_128, %dma_start3A_129] : memref<10240x128xf32, #tpu.memory_space<vmem_shared>> -> memref<10240x128xf32, #tpu.memory_space<vmem_shared>>
    tpu.enqueue_indirect_dma source(%arg16 : memref<80x128xf32, #tpu.memory_space<vmem>>) target(%dma_start3A_130 : memref<10240x128xf32, #tpu.memory_space<vmem_shared>>) offsets(%arg12 : memref<80xi32, #tpu.memory_space<vmem>>) semaphore(%arg27 : memref<!tpu.dma_semaphore, #tpu.memory_space<semaphore_mem>>) {add = true}
    %dma_start3A_131 = arith.constant 0 : i32
    %dma_start3A_132 = tpu.memref_slice %arg21[%dma_start3A_131] : memref<10240xf32, #tpu.memory_space<vmem_shared>> -> memref<10240xf32, #tpu.memory_space<vmem_shared>>
    tpu.enqueue_indirect_dma source(%arg19 : memref<80xf32, #tpu.memory_space<vmem>>) target(%dma_start3A_132 : memref<10240xf32, #tpu.memory_space<vmem_shared>>) offsets(%arg12 : memref<80xi32, #tpu.memory_space<vmem>>) semaphore(%arg27 : memref<!tpu.dma_semaphore, #tpu.memory_space<semaphore_mem>>) {add = true}
    %dma_wait3A_133 = arith.constant 0 : i32
    %dma_wait3A_134 = arith.constant 0 : i32
    %dma_wait3A_135 = tpu.memref_slice %arg2[%dma_wait3A_133, %dma_wait3A_134] : memref<10240x128xf32, #tpu.memory_space<hbm>> -> memref<10240x128xf32, #tpu.memory_space<hbm>>
    tpu.wait_indirect_dma semaphore(%arg24 : memref<!tpu.dma_semaphore, #tpu.memory_space<semaphore_mem>>) src(%dma_wait3A_135 : memref<10240x128xf32, #tpu.memory_space<hbm>>) dst(%arg17 : memref<80x128xf32, #tpu.memory_space<vmem>>)
    %dma_start3A_136 = arith.constant 0 : i32
    %dma_start3A_137 = arith.constant 0 : i32
    %dma_start3A_138 = tpu.memref_slice %arg20[%dma_start3A_136, %dma_start3A_137] : memref<10240x128xf32, #tpu.memory_space<vmem_shared>> -> memref<10240x128xf32, #tpu.memory_space<vmem_shared>>
    tpu.enqueue_indirect_dma source(%arg17 : memref<80x128xf32, #tpu.memory_space<vmem>>) target(%dma_start3A_138 : memref<10240x128xf32, #tpu.memory_space<vmem_shared>>) offsets(%arg13 : memref<80xi32, #tpu.memory_space<vmem>>) semaphore(%arg28 : memref<!tpu.dma_semaphore, #tpu.memory_space<semaphore_mem>>) {add = true}
    %dma_start3A_139 = arith.constant 0 : i32
    %dma_start3A_140 = tpu.memref_slice %arg21[%dma_start3A_139] : memref<10240xf32, #tpu.memory_space<vmem_shared>> -> memref<10240xf32, #tpu.memory_space<vmem_shared>>
    tpu.enqueue_indirect_dma source(%arg19 : memref<80xf32, #tpu.memory_space<vmem>>) target(%dma_start3A_140 : memref<10240xf32, #tpu.memory_space<vmem_shared>>) offsets(%arg13 : memref<80xi32, #tpu.memory_space<vmem>>) semaphore(%arg28 : memref<!tpu.dma_semaphore, #tpu.memory_space<semaphore_mem>>) {add = true}
    %dma_wait3A_141 = arith.constant 0 : i32
    %dma_wait3A_142 = arith.constant 0 : i32
    %dma_wait3A_143 = tpu.memref_slice %arg2[%dma_wait3A_141, %dma_wait3A_142] : memref<10240x128xf32, #tpu.memory_space<hbm>> -> memref<10240x128xf32, #tpu.memory_space<hbm>>
    tpu.wait_indirect_dma semaphore(%arg25 : memref<!tpu.dma_semaphore, #tpu.memory_space<semaphore_mem>>) src(%dma_wait3A_143 : memref<10240x128xf32, #tpu.memory_space<hbm>>) dst(%arg18 : memref<80x128xf32, #tpu.memory_space<vmem>>)
    %dma_start3A_144 = arith.constant 0 : i32
    %dma_start3A_145 = arith.constant 0 : i32
    %dma_start3A_146 = tpu.memref_slice %arg20[%dma_start3A_144, %dma_start3A_145] : memref<10240x128xf32, #tpu.memory_space<vmem_shared>> -> memref<10240x128xf32, #tpu.memory_space<vmem_shared>>
    tpu.enqueue_indirect_dma source(%arg18 : memref<80x128xf32, #tpu.memory_space<vmem>>) target(%dma_start3A_146 : memref<10240x128xf32, #tpu.memory_space<vmem_shared>>) offsets(%arg14 : memref<80xi32, #tpu.memory_space<vmem>>) semaphore(%arg29 : memref<!tpu.dma_semaphore, #tpu.memory_space<semaphore_mem>>) {add = true}
    %dma_start3A_147 = arith.constant 0 : i32
    %dma_start3A_148 = tpu.memref_slice %arg21[%dma_start3A_147] : memref<10240xf32, #tpu.memory_space<vmem_shared>> -> memref<10240xf32, #tpu.memory_space<vmem_shared>>
    tpu.enqueue_indirect_dma source(%arg19 : memref<80xf32, #tpu.memory_space<vmem>>) target(%dma_start3A_148 : memref<10240xf32, #tpu.memory_space<vmem_shared>>) offsets(%arg14 : memref<80xi32, #tpu.memory_space<vmem>>) semaphore(%arg29 : memref<!tpu.dma_semaphore, #tpu.memory_space<semaphore_mem>>) {add = true}
    %dma_wait3A_149 = arith.constant 0 : i32
    %dma_wait3A_150 = arith.constant 0 : i32
    %dma_wait3A_151 = tpu.memref_slice %arg20[%dma_wait3A_149, %dma_wait3A_150] : memref<10240x128xf32, #tpu.memory_space<vmem_shared>> -> memref<10240x128xf32, #tpu.memory_space<vmem_shared>>
    tpu.wait_indirect_dma semaphore(%arg26 : memref<!tpu.dma_semaphore, #tpu.memory_space<semaphore_mem>>) src(%arg15 : memref<80x128xf32, #tpu.memory_space<vmem>>) dst(%dma_wait3A_151 : memref<10240x128xf32, #tpu.memory_space<vmem_shared>>)
    %dma_wait3A_152 = arith.constant 0 : i32
    %dma_wait3A_153 = tpu.memref_slice %arg21[%dma_wait3A_152] : memref<10240xf32, #tpu.memory_space<vmem_shared>> -> memref<10240xf32, #tpu.memory_space<vmem_shared>>
    tpu.wait_indirect_dma semaphore(%arg26 : memref<!tpu.dma_semaphore, #tpu.memory_space<semaphore_mem>>) src(%arg19 : memref<80xf32, #tpu.memory_space<vmem>>) dst(%dma_wait3A_153 : memref<10240xf32, #tpu.memory_space<vmem_shared>>)
    %dma_wait3A_154 = arith.constant 0 : i32
    %dma_wait3A_155 = arith.constant 0 : i32
    %dma_wait3A_156 = tpu.memref_slice %arg20[%dma_wait3A_154, %dma_wait3A_155] : memref<10240x128xf32, #tpu.memory_space<vmem_shared>> -> memref<10240x128xf32, #tpu.memory_space<vmem_shared>>
    tpu.wait_indirect_dma semaphore(%arg27 : memref<!tpu.dma_semaphore, #tpu.memory_space<semaphore_mem>>) src(%arg16 : memref<80x128xf32, #tpu.memory_space<vmem>>) dst(%dma_wait3A_156 : memref<10240x128xf32, #tpu.memory_space<vmem_shared>>)
    %dma_wait3A_157 = arith.constant 0 : i32
    %dma_wait3A_158 = tpu.memref_slice %arg21[%dma_wait3A_157] : memref<10240xf32, #tpu.memory_space<vmem_shared>> -> memref<10240xf32, #tpu.memory_space<vmem_shared>>
    tpu.wait_indirect_dma semaphore(%arg27 : memref<!tpu.dma_semaphore, #tpu.memory_space<semaphore_mem>>) src(%arg19 : memref<80xf32, #tpu.memory_space<vmem>>) dst(%dma_wait3A_158 : memref<10240xf32, #tpu.memory_space<vmem_shared>>)
    %dma_wait3A_159 = arith.constant 0 : i32
    %dma_wait3A_160 = arith.constant 0 : i32
    %dma_wait3A_161 = tpu.memref_slice %arg20[%dma_wait3A_159, %dma_wait3A_160] : memref<10240x128xf32, #tpu.memory_space<vmem_shared>> -> memref<10240x128xf32, #tpu.memory_space<vmem_shared>>
    tpu.wait_indirect_dma semaphore(%arg28 : memref<!tpu.dma_semaphore, #tpu.memory_space<semaphore_mem>>) src(%arg17 : memref<80x128xf32, #tpu.memory_space<vmem>>) dst(%dma_wait3A_161 : memref<10240x128xf32, #tpu.memory_space<vmem_shared>>)
    %dma_wait3A_162 = arith.constant 0 : i32
    %dma_wait3A_163 = tpu.memref_slice %arg21[%dma_wait3A_162] : memref<10240xf32, #tpu.memory_space<vmem_shared>> -> memref<10240xf32, #tpu.memory_space<vmem_shared>>
    tpu.wait_indirect_dma semaphore(%arg28 : memref<!tpu.dma_semaphore, #tpu.memory_space<semaphore_mem>>) src(%arg19 : memref<80xf32, #tpu.memory_space<vmem>>) dst(%dma_wait3A_163 : memref<10240xf32, #tpu.memory_space<vmem_shared>>)
    %dma_wait3A_164 = arith.constant 0 : i32
    %dma_wait3A_165 = arith.constant 0 : i32
    %dma_wait3A_166 = tpu.memref_slice %arg20[%dma_wait3A_164, %dma_wait3A_165] : memref<10240x128xf32, #tpu.memory_space<vmem_shared>> -> memref<10240x128xf32, #tpu.memory_space<vmem_shared>>
    tpu.wait_indirect_dma semaphore(%arg29 : memref<!tpu.dma_semaphore, #tpu.memory_space<semaphore_mem>>) src(%arg18 : memref<80x128xf32, #tpu.memory_space<vmem>>) dst(%dma_wait3A_166 : memref<10240x128xf32, #tpu.memory_space<vmem_shared>>)
    %dma_wait3A_167 = arith.constant 0 : i32
    %dma_wait3A_168 = tpu.memref_slice %arg21[%dma_wait3A_167] : memref<10240xf32, #tpu.memory_space<vmem_shared>> -> memref<10240xf32, #tpu.memory_space<vmem_shared>>
    tpu.wait_indirect_dma semaphore(%arg29 : memref<!tpu.dma_semaphore, #tpu.memory_space<semaphore_mem>>) src(%arg19 : memref<80xf32, #tpu.memory_space<vmem>>) dst(%dma_wait3A_168 : memref<10240xf32, #tpu.memory_space<vmem_shared>>)
    %add3A_169 = arith.constant 19840 : i32
    %add3A_170 = arith.addi %mul3A_88, %add3A_169 : i32
    %multiple_of3A_171 = tpu.assume_multiple %add3A_170, 8 : i32
    "tpu.region"() ({
      %run_scoped3A = tpu.sem_alloc : memref<!tpu.dma_semaphore, #tpu.memory_space<semaphore_mem>>
      %dma_start3A_312 = tpu.memref_slice %arg3[%multiple_of3A_171] : memref<640000xi32, #tpu.memory_space<hbm>> -> memref<80xi32, #tpu.memory_space<hbm>>
      %dma_start3A_313 = tpu.memref_slice %arg3[%multiple_of3A_171] : memref<640000xi32, #tpu.memory_space<hbm>> -> memref<80xi32, #tpu.memory_space<hbm>>
      tpu.enqueue_dma source(%dma_start3A_313 : memref<80xi32, #tpu.memory_space<hbm>>) target(%arg7 : memref<80xi32, #tpu.memory_space<vmem>>) target_semaphore(%run_scoped3A : memref<!tpu.dma_semaphore, #tpu.memory_space<semaphore_mem>>)
      %dma_wait3A_314 = tpu.memref_slice %arg3[%multiple_of3A_171] : memref<640000xi32, #tpu.memory_space<hbm>> -> memref<80xi32, #tpu.memory_space<hbm>>
      %dma_wait3A_315 = tpu.memref_slice %arg3[%multiple_of3A_171] : memref<640000xi32, #tpu.memory_space<hbm>> -> memref<80xi32, #tpu.memory_space<hbm>>
      tpu.wait_dma2 semaphore(%run_scoped3A : memref<!tpu.dma_semaphore, #tpu.memory_space<semaphore_mem>>) src(%dma_wait3A_315 : memref<80xi32, #tpu.memory_space<hbm>>) dst(%arg7 : memref<80xi32, #tpu.memory_space<vmem>>)
      tpu.yield
    }) : () -> ()
    "tpu.region"() ({
      %run_scoped3A = tpu.sem_alloc : memref<!tpu.dma_semaphore, #tpu.memory_space<semaphore_mem>>
      %dma_start3A_312 = tpu.memref_slice %arg4[%multiple_of3A_171] : memref<640000xi32, #tpu.memory_space<hbm>> -> memref<80xi32, #tpu.memory_space<hbm>>
      %dma_start3A_313 = tpu.memref_slice %arg4[%multiple_of3A_171] : memref<640000xi32, #tpu.memory_space<hbm>> -> memref<80xi32, #tpu.memory_space<hbm>>
      tpu.enqueue_dma source(%dma_start3A_313 : memref<80xi32, #tpu.memory_space<hbm>>) target(%arg11 : memref<80xi32, #tpu.memory_space<vmem>>) target_semaphore(%run_scoped3A : memref<!tpu.dma_semaphore, #tpu.memory_space<semaphore_mem>>)
      %dma_wait3A_314 = tpu.memref_slice %arg4[%multiple_of3A_171] : memref<640000xi32, #tpu.memory_space<hbm>> -> memref<80xi32, #tpu.memory_space<hbm>>
      %dma_wait3A_315 = tpu.memref_slice %arg4[%multiple_of3A_171] : memref<640000xi32, #tpu.memory_space<hbm>> -> memref<80xi32, #tpu.memory_space<hbm>>
      tpu.wait_dma2 semaphore(%run_scoped3A : memref<!tpu.dma_semaphore, #tpu.memory_space<semaphore_mem>>) src(%dma_wait3A_315 : memref<80xi32, #tpu.memory_space<hbm>>) dst(%arg11 : memref<80xi32, #tpu.memory_space<vmem>>)
      tpu.yield
    }) : () -> ()
    %dma_start3A_172 = arith.constant 0 : i32
    %dma_start3A_173 = arith.constant 0 : i32
    %dma_start3A_174 = tpu.memref_slice %arg2[%dma_start3A_172, %dma_start3A_173] : memref<10240x128xf32, #tpu.memory_space<hbm>> -> memref<10240x128xf32, #tpu.memory_space<hbm>>
    tpu.enqueue_indirect_dma source(%dma_start3A_174 : memref<10240x128xf32, #tpu.memory_space<hbm>>) target(%arg15 : memref<80x128xf32, #tpu.memory_space<vmem>>) offsets(%arg7 : memref<80xi32, #tpu.memory_space<vmem>>) semaphore(%arg22 : memref<!tpu.dma_semaphore, #tpu.memory_space<semaphore_mem>>)
    %dma_wait3A_175 = arith.constant 0 : i32
    %dma_wait3A_176 = arith.constant 0 : i32
    %dma_wait3A_177 = tpu.memref_slice %arg2[%dma_wait3A_175, %dma_wait3A_176] : memref<10240x128xf32, #tpu.memory_space<hbm>> -> memref<10240x128xf32, #tpu.memory_space<hbm>>
    tpu.wait_indirect_dma semaphore(%arg22 : memref<!tpu.dma_semaphore, #tpu.memory_space<semaphore_mem>>) src(%dma_wait3A_177 : memref<10240x128xf32, #tpu.memory_space<hbm>>) dst(%arg15 : memref<80x128xf32, #tpu.memory_space<vmem>>)
    %dma_start3A_178 = arith.constant 0 : i32
    %dma_start3A_179 = arith.constant 0 : i32
    %dma_start3A_180 = tpu.memref_slice %arg20[%dma_start3A_178, %dma_start3A_179] : memref<10240x128xf32, #tpu.memory_space<vmem_shared>> -> memref<10240x128xf32, #tpu.memory_space<vmem_shared>>
    tpu.enqueue_indirect_dma source(%arg15 : memref<80x128xf32, #tpu.memory_space<vmem>>) target(%dma_start3A_180 : memref<10240x128xf32, #tpu.memory_space<vmem_shared>>) offsets(%arg11 : memref<80xi32, #tpu.memory_space<vmem>>) semaphore(%arg26 : memref<!tpu.dma_semaphore, #tpu.memory_space<semaphore_mem>>) {add = true}
    %dma_start3A_181 = arith.constant 0 : i32
    %dma_start3A_182 = tpu.memref_slice %arg21[%dma_start3A_181] : memref<10240xf32, #tpu.memory_space<vmem_shared>> -> memref<10240xf32, #tpu.memory_space<vmem_shared>>
    tpu.enqueue_indirect_dma source(%arg19 : memref<80xf32, #tpu.memory_space<vmem>>) target(%dma_start3A_182 : memref<10240xf32, #tpu.memory_space<vmem_shared>>) offsets(%arg11 : memref<80xi32, #tpu.memory_space<vmem>>) semaphore(%arg26 : memref<!tpu.dma_semaphore, #tpu.memory_space<semaphore_mem>>) {add = true}
    %dma_wait3A_183 = arith.constant 0 : i32
    %dma_wait3A_184 = arith.constant 0 : i32
    %dma_wait3A_185 = tpu.memref_slice %arg20[%dma_wait3A_183, %dma_wait3A_184] : memref<10240x128xf32, #tpu.memory_space<vmem_shared>> -> memref<10240x128xf32, #tpu.memory_space<vmem_shared>>
    tpu.wait_indirect_dma semaphore(%arg26 : memref<!tpu.dma_semaphore, #tpu.memory_space<semaphore_mem>>) src(%arg15 : memref<80x128xf32, #tpu.memory_space<vmem>>) dst(%dma_wait3A_185 : memref<10240x128xf32, #tpu.memory_space<vmem_shared>>)
    %dma_wait3A_186 = arith.constant 0 : i32
    %dma_wait3A_187 = tpu.memref_slice %arg21[%dma_wait3A_186] : memref<10240xf32, #tpu.memory_space<vmem_shared>> -> memref<10240xf32, #tpu.memory_space<vmem_shared>>
    tpu.wait_indirect_dma semaphore(%arg26 : memref<!tpu.dma_semaphore, #tpu.memory_space<semaphore_mem>>) src(%arg19 : memref<80xf32, #tpu.memory_space<vmem>>) dst(%dma_wait3A_187 : memref<10240xf32, #tpu.memory_space<vmem_shared>>)
    %add3A_188 = arith.constant 19920 : i32
    %add3A_189 = arith.addi %mul3A_88, %add3A_188 : i32
    %multiple_of3A_190 = tpu.assume_multiple %add3A_189, 8 : i32
    "tpu.region"() ({
      %run_scoped3A = tpu.sem_alloc : memref<!tpu.dma_semaphore, #tpu.memory_space<semaphore_mem>>
      %dma_start3A_312 = tpu.memref_slice %arg3[%multiple_of3A_190] : memref<640000xi32, #tpu.memory_space<hbm>> -> memref<80xi32, #tpu.memory_space<hbm>>
      %dma_start3A_313 = tpu.memref_slice %arg3[%multiple_of3A_190] : memref<640000xi32, #tpu.memory_space<hbm>> -> memref<80xi32, #tpu.memory_space<hbm>>
      tpu.enqueue_dma source(%dma_start3A_313 : memref<80xi32, #tpu.memory_space<hbm>>) target(%arg7 : memref<80xi32, #tpu.memory_space<vmem>>) target_semaphore(%run_scoped3A : memref<!tpu.dma_semaphore, #tpu.memory_space<semaphore_mem>>)
      %dma_wait3A_314 = tpu.memref_slice %arg3[%multiple_of3A_190] : memref<640000xi32, #tpu.memory_space<hbm>> -> memref<80xi32, #tpu.memory_space<hbm>>
      %dma_wait3A_315 = tpu.memref_slice %arg3[%multiple_of3A_190] : memref<640000xi32, #tpu.memory_space<hbm>> -> memref<80xi32, #tpu.memory_space<hbm>>
      tpu.wait_dma2 semaphore(%run_scoped3A : memref<!tpu.dma_semaphore, #tpu.memory_space<semaphore_mem>>) src(%dma_wait3A_315 : memref<80xi32, #tpu.memory_space<hbm>>) dst(%arg7 : memref<80xi32, #tpu.memory_space<vmem>>)
      tpu.yield
    }) : () -> ()
    "tpu.region"() ({
      %run_scoped3A = tpu.sem_alloc : memref<!tpu.dma_semaphore, #tpu.memory_space<semaphore_mem>>
      %dma_start3A_312 = tpu.memref_slice %arg4[%multiple_of3A_190] : memref<640000xi32, #tpu.memory_space<hbm>> -> memref<80xi32, #tpu.memory_space<hbm>>
      %dma_start3A_313 = tpu.memref_slice %arg4[%multiple_of3A_190] : memref<640000xi32, #tpu.memory_space<hbm>> -> memref<80xi32, #tpu.memory_space<hbm>>
      tpu.enqueue_dma source(%dma_start3A_313 : memref<80xi32, #tpu.memory_space<hbm>>) target(%arg11 : memref<80xi32, #tpu.memory_space<vmem>>) target_semaphore(%run_scoped3A : memref<!tpu.dma_semaphore, #tpu.memory_space<semaphore_mem>>)
      %dma_wait3A_314 = tpu.memref_slice %arg4[%multiple_of3A_190] : memref<640000xi32, #tpu.memory_space<hbm>> -> memref<80xi32, #tpu.memory_space<hbm>>
      %dma_wait3A_315 = tpu.memref_slice %arg4[%multiple_of3A_190] : memref<640000xi32, #tpu.memory_space<hbm>> -> memref<80xi32, #tpu.memory_space<hbm>>
      tpu.wait_dma2 semaphore(%run_scoped3A : memref<!tpu.dma_semaphore, #tpu.memory_space<semaphore_mem>>) src(%dma_wait3A_315 : memref<80xi32, #tpu.memory_space<hbm>>) dst(%arg11 : memref<80xi32, #tpu.memory_space<vmem>>)
      tpu.yield
    }) : () -> ()
    %dma_start3A_191 = arith.constant 0 : i32
    %dma_start3A_192 = arith.constant 0 : i32
    %dma_start3A_193 = tpu.memref_slice %arg2[%dma_start3A_191, %dma_start3A_192] : memref<10240x128xf32, #tpu.memory_space<hbm>> -> memref<10240x128xf32, #tpu.memory_space<hbm>>
    tpu.enqueue_indirect_dma source(%dma_start3A_193 : memref<10240x128xf32, #tpu.memory_space<hbm>>) target(%arg15 : memref<80x128xf32, #tpu.memory_space<vmem>>) offsets(%arg7 : memref<80xi32, #tpu.memory_space<vmem>>) semaphore(%arg22 : memref<!tpu.dma_semaphore, #tpu.memory_space<semaphore_mem>>)
    %dma_wait3A_194 = arith.constant 0 : i32
    %dma_wait3A_195 = arith.constant 0 : i32
    %dma_wait3A_196 = tpu.memref_slice %arg2[%dma_wait3A_194, %dma_wait3A_195] : memref<10240x128xf32, #tpu.memory_space<hbm>> -> memref<10240x128xf32, #tpu.memory_space<hbm>>
    tpu.wait_indirect_dma semaphore(%arg22 : memref<!tpu.dma_semaphore, #tpu.memory_space<semaphore_mem>>) src(%dma_wait3A_196 : memref<10240x128xf32, #tpu.memory_space<hbm>>) dst(%arg15 : memref<80x128xf32, #tpu.memory_space<vmem>>)
    %dma_start3A_197 = arith.constant 0 : i32
    %dma_start3A_198 = arith.constant 0 : i32
    %dma_start3A_199 = tpu.memref_slice %arg20[%dma_start3A_197, %dma_start3A_198] : memref<10240x128xf32, #tpu.memory_space<vmem_shared>> -> memref<10240x128xf32, #tpu.memory_space<vmem_shared>>
    tpu.enqueue_indirect_dma source(%arg15 : memref<80x128xf32, #tpu.memory_space<vmem>>) target(%dma_start3A_199 : memref<10240x128xf32, #tpu.memory_space<vmem_shared>>) offsets(%arg11 : memref<80xi32, #tpu.memory_space<vmem>>) semaphore(%arg26 : memref<!tpu.dma_semaphore, #tpu.memory_space<semaphore_mem>>) {add = true}
    %dma_start3A_200 = arith.constant 0 : i32
    %dma_start3A_201 = tpu.memref_slice %arg21[%dma_start3A_200] : memref<10240xf32, #tpu.memory_space<vmem_shared>> -> memref<10240xf32, #tpu.memory_space<vmem_shared>>
    tpu.enqueue_indirect_dma source(%arg19 : memref<80xf32, #tpu.memory_space<vmem>>) target(%dma_start3A_201 : memref<10240xf32, #tpu.memory_space<vmem_shared>>) offsets(%arg11 : memref<80xi32, #tpu.memory_space<vmem>>) semaphore(%arg26 : memref<!tpu.dma_semaphore, #tpu.memory_space<semaphore_mem>>) {add = true}
    %dma_wait3A_202 = arith.constant 0 : i32
    %dma_wait3A_203 = arith.constant 0 : i32
    %dma_wait3A_204 = tpu.memref_slice %arg20[%dma_wait3A_202, %dma_wait3A_203] : memref<10240x128xf32, #tpu.memory_space<vmem_shared>> -> memref<10240x128xf32, #tpu.memory_space<vmem_shared>>
    tpu.wait_indirect_dma semaphore(%arg26 : memref<!tpu.dma_semaphore, #tpu.memory_space<semaphore_mem>>) src(%arg15 : memref<80x128xf32, #tpu.memory_space<vmem>>) dst(%dma_wait3A_204 : memref<10240x128xf32, #tpu.memory_space<vmem_shared>>)
    %dma_wait3A_205 = arith.constant 0 : i32
    %dma_wait3A_206 = tpu.memref_slice %arg21[%dma_wait3A_205] : memref<10240xf32, #tpu.memory_space<vmem_shared>> -> memref<10240xf32, #tpu.memory_space<vmem_shared>>
    tpu.wait_indirect_dma semaphore(%arg26 : memref<!tpu.dma_semaphore, #tpu.memory_space<semaphore_mem>>) src(%arg19 : memref<80xf32, #tpu.memory_space<vmem>>) dst(%dma_wait3A_206 : memref<10240xf32, #tpu.memory_space<vmem_shared>>)
    %barrier3A_207 = arith.constant 0 : index
    tpu.barrier barrier_id(%barrier3A_207)
    %mul3A_208 = arith.constant 640 : i32
    %mul3A_209 = arith.muli %arg1, %mul3A_208 : i32
    %add3A_210 = arith.constant 0 : i32
    %add3A_211 = arith.addi %mul3A_209, %add3A_210 : i32
    %multiple_of3A_212 = tpu.assume_multiple %add3A_211, 8 : i32
    %mul3A_213 = arith.constant 10240 : i32
    %mul3A_214 = arith.muli %arg0, %mul3A_213 : i32
    %mul3A_215 = arith.constant 640 : i32
    %mul3A_216 = arith.muli %arg1, %mul3A_215 : i32
    %add3A_217 = arith.addi %mul3A_214, %mul3A_216 : i32
    %add3A_218 = arith.constant 0 : i32
    %add3A_219 = arith.addi %add3A_217, %add3A_218 : i32
    %multiple_of3A_220 = tpu.assume_multiple %add3A_219, 8 : i32
    "tpu.region"() ({
      %run_scoped3A = tpu.sem_alloc : memref<!tpu.dma_semaphore, #tpu.memory_space<semaphore_mem>>
      %dma_start3A_312 = arith.constant 0 : i32
      %dma_start3A_313 = tpu.memref_slice %arg20[%multiple_of3A_212, %dma_start3A_312] : memref<10240x128xf32, #tpu.memory_space<vmem_shared>> -> memref<80x128xf32, #tpu.memory_space<vmem_shared>>
      %dma_start3A_314 = arith.constant 0 : i32
      %dma_start3A_315 = tpu.memref_slice %arg20[%multiple_of3A_212, %dma_start3A_314] : memref<10240x128xf32, #tpu.memory_space<vmem_shared>> -> memref<80x128xf32, #tpu.memory_space<vmem_shared>>
      tpu.enqueue_dma source(%dma_start3A_315 : memref<80x128xf32, #tpu.memory_space<vmem_shared>>) target(%arg15 : memref<80x128xf32, #tpu.memory_space<vmem>>) target_semaphore(%run_scoped3A : memref<!tpu.dma_semaphore, #tpu.memory_space<semaphore_mem>>)
      %dma_wait3A_316 = arith.constant 0 : i32
      %dma_wait3A_317 = tpu.memref_slice %arg20[%multiple_of3A_212, %dma_wait3A_316] : memref<10240x128xf32, #tpu.memory_space<vmem_shared>> -> memref<80x128xf32, #tpu.memory_space<vmem_shared>>
      %dma_wait3A_318 = arith.constant 0 : i32
      %dma_wait3A_319 = tpu.memref_slice %arg20[%multiple_of3A_212, %dma_wait3A_318] : memref<10240x128xf32, #tpu.memory_space<vmem_shared>> -> memref<80x128xf32, #tpu.memory_space<vmem_shared>>
      tpu.wait_dma2 semaphore(%run_scoped3A : memref<!tpu.dma_semaphore, #tpu.memory_space<semaphore_mem>>) src(%dma_wait3A_319 : memref<80x128xf32, #tpu.memory_space<vmem_shared>>) dst(%arg15 : memref<80x128xf32, #tpu.memory_space<vmem>>)
      tpu.yield
    }) : () -> ()
    "tpu.region"() ({
      %run_scoped3A = tpu.sem_alloc : memref<!tpu.dma_semaphore, #tpu.memory_space<semaphore_mem>>
      %dma_start3A_312 = arith.constant 0 : i32
      %dma_start3A_313 = tpu.memref_slice %arg5[%multiple_of3A_220, %dma_start3A_312] : memref<20480x128xf32, #tpu.memory_space<hbm>> -> memref<80x128xf32, #tpu.memory_space<hbm>>
      %dma_start3A_314 = arith.constant 0 : i32
      %dma_start3A_315 = tpu.memref_slice %arg5[%multiple_of3A_220, %dma_start3A_314] : memref<20480x128xf32, #tpu.memory_space<hbm>> -> memref<80x128xf32, #tpu.memory_space<hbm>>
      tpu.enqueue_dma source(%arg15 : memref<80x128xf32, #tpu.memory_space<vmem>>) target(%dma_start3A_315 : memref<80x128xf32, #tpu.memory_space<hbm>>) target_semaphore(%run_scoped3A : memref<!tpu.dma_semaphore, #tpu.memory_space<semaphore_mem>>)
      %dma_wait3A_316 = arith.constant 0 : i32
      %dma_wait3A_317 = tpu.memref_slice %arg5[%multiple_of3A_220, %dma_wait3A_316] : memref<20480x128xf32, #tpu.memory_space<hbm>> -> memref<80x128xf32, #tpu.memory_space<hbm>>
      %dma_wait3A_318 = arith.constant 0 : i32
      %dma_wait3A_319 = tpu.memref_slice %arg5[%multiple_of3A_220, %dma_wait3A_318] : memref<20480x128xf32, #tpu.memory_space<hbm>> -> memref<80x128xf32, #tpu.memory_space<hbm>>
      tpu.wait_dma2 semaphore(%run_scoped3A : memref<!tpu.dma_semaphore, #tpu.memory_space<semaphore_mem>>) src(%arg15 : memref<80x128xf32, #tpu.memory_space<vmem>>) dst(%dma_wait3A_319 : memref<80x128xf32, #tpu.memory_space<hbm>>)
      tpu.yield
    }) : () -> ()
    "tpu.region"() ({
      %run_scoped3A = tpu.sem_alloc : memref<!tpu.dma_semaphore, #tpu.memory_space<semaphore_mem>>
      %dma_start3A_312 = tpu.memref_slice %arg21[%multiple_of3A_212] : memref<10240xf32, #tpu.memory_space<vmem_shared>> -> memref<80xf32, #tpu.memory_space<vmem_shared>>
      %dma_start3A_313 = tpu.memref_slice %arg21[%multiple_of3A_212] : memref<10240xf32, #tpu.memory_space<vmem_shared>> -> memref<80xf32, #tpu.memory_space<vmem_shared>>
      tpu.enqueue_dma source(%dma_start3A_313 : memref<80xf32, #tpu.memory_space<vmem_shared>>) target(%arg19 : memref<80xf32, #tpu.memory_space<vmem>>) target_semaphore(%run_scoped3A : memref<!tpu.dma_semaphore, #tpu.memory_space<semaphore_mem>>)
      %dma_wait3A_314 = tpu.memref_slice %arg21[%multiple_of3A_212] : memref<10240xf32, #tpu.memory_space<vmem_shared>> -> memref<80xf32, #tpu.memory_space<vmem_shared>>
      %dma_wait3A_315 = tpu.memref_slice %arg21[%multiple_of3A_212] : memref<10240xf32, #tpu.memory_space<vmem_shared>> -> memref<80xf32, #tpu.memory_space<vmem_shared>>
      tpu.wait_dma2 semaphore(%run_scoped3A : memref<!tpu.dma_semaphore, #tpu.memory_space<semaphore_mem>>) src(%dma_wait3A_315 : memref<80xf32, #tpu.memory_space<vmem_shared>>) dst(%arg19 : memref<80xf32, #tpu.memory_space<vmem>>)
      tpu.yield
    }) : () -> ()
    "tpu.region"() ({
      %run_scoped3A = tpu.sem_alloc : memref<!tpu.dma_semaphore, #tpu.memory_space<semaphore_mem>>
      %dma_start3A_312 = tpu.memref_slice %arg6[%multiple_of3A_220] : memref<20480xf32, #tpu.memory_space<hbm>> -> memref<80xf32, #tpu.memory_space<hbm>>
      %dma_start3A_313 = tpu.memref_slice %arg6[%multiple_of3A_220] : memref<20480xf32, #tpu.memory_space<hbm>> -> memref<80xf32, #tpu.memory_space<hbm>>
      tpu.enqueue_dma source(%arg19 : memref<80xf32, #tpu.memory_space<vmem>>) target(%dma_start3A_313 : memref<80xf32, #tpu.memory_space<hbm>>) target_semaphore(%run_scoped3A : memref<!tpu.dma_semaphore, #tpu.memory_space<semaphore_mem>>)
      %dma_wait3A_314 = tpu.memref_slice %arg6[%multiple_of3A_220] : memref<20480xf32, #tpu.memory_space<hbm>> -> memref<80xf32, #tpu.memory_space<hbm>>
      %dma_wait3A_315 = tpu.memref_slice %arg6[%multiple_of3A_220] : memref<20480xf32, #tpu.memory_space<hbm>> -> memref<80xf32, #tpu.memory_space<hbm>>
      tpu.wait_dma2 semaphore(%run_scoped3A : memref<!tpu.dma_semaphore, #tpu.memory_space<semaphore_mem>>) src(%arg19 : memref<80xf32, #tpu.memory_space<vmem>>) dst(%dma_wait3A_315 : memref<80xf32, #tpu.memory_space<hbm>>)
      tpu.yield
    }) : () -> ()
    %mul3A_221 = arith.constant 640 : i32
    %mul3A_222 = arith.muli %arg1, %mul3A_221 : i32
    %add3A_223 = arith.constant 80 : i32
    %add3A_224 = arith.addi %mul3A_222, %add3A_223 : i32
    %multiple_of3A_225 = tpu.assume_multiple %add3A_224, 8 : i32
    %mul3A_226 = arith.constant 10240 : i32
    %mul3A_227 = arith.muli %arg0, %mul3A_226 : i32
    %mul3A_228 = arith.constant 640 : i32
    %mul3A_229 = arith.muli %arg1, %mul3A_228 : i32
    %add3A_230 = arith.addi %mul3A_227, %mul3A_229 : i32
    %add3A_231 = arith.constant 80 : i32
    %add3A_232 = arith.addi %add3A_230, %add3A_231 : i32
    %multiple_of3A_233 = tpu.assume_multiple %add3A_232, 8 : i32
    "tpu.region"() ({
      %run_scoped3A = tpu.sem_alloc : memref<!tpu.dma_semaphore, #tpu.memory_space<semaphore_mem>>
      %dma_start3A_312 = arith.constant 0 : i32
      %dma_start3A_313 = tpu.memref_slice %arg20[%multiple_of3A_225, %dma_start3A_312] : memref<10240x128xf32, #tpu.memory_space<vmem_shared>> -> memref<80x128xf32, #tpu.memory_space<vmem_shared>>
      %dma_start3A_314 = arith.constant 0 : i32
      %dma_start3A_315 = tpu.memref_slice %arg20[%multiple_of3A_225, %dma_start3A_314] : memref<10240x128xf32, #tpu.memory_space<vmem_shared>> -> memref<80x128xf32, #tpu.memory_space<vmem_shared>>
      tpu.enqueue_dma source(%dma_start3A_315 : memref<80x128xf32, #tpu.memory_space<vmem_shared>>) target(%arg15 : memref<80x128xf32, #tpu.memory_space<vmem>>) target_semaphore(%run_scoped3A : memref<!tpu.dma_semaphore, #tpu.memory_space<semaphore_mem>>)
      %dma_wait3A_316 = arith.constant 0 : i32
      %dma_wait3A_317 = tpu.memref_slice %arg20[%multiple_of3A_225, %dma_wait3A_316] : memref<10240x128xf32, #tpu.memory_space<vmem_shared>> -> memref<80x128xf32, #tpu.memory_space<vmem_shared>>
      %dma_wait3A_318 = arith.constant 0 : i32
      %dma_wait3A_319 = tpu.memref_slice %arg20[%multiple_of3A_225, %dma_wait3A_318] : memref<10240x128xf32, #tpu.memory_space<vmem_shared>> -> memref<80x128xf32, #tpu.memory_space<vmem_shared>>
      tpu.wait_dma2 semaphore(%run_scoped3A : memref<!tpu.dma_semaphore, #tpu.memory_space<semaphore_mem>>) src(%dma_wait3A_319 : memref<80x128xf32, #tpu.memory_space<vmem_shared>>) dst(%arg15 : memref<80x128xf32, #tpu.memory_space<vmem>>)
      tpu.yield
    }) : () -> ()
    "tpu.region"() ({
      %run_scoped3A = tpu.sem_alloc : memref<!tpu.dma_semaphore, #tpu.memory_space<semaphore_mem>>
      %dma_start3A_312 = arith.constant 0 : i32
      %dma_start3A_313 = tpu.memref_slice %arg5[%multiple_of3A_233, %dma_start3A_312] : memref<20480x128xf32, #tpu.memory_space<hbm>> -> memref<80x128xf32, #tpu.memory_space<hbm>>
      %dma_start3A_314 = arith.constant 0 : i32
      %dma_start3A_315 = tpu.memref_slice %arg5[%multiple_of3A_233, %dma_start3A_314] : memref<20480x128xf32, #tpu.memory_space<hbm>> -> memref<80x128xf32, #tpu.memory_space<hbm>>
      tpu.enqueue_dma source(%arg15 : memref<80x128xf32, #tpu.memory_space<vmem>>) target(%dma_start3A_315 : memref<80x128xf32, #tpu.memory_space<hbm>>) target_semaphore(%run_scoped3A : memref<!tpu.dma_semaphore, #tpu.memory_space<semaphore_mem>>)
      %dma_wait3A_316 = arith.constant 0 : i32
      %dma_wait3A_317 = tpu.memref_slice %arg5[%multiple_of3A_233, %dma_wait3A_316] : memref<20480x128xf32, #tpu.memory_space<hbm>> -> memref<80x128xf32, #tpu.memory_space<hbm>>
      %dma_wait3A_318 = arith.constant 0 : i32
      %dma_wait3A_319 = tpu.memref_slice %arg5[%multiple_of3A_233, %dma_wait3A_318] : memref<20480x128xf32, #tpu.memory_space<hbm>> -> memref<80x128xf32, #tpu.memory_space<hbm>>
      tpu.wait_dma2 semaphore(%run_scoped3A : memref<!tpu.dma_semaphore, #tpu.memory_space<semaphore_mem>>) src(%arg15 : memref<80x128xf32, #tpu.memory_space<vmem>>) dst(%dma_wait3A_319 : memref<80x128xf32, #tpu.memory_space<hbm>>)
      tpu.yield
    }) : () -> ()
    "tpu.region"() ({
      %run_scoped3A = tpu.sem_alloc : memref<!tpu.dma_semaphore, #tpu.memory_space<semaphore_mem>>
      %dma_start3A_312 = tpu.memref_slice %arg21[%multiple_of3A_225] : memref<10240xf32, #tpu.memory_space<vmem_shared>> -> memref<80xf32, #tpu.memory_space<vmem_shared>>
      %dma_start3A_313 = tpu.memref_slice %arg21[%multiple_of3A_225] : memref<10240xf32, #tpu.memory_space<vmem_shared>> -> memref<80xf32, #tpu.memory_space<vmem_shared>>
      tpu.enqueue_dma source(%dma_start3A_313 : memref<80xf32, #tpu.memory_space<vmem_shared>>) target(%arg19 : memref<80xf32, #tpu.memory_space<vmem>>) target_semaphore(%run_scoped3A : memref<!tpu.dma_semaphore, #tpu.memory_space<semaphore_mem>>)
      %dma_wait3A_314 = tpu.memref_slice %arg21[%multiple_of3A_225] : memref<10240xf32, #tpu.memory_space<vmem_shared>> -> memref<80xf32, #tpu.memory_space<vmem_shared>>
      %dma_wait3A_315 = tpu.memref_slice %arg21[%multiple_of3A_225] : memref<10240xf32, #tpu.memory_space<vmem_shared>> -> memref<80xf32, #tpu.memory_space<vmem_shared>>
      tpu.wait_dma2 semaphore(%run_scoped3A : memref<!tpu.dma_semaphore, #tpu.memory_space<semaphore_mem>>) src(%dma_wait3A_315 : memref<80xf32, #tpu.memory_space<vmem_shared>>) dst(%arg19 : memref<80xf32, #tpu.memory_space<vmem>>)
      tpu.yield
    }) : () -> ()
    "tpu.region"() ({
      %run_scoped3A = tpu.sem_alloc : memref<!tpu.dma_semaphore, #tpu.memory_space<semaphore_mem>>
      %dma_start3A_312 = tpu.memref_slice %arg6[%multiple_of3A_233] : memref<20480xf32, #tpu.memory_space<hbm>> -> memref<80xf32, #tpu.memory_space<hbm>>
      %dma_start3A_313 = tpu.memref_slice %arg6[%multiple_of3A_233] : memref<20480xf32, #tpu.memory_space<hbm>> -> memref<80xf32, #tpu.memory_space<hbm>>
      tpu.enqueue_dma source(%arg19 : memref<80xf32, #tpu.memory_space<vmem>>) target(%dma_start3A_313 : memref<80xf32, #tpu.memory_space<hbm>>) target_semaphore(%run_scoped3A : memref<!tpu.dma_semaphore, #tpu.memory_space<semaphore_mem>>)
      %dma_wait3A_314 = tpu.memref_slice %arg6[%multiple_of3A_233] : memref<20480xf32, #tpu.memory_space<hbm>> -> memref<80xf32, #tpu.memory_space<hbm>>
      %dma_wait3A_315 = tpu.memref_slice %arg6[%multiple_of3A_233] : memref<20480xf32, #tpu.memory_space<hbm>> -> memref<80xf32, #tpu.memory_space<hbm>>
      tpu.wait_dma2 semaphore(%run_scoped3A : memref<!tpu.dma_semaphore, #tpu.memory_space<semaphore_mem>>) src(%arg19 : memref<80xf32, #tpu.memory_space<vmem>>) dst(%dma_wait3A_315 : memref<80xf32, #tpu.memory_space<hbm>>)
      tpu.yield
    }) : () -> ()
    %mul3A_234 = arith.constant 640 : i32
    %mul3A_235 = arith.muli %arg1, %mul3A_234 : i32
    %add3A_236 = arith.constant 160 : i32
    %add3A_237 = arith.addi %mul3A_235, %add3A_236 : i32
    %multiple_of3A_238 = tpu.assume_multiple %add3A_237, 8 : i32
    %mul3A_239 = arith.constant 10240 : i32
    %mul3A_240 = arith.muli %arg0, %mul3A_239 : i32
    %mul3A_241 = arith.constant 640 : i32
    %mul3A_242 = arith.muli %arg1, %mul3A_241 : i32
    %add3A_243 = arith.addi %mul3A_240, %mul3A_242 : i32
    %add3A_244 = arith.constant 160 : i32
    %add3A_245 = arith.addi %add3A_243, %add3A_244 : i32
    %multiple_of3A_246 = tpu.assume_multiple %add3A_245, 8 : i32
    "tpu.region"() ({
      %run_scoped3A = tpu.sem_alloc : memref<!tpu.dma_semaphore, #tpu.memory_space<semaphore_mem>>
      %dma_start3A_312 = arith.constant 0 : i32
      %dma_start3A_313 = tpu.memref_slice %arg20[%multiple_of3A_238, %dma_start3A_312] : memref<10240x128xf32, #tpu.memory_space<vmem_shared>> -> memref<80x128xf32, #tpu.memory_space<vmem_shared>>
      %dma_start3A_314 = arith.constant 0 : i32
      %dma_start3A_315 = tpu.memref_slice %arg20[%multiple_of3A_238, %dma_start3A_314] : memref<10240x128xf32, #tpu.memory_space<vmem_shared>> -> memref<80x128xf32, #tpu.memory_space<vmem_shared>>
      tpu.enqueue_dma source(%dma_start3A_315 : memref<80x128xf32, #tpu.memory_space<vmem_shared>>) target(%arg15 : memref<80x128xf32, #tpu.memory_space<vmem>>) target_semaphore(%run_scoped3A : memref<!tpu.dma_semaphore, #tpu.memory_space<semaphore_mem>>)
      %dma_wait3A_316 = arith.constant 0 : i32
      %dma_wait3A_317 = tpu.memref_slice %arg20[%multiple_of3A_238, %dma_wait3A_316] : memref<10240x128xf32, #tpu.memory_space<vmem_shared>> -> memref<80x128xf32, #tpu.memory_space<vmem_shared>>
      %dma_wait3A_318 = arith.constant 0 : i32
      %dma_wait3A_319 = tpu.memref_slice %arg20[%multiple_of3A_238, %dma_wait3A_318] : memref<10240x128xf32, #tpu.memory_space<vmem_shared>> -> memref<80x128xf32, #tpu.memory_space<vmem_shared>>
      tpu.wait_dma2 semaphore(%run_scoped3A : memref<!tpu.dma_semaphore, #tpu.memory_space<semaphore_mem>>) src(%dma_wait3A_319 : memref<80x128xf32, #tpu.memory_space<vmem_shared>>) dst(%arg15 : memref<80x128xf32, #tpu.memory_space<vmem>>)
      tpu.yield
    }) : () -> ()
    "tpu.region"() ({
      %run_scoped3A = tpu.sem_alloc : memref<!tpu.dma_semaphore, #tpu.memory_space<semaphore_mem>>
      %dma_start3A_312 = arith.constant 0 : i32
      %dma_start3A_313 = tpu.memref_slice %arg5[%multiple_of3A_246, %dma_start3A_312] : memref<20480x128xf32, #tpu.memory_space<hbm>> -> memref<80x128xf32, #tpu.memory_space<hbm>>
      %dma_start3A_314 = arith.constant 0 : i32
      %dma_start3A_315 = tpu.memref_slice %arg5[%multiple_of3A_246, %dma_start3A_314] : memref<20480x128xf32, #tpu.memory_space<hbm>> -> memref<80x128xf32, #tpu.memory_space<hbm>>
      tpu.enqueue_dma source(%arg15 : memref<80x128xf32, #tpu.memory_space<vmem>>) target(%dma_start3A_315 : memref<80x128xf32, #tpu.memory_space<hbm>>) target_semaphore(%run_scoped3A : memref<!tpu.dma_semaphore, #tpu.memory_space<semaphore_mem>>)
      %dma_wait3A_316 = arith.constant 0 : i32
      %dma_wait3A_317 = tpu.memref_slice %arg5[%multiple_of3A_246, %dma_wait3A_316] : memref<20480x128xf32, #tpu.memory_space<hbm>> -> memref<80x128xf32, #tpu.memory_space<hbm>>
      %dma_wait3A_318 = arith.constant 0 : i32
      %dma_wait3A_319 = tpu.memref_slice %arg5[%multiple_of3A_246, %dma_wait3A_318] : memref<20480x128xf32, #tpu.memory_space<hbm>> -> memref<80x128xf32, #tpu.memory_space<hbm>>
      tpu.wait_dma2 semaphore(%run_scoped3A : memref<!tpu.dma_semaphore, #tpu.memory_space<semaphore_mem>>) src(%arg15 : memref<80x128xf32, #tpu.memory_space<vmem>>) dst(%dma_wait3A_319 : memref<80x128xf32, #tpu.memory_space<hbm>>)
      tpu.yield
    }) : () -> ()
    "tpu.region"() ({
      %run_scoped3A = tpu.sem_alloc : memref<!tpu.dma_semaphore, #tpu.memory_space<semaphore_mem>>
      %dma_start3A_312 = tpu.memref_slice %arg21[%multiple_of3A_238] : memref<10240xf32, #tpu.memory_space<vmem_shared>> -> memref<80xf32, #tpu.memory_space<vmem_shared>>
      %dma_start3A_313 = tpu.memref_slice %arg21[%multiple_of3A_238] : memref<10240xf32, #tpu.memory_space<vmem_shared>> -> memref<80xf32, #tpu.memory_space<vmem_shared>>
      tpu.enqueue_dma source(%dma_start3A_313 : memref<80xf32, #tpu.memory_space<vmem_shared>>) target(%arg19 : memref<80xf32, #tpu.memory_space<vmem>>) target_semaphore(%run_scoped3A : memref<!tpu.dma_semaphore, #tpu.memory_space<semaphore_mem>>)
      %dma_wait3A_314 = tpu.memref_slice %arg21[%multiple_of3A_238] : memref<10240xf32, #tpu.memory_space<vmem_shared>> -> memref<80xf32, #tpu.memory_space<vmem_shared>>
      %dma_wait3A_315 = tpu.memref_slice %arg21[%multiple_of3A_238] : memref<10240xf32, #tpu.memory_space<vmem_shared>> -> memref<80xf32, #tpu.memory_space<vmem_shared>>
      tpu.wait_dma2 semaphore(%run_scoped3A : memref<!tpu.dma_semaphore, #tpu.memory_space<semaphore_mem>>) src(%dma_wait3A_315 : memref<80xf32, #tpu.memory_space<vmem_shared>>) dst(%arg19 : memref<80xf32, #tpu.memory_space<vmem>>)
      tpu.yield
    }) : () -> ()
    "tpu.region"() ({
      %run_scoped3A = tpu.sem_alloc : memref<!tpu.dma_semaphore, #tpu.memory_space<semaphore_mem>>
      %dma_start3A_312 = tpu.memref_slice %arg6[%multiple_of3A_246] : memref<20480xf32, #tpu.memory_space<hbm>> -> memref<80xf32, #tpu.memory_space<hbm>>
      %dma_start3A_313 = tpu.memref_slice %arg6[%multiple_of3A_246] : memref<20480xf32, #tpu.memory_space<hbm>> -> memref<80xf32, #tpu.memory_space<hbm>>
      tpu.enqueue_dma source(%arg19 : memref<80xf32, #tpu.memory_space<vmem>>) target(%dma_start3A_313 : memref<80xf32, #tpu.memory_space<hbm>>) target_semaphore(%run_scoped3A : memref<!tpu.dma_semaphore, #tpu.memory_space<semaphore_mem>>)
      %dma_wait3A_314 = tpu.memref_slice %arg6[%multiple_of3A_246] : memref<20480xf32, #tpu.memory_space<hbm>> -> memref<80xf32, #tpu.memory_space<hbm>>
      %dma_wait3A_315 = tpu.memref_slice %arg6[%multiple_of3A_246] : memref<20480xf32, #tpu.memory_space<hbm>> -> memref<80xf32, #tpu.memory_space<hbm>>
      tpu.wait_dma2 semaphore(%run_scoped3A : memref<!tpu.dma_semaphore, #tpu.memory_space<semaphore_mem>>) src(%arg19 : memref<80xf32, #tpu.memory_space<vmem>>) dst(%dma_wait3A_315 : memref<80xf32, #tpu.memory_space<hbm>>)
      tpu.yield
    }) : () -> ()
    %mul3A_247 = arith.constant 640 : i32
    %mul3A_248 = arith.muli %arg1, %mul3A_247 : i32
    %add3A_249 = arith.constant 240 : i32
    %add3A_250 = arith.addi %mul3A_248, %add3A_249 : i32
    %multiple_of3A_251 = tpu.assume_multiple %add3A_250, 8 : i32
    %mul3A_252 = arith.constant 10240 : i32
    %mul3A_253 = arith.muli %arg0, %mul3A_252 : i32
    %mul3A_254 = arith.constant 640 : i32
    %mul3A_255 = arith.muli %arg1, %mul3A_254 : i32
    %add3A_256 = arith.addi %mul3A_253, %mul3A_255 : i32
    %add3A_257 = arith.constant 240 : i32
    %add3A_258 = arith.addi %add3A_256, %add3A_257 : i32
    %multiple_of3A_259 = tpu.assume_multiple %add3A_258, 8 : i32
    "tpu.region"() ({
      %run_scoped3A = tpu.sem_alloc : memref<!tpu.dma_semaphore, #tpu.memory_space<semaphore_mem>>
      %dma_start3A_312 = arith.constant 0 : i32
      %dma_start3A_313 = tpu.memref_slice %arg20[%multiple_of3A_251, %dma_start3A_312] : memref<10240x128xf32, #tpu.memory_space<vmem_shared>> -> memref<80x128xf32, #tpu.memory_space<vmem_shared>>
      %dma_start3A_314 = arith.constant 0 : i32
      %dma_start3A_315 = tpu.memref_slice %arg20[%multiple_of3A_251, %dma_start3A_314] : memref<10240x128xf32, #tpu.memory_space<vmem_shared>> -> memref<80x128xf32, #tpu.memory_space<vmem_shared>>
      tpu.enqueue_dma source(%dma_start3A_315 : memref<80x128xf32, #tpu.memory_space<vmem_shared>>) target(%arg15 : memref<80x128xf32, #tpu.memory_space<vmem>>) target_semaphore(%run_scoped3A : memref<!tpu.dma_semaphore, #tpu.memory_space<semaphore_mem>>)
      %dma_wait3A_316 = arith.constant 0 : i32
      %dma_wait3A_317 = tpu.memref_slice %arg20[%multiple_of3A_251, %dma_wait3A_316] : memref<10240x128xf32, #tpu.memory_space<vmem_shared>> -> memref<80x128xf32, #tpu.memory_space<vmem_shared>>
      %dma_wait3A_318 = arith.constant 0 : i32
      %dma_wait3A_319 = tpu.memref_slice %arg20[%multiple_of3A_251, %dma_wait3A_318] : memref<10240x128xf32, #tpu.memory_space<vmem_shared>> -> memref<80x128xf32, #tpu.memory_space<vmem_shared>>
      tpu.wait_dma2 semaphore(%run_scoped3A : memref<!tpu.dma_semaphore, #tpu.memory_space<semaphore_mem>>) src(%dma_wait3A_319 : memref<80x128xf32, #tpu.memory_space<vmem_shared>>) dst(%arg15 : memref<80x128xf32, #tpu.memory_space<vmem>>)
      tpu.yield
    }) : () -> ()
    "tpu.region"() ({
      %run_scoped3A = tpu.sem_alloc : memref<!tpu.dma_semaphore, #tpu.memory_space<semaphore_mem>>
      %dma_start3A_312 = arith.constant 0 : i32
      %dma_start3A_313 = tpu.memref_slice %arg5[%multiple_of3A_259, %dma_start3A_312] : memref<20480x128xf32, #tpu.memory_space<hbm>> -> memref<80x128xf32, #tpu.memory_space<hbm>>
      %dma_start3A_314 = arith.constant 0 : i32
      %dma_start3A_315 = tpu.memref_slice %arg5[%multiple_of3A_259, %dma_start3A_314] : memref<20480x128xf32, #tpu.memory_space<hbm>> -> memref<80x128xf32, #tpu.memory_space<hbm>>
      tpu.enqueue_dma source(%arg15 : memref<80x128xf32, #tpu.memory_space<vmem>>) target(%dma_start3A_315 : memref<80x128xf32, #tpu.memory_space<hbm>>) target_semaphore(%run_scoped3A : memref<!tpu.dma_semaphore, #tpu.memory_space<semaphore_mem>>)
      %dma_wait3A_316 = arith.constant 0 : i32
      %dma_wait3A_317 = tpu.memref_slice %arg5[%multiple_of3A_259, %dma_wait3A_316] : memref<20480x128xf32, #tpu.memory_space<hbm>> -> memref<80x128xf32, #tpu.memory_space<hbm>>
      %dma_wait3A_318 = arith.constant 0 : i32
      %dma_wait3A_319 = tpu.memref_slice %arg5[%multiple_of3A_259, %dma_wait3A_318] : memref<20480x128xf32, #tpu.memory_space<hbm>> -> memref<80x128xf32, #tpu.memory_space<hbm>>
      tpu.wait_dma2 semaphore(%run_scoped3A : memref<!tpu.dma_semaphore, #tpu.memory_space<semaphore_mem>>) src(%arg15 : memref<80x128xf32, #tpu.memory_space<vmem>>) dst(%dma_wait3A_319 : memref<80x128xf32, #tpu.memory_space<hbm>>)
      tpu.yield
    }) : () -> ()
    "tpu.region"() ({
      %run_scoped3A = tpu.sem_alloc : memref<!tpu.dma_semaphore, #tpu.memory_space<semaphore_mem>>
      %dma_start3A_312 = tpu.memref_slice %arg21[%multiple_of3A_251] : memref<10240xf32, #tpu.memory_space<vmem_shared>> -> memref<80xf32, #tpu.memory_space<vmem_shared>>
      %dma_start3A_313 = tpu.memref_slice %arg21[%multiple_of3A_251] : memref<10240xf32, #tpu.memory_space<vmem_shared>> -> memref<80xf32, #tpu.memory_space<vmem_shared>>
      tpu.enqueue_dma source(%dma_start3A_313 : memref<80xf32, #tpu.memory_space<vmem_shared>>) target(%arg19 : memref<80xf32, #tpu.memory_space<vmem>>) target_semaphore(%run_scoped3A : memref<!tpu.dma_semaphore, #tpu.memory_space<semaphore_mem>>)
      %dma_wait3A_314 = tpu.memref_slice %arg21[%multiple_of3A_251] : memref<10240xf32, #tpu.memory_space<vmem_shared>> -> memref<80xf32, #tpu.memory_space<vmem_shared>>
      %dma_wait3A_315 = tpu.memref_slice %arg21[%multiple_of3A_251] : memref<10240xf32, #tpu.memory_space<vmem_shared>> -> memref<80xf32, #tpu.memory_space<vmem_shared>>
      tpu.wait_dma2 semaphore(%run_scoped3A : memref<!tpu.dma_semaphore, #tpu.memory_space<semaphore_mem>>) src(%dma_wait3A_315 : memref<80xf32, #tpu.memory_space<vmem_shared>>) dst(%arg19 : memref<80xf32, #tpu.memory_space<vmem>>)
      tpu.yield
    }) : () -> ()
    "tpu.region"() ({
      %run_scoped3A = tpu.sem_alloc : memref<!tpu.dma_semaphore, #tpu.memory_space<semaphore_mem>>
      %dma_start3A_312 = tpu.memref_slice %arg6[%multiple_of3A_259] : memref<20480xf32, #tpu.memory_space<hbm>> -> memref<80xf32, #tpu.memory_space<hbm>>
      %dma_start3A_313 = tpu.memref_slice %arg6[%multiple_of3A_259] : memref<20480xf32, #tpu.memory_space<hbm>> -> memref<80xf32, #tpu.memory_space<hbm>>
      tpu.enqueue_dma source(%arg19 : memref<80xf32, #tpu.memory_space<vmem>>) target(%dma_start3A_313 : memref<80xf32, #tpu.memory_space<hbm>>) target_semaphore(%run_scoped3A : memref<!tpu.dma_semaphore, #tpu.memory_space<semaphore_mem>>)
      %dma_wait3A_314 = tpu.memref_slice %arg6[%multiple_of3A_259] : memref<20480xf32, #tpu.memory_space<hbm>> -> memref<80xf32, #tpu.memory_space<hbm>>
      %dma_wait3A_315 = tpu.memref_slice %arg6[%multiple_of3A_259] : memref<20480xf32, #tpu.memory_space<hbm>> -> memref<80xf32, #tpu.memory_space<hbm>>
      tpu.wait_dma2 semaphore(%run_scoped3A : memref<!tpu.dma_semaphore, #tpu.memory_space<semaphore_mem>>) src(%arg19 : memref<80xf32, #tpu.memory_space<vmem>>) dst(%dma_wait3A_315 : memref<80xf32, #tpu.memory_space<hbm>>)
      tpu.yield
    }) : () -> ()
    %mul3A_260 = arith.constant 640 : i32
    %mul3A_261 = arith.muli %arg1, %mul3A_260 : i32
    %add3A_262 = arith.constant 320 : i32
    %add3A_263 = arith.addi %mul3A_261, %add3A_262 : i32
    %multiple_of3A_264 = tpu.assume_multiple %add3A_263, 8 : i32
    %mul3A_265 = arith.constant 10240 : i32
    %mul3A_266 = arith.muli %arg0, %mul3A_265 : i32
    %mul3A_267 = arith.constant 640 : i32
    %mul3A_268 = arith.muli %arg1, %mul3A_267 : i32
    %add3A_269 = arith.addi %mul3A_266, %mul3A_268 : i32
    %add3A_270 = arith.constant 320 : i32
    %add3A_271 = arith.addi %add3A_269, %add3A_270 : i32
    %multiple_of3A_272 = tpu.assume_multiple %add3A_271, 8 : i32
    "tpu.region"() ({
      %run_scoped3A = tpu.sem_alloc : memref<!tpu.dma_semaphore, #tpu.memory_space<semaphore_mem>>
      %dma_start3A_312 = arith.constant 0 : i32
      %dma_start3A_313 = tpu.memref_slice %arg20[%multiple_of3A_264, %dma_start3A_312] : memref<10240x128xf32, #tpu.memory_space<vmem_shared>> -> memref<80x128xf32, #tpu.memory_space<vmem_shared>>
      %dma_start3A_314 = arith.constant 0 : i32
      %dma_start3A_315 = tpu.memref_slice %arg20[%multiple_of3A_264, %dma_start3A_314] : memref<10240x128xf32, #tpu.memory_space<vmem_shared>> -> memref<80x128xf32, #tpu.memory_space<vmem_shared>>
      tpu.enqueue_dma source(%dma_start3A_315 : memref<80x128xf32, #tpu.memory_space<vmem_shared>>) target(%arg15 : memref<80x128xf32, #tpu.memory_space<vmem>>) target_semaphore(%run_scoped3A : memref<!tpu.dma_semaphore, #tpu.memory_space<semaphore_mem>>)
      %dma_wait3A_316 = arith.constant 0 : i32
      %dma_wait3A_317 = tpu.memref_slice %arg20[%multiple_of3A_264, %dma_wait3A_316] : memref<10240x128xf32, #tpu.memory_space<vmem_shared>> -> memref<80x128xf32, #tpu.memory_space<vmem_shared>>
      %dma_wait3A_318 = arith.constant 0 : i32
      %dma_wait3A_319 = tpu.memref_slice %arg20[%multiple_of3A_264, %dma_wait3A_318] : memref<10240x128xf32, #tpu.memory_space<vmem_shared>> -> memref<80x128xf32, #tpu.memory_space<vmem_shared>>
      tpu.wait_dma2 semaphore(%run_scoped3A : memref<!tpu.dma_semaphore, #tpu.memory_space<semaphore_mem>>) src(%dma_wait3A_319 : memref<80x128xf32, #tpu.memory_space<vmem_shared>>) dst(%arg15 : memref<80x128xf32, #tpu.memory_space<vmem>>)
      tpu.yield
    }) : () -> ()
    "tpu.region"() ({
      %run_scoped3A = tpu.sem_alloc : memref<!tpu.dma_semaphore, #tpu.memory_space<semaphore_mem>>
      %dma_start3A_312 = arith.constant 0 : i32
      %dma_start3A_313 = tpu.memref_slice %arg5[%multiple_of3A_272, %dma_start3A_312] : memref<20480x128xf32, #tpu.memory_space<hbm>> -> memref<80x128xf32, #tpu.memory_space<hbm>>
      %dma_start3A_314 = arith.constant 0 : i32
      %dma_start3A_315 = tpu.memref_slice %arg5[%multiple_of3A_272, %dma_start3A_314] : memref<20480x128xf32, #tpu.memory_space<hbm>> -> memref<80x128xf32, #tpu.memory_space<hbm>>
      tpu.enqueue_dma source(%arg15 : memref<80x128xf32, #tpu.memory_space<vmem>>) target(%dma_start3A_315 : memref<80x128xf32, #tpu.memory_space<hbm>>) target_semaphore(%run_scoped3A : memref<!tpu.dma_semaphore, #tpu.memory_space<semaphore_mem>>)
      %dma_wait3A_316 = arith.constant 0 : i32
      %dma_wait3A_317 = tpu.memref_slice %arg5[%multiple_of3A_272, %dma_wait3A_316] : memref<20480x128xf32, #tpu.memory_space<hbm>> -> memref<80x128xf32, #tpu.memory_space<hbm>>
      %dma_wait3A_318 = arith.constant 0 : i32
      %dma_wait3A_319 = tpu.memref_slice %arg5[%multiple_of3A_272, %dma_wait3A_318] : memref<20480x128xf32, #tpu.memory_space<hbm>> -> memref<80x128xf32, #tpu.memory_space<hbm>>
      tpu.wait_dma2 semaphore(%run_scoped3A : memref<!tpu.dma_semaphore, #tpu.memory_space<semaphore_mem>>) src(%arg15 : memref<80x128xf32, #tpu.memory_space<vmem>>) dst(%dma_wait3A_319 : memref<80x128xf32, #tpu.memory_space<hbm>>)
      tpu.yield
    }) : () -> ()
    "tpu.region"() ({
      %run_scoped3A = tpu.sem_alloc : memref<!tpu.dma_semaphore, #tpu.memory_space<semaphore_mem>>
      %dma_start3A_312 = tpu.memref_slice %arg21[%multiple_of3A_264] : memref<10240xf32, #tpu.memory_space<vmem_shared>> -> memref<80xf32, #tpu.memory_space<vmem_shared>>
      %dma_start3A_313 = tpu.memref_slice %arg21[%multiple_of3A_264] : memref<10240xf32, #tpu.memory_space<vmem_shared>> -> memref<80xf32, #tpu.memory_space<vmem_shared>>
      tpu.enqueue_dma source(%dma_start3A_313 : memref<80xf32, #tpu.memory_space<vmem_shared>>) target(%arg19 : memref<80xf32, #tpu.memory_space<vmem>>) target_semaphore(%run_scoped3A : memref<!tpu.dma_semaphore, #tpu.memory_space<semaphore_mem>>)
      %dma_wait3A_314 = tpu.memref_slice %arg21[%multiple_of3A_264] : memref<10240xf32, #tpu.memory_space<vmem_shared>> -> memref<80xf32, #tpu.memory_space<vmem_shared>>
      %dma_wait3A_315 = tpu.memref_slice %arg21[%multiple_of3A_264] : memref<10240xf32, #tpu.memory_space<vmem_shared>> -> memref<80xf32, #tpu.memory_space<vmem_shared>>
      tpu.wait_dma2 semaphore(%run_scoped3A : memref<!tpu.dma_semaphore, #tpu.memory_space<semaphore_mem>>) src(%dma_wait3A_315 : memref<80xf32, #tpu.memory_space<vmem_shared>>) dst(%arg19 : memref<80xf32, #tpu.memory_space<vmem>>)
      tpu.yield
    }) : () -> ()
    "tpu.region"() ({
      %run_scoped3A = tpu.sem_alloc : memref<!tpu.dma_semaphore, #tpu.memory_space<semaphore_mem>>
      %dma_start3A_312 = tpu.memref_slice %arg6[%multiple_of3A_272] : memref<20480xf32, #tpu.memory_space<hbm>> -> memref<80xf32, #tpu.memory_space<hbm>>
      %dma_start3A_313 = tpu.memref_slice %arg6[%multiple_of3A_272] : memref<20480xf32, #tpu.memory_space<hbm>> -> memref<80xf32, #tpu.memory_space<hbm>>
      tpu.enqueue_dma source(%arg19 : memref<80xf32, #tpu.memory_space<vmem>>) target(%dma_start3A_313 : memref<80xf32, #tpu.memory_space<hbm>>) target_semaphore(%run_scoped3A : memref<!tpu.dma_semaphore, #tpu.memory_space<semaphore_mem>>)
      %dma_wait3A_314 = tpu.memref_slice %arg6[%multiple_of3A_272] : memref<20480xf32, #tpu.memory_space<hbm>> -> memref<80xf32, #tpu.memory_space<hbm>>
      %dma_wait3A_315 = tpu.memref_slice %arg6[%multiple_of3A_272] : memref<20480xf32, #tpu.memory_space<hbm>> -> memref<80xf32, #tpu.memory_space<hbm>>
      tpu.wait_dma2 semaphore(%run_scoped3A : memref<!tpu.dma_semaphore, #tpu.memory_space<semaphore_mem>>) src(%arg19 : memref<80xf32, #tpu.memory_space<vmem>>) dst(%dma_wait3A_315 : memref<80xf32, #tpu.memory_space<hbm>>)
      tpu.yield
    }) : () -> ()
    %mul3A_273 = arith.constant 640 : i32
    %mul3A_274 = arith.muli %arg1, %mul3A_273 : i32
    %add3A_275 = arith.constant 400 : i32
    %add3A_276 = arith.addi %mul3A_274, %add3A_275 : i32
    %multiple_of3A_277 = tpu.assume_multiple %add3A_276, 8 : i32
    %mul3A_278 = arith.constant 10240 : i32
    %mul3A_279 = arith.muli %arg0, %mul3A_278 : i32
    %mul3A_280 = arith.constant 640 : i32
    %mul3A_281 = arith.muli %arg1, %mul3A_280 : i32
    %add3A_282 = arith.addi %mul3A_279, %mul3A_281 : i32
    %add3A_283 = arith.constant 400 : i32
    %add3A_284 = arith.addi %add3A_282, %add3A_283 : i32
    %multiple_of3A_285 = tpu.assume_multiple %add3A_284, 8 : i32
    "tpu.region"() ({
      %run_scoped3A = tpu.sem_alloc : memref<!tpu.dma_semaphore, #tpu.memory_space<semaphore_mem>>
      %dma_start3A_312 = arith.constant 0 : i32
      %dma_start3A_313 = tpu.memref_slice %arg20[%multiple_of3A_277, %dma_start3A_312] : memref<10240x128xf32, #tpu.memory_space<vmem_shared>> -> memref<80x128xf32, #tpu.memory_space<vmem_shared>>
      %dma_start3A_314 = arith.constant 0 : i32
      %dma_start3A_315 = tpu.memref_slice %arg20[%multiple_of3A_277, %dma_start3A_314] : memref<10240x128xf32, #tpu.memory_space<vmem_shared>> -> memref<80x128xf32, #tpu.memory_space<vmem_shared>>
      tpu.enqueue_dma source(%dma_start3A_315 : memref<80x128xf32, #tpu.memory_space<vmem_shared>>) target(%arg15 : memref<80x128xf32, #tpu.memory_space<vmem>>) target_semaphore(%run_scoped3A : memref<!tpu.dma_semaphore, #tpu.memory_space<semaphore_mem>>)
      %dma_wait3A_316 = arith.constant 0 : i32
      %dma_wait3A_317 = tpu.memref_slice %arg20[%multiple_of3A_277, %dma_wait3A_316] : memref<10240x128xf32, #tpu.memory_space<vmem_shared>> -> memref<80x128xf32, #tpu.memory_space<vmem_shared>>
      %dma_wait3A_318 = arith.constant 0 : i32
      %dma_wait3A_319 = tpu.memref_slice %arg20[%multiple_of3A_277, %dma_wait3A_318] : memref<10240x128xf32, #tpu.memory_space<vmem_shared>> -> memref<80x128xf32, #tpu.memory_space<vmem_shared>>
      tpu.wait_dma2 semaphore(%run_scoped3A : memref<!tpu.dma_semaphore, #tpu.memory_space<semaphore_mem>>) src(%dma_wait3A_319 : memref<80x128xf32, #tpu.memory_space<vmem_shared>>) dst(%arg15 : memref<80x128xf32, #tpu.memory_space<vmem>>)
      tpu.yield
    }) : () -> ()
    "tpu.region"() ({
      %run_scoped3A = tpu.sem_alloc : memref<!tpu.dma_semaphore, #tpu.memory_space<semaphore_mem>>
      %dma_start3A_312 = arith.constant 0 : i32
      %dma_start3A_313 = tpu.memref_slice %arg5[%multiple_of3A_285, %dma_start3A_312] : memref<20480x128xf32, #tpu.memory_space<hbm>> -> memref<80x128xf32, #tpu.memory_space<hbm>>
      %dma_start3A_314 = arith.constant 0 : i32
      %dma_start3A_315 = tpu.memref_slice %arg5[%multiple_of3A_285, %dma_start3A_314] : memref<20480x128xf32, #tpu.memory_space<hbm>> -> memref<80x128xf32, #tpu.memory_space<hbm>>
      tpu.enqueue_dma source(%arg15 : memref<80x128xf32, #tpu.memory_space<vmem>>) target(%dma_start3A_315 : memref<80x128xf32, #tpu.memory_space<hbm>>) target_semaphore(%run_scoped3A : memref<!tpu.dma_semaphore, #tpu.memory_space<semaphore_mem>>)
      %dma_wait3A_316 = arith.constant 0 : i32
      %dma_wait3A_317 = tpu.memref_slice %arg5[%multiple_of3A_285, %dma_wait3A_316] : memref<20480x128xf32, #tpu.memory_space<hbm>> -> memref<80x128xf32, #tpu.memory_space<hbm>>
      %dma_wait3A_318 = arith.constant 0 : i32
      %dma_wait3A_319 = tpu.memref_slice %arg5[%multiple_of3A_285, %dma_wait3A_318] : memref<20480x128xf32, #tpu.memory_space<hbm>> -> memref<80x128xf32, #tpu.memory_space<hbm>>
      tpu.wait_dma2 semaphore(%run_scoped3A : memref<!tpu.dma_semaphore, #tpu.memory_space<semaphore_mem>>) src(%arg15 : memref<80x128xf32, #tpu.memory_space<vmem>>) dst(%dma_wait3A_319 : memref<80x128xf32, #tpu.memory_space<hbm>>)
      tpu.yield
    }) : () -> ()
    "tpu.region"() ({
      %run_scoped3A = tpu.sem_alloc : memref<!tpu.dma_semaphore, #tpu.memory_space<semaphore_mem>>
      %dma_start3A_312 = tpu.memref_slice %arg21[%multiple_of3A_277] : memref<10240xf32, #tpu.memory_space<vmem_shared>> -> memref<80xf32, #tpu.memory_space<vmem_shared>>
      %dma_start3A_313 = tpu.memref_slice %arg21[%multiple_of3A_277] : memref<10240xf32, #tpu.memory_space<vmem_shared>> -> memref<80xf32, #tpu.memory_space<vmem_shared>>
      tpu.enqueue_dma source(%dma_start3A_313 : memref<80xf32, #tpu.memory_space<vmem_shared>>) target(%arg19 : memref<80xf32, #tpu.memory_space<vmem>>) target_semaphore(%run_scoped3A : memref<!tpu.dma_semaphore, #tpu.memory_space<semaphore_mem>>)
      %dma_wait3A_314 = tpu.memref_slice %arg21[%multiple_of3A_277] : memref<10240xf32, #tpu.memory_space<vmem_shared>> -> memref<80xf32, #tpu.memory_space<vmem_shared>>
      %dma_wait3A_315 = tpu.memref_slice %arg21[%multiple_of3A_277] : memref<10240xf32, #tpu.memory_space<vmem_shared>> -> memref<80xf32, #tpu.memory_space<vmem_shared>>
      tpu.wait_dma2 semaphore(%run_scoped3A : memref<!tpu.dma_semaphore, #tpu.memory_space<semaphore_mem>>) src(%dma_wait3A_315 : memref<80xf32, #tpu.memory_space<vmem_shared>>) dst(%arg19 : memref<80xf32, #tpu.memory_space<vmem>>)
      tpu.yield
    }) : () -> ()
    "tpu.region"() ({
      %run_scoped3A = tpu.sem_alloc : memref<!tpu.dma_semaphore, #tpu.memory_space<semaphore_mem>>
      %dma_start3A_312 = tpu.memref_slice %arg6[%multiple_of3A_285] : memref<20480xf32, #tpu.memory_space<hbm>> -> memref<80xf32, #tpu.memory_space<hbm>>
      %dma_start3A_313 = tpu.memref_slice %arg6[%multiple_of3A_285] : memref<20480xf32, #tpu.memory_space<hbm>> -> memref<80xf32, #tpu.memory_space<hbm>>
      tpu.enqueue_dma source(%arg19 : memref<80xf32, #tpu.memory_space<vmem>>) target(%dma_start3A_313 : memref<80xf32, #tpu.memory_space<hbm>>) target_semaphore(%run_scoped3A : memref<!tpu.dma_semaphore, #tpu.memory_space<semaphore_mem>>)
      %dma_wait3A_314 = tpu.memref_slice %arg6[%multiple_of3A_285] : memref<20480xf32, #tpu.memory_space<hbm>> -> memref<80xf32, #tpu.memory_space<hbm>>
      %dma_wait3A_315 = tpu.memref_slice %arg6[%multiple_of3A_285] : memref<20480xf32, #tpu.memory_space<hbm>> -> memref<80xf32, #tpu.memory_space<hbm>>
      tpu.wait_dma2 semaphore(%run_scoped3A : memref<!tpu.dma_semaphore, #tpu.memory_space<semaphore_mem>>) src(%arg19 : memref<80xf32, #tpu.memory_space<vmem>>) dst(%dma_wait3A_315 : memref<80xf32, #tpu.memory_space<hbm>>)
      tpu.yield
    }) : () -> ()
    %mul3A_286 = arith.constant 640 : i32
    %mul3A_287 = arith.muli %arg1, %mul3A_286 : i32
    %add3A_288 = arith.constant 480 : i32
    %add3A_289 = arith.addi %mul3A_287, %add3A_288 : i32
    %multiple_of3A_290 = tpu.assume_multiple %add3A_289, 8 : i32
    %mul3A_291 = arith.constant 10240 : i32
    %mul3A_292 = arith.muli %arg0, %mul3A_291 : i32
    %mul3A_293 = arith.constant 640 : i32
    %mul3A_294 = arith.muli %arg1, %mul3A_293 : i32
    %add3A_295 = arith.addi %mul3A_292, %mul3A_294 : i32
    %add3A_296 = arith.constant 480 : i32
    %add3A_297 = arith.addi %add3A_295, %add3A_296 : i32
    %multiple_of3A_298 = tpu.assume_multiple %add3A_297, 8 : i32
    "tpu.region"() ({
      %run_scoped3A = tpu.sem_alloc : memref<!tpu.dma_semaphore, #tpu.memory_space<semaphore_mem>>
      %dma_start3A_312 = arith.constant 0 : i32
      %dma_start3A_313 = tpu.memref_slice %arg20[%multiple_of3A_290, %dma_start3A_312] : memref<10240x128xf32, #tpu.memory_space<vmem_shared>> -> memref<80x128xf32, #tpu.memory_space<vmem_shared>>
      %dma_start3A_314 = arith.constant 0 : i32
      %dma_start3A_315 = tpu.memref_slice %arg20[%multiple_of3A_290, %dma_start3A_314] : memref<10240x128xf32, #tpu.memory_space<vmem_shared>> -> memref<80x128xf32, #tpu.memory_space<vmem_shared>>
      tpu.enqueue_dma source(%dma_start3A_315 : memref<80x128xf32, #tpu.memory_space<vmem_shared>>) target(%arg15 : memref<80x128xf32, #tpu.memory_space<vmem>>) target_semaphore(%run_scoped3A : memref<!tpu.dma_semaphore, #tpu.memory_space<semaphore_mem>>)
      %dma_wait3A_316 = arith.constant 0 : i32
      %dma_wait3A_317 = tpu.memref_slice %arg20[%multiple_of3A_290, %dma_wait3A_316] : memref<10240x128xf32, #tpu.memory_space<vmem_shared>> -> memref<80x128xf32, #tpu.memory_space<vmem_shared>>
      %dma_wait3A_318 = arith.constant 0 : i32
      %dma_wait3A_319 = tpu.memref_slice %arg20[%multiple_of3A_290, %dma_wait3A_318] : memref<10240x128xf32, #tpu.memory_space<vmem_shared>> -> memref<80x128xf32, #tpu.memory_space<vmem_shared>>
      tpu.wait_dma2 semaphore(%run_scoped3A : memref<!tpu.dma_semaphore, #tpu.memory_space<semaphore_mem>>) src(%dma_wait3A_319 : memref<80x128xf32, #tpu.memory_space<vmem_shared>>) dst(%arg15 : memref<80x128xf32, #tpu.memory_space<vmem>>)
      tpu.yield
    }) : () -> ()
    "tpu.region"() ({
      %run_scoped3A = tpu.sem_alloc : memref<!tpu.dma_semaphore, #tpu.memory_space<semaphore_mem>>
      %dma_start3A_312 = arith.constant 0 : i32
      %dma_start3A_313 = tpu.memref_slice %arg5[%multiple_of3A_298, %dma_start3A_312] : memref<20480x128xf32, #tpu.memory_space<hbm>> -> memref<80x128xf32, #tpu.memory_space<hbm>>
      %dma_start3A_314 = arith.constant 0 : i32
      %dma_start3A_315 = tpu.memref_slice %arg5[%multiple_of3A_298, %dma_start3A_314] : memref<20480x128xf32, #tpu.memory_space<hbm>> -> memref<80x128xf32, #tpu.memory_space<hbm>>
      tpu.enqueue_dma source(%arg15 : memref<80x128xf32, #tpu.memory_space<vmem>>) target(%dma_start3A_315 : memref<80x128xf32, #tpu.memory_space<hbm>>) target_semaphore(%run_scoped3A : memref<!tpu.dma_semaphore, #tpu.memory_space<semaphore_mem>>)
      %dma_wait3A_316 = arith.constant 0 : i32
      %dma_wait3A_317 = tpu.memref_slice %arg5[%multiple_of3A_298, %dma_wait3A_316] : memref<20480x128xf32, #tpu.memory_space<hbm>> -> memref<80x128xf32, #tpu.memory_space<hbm>>
      %dma_wait3A_318 = arith.constant 0 : i32
      %dma_wait3A_319 = tpu.memref_slice %arg5[%multiple_of3A_298, %dma_wait3A_318] : memref<20480x128xf32, #tpu.memory_space<hbm>> -> memref<80x128xf32, #tpu.memory_space<hbm>>
      tpu.wait_dma2 semaphore(%run_scoped3A : memref<!tpu.dma_semaphore, #tpu.memory_space<semaphore_mem>>) src(%arg15 : memref<80x128xf32, #tpu.memory_space<vmem>>) dst(%dma_wait3A_319 : memref<80x128xf32, #tpu.memory_space<hbm>>)
      tpu.yield
    }) : () -> ()
    "tpu.region"() ({
      %run_scoped3A = tpu.sem_alloc : memref<!tpu.dma_semaphore, #tpu.memory_space<semaphore_mem>>
      %dma_start3A_312 = tpu.memref_slice %arg21[%multiple_of3A_290] : memref<10240xf32, #tpu.memory_space<vmem_shared>> -> memref<80xf32, #tpu.memory_space<vmem_shared>>
      %dma_start3A_313 = tpu.memref_slice %arg21[%multiple_of3A_290] : memref<10240xf32, #tpu.memory_space<vmem_shared>> -> memref<80xf32, #tpu.memory_space<vmem_shared>>
      tpu.enqueue_dma source(%dma_start3A_313 : memref<80xf32, #tpu.memory_space<vmem_shared>>) target(%arg19 : memref<80xf32, #tpu.memory_space<vmem>>) target_semaphore(%run_scoped3A : memref<!tpu.dma_semaphore, #tpu.memory_space<semaphore_mem>>)
      %dma_wait3A_314 = tpu.memref_slice %arg21[%multiple_of3A_290] : memref<10240xf32, #tpu.memory_space<vmem_shared>> -> memref<80xf32, #tpu.memory_space<vmem_shared>>
      %dma_wait3A_315 = tpu.memref_slice %arg21[%multiple_of3A_290] : memref<10240xf32, #tpu.memory_space<vmem_shared>> -> memref<80xf32, #tpu.memory_space<vmem_shared>>
      tpu.wait_dma2 semaphore(%run_scoped3A : memref<!tpu.dma_semaphore, #tpu.memory_space<semaphore_mem>>) src(%dma_wait3A_315 : memref<80xf32, #tpu.memory_space<vmem_shared>>) dst(%arg19 : memref<80xf32, #tpu.memory_space<vmem>>)
      tpu.yield
    }) : () -> ()
    "tpu.region"() ({
      %run_scoped3A = tpu.sem_alloc : memref<!tpu.dma_semaphore, #tpu.memory_space<semaphore_mem>>
      %dma_start3A_312 = tpu.memref_slice %arg6[%multiple_of3A_298] : memref<20480xf32, #tpu.memory_space<hbm>> -> memref<80xf32, #tpu.memory_space<hbm>>
      %dma_start3A_313 = tpu.memref_slice %arg6[%multiple_of3A_298] : memref<20480xf32, #tpu.memory_space<hbm>> -> memref<80xf32, #tpu.memory_space<hbm>>
      tpu.enqueue_dma source(%arg19 : memref<80xf32, #tpu.memory_space<vmem>>) target(%dma_start3A_313 : memref<80xf32, #tpu.memory_space<hbm>>) target_semaphore(%run_scoped3A : memref<!tpu.dma_semaphore, #tpu.memory_space<semaphore_mem>>)
      %dma_wait3A_314 = tpu.memref_slice %arg6[%multiple_of3A_298] : memref<20480xf32, #tpu.memory_space<hbm>> -> memref<80xf32, #tpu.memory_space<hbm>>
      %dma_wait3A_315 = tpu.memref_slice %arg6[%multiple_of3A_298] : memref<20480xf32, #tpu.memory_space<hbm>> -> memref<80xf32, #tpu.memory_space<hbm>>
      tpu.wait_dma2 semaphore(%run_scoped3A : memref<!tpu.dma_semaphore, #tpu.memory_space<semaphore_mem>>) src(%arg19 : memref<80xf32, #tpu.memory_space<vmem>>) dst(%dma_wait3A_315 : memref<80xf32, #tpu.memory_space<hbm>>)
      tpu.yield
    }) : () -> ()
    %mul3A_299 = arith.constant 640 : i32
    %mul3A_300 = arith.muli %arg1, %mul3A_299 : i32
    %add3A_301 = arith.constant 560 : i32
    %add3A_302 = arith.addi %mul3A_300, %add3A_301 : i32
    %multiple_of3A_303 = tpu.assume_multiple %add3A_302, 8 : i32
    %mul3A_304 = arith.constant 10240 : i32
    %mul3A_305 = arith.muli %arg0, %mul3A_304 : i32
    %mul3A_306 = arith.constant 640 : i32
    %mul3A_307 = arith.muli %arg1, %mul3A_306 : i32
    %add3A_308 = arith.addi %mul3A_305, %mul3A_307 : i32
    %add3A_309 = arith.constant 560 : i32
    %add3A_310 = arith.addi %add3A_308, %add3A_309 : i32
    %multiple_of3A_311 = tpu.assume_multiple %add3A_310, 8 : i32
    "tpu.region"() ({
      %run_scoped3A = tpu.sem_alloc : memref<!tpu.dma_semaphore, #tpu.memory_space<semaphore_mem>>
      %dma_start3A_312 = arith.constant 0 : i32
      %dma_start3A_313 = tpu.memref_slice %arg20[%multiple_of3A_303, %dma_start3A_312] : memref<10240x128xf32, #tpu.memory_space<vmem_shared>> -> memref<80x128xf32, #tpu.memory_space<vmem_shared>>
      %dma_start3A_314 = arith.constant 0 : i32
      %dma_start3A_315 = tpu.memref_slice %arg20[%multiple_of3A_303, %dma_start3A_314] : memref<10240x128xf32, #tpu.memory_space<vmem_shared>> -> memref<80x128xf32, #tpu.memory_space<vmem_shared>>
      tpu.enqueue_dma source(%dma_start3A_315 : memref<80x128xf32, #tpu.memory_space<vmem_shared>>) target(%arg15 : memref<80x128xf32, #tpu.memory_space<vmem>>) target_semaphore(%run_scoped3A : memref<!tpu.dma_semaphore, #tpu.memory_space<semaphore_mem>>)
      %dma_wait3A_316 = arith.constant 0 : i32
      %dma_wait3A_317 = tpu.memref_slice %arg20[%multiple_of3A_303, %dma_wait3A_316] : memref<10240x128xf32, #tpu.memory_space<vmem_shared>> -> memref<80x128xf32, #tpu.memory_space<vmem_shared>>
      %dma_wait3A_318 = arith.constant 0 : i32
      %dma_wait3A_319 = tpu.memref_slice %arg20[%multiple_of3A_303, %dma_wait3A_318] : memref<10240x128xf32, #tpu.memory_space<vmem_shared>> -> memref<80x128xf32, #tpu.memory_space<vmem_shared>>
      tpu.wait_dma2 semaphore(%run_scoped3A : memref<!tpu.dma_semaphore, #tpu.memory_space<semaphore_mem>>) src(%dma_wait3A_319 : memref<80x128xf32, #tpu.memory_space<vmem_shared>>) dst(%arg15 : memref<80x128xf32, #tpu.memory_space<vmem>>)
      tpu.yield
    }) : () -> ()
    "tpu.region"() ({
      %run_scoped3A = tpu.sem_alloc : memref<!tpu.dma_semaphore, #tpu.memory_space<semaphore_mem>>
      %dma_start3A_312 = arith.constant 0 : i32
      %dma_start3A_313 = tpu.memref_slice %arg5[%multiple_of3A_311, %dma_start3A_312] : memref<20480x128xf32, #tpu.memory_space<hbm>> -> memref<80x128xf32, #tpu.memory_space<hbm>>
      %dma_start3A_314 = arith.constant 0 : i32
      %dma_start3A_315 = tpu.memref_slice %arg5[%multiple_of3A_311, %dma_start3A_314] : memref<20480x128xf32, #tpu.memory_space<hbm>> -> memref<80x128xf32, #tpu.memory_space<hbm>>
      tpu.enqueue_dma source(%arg15 : memref<80x128xf32, #tpu.memory_space<vmem>>) target(%dma_start3A_315 : memref<80x128xf32, #tpu.memory_space<hbm>>) target_semaphore(%run_scoped3A : memref<!tpu.dma_semaphore, #tpu.memory_space<semaphore_mem>>)
      %dma_wait3A_316 = arith.constant 0 : i32
      %dma_wait3A_317 = tpu.memref_slice %arg5[%multiple_of3A_311, %dma_wait3A_316] : memref<20480x128xf32, #tpu.memory_space<hbm>> -> memref<80x128xf32, #tpu.memory_space<hbm>>
      %dma_wait3A_318 = arith.constant 0 : i32
      %dma_wait3A_319 = tpu.memref_slice %arg5[%multiple_of3A_311, %dma_wait3A_318] : memref<20480x128xf32, #tpu.memory_space<hbm>> -> memref<80x128xf32, #tpu.memory_space<hbm>>
      tpu.wait_dma2 semaphore(%run_scoped3A : memref<!tpu.dma_semaphore, #tpu.memory_space<semaphore_mem>>) src(%arg15 : memref<80x128xf32, #tpu.memory_space<vmem>>) dst(%dma_wait3A_319 : memref<80x128xf32, #tpu.memory_space<hbm>>)
      tpu.yield
    }) : () -> ()
    "tpu.region"() ({
      %run_scoped3A = tpu.sem_alloc : memref<!tpu.dma_semaphore, #tpu.memory_space<semaphore_mem>>
      %dma_start3A_312 = tpu.memref_slice %arg21[%multiple_of3A_303] : memref<10240xf32, #tpu.memory_space<vmem_shared>> -> memref<80xf32, #tpu.memory_space<vmem_shared>>
      %dma_start3A_313 = tpu.memref_slice %arg21[%multiple_of3A_303] : memref<10240xf32, #tpu.memory_space<vmem_shared>> -> memref<80xf32, #tpu.memory_space<vmem_shared>>
      tpu.enqueue_dma source(%dma_start3A_313 : memref<80xf32, #tpu.memory_space<vmem_shared>>) target(%arg19 : memref<80xf32, #tpu.memory_space<vmem>>) target_semaphore(%run_scoped3A : memref<!tpu.dma_semaphore, #tpu.memory_space<semaphore_mem>>)
      %dma_wait3A_314 = tpu.memref_slice %arg21[%multiple_of3A_303] : memref<10240xf32, #tpu.memory_space<vmem_shared>> -> memref<80xf32, #tpu.memory_space<vmem_shared>>
      %dma_wait3A_315 = tpu.memref_slice %arg21[%multiple_of3A_303] : memref<10240xf32, #tpu.memory_space<vmem_shared>> -> memref<80xf32, #tpu.memory_space<vmem_shared>>
      tpu.wait_dma2 semaphore(%run_scoped3A : memref<!tpu.dma_semaphore, #tpu.memory_space<semaphore_mem>>) src(%dma_wait3A_315 : memref<80xf32, #tpu.memory_space<vmem_shared>>) dst(%arg19 : memref<80xf32, #tpu.memory_space<vmem>>)
      tpu.yield
    }) : () -> ()
    "tpu.region"() ({
      %run_scoped3A = tpu.sem_alloc : memref<!tpu.dma_semaphore, #tpu.memory_space<semaphore_mem>>
      %dma_start3A_312 = tpu.memref_slice %arg6[%multiple_of3A_311] : memref<20480xf32, #tpu.memory_space<hbm>> -> memref<80xf32, #tpu.memory_space<hbm>>
      %dma_start3A_313 = tpu.memref_slice %arg6[%multiple_of3A_311] : memref<20480xf32, #tpu.memory_space<hbm>> -> memref<80xf32, #tpu.memory_space<hbm>>
      tpu.enqueue_dma source(%arg19 : memref<80xf32, #tpu.memory_space<vmem>>) target(%dma_start3A_313 : memref<80xf32, #tpu.memory_space<hbm>>) target_semaphore(%run_scoped3A : memref<!tpu.dma_semaphore, #tpu.memory_space<semaphore_mem>>)
      %dma_wait3A_314 = tpu.memref_slice %arg6[%multiple_of3A_311] : memref<20480xf32, #tpu.memory_space<hbm>> -> memref<80xf32, #tpu.memory_space<hbm>>
      %dma_wait3A_315 = tpu.memref_slice %arg6[%multiple_of3A_311] : memref<20480xf32, #tpu.memory_space<hbm>> -> memref<80xf32, #tpu.memory_space<hbm>>
      tpu.wait_dma2 semaphore(%run_scoped3A : memref<!tpu.dma_semaphore, #tpu.memory_space<semaphore_mem>>) src(%arg19 : memref<80xf32, #tpu.memory_space<vmem>>) dst(%dma_wait3A_315 : memref<80xf32, #tpu.memory_space<hbm>>)
      tpu.yield
    }) : () -> ()
    return
  }
}

#map = affine_map<(d0, d1) -> (0, 0)>
#map1 = affine_map<(d0, d1) -> (0)>
module attributes {stable_mosaic.version = 14 : i64} {
  func.func @k(%arg0: i32, %arg1: i32, %arg2: memref<10240x128xf32, #tpu.memory_space<hbm>>, %arg3: memref<640000xi32, #tpu.memory_space<hbm>>, %arg4: memref<640000xi32, #tpu.memory_space<hbm>>, %arg5: memref<20480x128xf32, #tpu.memory_space<hbm>>, %arg6: memref<20480xf32, #tpu.memory_space<hbm>>, %arg7: memref<80xi32, #tpu.memory_space<vmem>>, %arg8: memref<80xi32, #tpu.memory_space<vmem>>, %arg9: memref<80xi32, #tpu.memory_space<vmem>>, %arg10: memref<80xi32, #tpu.memory_space<vmem>>, %arg11: memref<80xi32, #tpu.memory_space<vmem>>, %arg12: memref<80xi32, #tpu.memory_space<vmem>>, %arg13: memref<80xi32, #tpu.memory_space<vmem>>, %arg14: memref<80xi32, #tpu.memory_space<vmem>>, %arg15: memref<80x128xf32, #tpu.memory_space<vmem>>, %arg16: memref<80x128xf32, #tpu.memory_space<vmem>>, %arg17: memref<80x128xf32, #tpu.memory_space<vmem>>, %arg18: memref<80x128xf32, #tpu.memory_space<vmem>>, %arg19: memref<80xf32, #tpu.memory_space<vmem>>, %arg20: memref<10240x128xf32, #tpu.memory_space<vmem_shared>>, %arg21: memref<10240xf32, #tpu.memory_space<vmem_shared>>, %arg22: memref<!tpu.dma_semaphore, #tpu.memory_space<semaphore_mem>>, %arg23: memref<!tpu.dma_semaphore, #tpu.memory_space<semaphore_mem>>, %arg24: memref<!tpu.dma_semaphore, #tpu.memory_space<semaphore_mem>>, %arg25: memref<!tpu.dma_semaphore, #tpu.memory_space<semaphore_mem>>, %arg26: memref<!tpu.dma_semaphore, #tpu.memory_space<semaphore_mem>>, %arg27: memref<!tpu.dma_semaphore, #tpu.memory_space<semaphore_mem>>, %arg28: memref<!tpu.dma_semaphore, #tpu.memory_space<semaphore_mem>>, %arg29: memref<!tpu.dma_semaphore, #tpu.memory_space<semaphore_mem>>) attributes {dimension_semantics = [#tpu.dimension_semantics<core_parallel>, #tpu.dimension_semantics<subcore_parallel>], iteration_bounds = array<i64: 2, 16>, scalar_prefetch = 0 : i64, scratch_operands = 23 : i64, tpu.core_type = #tpu.core_type<sc_vector_subcore>, window_params = [{transform_indices = #map}, {transform_indices = #map1}, {transform_indices = #map1}, {transform_indices = #map}, {transform_indices = #map1}]} {
    %mul3A = arith.constant 2 : i32
    %mul3A_0 = arith.muli %arg1, %mul3A : i32
    %add3A = arith.addi %mul3A_0, %arg0 : i32
    %broadcast_in_dim3A = arith.constant 0.000000e+00 : f32
    %broadcast_in_dim3A_1 = vector.broadcast %broadcast_in_dim3A : f32 to vector<16xf32>
    %scan3A = arith.constant 0 : i32
    %scan3A_2 = arith.constant 0 : i32
    %scan3A_3 = arith.constant 80 : i32
    %scan3A_4 = arith.addi %scan3A_2, %scan3A_3 : i32
    %scan3A_5 = arith.constant 1 : i32
    scf.for %scan3A_312 = %scan3A_2 to %scan3A_4 step %scan3A_5  : i32 {
      %swap3A_313 = arith.index_cast %scan3A_312 : i32 to index
      %swap3A_314 = arith.constant 0 : index
      %swap3A_315 = tpu.vector_load %arg15[%swap3A_313, %swap3A_314] {strides = array<i32>} : memref<80x128xf32, #tpu.memory_space<vmem>>, vector<1x16xf32>,
      %swap3A_316 = vector.shape_cast %swap3A_315 : vector<1x16xf32> to vector<16xf32>
      %swap3A_317 = vector.shape_cast %broadcast_in_dim3A_1 : vector<16xf32> to vector<1x16xf32>
      tpu.vector_store %arg15[%swap3A_313, %swap3A_314], %swap3A_317 {strides = array<i32>} : memref<80x128xf32, #tpu.memory_space<vmem>>, vector<1x16xf32>,
      %swap3A_318 = arith.index_cast %scan3A_312 : i32 to index
      %swap3A_319 = arith.constant 16 : index
      %swap3A_320 = tpu.vector_load %arg15[%swap3A_318, %swap3A_319] {strides = array<i32>} : memref<80x128xf32, #tpu.memory_space<vmem>>, vector<1x16xf32>,
      %swap3A_321 = vector.shape_cast %swap3A_320 : vector<1x16xf32> to vector<16xf32>
      %swap3A_322 = vector.shape_cast %broadcast_in_dim3A_1 : vector<16xf32> to vector<1x16xf32>
      tpu.vector_store %arg15[%swap3A_318, %swap3A_319], %swap3A_322 {strides = array<i32>} : memref<80x128xf32, #tpu.memory_space<vmem>>, vector<1x16xf32>,
      %swap3A_323 = arith.index_cast %scan3A_312 : i32 to index
      %swap3A_324 = arith.constant 32 : index
      %swap3A_325 = tpu.vector_load %arg15[%swap3A_323, %swap3A_324] {strides = array<i32>} : memref<80x128xf32, #tpu.memory_space<vmem>>, vector<1x16xf32>,
      %swap3A_326 = vector.shape_cast %swap3A_325 : vector<1x16xf32> to vector<16xf32>
      %swap3A_327 = vector.shape_cast %broadcast_in_dim3A_1 : vector<16xf32> to vector<1x16xf32>
      tpu.vector_store %arg15[%swap3A_323, %swap3A_324], %swap3A_327 {strides = array<i32>} : memref<80x128xf32, #tpu.memory_space<vmem>>, vector<1x16xf32>,
      %swap3A_328 = arith.index_cast %scan3A_312 : i32 to index
      %swap3A_329 = arith.constant 48 : index
      %swap3A_330 = tpu.vector_load %arg15[%swap3A_328, %swap3A_329] {strides = array<i32>} : memref<80x128xf32, #tpu.memory_space<vmem>>, vector<1x16xf32>,
      %swap3A_331 = vector.shape_cast %swap3A_330 : vector<1x16xf32> to vector<16xf32>
      %swap3A_332 = vector.shape_cast %broadcast_in_dim3A_1 : vector<16xf32> to vector<1x16xf32>
      tpu.vector_store %arg15[%swap3A_328, %swap3A_329], %swap3A_332 {strides = array<i32>} : memref<80x128xf32, #tpu.memory_space<vmem>>, vector<1x16xf32>,
      %swap3A_333 = arith.index_cast %scan3A_312 : i32 to index
      %swap3A_334 = arith.constant 64 : index
      %swap3A_335 = tpu.vector_load %arg15[%swap3A_333, %swap3A_334] {strides = array<i32>} : memref<80x128xf32, #tpu.memory_space<vmem>>, vector<1x16xf32>,
      %swap3A_336 = vector.shape_cast %swap3A_335 : vector<1x16xf32> to vector<16xf32>
      %swap3A_337 = vector.shape_cast %broadcast_in_dim3A_1 : vector<16xf32> to vector<1x16xf32>
      tpu.vector_store %arg15[%swap3A_333, %swap3A_334], %swap3A_337 {strides = array<i32>} : memref<80x128xf32, #tpu.memory_space<vmem>>, vector<1x16xf32>,
      %swap3A_338 = arith.index_cast %scan3A_312 : i32 to index
      %swap3A_339 = arith.constant 80 : index
      %swap3A_340 = tpu.vector_load %arg15[%swap3A_338, %swap3A_339] {strides = array<i32>} : memref<80x128xf32, #tpu.memory_space<vmem>>, vector<1x16xf32>,
      %swap3A_341 = vector.shape_cast %swap3A_340 : vector<1x16xf32> to vector<16xf32>
      %swap3A_342 = vector.shape_cast %broadcast_in_dim3A_1 : vector<16xf32> to vector<1x16xf32>
      tpu.vector_store %arg15[%swap3A_338, %swap3A_339], %swap3A_342 {strides = array<i32>} : memref<80x128xf32, #tpu.memory_space<vmem>>, vector<1x16xf32>,
      %swap3A_343 = arith.index_cast %scan3A_312 : i32 to index
      %swap3A_344 = arith.constant 96 : index
      %swap3A_345 = tpu.vector_load %arg15[%swap3A_343, %swap3A_344] {strides = array<i32>} : memref<80x128xf32, #tpu.memory_space<vmem>>, vector<1x16xf32>,
      %swap3A_346 = vector.shape_cast %swap3A_345 : vector<1x16xf32> to vector<16xf32>
      %swap3A_347 = vector.shape_cast %broadcast_in_dim3A_1 : vector<16xf32> to vector<1x16xf32>
      tpu.vector_store %arg15[%swap3A_343, %swap3A_344], %swap3A_347 {strides = array<i32>} : memref<80x128xf32, #tpu.memory_space<vmem>>, vector<1x16xf32>,
      %swap3A_348 = arith.index_cast %scan3A_312 : i32 to index
      %swap3A_349 = arith.constant 112 : index
      %swap3A_350 = tpu.vector_load %arg15[%swap3A_348, %swap3A_349] {strides = array<i32>} : memref<80x128xf32, #tpu.memory_space<vmem>>, vector<1x16xf32>,
      %swap3A_351 = vector.shape_cast %swap3A_350 : vector<1x16xf32> to vector<16xf32>
      %swap3A_352 = vector.shape_cast %broadcast_in_dim3A_1 : vector<16xf32> to vector<1x16xf32>
      tpu.vector_store %arg15[%swap3A_348, %swap3A_349], %swap3A_352 {strides = array<i32>} : memref<80x128xf32, #tpu.memory_space<vmem>>, vector<1x16xf32>,
    }
    %scan3A_6 = arith.constant 80 : i32
    %swap3A = arith.constant 0 : index
    %swap3A_7 = tpu.vector_load %arg19[%swap3A] {strides = array<i32>} : memref<80xf32, #tpu.memory_space<vmem>>, vector<16xf32>,
    %swap3A_8 = vector.shape_cast %swap3A_7 : vector<16xf32> to vector<16xf32>
    %swap3A_9 = vector.shape_cast %broadcast_in_dim3A_1 : vector<16xf32> to vector<16xf32>
    tpu.vector_store %arg19[%swap3A], %swap3A_9 {strides = array<i32>} : memref<80xf32, #tpu.memory_space<vmem>>, vector<16xf32>,
    %swap3A_10 = arith.constant 16 : index
    %swap3A_11 = tpu.vector_load %arg19[%swap3A_10] {strides = array<i32>} : memref<80xf32, #tpu.memory_space<vmem>>, vector<16xf32>,
    %swap3A_12 = vector.shape_cast %swap3A_11 : vector<16xf32> to vector<16xf32>
    %swap3A_13 = vector.shape_cast %broadcast_in_dim3A_1 : vector<16xf32> to vector<16xf32>
    tpu.vector_store %arg19[%swap3A_10], %swap3A_13 {strides = array<i32>} : memref<80xf32, #tpu.memory_space<vmem>>, vector<16xf32>,
    %swap3A_14 = arith.constant 32 : index
    %swap3A_15 = tpu.vector_load %arg19[%swap3A_14] {strides = array<i32>} : memref<80xf32, #tpu.memory_space<vmem>>, vector<16xf32>,
    %swap3A_16 = vector.shape_cast %swap3A_15 : vector<16xf32> to vector<16xf32>
    %swap3A_17 = vector.shape_cast %broadcast_in_dim3A_1 : vector<16xf32> to vector<16xf32>
    tpu.vector_store %arg19[%swap3A_14], %swap3A_17 {strides = array<i32>} : memref<80xf32, #tpu.memory_space<vmem>>, vector<16xf32>,
    %swap3A_18 = arith.constant 48 : index
    %swap3A_19 = tpu.vector_load %arg19[%swap3A_18] {strides = array<i32>} : memref<80xf32, #tpu.memory_space<vmem>>, vector<16xf32>,
    %swap3A_20 = vector.shape_cast %swap3A_19 : vector<16xf32> to vector<16xf32>
    %swap3A_21 = vector.shape_cast %broadcast_in_dim3A_1 : vector<16xf32> to vector<16xf32>
    tpu.vector_store %arg19[%swap3A_18], %swap3A_21 {strides = array<i32>} : memref<80xf32, #tpu.memory_space<vmem>>, vector<16xf32>,
    %swap3A_22 = arith.constant 64 : index
    %swap3A_23 = tpu.vector_load %arg19[%swap3A_22] {strides = array<i32>} : memref<80xf32, #tpu.memory_space<vmem>>, vector<16xf32>,
    %swap3A_24 = vector.shape_cast %swap3A_23 : vector<16xf32> to vector<16xf32>
    %swap3A_25 = vector.shape_cast %broadcast_in_dim3A_1 : vector<16xf32> to vector<16xf32>
    tpu.vector_store %arg19[%swap3A_22], %swap3A_25 {strides = array<i32>} : memref<80xf32, #tpu.memory_space<vmem>>, vector<16xf32>,
    %mul3A_26 = arith.constant 640 : i32
    %mul3A_27 = arith.muli %arg1, %mul3A_26 : i32
    %add3A_28 = arith.constant 0 : i32
    %add3A_29 = arith.addi %mul3A_27, %add3A_28 : i32
    %multiple_of3A = tpu.assume_multiple %add3A_29, 8 : i32
    "tpu.region"() ({
      %run_scoped3A = tpu.sem_alloc : memref<!tpu.dma_semaphore, #tpu.memory_space<semaphore_mem>>
      %dma_start3A_312 = arith.constant 0 : i32
      %dma_start3A_313 = tpu.memref_slice %arg20[%multiple_of3A, %dma_start3A_312] : memref<10240x128xf32, #tpu.memory_space<vmem_shared>> -> memref<80x128xf32, #tpu.memory_space<vmem_shared>>
      %dma_start3A_314 = arith.constant 0 : i32
      %dma_start3A_315 = tpu.memref_slice %arg20[%multiple_of3A, %dma_start3A_314] : memref<10240x128xf32, #tpu.memory_space<vmem_shared>> -> memref<80x128xf32, #tpu.memory_space<vmem_shared>>
      tpu.enqueue_dma source(%arg15 : memref<80x128xf32, #tpu.memory_space<vmem>>) target(%dma_start3A_315 : memref<80x128xf32, #tpu.memory_space<vmem_shared>>) target_semaphore(%run_scoped3A : memref<!tpu.dma_semaphore, #tpu.memory_space<semaphore_mem>>)
      %dma_wait3A_316 = arith.constant 0 : i32
      %dma_wait3A_317 = tpu.memref_slice %arg20[%multiple_of3A, %dma_wait3A_316] : memref<10240x128xf32, #tpu.memory_space<vmem_shared>> -> memref<80x128xf32, #tpu.memory_space<vmem_shared>>
      %dma_wait3A_318 = arith.constant 0 : i32
      %dma_wait3A_319 = tpu.memref_slice %arg20[%multiple_of3A, %dma_wait3A_318] : memref<10240x128xf32, #tpu.memory_space<vmem_shared>> -> memref<80x128xf32, #tpu.memory_space<vmem_shared>>
      tpu.wait_dma2 semaphore(%run_scoped3A : memref<!tpu.dma_semaphore, #tpu.memory_space<semaphore_mem>>) src(%arg15 : memref<80x128xf32, #tpu.memory_space<vmem>>) dst(%dma_wait3A_319 : memref<80x128xf32, #tpu.memory_space<vmem_shared>>)
      tpu.yield
    }) : () -> ()
    "tpu.region"() ({
      %run_scoped3A = tpu.sem_alloc : memref<!tpu.dma_semaphore, #tpu.memory_space<semaphore_mem>>
      %dma_start3A_312 = tpu.memref_slice %arg21[%multiple_of3A] : memref<10240xf32, #tpu.memory_space<vmem_shared>> -> memref<80xf32, #tpu.memory_space<vmem_shared>>
      %dma_start3A_313 = tpu.memref_slice %arg21[%multiple_of3A] : memref<10240xf32, #tpu.memory_space<vmem_shared>> -> memref<80xf32, #tpu.memory_space<vmem_shared>>
      tpu.enqueue_dma source(%arg19 : memref<80xf32, #tpu.memory_space<vmem>>) target(%dma_start3A_313 : memref<80xf32, #tpu.memory_space<vmem_shared>>) target_semaphore(%run_scoped3A : memref<!tpu.dma_semaphore, #tpu.memory_space<semaphore_mem>>)
      %dma_wait3A_314 = tpu.memref_slice %arg21[%multiple_of3A] : memref<10240xf32, #tpu.memory_space<vmem_shared>> -> memref<80xf32, #tpu.memory_space<vmem_shared>>
      %dma_wait3A_315 = tpu.memref_slice %arg21[%multiple_of3A] : memref<10240xf32, #tpu.memory_space<vmem_shared>> -> memref<80xf32, #tpu.memory_space<vmem_shared>>
      tpu.wait_dma2 semaphore(%run_scoped3A : memref<!tpu.dma_semaphore, #tpu.memory_space<semaphore_mem>>) src(%arg19 : memref<80xf32, #tpu.memory_space<vmem>>) dst(%dma_wait3A_315 : memref<80xf32, #tpu.memory_space<vmem_shared>>)
      tpu.yield
    }) : () -> ()
    %mul3A_30 = arith.constant 640 : i32
    %mul3A_31 = arith.muli %arg1, %mul3A_30 : i32
    %add3A_32 = arith.constant 80 : i32
    %add3A_33 = arith.addi %mul3A_31, %add3A_32 : i32
    %multiple_of3A_34 = tpu.assume_multiple %add3A_33, 8 : i32
    "tpu.region"() ({
      %run_scoped3A = tpu.sem_alloc : memref<!tpu.dma_semaphore, #tpu.memory_space<semaphore_mem>>
      %dma_start3A_312 = arith.constant 0 : i32
      %dma_start3A_313 = tpu.memref_slice %arg20[%multiple_of3A_34, %dma_start3A_312] : memref<10240x128xf32, #tpu.memory_space<vmem_shared>> -> memref<80x128xf32, #tpu.memory_space<vmem_shared>>
      %dma_start3A_314 = arith.constant 0 : i32
      %dma_start3A_315 = tpu.memref_slice %arg20[%multiple_of3A_34, %dma_start3A_314] : memref<10240x128xf32, #tpu.memory_space<vmem_shared>> -> memref<80x128xf32, #tpu.memory_space<vmem_shared>>
      tpu.enqueue_dma source(%arg15 : memref<80x128xf32, #tpu.memory_space<vmem>>) target(%dma_start3A_315 : memref<80x128xf32, #tpu.memory_space<vmem_shared>>) target_semaphore(%run_scoped3A : memref<!tpu.dma_semaphore, #tpu.memory_space<semaphore_mem>>)
      %dma_wait3A_316 = arith.constant 0 : i32
      %dma_wait3A_317 = tpu.memref_slice %arg20[%multiple_of3A_34, %dma_wait3A_316] : memref<10240x128xf32, #tpu.memory_space<vmem_shared>> -> memref<80x128xf32, #tpu.memory_space<vmem_shared>>
      %dma_wait3A_318 = arith.constant 0 : i32
      %dma_wait3A_319 = tpu.memref_slice %arg20[%multiple_of3A_34, %dma_wait3A_318] : memref<10240x128xf32, #tpu.memory_space<vmem_shared>> -> memref<80x128xf32, #tpu.memory_space<vmem_shared>>
      tpu.wait_dma2 semaphore(%run_scoped3A : memref<!tpu.dma_semaphore, #tpu.memory_space<semaphore_mem>>) src(%arg15 : memref<80x128xf32, #tpu.memory_space<vmem>>) dst(%dma_wait3A_319 : memref<80x128xf32, #tpu.memory_space<vmem_shared>>)
      tpu.yield
    }) : () -> ()
    "tpu.region"() ({
      %run_scoped3A = tpu.sem_alloc : memref<!tpu.dma_semaphore, #tpu.memory_space<semaphore_mem>>
      %dma_start3A_312 = tpu.memref_slice %arg21[%multiple_of3A_34] : memref<10240xf32, #tpu.memory_space<vmem_shared>> -> memref<80xf32, #tpu.memory_space<vmem_shared>>
      %dma_start3A_313 = tpu.memref_slice %arg21[%multiple_of3A_34] : memref<10240xf32, #tpu.memory_space<vmem_shared>> -> memref<80xf32, #tpu.memory_space<vmem_shared>>
      tpu.enqueue_dma source(%arg19 : memref<80xf32, #tpu.memory_space<vmem>>) target(%dma_start3A_313 : memref<80xf32, #tpu.memory_space<vmem_shared>>) target_semaphore(%run_scoped3A : memref<!tpu.dma_semaphore, #tpu.memory_space<semaphore_mem>>)
      %dma_wait3A_314 = tpu.memref_slice %arg21[%multiple_of3A_34] : memref<10240xf32, #tpu.memory_space<vmem_shared>> -> memref<80xf32, #tpu.memory_space<vmem_shared>>
      %dma_wait3A_315 = tpu.memref_slice %arg21[%multiple_of3A_34] : memref<10240xf32, #tpu.memory_space<vmem_shared>> -> memref<80xf32, #tpu.memory_space<vmem_shared>>
      tpu.wait_dma2 semaphore(%run_scoped3A : memref<!tpu.dma_semaphore, #tpu.memory_space<semaphore_mem>>) src(%arg19 : memref<80xf32, #tpu.memory_space<vmem>>) dst(%dma_wait3A_315 : memref<80xf32, #tpu.memory_space<vmem_shared>>)
      tpu.yield
    }) : () -> ()
    %mul3A_35 = arith.constant 640 : i32
    %mul3A_36 = arith.muli %arg1, %mul3A_35 : i32
    %add3A_37 = arith.constant 160 : i32
    %add3A_38 = arith.addi %mul3A_36, %add3A_37 : i32
    %multiple_of3A_39 = tpu.assume_multiple %add3A_38, 8 : i32
    "tpu.region"() ({
      %run_scoped3A = tpu.sem_alloc : memref<!tpu.dma_semaphore, #tpu.memory_space<semaphore_mem>>
      %dma_start3A_312 = arith.constant 0 : i32
      %dma_start3A_313 = tpu.memref_slice %arg20[%multiple_of3A_39, %dma_start3A_312] : memref<10240x128xf32, #tpu.memory_space<vmem_shared>> -> memref<80x128xf32, #tpu.memory_space<vmem_shared>>
      %dma_start3A_314 = arith.constant 0 : i32
      %dma_start3A_315 = tpu.memref_slice %arg20[%multiple_of3A_39, %dma_start3A_314] : memref<10240x128xf32, #tpu.memory_space<vmem_shared>> -> memref<80x128xf32, #tpu.memory_space<vmem_shared>>
      tpu.enqueue_dma source(%arg15 : memref<80x128xf32, #tpu.memory_space<vmem>>) target(%dma_start3A_315 : memref<80x128xf32, #tpu.memory_space<vmem_shared>>) target_semaphore(%run_scoped3A : memref<!tpu.dma_semaphore, #tpu.memory_space<semaphore_mem>>)
      %dma_wait3A_316 = arith.constant 0 : i32
      %dma_wait3A_317 = tpu.memref_slice %arg20[%multiple_of3A_39, %dma_wait3A_316] : memref<10240x128xf32, #tpu.memory_space<vmem_shared>> -> memref<80x128xf32, #tpu.memory_space<vmem_shared>>
      %dma_wait3A_318 = arith.constant 0 : i32
      %dma_wait3A_319 = tpu.memref_slice %arg20[%multiple_of3A_39, %dma_wait3A_318] : memref<10240x128xf32, #tpu.memory_space<vmem_shared>> -> memref<80x128xf32, #tpu.memory_space<vmem_shared>>
      tpu.wait_dma2 semaphore(%run_scoped3A : memref<!tpu.dma_semaphore, #tpu.memory_space<semaphore_mem>>) src(%arg15 : memref<80x128xf32, #tpu.memory_space<vmem>>) dst(%dma_wait3A_319 : memref<80x128xf32, #tpu.memory_space<vmem_shared>>)
      tpu.yield
    }) : () -> ()
    "tpu.region"() ({
      %run_scoped3A = tpu.sem_alloc : memref<!tpu.dma_semaphore, #tpu.memory_space<semaphore_mem>>
      %dma_start3A_312 = tpu.memref_slice %arg21[%multiple_of3A_39] : memref<10240xf32, #tpu.memory_space<vmem_shared>> -> memref<80xf32, #tpu.memory_space<vmem_shared>>
      %dma_start3A_313 = tpu.memref_slice %arg21[%multiple_of3A_39] : memref<10240xf32, #tpu.memory_space<vmem_shared>> -> memref<80xf32, #tpu.memory_space<vmem_shared>>
      tpu.enqueue_dma source(%arg19 : memref<80xf32, #tpu.memory_space<vmem>>) target(%dma_start3A_313 : memref<80xf32, #tpu.memory_space<vmem_shared>>) target_semaphore(%run_scoped3A : memref<!tpu.dma_semaphore, #tpu.memory_space<semaphore_mem>>)
      %dma_wait3A_314 = tpu.memref_slice %arg21[%multiple_of3A_39] : memref<10240xf32, #tpu.memory_space<vmem_shared>> -> memref<80xf32, #tpu.memory_space<vmem_shared>>
      %dma_wait3A_315 = tpu.memref_slice %arg21[%multiple_of3A_39] : memref<10240xf32, #tpu.memory_space<vmem_shared>> -> memref<80xf32, #tpu.memory_space<vmem_shared>>
      tpu.wait_dma2 semaphore(%run_scoped3A : memref<!tpu.dma_semaphore, #tpu.memory_space<semaphore_mem>>) src(%arg19 : memref<80xf32, #tpu.memory_space<vmem>>) dst(%dma_wait3A_315 : memref<80xf32, #tpu.memory_space<vmem_shared>>)
      tpu.yield
    }) : () -> ()
    %mul3A_40 = arith.constant 640 : i32
    %mul3A_41 = arith.muli %arg1, %mul3A_40 : i32
    %add3A_42 = arith.constant 240 : i32
    %add3A_43 = arith.addi %mul3A_41, %add3A_42 : i32
    %multiple_of3A_44 = tpu.assume_multiple %add3A_43, 8 : i32
    "tpu.region"() ({
      %run_scoped3A = tpu.sem_alloc : memref<!tpu.dma_semaphore, #tpu.memory_space<semaphore_mem>>
      %dma_start3A_312 = arith.constant 0 : i32
      %dma_start3A_313 = tpu.memref_slice %arg20[%multiple_of3A_44, %dma_start3A_312] : memref<10240x128xf32, #tpu.memory_space<vmem_shared>> -> memref<80x128xf32, #tpu.memory_space<vmem_shared>>
      %dma_start3A_314 = arith.constant 0 : i32
      %dma_start3A_315 = tpu.memref_slice %arg20[%multiple_of3A_44, %dma_start3A_314] : memref<10240x128xf32, #tpu.memory_space<vmem_shared>> -> memref<80x128xf32, #tpu.memory_space<vmem_shared>>
      tpu.enqueue_dma source(%arg15 : memref<80x128xf32, #tpu.memory_space<vmem>>) target(%dma_start3A_315 : memref<80x128xf32, #tpu.memory_space<vmem_shared>>) target_semaphore(%run_scoped3A : memref<!tpu.dma_semaphore, #tpu.memory_space<semaphore_mem>>)
      %dma_wait3A_316 = arith.constant 0 : i32
      %dma_wait3A_317 = tpu.memref_slice %arg20[%multiple_of3A_44, %dma_wait3A_316] : memref<10240x128xf32, #tpu.memory_space<vmem_shared>> -> memref<80x128xf32, #tpu.memory_space<vmem_shared>>
      %dma_wait3A_318 = arith.constant 0 : i32
      %dma_wait3A_319 = tpu.memref_slice %arg20[%multiple_of3A_44, %dma_wait3A_318] : memref<10240x128xf32, #tpu.memory_space<vmem_shared>> -> memref<80x128xf32, #tpu.memory_space<vmem_shared>>
      tpu.wait_dma2 semaphore(%run_scoped3A : memref<!tpu.dma_semaphore, #tpu.memory_space<semaphore_mem>>) src(%arg15 : memref<80x128xf32, #tpu.memory_space<vmem>>) dst(%dma_wait3A_319 : memref<80x128xf32, #tpu.memory_space<vmem_shared>>)
      tpu.yield
    }) : () -> ()
    "tpu.region"() ({
      %run_scoped3A = tpu.sem_alloc : memref<!tpu.dma_semaphore, #tpu.memory_space<semaphore_mem>>
      %dma_start3A_312 = tpu.memref_slice %arg21[%multiple_of3A_44] : memref<10240xf32, #tpu.memory_space<vmem_shared>> -> memref<80xf32, #tpu.memory_space<vmem_shared>>
      %dma_start3A_313 = tpu.memref_slice %arg21[%multiple_of3A_44] : memref<10240xf32, #tpu.memory_space<vmem_shared>> -> memref<80xf32, #tpu.memory_space<vmem_shared>>
      tpu.enqueue_dma source(%arg19 : memref<80xf32, #tpu.memory_space<vmem>>) target(%dma_start3A_313 : memref<80xf32, #tpu.memory_space<vmem_shared>>) target_semaphore(%run_scoped3A : memref<!tpu.dma_semaphore, #tpu.memory_space<semaphore_mem>>)
      %dma_wait3A_314 = tpu.memref_slice %arg21[%multiple_of3A_44] : memref<10240xf32, #tpu.memory_space<vmem_shared>> -> memref<80xf32, #tpu.memory_space<vmem_shared>>
      %dma_wait3A_315 = tpu.memref_slice %arg21[%multiple_of3A_44] : memref<10240xf32, #tpu.memory_space<vmem_shared>> -> memref<80xf32, #tpu.memory_space<vmem_shared>>
      tpu.wait_dma2 semaphore(%run_scoped3A : memref<!tpu.dma_semaphore, #tpu.memory_space<semaphore_mem>>) src(%arg19 : memref<80xf32, #tpu.memory_space<vmem>>) dst(%dma_wait3A_315 : memref<80xf32, #tpu.memory_space<vmem_shared>>)
      tpu.yield
    }) : () -> ()
    %mul3A_45 = arith.constant 640 : i32
    %mul3A_46 = arith.muli %arg1, %mul3A_45 : i32
    %add3A_47 = arith.constant 320 : i32
    %add3A_48 = arith.addi %mul3A_46, %add3A_47 : i32
    %multiple_of3A_49 = tpu.assume_multiple %add3A_48, 8 : i32
    "tpu.region"() ({
      %run_scoped3A = tpu.sem_alloc : memref<!tpu.dma_semaphore, #tpu.memory_space<semaphore_mem>>
      %dma_start3A_312 = arith.constant 0 : i32
      %dma_start3A_313 = tpu.memref_slice %arg20[%multiple_of3A_49, %dma_start3A_312] : memref<10240x128xf32, #tpu.memory_space<vmem_shared>> -> memref<80x128xf32, #tpu.memory_space<vmem_shared>>
      %dma_start3A_314 = arith.constant 0 : i32
      %dma_start3A_315 = tpu.memref_slice %arg20[%multiple_of3A_49, %dma_start3A_314] : memref<10240x128xf32, #tpu.memory_space<vmem_shared>> -> memref<80x128xf32, #tpu.memory_space<vmem_shared>>
      tpu.enqueue_dma source(%arg15 : memref<80x128xf32, #tpu.memory_space<vmem>>) target(%dma_start3A_315 : memref<80x128xf32, #tpu.memory_space<vmem_shared>>) target_semaphore(%run_scoped3A : memref<!tpu.dma_semaphore, #tpu.memory_space<semaphore_mem>>)
      %dma_wait3A_316 = arith.constant 0 : i32
      %dma_wait3A_317 = tpu.memref_slice %arg20[%multiple_of3A_49, %dma_wait3A_316] : memref<10240x128xf32, #tpu.memory_space<vmem_shared>> -> memref<80x128xf32, #tpu.memory_space<vmem_shared>>
      %dma_wait3A_318 = arith.constant 0 : i32
      %dma_wait3A_319 = tpu.memref_slice %arg20[%multiple_of3A_49, %dma_wait3A_318] : memref<10240x128xf32, #tpu.memory_space<vmem_shared>> -> memref<80x128xf32, #tpu.memory_space<vmem_shared>>
      tpu.wait_dma2 semaphore(%run_scoped3A : memref<!tpu.dma_semaphore, #tpu.memory_space<semaphore_mem>>) src(%arg15 : memref<80x128xf32, #tpu.memory_space<vmem>>) dst(%dma_wait3A_319 : memref<80x128xf32, #tpu.memory_space<vmem_shared>>)
      tpu.yield
    }) : () -> ()
    "tpu.region"() ({
      %run_scoped3A = tpu.sem_alloc : memref<!tpu.dma_semaphore, #tpu.memory_space<semaphore_mem>>
      %dma_start3A_312 = tpu.memref_slice %arg21[%multiple_of3A_49] : memref<10240xf32, #tpu.memory_space<vmem_shared>> -> memref<80xf32, #tpu.memory_space<vmem_shared>>
      %dma_start3A_313 = tpu.memref_slice %arg21[%multiple_of3A_49] : memref<10240xf32, #tpu.memory_space<vmem_shared>> -> memref<80xf32, #tpu.memory_space<vmem_shared>>
      tpu.enqueue_dma source(%arg19 : memref<80xf32, #tpu.memory_space<vmem>>) target(%dma_start3A_313 : memref<80xf32, #tpu.memory_space<vmem_shared>>) target_semaphore(%run_scoped3A : memref<!tpu.dma_semaphore, #tpu.memory_space<semaphore_mem>>)
      %dma_wait3A_314 = tpu.memref_slice %arg21[%multiple_of3A_49] : memref<10240xf32, #tpu.memory_space<vmem_shared>> -> memref<80xf32, #tpu.memory_space<vmem_shared>>
      %dma_wait3A_315 = tpu.memref_slice %arg21[%multiple_of3A_49] : memref<10240xf32, #tpu.memory_space<vmem_shared>> -> memref<80xf32, #tpu.memory_space<vmem_shared>>
      tpu.wait_dma2 semaphore(%run_scoped3A : memref<!tpu.dma_semaphore, #tpu.memory_space<semaphore_mem>>) src(%arg19 : memref<80xf32, #tpu.memory_space<vmem>>) dst(%dma_wait3A_315 : memref<80xf32, #tpu.memory_space<vmem_shared>>)
      tpu.yield
    }) : () -> ()
    %mul3A_50 = arith.constant 640 : i32
    %mul3A_51 = arith.muli %arg1, %mul3A_50 : i32
    %add3A_52 = arith.constant 400 : i32
    %add3A_53 = arith.addi %mul3A_51, %add3A_52 : i32
    %multiple_of3A_54 = tpu.assume_multiple %add3A_53, 8 : i32
    "tpu.region"() ({
      %run_scoped3A = tpu.sem_alloc : memref<!tpu.dma_semaphore, #tpu.memory_space<semaphore_mem>>
      %dma_start3A_312 = arith.constant 0 : i32
      %dma_start3A_313 = tpu.memref_slice %arg20[%multiple_of3A_54, %dma_start3A_312] : memref<10240x128xf32, #tpu.memory_space<vmem_shared>> -> memref<80x128xf32, #tpu.memory_space<vmem_shared>>
      %dma_start3A_314 = arith.constant 0 : i32
      %dma_start3A_315 = tpu.memref_slice %arg20[%multiple_of3A_54, %dma_start3A_314] : memref<10240x128xf32, #tpu.memory_space<vmem_shared>> -> memref<80x128xf32, #tpu.memory_space<vmem_shared>>
      tpu.enqueue_dma source(%arg15 : memref<80x128xf32, #tpu.memory_space<vmem>>) target(%dma_start3A_315 : memref<80x128xf32, #tpu.memory_space<vmem_shared>>) target_semaphore(%run_scoped3A : memref<!tpu.dma_semaphore, #tpu.memory_space<semaphore_mem>>)
      %dma_wait3A_316 = arith.constant 0 : i32
      %dma_wait3A_317 = tpu.memref_slice %arg20[%multiple_of3A_54, %dma_wait3A_316] : memref<10240x128xf32, #tpu.memory_space<vmem_shared>> -> memref<80x128xf32, #tpu.memory_space<vmem_shared>>
      %dma_wait3A_318 = arith.constant 0 : i32
      %dma_wait3A_319 = tpu.memref_slice %arg20[%multiple_of3A_54, %dma_wait3A_318] : memref<10240x128xf32, #tpu.memory_space<vmem_shared>> -> memref<80x128xf32, #tpu.memory_space<vmem_shared>>
      tpu.wait_dma2 semaphore(%run_scoped3A : memref<!tpu.dma_semaphore, #tpu.memory_space<semaphore_mem>>) src(%arg15 : memref<80x128xf32, #tpu.memory_space<vmem>>) dst(%dma_wait3A_319 : memref<80x128xf32, #tpu.memory_space<vmem_shared>>)
      tpu.yield
    }) : () -> ()
    "tpu.region"() ({
      %run_scoped3A = tpu.sem_alloc : memref<!tpu.dma_semaphore, #tpu.memory_space<semaphore_mem>>
      %dma_start3A_312 = tpu.memref_slice %arg21[%multiple_of3A_54] : memref<10240xf32, #tpu.memory_space<vmem_shared>> -> memref<80xf32, #tpu.memory_space<vmem_shared>>
      %dma_start3A_313 = tpu.memref_slice %arg21[%multiple_of3A_54] : memref<10240xf32, #tpu.memory_space<vmem_shared>> -> memref<80xf32, #tpu.memory_space<vmem_shared>>
      tpu.enqueue_dma source(%arg19 : memref<80xf32, #tpu.memory_space<vmem>>) target(%dma_start3A_313 : memref<80xf32, #tpu.memory_space<vmem_shared>>) target_semaphore(%run_scoped3A : memref<!tpu.dma_semaphore, #tpu.memory_space<semaphore_mem>>)
      %dma_wait3A_314 = tpu.memref_slice %arg21[%multiple_of3A_54] : memref<10240xf32, #tpu.memory_space<vmem_shared>> -> memref<80xf32, #tpu.memory_space<vmem_shared>>
      %dma_wait3A_315 = tpu.memref_slice %arg21[%multiple_of3A_54] : memref<10240xf32, #tpu.memory_space<vmem_shared>> -> memref<80xf32, #tpu.memory_space<vmem_shared>>
      tpu.wait_dma2 semaphore(%run_scoped3A : memref<!tpu.dma_semaphore, #tpu.memory_space<semaphore_mem>>) src(%arg19 : memref<80xf32, #tpu.memory_space<vmem>>) dst(%dma_wait3A_315 : memref<80xf32, #tpu.memory_space<vmem_shared>>)
      tpu.yield
    }) : () -> ()
    %mul3A_55 = arith.constant 640 : i32
    %mul3A_56 = arith.muli %arg1, %mul3A_55 : i32
    %add3A_57 = arith.constant 480 : i32
    %add3A_58 = arith.addi %mul3A_56, %add3A_57 : i32
    %multiple_of3A_59 = tpu.assume_multiple %add3A_58, 8 : i32
    "tpu.region"() ({
      %run_scoped3A = tpu.sem_alloc : memref<!tpu.dma_semaphore, #tpu.memory_space<semaphore_mem>>
      %dma_start3A_312 = arith.constant 0 : i32
      %dma_start3A_313 = tpu.memref_slice %arg20[%multiple_of3A_59, %dma_start3A_312] : memref<10240x128xf32, #tpu.memory_space<vmem_shared>> -> memref<80x128xf32, #tpu.memory_space<vmem_shared>>
      %dma_start3A_314 = arith.constant 0 : i32
      %dma_start3A_315 = tpu.memref_slice %arg20[%multiple_of3A_59, %dma_start3A_314] : memref<10240x128xf32, #tpu.memory_space<vmem_shared>> -> memref<80x128xf32, #tpu.memory_space<vmem_shared>>
      tpu.enqueue_dma source(%arg15 : memref<80x128xf32, #tpu.memory_space<vmem>>) target(%dma_start3A_315 : memref<80x128xf32, #tpu.memory_space<vmem_shared>>) target_semaphore(%run_scoped3A : memref<!tpu.dma_semaphore, #tpu.memory_space<semaphore_mem>>)
      %dma_wait3A_316 = arith.constant 0 : i32
      %dma_wait3A_317 = tpu.memref_slice %arg20[%multiple_of3A_59, %dma_wait3A_316] : memref<10240x128xf32, #tpu.memory_space<vmem_shared>> -> memref<80x128xf32, #tpu.memory_space<vmem_shared>>
      %dma_wait3A_318 = arith.constant 0 : i32
      %dma_wait3A_319 = tpu.memref_slice %arg20[%multiple_of3A_59, %dma_wait3A_318] : memref<10240x128xf32, #tpu.memory_space<vmem_shared>> -> memref<80x128xf32, #tpu.memory_space<vmem_shared>>
      tpu.wait_dma2 semaphore(%run_scoped3A : memref<!tpu.dma_semaphore, #tpu.memory_space<semaphore_mem>>) src(%arg15 : memref<80x128xf32, #tpu.memory_space<vmem>>) dst(%dma_wait3A_319 : memref<80x128xf32, #tpu.memory_space<vmem_shared>>)
      tpu.yield
    }) : () -> ()
    "tpu.region"() ({
      %run_scoped3A = tpu.sem_alloc : memref<!tpu.dma_semaphore, #tpu.memory_space<semaphore_mem>>
      %dma_start3A_312 = tpu.memref_slice %arg21[%multiple_of3A_59] : memref<10240xf32, #tpu.memory_space<vmem_shared>> -> memref<80xf32, #tpu.memory_space<vmem_shared>>
      %dma_start3A_313 = tpu.memref_slice %arg21[%multiple_of3A_59] : memref<10240xf32, #tpu.memory_space<vmem_shared>> -> memref<80xf32, #tpu.memory_space<vmem_shared>>
      tpu.enqueue_dma source(%arg19 : memref<80xf32, #tpu.memory_space<vmem>>) target(%dma_start3A_313 : memref<80xf32, #tpu.memory_space<vmem_shared>>) target_semaphore(%run_scoped3A : memref<!tpu.dma_semaphore, #tpu.memory_space<semaphore_mem>>)
      %dma_wait3A_314 = tpu.memref_slice %arg21[%multiple_of3A_59] : memref<10240xf32, #tpu.memory_space<vmem_shared>> -> memref<80xf32, #tpu.memory_space<vmem_shared>>
      %dma_wait3A_315 = tpu.memref_slice %arg21[%multiple_of3A_59] : memref<10240xf32, #tpu.memory_space<vmem_shared>> -> memref<80xf32, #tpu.memory_space<vmem_shared>>
      tpu.wait_dma2 semaphore(%run_scoped3A : memref<!tpu.dma_semaphore, #tpu.memory_space<semaphore_mem>>) src(%arg19 : memref<80xf32, #tpu.memory_space<vmem>>) dst(%dma_wait3A_315 : memref<80xf32, #tpu.memory_space<vmem_shared>>)
      tpu.yield
    }) : () -> ()
    %mul3A_60 = arith.constant 640 : i32
    %mul3A_61 = arith.muli %arg1, %mul3A_60 : i32
    %add3A_62 = arith.constant 560 : i32
    %add3A_63 = arith.addi %mul3A_61, %add3A_62 : i32
    %multiple_of3A_64 = tpu.assume_multiple %add3A_63, 8 : i32
    "tpu.region"() ({
      %run_scoped3A = tpu.sem_alloc : memref<!tpu.dma_semaphore, #tpu.memory_space<semaphore_mem>>
      %dma_start3A_312 = arith.constant 0 : i32
      %dma_start3A_313 = tpu.memref_slice %arg20[%multiple_of3A_64, %dma_start3A_312] : memref<10240x128xf32, #tpu.memory_space<vmem_shared>> -> memref<80x128xf32, #tpu.memory_space<vmem_shared>>
      %dma_start3A_314 = arith.constant 0 : i32
      %dma_start3A_315 = tpu.memref_slice %arg20[%multiple_of3A_64, %dma_start3A_314] : memref<10240x128xf32, #tpu.memory_space<vmem_shared>> -> memref<80x128xf32, #tpu.memory_space<vmem_shared>>
      tpu.enqueue_dma source(%arg15 : memref<80x128xf32, #tpu.memory_space<vmem>>) target(%dma_start3A_315 : memref<80x128xf32, #tpu.memory_space<vmem_shared>>) target_semaphore(%run_scoped3A : memref<!tpu.dma_semaphore, #tpu.memory_space<semaphore_mem>>)
      %dma_wait3A_316 = arith.constant 0 : i32
      %dma_wait3A_317 = tpu.memref_slice %arg20[%multiple_of3A_64, %dma_wait3A_316] : memref<10240x128xf32, #tpu.memory_space<vmem_shared>> -> memref<80x128xf32, #tpu.memory_space<vmem_shared>>
      %dma_wait3A_318 = arith.constant 0 : i32
      %dma_wait3A_319 = tpu.memref_slice %arg20[%multiple_of3A_64, %dma_wait3A_318] : memref<10240x128xf32, #tpu.memory_space<vmem_shared>> -> memref<80x128xf32, #tpu.memory_space<vmem_shared>>
      tpu.wait_dma2 semaphore(%run_scoped3A : memref<!tpu.dma_semaphore, #tpu.memory_space<semaphore_mem>>) src(%arg15 : memref<80x128xf32, #tpu.memory_space<vmem>>) dst(%dma_wait3A_319 : memref<80x128xf32, #tpu.memory_space<vmem_shared>>)
      tpu.yield
    }) : () -> ()
    "tpu.region"() ({
      %run_scoped3A = tpu.sem_alloc : memref<!tpu.dma_semaphore, #tpu.memory_space<semaphore_mem>>
      %dma_start3A_312 = tpu.memref_slice %arg21[%multiple_of3A_64] : memref<10240xf32, #tpu.memory_space<vmem_shared>> -> memref<80xf32, #tpu.memory_space<vmem_shared>>
      %dma_start3A_313 = tpu.memref_slice %arg21[%multiple_of3A_64] : memref<10240xf32, #tpu.memory_space<vmem_shared>> -> memref<80xf32, #tpu.memory_space<vmem_shared>>
      tpu.enqueue_dma source(%arg19 : memref<80xf32, #tpu.memory_space<vmem>>) target(%dma_start3A_313 : memref<80xf32, #tpu.memory_space<vmem_shared>>) target_semaphore(%run_scoped3A : memref<!tpu.dma_semaphore, #tpu.memory_space<semaphore_mem>>)
      %dma_wait3A_314 = tpu.memref_slice %arg21[%multiple_of3A_64] : memref<10240xf32, #tpu.memory_space<vmem_shared>> -> memref<80xf32, #tpu.memory_space<vmem_shared>>
      %dma_wait3A_315 = tpu.memref_slice %arg21[%multiple_of3A_64] : memref<10240xf32, #tpu.memory_space<vmem_shared>> -> memref<80xf32, #tpu.memory_space<vmem_shared>>
      tpu.wait_dma2 semaphore(%run_scoped3A : memref<!tpu.dma_semaphore, #tpu.memory_space<semaphore_mem>>) src(%arg19 : memref<80xf32, #tpu.memory_space<vmem>>) dst(%dma_wait3A_315 : memref<80xf32, #tpu.memory_space<vmem_shared>>)
      tpu.yield
    }) : () -> ()
    %broadcast_in_dim3A_65 = arith.constant 1.000000e+00 : f32
    %broadcast_in_dim3A_66 = vector.broadcast %broadcast_in_dim3A_65 : f32 to vector<16xf32>
    %swap3A_67 = arith.constant 0 : index
    %swap3A_68 = tpu.vector_load %arg19[%swap3A_67] {strides = array<i32>} : memref<80xf32, #tpu.memory_space<vmem>>, vector<16xf32>,
    %swap3A_69 = vector.shape_cast %swap3A_68 : vector<16xf32> to vector<16xf32>
    %swap3A_70 = vector.shape_cast %broadcast_in_dim3A_66 : vector<16xf32> to vector<16xf32>
    tpu.vector_store %arg19[%swap3A_67], %swap3A_70 {strides = array<i32>} : memref<80xf32, #tpu.memory_space<vmem>>, vector<16xf32>,
    %swap3A_71 = arith.constant 16 : index
    %swap3A_72 = tpu.vector_load %arg19[%swap3A_71] {strides = array<i32>} : memref<80xf32, #tpu.memory_space<vmem>>, vector<16xf32>,
    %swap3A_73 = vector.shape_cast %swap3A_72 : vector<16xf32> to vector<16xf32>
    %swap3A_74 = vector.shape_cast %broadcast_in_dim3A_66 : vector<16xf32> to vector<16xf32>
    tpu.vector_store %arg19[%swap3A_71], %swap3A_74 {strides = array<i32>} : memref<80xf32, #tpu.memory_space<vmem>>, vector<16xf32>,
    %swap3A_75 = arith.constant 32 : index
    %swap3A_76 = tpu.vector_load %arg19[%swap3A_75] {strides = array<i32>} : memref<80xf32, #tpu.memory_space<vmem>>, vector<16xf32>,
    %swap3A_77 = vector.shape_cast %swap3A_76 : vector<16xf32> to vector<16xf32>
    %swap3A_78 = vector.shape_cast %broadcast_in_dim3A_66 : vector<16xf32> to vector<16xf32>
    tpu.vector_store %arg19[%swap3A_75], %swap3A_78 {strides = array<i32>} : memref<80xf32, #tpu.memory_space<vmem>>, vector<16xf32>,
    %swap3A_79 = arith.constant 48 : index
    %swap3A_80 = tpu.vector_load %arg19[%swap3A_79] {strides = array<i32>} : memref<80xf32, #tpu.memory_space<vmem>>, vector<16xf32>,
    %swap3A_81 = vector.shape_cast %swap3A_80 : vector<16xf32> to vector<16xf32>
    %swap3A_82 = vector.shape_cast %broadcast_in_dim3A_66 : vector<16xf32> to vector<16xf32>
    tpu.vector_store %arg19[%swap3A_79], %swap3A_82 {strides = array<i32>} : memref<80xf32, #tpu.memory_space<vmem>>, vector<16xf32>,
    %swap3A_83 = arith.constant 64 : index
    %swap3A_84 = tpu.vector_load %arg19[%swap3A_83] {strides = array<i32>} : memref<80xf32, #tpu.memory_space<vmem>>, vector<16xf32>,
    %swap3A_85 = vector.shape_cast %swap3A_84 : vector<16xf32> to vector<16xf32>
    %swap3A_86 = vector.shape_cast %broadcast_in_dim3A_66 : vector<16xf32> to vector<16xf32>
    tpu.vector_store %arg19[%swap3A_83], %swap3A_86 {strides = array<i32>} : memref<80xf32, #tpu.memory_space<vmem>>, vector<16xf32>,
    %barrier3A = arith.constant 0 : index
    tpu.barrier barrier_id(%barrier3A)
    %mul3A_87 = arith.constant 20000 : i32
    %mul3A_88 = arith.muli %add3A, %mul3A_87 : i32
    %add3A_89 = arith.constant 0 : i32
    %add3A_90 = arith.addi %mul3A_88, %add3A_89 : i32
    %multiple_of3A_91 = tpu.assume_multiple %add3A_90, 8 : i32
    "tpu.region"() ({
      %run_scoped3A = tpu.sem_alloc : memref<!tpu.dma_semaphore, #tpu.memory_space<semaphore_mem>>
      %dma_start3A_312 = tpu.memref_slice %arg3[%multiple_of3A_91] : memref<640000xi32, #tpu.memory_space<hbm>> -> memref<80xi32, #tpu.memory_space<hbm>>
      %dma_start3A_313 = tpu.memref_slice %arg3[%multiple_of3A_91] : memref<640000xi32, #tpu.memory_space<hbm>> -> memref<80xi32, #tpu.memory_space<hbm>>
      tpu.enqueue_dma source(%dma_start3A_313 : memref<80xi32, #tpu.memory_space<hbm>>) target(%arg7 : memref<80xi32, #tpu.memory_space<vmem>>) target_semaphore(%run_scoped3A : memref<!tpu.dma_semaphore, #tpu.memory_space<semaphore_mem>>)
      %dma_wait3A_314 = tpu.memref_slice %arg3[%multiple_of3A_91] : memref<640000xi32, #tpu.memory_space<hbm>> -> memref<80xi32, #tpu.memory_space<hbm>>
      %dma_wait3A_315 = tpu.memref_slice %arg3[%multiple_of3A_91] : memref<640000xi32, #tpu.memory_space<hbm>> -> memref<80xi32, #tpu.memory_space<hbm>>
      tpu.wait_dma2 semaphore(%run_scoped3A : memref<!tpu.dma_semaphore, #tpu.memory_space<semaphore_mem>>) src(%dma_wait3A_315 : memref<80xi32, #tpu.memory_space<hbm>>) dst(%arg7 : memref<80xi32, #tpu.memory_space<vmem>>)
      tpu.yield
    }) : () -> ()
    "tpu.region"() ({
      %run_scoped3A = tpu.sem_alloc : memref<!tpu.dma_semaphore, #tpu.memory_space<semaphore_mem>>
      %dma_start3A_312 = tpu.memref_slice %arg4[%multiple_of3A_91] : memref<640000xi32, #tpu.memory_space<hbm>> -> memref<80xi32, #tpu.memory_space<hbm>>
      %dma_start3A_313 = tpu.memref_slice %arg4[%multiple_of3A_91] : memref<640000xi32, #tpu.memory_space<hbm>> -> memref<80xi32, #tpu.memory_space<hbm>>
      tpu.enqueue_dma source(%dma_start3A_313 : memref<80xi32, #tpu.memory_space<hbm>>) target(%arg11 : memref<80xi32, #tpu.memory_space<vmem>>) target_semaphore(%run_scoped3A : memref<!tpu.dma_semaphore, #tpu.memory_space<semaphore_mem>>)
      %dma_wait3A_314 = tpu.memref_slice %arg4[%multiple_of3A_91] : memref<640000xi32, #tpu.memory_space<hbm>> -> memref<80xi32, #tpu.memory_space<hbm>>
      %dma_wait3A_315 = tpu.memref_slice %arg4[%multiple_of3A_91] : memref<640000xi32, #tpu.memory_space<hbm>> -> memref<80xi32, #tpu.memory_space<hbm>>
      tpu.wait_dma2 semaphore(%run_scoped3A : memref<!tpu.dma_semaphore, #tpu.memory_space<semaphore_mem>>) src(%dma_wait3A_315 : memref<80xi32, #tpu.memory_space<hbm>>) dst(%arg11 : memref<80xi32, #tpu.memory_space<vmem>>)
      tpu.yield
    }) : () -> ()
    %dma_start3A = arith.constant 0 : i32
    %dma_start3A_92 = arith.constant 0 : i32
    %dma_start3A_93 = tpu.memref_slice %arg2[%dma_start3A, %dma_start3A_92] : memref<10240x128xf32, #tpu.memory_space<hbm>> -> memref<10240x128xf32, #tpu.memory_space<hbm>>
    tpu.enqueue_indirect_dma source(%dma_start3A_93 : memref<10240x128xf32, #tpu.memory_space<hbm>>) target(%arg15 : memref<80x128xf32, #tpu.memory_space<vmem>>) offsets(%arg7 : memref<80xi32, #tpu.memory_space<vmem>>) semaphore(%arg22 : memref<!tpu.dma_semaphore, #tpu.memory_space<semaphore_mem>>)
    %add3A_94 = arith.constant 80 : i32
    %add3A_95 = arith.addi %mul3A_88, %add3A_94 : i32
    %multiple_of3A_96 = tpu.assume_multiple %add3A_95, 8 : i32
    "tpu.region"() ({
      %run_scoped3A = tpu.sem_alloc : memref<!tpu.dma_semaphore, #tpu.memory_space<semaphore_mem>>
      %dma_start3A_312 = tpu.memref_slice %arg3[%multiple_of3A_96] : memref<640000xi32, #tpu.memory_space<hbm>> -> memref<80xi32, #tpu.memory_space<hbm>>
      %dma_start3A_313 = tpu.memref_slice %arg3[%multiple_of3A_96] : memref<640000xi32, #tpu.memory_space<hbm>> -> memref<80xi32, #tpu.memory_space<hbm>>
      tpu.enqueue_dma source(%dma_start3A_313 : memref<80xi32, #tpu.memory_space<hbm>>) target(%arg8 : memref<80xi32, #tpu.memory_space<vmem>>) target_semaphore(%run_scoped3A : memref<!tpu.dma_semaphore, #tpu.memory_space<semaphore_mem>>)
      %dma_wait3A_314 = tpu.memref_slice %arg3[%multiple_of3A_96] : memref<640000xi32, #tpu.memory_space<hbm>> -> memref<80xi32, #tpu.memory_space<hbm>>
      %dma_wait3A_315 = tpu.memref_slice %arg3[%multiple_of3A_96] : memref<640000xi32, #tpu.memory_space<hbm>> -> memref<80xi32, #tpu.memory_space<hbm>>
      tpu.wait_dma2 semaphore(%run_scoped3A : memref<!tpu.dma_semaphore, #tpu.memory_space<semaphore_mem>>) src(%dma_wait3A_315 : memref<80xi32, #tpu.memory_space<hbm>>) dst(%arg8 : memref<80xi32, #tpu.memory_space<vmem>>)
      tpu.yield
    }) : () -> ()
    "tpu.region"() ({
      %run_scoped3A = tpu.sem_alloc : memref<!tpu.dma_semaphore, #tpu.memory_space<semaphore_mem>>
      %dma_start3A_312 = tpu.memref_slice %arg4[%multiple_of3A_96] : memref<640000xi32, #tpu.memory_space<hbm>> -> memref<80xi32, #tpu.memory_space<hbm>>
      %dma_start3A_313 = tpu.memref_slice %arg4[%multiple_of3A_96] : memref<640000xi32, #tpu.memory_space<hbm>> -> memref<80xi32, #tpu.memory_space<hbm>>
      tpu.enqueue_dma source(%dma_start3A_313 : memref<80xi32, #tpu.memory_space<hbm>>) target(%arg12 : memref<80xi32, #tpu.memory_space<vmem>>) target_semaphore(%run_scoped3A : memref<!tpu.dma_semaphore, #tpu.memory_space<semaphore_mem>>)
      %dma_wait3A_314 = tpu.memref_slice %arg4[%multiple_of3A_96] : memref<640000xi32, #tpu.memory_space<hbm>> -> memref<80xi32, #tpu.memory_space<hbm>>
      %dma_wait3A_315 = tpu.memref_slice %arg4[%multiple_of3A_96] : memref<640000xi32, #tpu.memory_space<hbm>> -> memref<80xi32, #tpu.memory_space<hbm>>
      tpu.wait_dma2 semaphore(%run_scoped3A : memref<!tpu.dma_semaphore, #tpu.memory_space<semaphore_mem>>) src(%dma_wait3A_315 : memref<80xi32, #tpu.memory_space<hbm>>) dst(%arg12 : memref<80xi32, #tpu.memory_space<vmem>>)
      tpu.yield
    }) : () -> ()
    %dma_start3A_97 = arith.constant 0 : i32
    %dma_start3A_98 = arith.constant 0 : i32
    %dma_start3A_99 = tpu.memref_slice %arg2[%dma_start3A_97, %dma_start3A_98] : memref<10240x128xf32, #tpu.memory_space<hbm>> -> memref<10240x128xf32, #tpu.memory_space<hbm>>
    tpu.enqueue_indirect_dma source(%dma_start3A_99 : memref<10240x128xf32, #tpu.memory_space<hbm>>) target(%arg16 : memref<80x128xf32, #tpu.memory_space<vmem>>) offsets(%arg8 : memref<80xi32, #tpu.memory_space<vmem>>) semaphore(%arg23 : memref<!tpu.dma_semaphore, #tpu.memory_space<semaphore_mem>>)
    %add3A_100 = arith.constant 160 : i32
    %add3A_101 = arith.addi %mul3A_88, %add3A_100 : i32
    %multiple_of3A_102 = tpu.assume_multiple %add3A_101, 8 : i32
    "tpu.region"() ({
      %run_scoped3A = tpu.sem_alloc : memref<!tpu.dma_semaphore, #tpu.memory_space<semaphore_mem>>
      %dma_start3A_312 = tpu.memref_slice %arg3[%multiple_of3A_102] : memref<640000xi32, #tpu.memory_space<hbm>> -> memref<80xi32, #tpu.memory_space<hbm>>
      %dma_start3A_313 = tpu.memref_slice %arg3[%multiple_of3A_102] : memref<640000xi32, #tpu.memory_space<hbm>> -> memref<80xi32, #tpu.memory_space<hbm>>
      tpu.enqueue_dma source(%dma_start3A_313 : memref<80xi32, #tpu.memory_space<hbm>>) target(%arg9 : memref<80xi32, #tpu.memory_space<vmem>>) target_semaphore(%run_scoped3A : memref<!tpu.dma_semaphore, #tpu.memory_space<semaphore_mem>>)
      %dma_wait3A_314 = tpu.memref_slice %arg3[%multiple_of3A_102] : memref<640000xi32, #tpu.memory_space<hbm>> -> memref<80xi32, #tpu.memory_space<hbm>>
      %dma_wait3A_315 = tpu.memref_slice %arg3[%multiple_of3A_102] : memref<640000xi32, #tpu.memory_space<hbm>> -> memref<80xi32, #tpu.memory_space<hbm>>
      tpu.wait_dma2 semaphore(%run_scoped3A : memref<!tpu.dma_semaphore, #tpu.memory_space<semaphore_mem>>) src(%dma_wait3A_315 : memref<80xi32, #tpu.memory_space<hbm>>) dst(%arg9 : memref<80xi32, #tpu.memory_space<vmem>>)
      tpu.yield
    }) : () -> ()
    "tpu.region"() ({
      %run_scoped3A = tpu.sem_alloc : memref<!tpu.dma_semaphore, #tpu.memory_space<semaphore_mem>>
      %dma_start3A_312 = tpu.memref_slice %arg4[%multiple_of3A_102] : memref<640000xi32, #tpu.memory_space<hbm>> -> memref<80xi32, #tpu.memory_space<hbm>>
      %dma_start3A_313 = tpu.memref_slice %arg4[%multiple_of3A_102] : memref<640000xi32, #tpu.memory_space<hbm>> -> memref<80xi32, #tpu.memory_space<hbm>>
      tpu.enqueue_dma source(%dma_start3A_313 : memref<80xi32, #tpu.memory_space<hbm>>) target(%arg13 : memref<80xi32, #tpu.memory_space<vmem>>) target_semaphore(%run_scoped3A : memref<!tpu.dma_semaphore, #tpu.memory_space<semaphore_mem>>)
      %dma_wait3A_314 = tpu.memref_slice %arg4[%multiple_of3A_102] : memref<640000xi32, #tpu.memory_space<hbm>> -> memref<80xi32, #tpu.memory_space<hbm>>
      %dma_wait3A_315 = tpu.memref_slice %arg4[%multiple_of3A_102] : memref<640000xi32, #tpu.memory_space<hbm>> -> memref<80xi32, #tpu.memory_space<hbm>>
      tpu.wait_dma2 semaphore(%run_scoped3A : memref<!tpu.dma_semaphore, #tpu.memory_space<semaphore_mem>>) src(%dma_wait3A_315 : memref<80xi32, #tpu.memory_space<hbm>>) dst(%arg13 : memref<80xi32, #tpu.memory_space<vmem>>)
      tpu.yield
    }) : () -> ()
    %dma_start3A_103 = arith.constant 0 : i32
    %dma_start3A_104 = arith.constant 0 : i32
    %dma_start3A_105 = tpu.memref_slice %arg2[%dma_start3A_103, %dma_start3A_104] : memref<10240x128xf32, #tpu.memory_space<hbm>> -> memref<10240x128xf32, #tpu.memory_space<hbm>>
    tpu.enqueue_indirect_dma source(%dma_start3A_105 : memref<10240x128xf32, #tpu.memory_space<hbm>>) target(%arg17 : memref<80x128xf32, #tpu.memory_space<vmem>>) offsets(%arg9 : memref<80xi32, #tpu.memory_space<vmem>>) semaphore(%arg24 : memref<!tpu.dma_semaphore, #tpu.memory_space<semaphore_mem>>)
    %add3A_106 = arith.constant 240 : i32
    %add3A_107 = arith.addi %mul3A_88, %add3A_106 : i32
    %multiple_of3A_108 = tpu.assume_multiple %add3A_107, 8 : i32
    "tpu.region"() ({
      %run_scoped3A = tpu.sem_alloc : memref<!tpu.dma_semaphore, #tpu.memory_space<semaphore_mem>>
      %dma_start3A_312 = tpu.memref_slice %arg3[%multiple_of3A_108] : memref<640000xi32, #tpu.memory_space<hbm>> -> memref<80xi32, #tpu.memory_space<hbm>>
      %dma_start3A_313 = tpu.memref_slice %arg3[%multiple_of3A_108] : memref<640000xi32, #tpu.memory_space<hbm>> -> memref<80xi32, #tpu.memory_space<hbm>>
      tpu.enqueue_dma source(%dma_start3A_313 : memref<80xi32, #tpu.memory_space<hbm>>) target(%arg10 : memref<80xi32, #tpu.memory_space<vmem>>) target_semaphore(%run_scoped3A : memref<!tpu.dma_semaphore, #tpu.memory_space<semaphore_mem>>)
      %dma_wait3A_314 = tpu.memref_slice %arg3[%multiple_of3A_108] : memref<640000xi32, #tpu.memory_space<hbm>> -> memref<80xi32, #tpu.memory_space<hbm>>
      %dma_wait3A_315 = tpu.memref_slice %arg3[%multiple_of3A_108] : memref<640000xi32, #tpu.memory_space<hbm>> -> memref<80xi32, #tpu.memory_space<hbm>>
      tpu.wait_dma2 semaphore(%run_scoped3A : memref<!tpu.dma_semaphore, #tpu.memory_space<semaphore_mem>>) src(%dma_wait3A_315 : memref<80xi32, #tpu.memory_space<hbm>>) dst(%arg10 : memref<80xi32, #tpu.memory_space<vmem>>)
      tpu.yield
    }) : () -> ()
    "tpu.region"() ({
      %run_scoped3A = tpu.sem_alloc : memref<!tpu.dma_semaphore, #tpu.memory_space<semaphore_mem>>
      %dma_start3A_312 = tpu.memref_slice %arg4[%multiple_of3A_108] : memref<640000xi32, #tpu.memory_space<hbm>> -> memref<80xi32, #tpu.memory_space<hbm>>
      %dma_start3A_313 = tpu.memref_slice %arg4[%multiple_of3A_108] : memref<640000xi32, #tpu.memory_space<hbm>> -> memref<80xi32, #tpu.memory_space<hbm>>
      tpu.enqueue_dma source(%dma_start3A_313 : memref<80xi32, #tpu.memory_space<hbm>>) target(%arg14 : memref<80xi32, #tpu.memory_space<vmem>>) target_semaphore(%run_scoped3A : memref<!tpu.dma_semaphore, #tpu.memory_space<semaphore_mem>>)
      %dma_wait3A_314 = tpu.memref_slice %arg4[%multiple_of3A_108] : memref<640000xi32, #tpu.memory_space<hbm>> -> memref<80xi32, #tpu.memory_space<hbm>>
      %dma_wait3A_315 = tpu.memref_slice %arg4[%multiple_of3A_108] : memref<640000xi32, #tpu.memory_space<hbm>> -> memref<80xi32, #tpu.memory_space<hbm>>
      tpu.wait_dma2 semaphore(%run_scoped3A : memref<!tpu.dma_semaphore, #tpu.memory_space<semaphore_mem>>) src(%dma_wait3A_315 : memref<80xi32, #tpu.memory_space<hbm>>) dst(%arg14 : memref<80xi32, #tpu.memory_space<vmem>>)
      tpu.yield
    }) : () -> ()
    %dma_start3A_109 = arith.constant 0 : i32
    %dma_start3A_110 = arith.constant 0 : i32
    %dma_start3A_111 = tpu.memref_slice %arg2[%dma_start3A_109, %dma_start3A_110] : memref<10240x128xf32, #tpu.memory_space<hbm>> -> memref<10240x128xf32, #tpu.memory_space<hbm>>
    tpu.enqueue_indirect_dma source(%dma_start3A_111 : memref<10240x128xf32, #tpu.memory_space<hbm>>) target(%arg18 : memref<80x128xf32, #tpu.memory_space<vmem>>) offsets(%arg10 : memref<80xi32, #tpu.memory_space<vmem>>) semaphore(%arg25 : memref<!tpu.dma_semaphore, #tpu.memory_space<semaphore_mem>>)
    %scan3A_112 = arith.constant 0 : i32
    %scan3A_113 = arith.constant 0 : i32
    %scan3A_114 = arith.constant 61 : i32
    %scan3A_115 = arith.addi %scan3A_113, %scan3A_114 : i32
    %scan3A_116 = arith.constant 1 : i32
    scf.for %scan3A_312 = %scan3A_113 to %scan3A_115 step %scan3A_116  : i32 {
      %dma_wait3A_313 = arith.constant 0 : i32
      %dma_wait3A_314 = arith.constant 0 : i32
      %dma_wait3A_315 = tpu.memref_slice %arg2[%dma_wait3A_313, %dma_wait3A_314] : memref<10240x128xf32, #tpu.memory_space<hbm>> -> memref<10240x128xf32, #tpu.memory_space<hbm>>
      tpu.wait_indirect_dma semaphore(%arg22 : memref<!tpu.dma_semaphore, #tpu.memory_space<semaphore_mem>>) src(%dma_wait3A_315 : memref<10240x128xf32, #tpu.memory_space<hbm>>) dst(%arg15 : memref<80x128xf32, #tpu.memory_space<vmem>>)
      %dma_start3A_316 = arith.constant 0 : i32
      %dma_start3A_317 = arith.constant 0 : i32
      %dma_start3A_318 = tpu.memref_slice %arg20[%dma_start3A_316, %dma_start3A_317] : memref<10240x128xf32, #tpu.memory_space<vmem_shared>> -> memref<10240x128xf32, #tpu.memory_space<vmem_shared>>
      tpu.enqueue_indirect_dma source(%arg15 : memref<80x128xf32, #tpu.memory_space<vmem>>) target(%dma_start3A_318 : memref<10240x128xf32, #tpu.memory_space<vmem_shared>>) offsets(%arg11 : memref<80xi32, #tpu.memory_space<vmem>>) semaphore(%arg26 : memref<!tpu.dma_semaphore, #tpu.memory_space<semaphore_mem>>) {add = true}
      %dma_start3A_319 = arith.constant 0 : i32
      %dma_start3A_320 = tpu.memref_slice %arg21[%dma_start3A_319] : memref<10240xf32, #tpu.memory_space<vmem_shared>> -> memref<10240xf32, #tpu.memory_space<vmem_shared>>
      tpu.enqueue_indirect_dma source(%arg19 : memref<80xf32, #tpu.memory_space<vmem>>) target(%dma_start3A_320 : memref<10240xf32, #tpu.memory_space<vmem_shared>>) offsets(%arg11 : memref<80xi32, #tpu.memory_space<vmem>>) semaphore(%arg26 : memref<!tpu.dma_semaphore, #tpu.memory_space<semaphore_mem>>) {add = true}
      %dma_wait3A_321 = arith.constant 0 : i32
      %dma_wait3A_322 = arith.constant 0 : i32
      %dma_wait3A_323 = tpu.memref_slice %arg20[%dma_wait3A_321, %dma_wait3A_322] : memref<10240x128xf32, #tpu.memory_space<vmem_shared>> -> memref<10240x128xf32, #tpu.memory_space<vmem_shared>>
      tpu.wait_indirect_dma semaphore(%arg26 : memref<!tpu.dma_semaphore, #tpu.memory_space<semaphore_mem>>) src(%arg15 : memref<80x128xf32, #tpu.memory_space<vmem>>) dst(%dma_wait3A_323 : memref<10240x128xf32, #tpu.memory_space<vmem_shared>>)
      %dma_wait3A_324 = arith.constant 0 : i32
      %dma_wait3A_325 = tpu.memref_slice %arg21[%dma_wait3A_324] : memref<10240xf32, #tpu.memory_space<vmem_shared>> -> memref<10240xf32, #tpu.memory_space<vmem_shared>>
      tpu.wait_indirect_dma semaphore(%arg26 : memref<!tpu.dma_semaphore, #tpu.memory_space<semaphore_mem>>) src(%arg19 : memref<80xf32, #tpu.memory_space<vmem>>) dst(%dma_wait3A_325 : memref<10240xf32, #tpu.memory_space<vmem_shared>>)
      %mul3A_326 = arith.constant 4 : i32
      %mul3A_327 = arith.muli %mul3A_326, %scan3A_312 : i32
      %add3A_328 = arith.constant 0 : i32
      %add3A_329 = arith.addi %mul3A_327, %add3A_328 : i32
      %add3A_330 = arith.constant 4 : i32
      %add3A_331 = arith.addi %add3A_329, %add3A_330 : i32
      %mul3A_332 = arith.constant 80 : i32
      %mul3A_333 = arith.muli %add3A_331, %mul3A_332 : i32
      %add3A_334 = arith.addi %mul3A_88, %mul3A_333 : i32
      %multiple_of3A_335 = tpu.assume_multiple %add3A_334, 8 : i32
      "tpu.region"() ({
        %run_scoped3A = tpu.sem_alloc : memref<!tpu.dma_semaphore, #tpu.memory_space<semaphore_mem>>
        %dma_start3A_417 = tpu.memref_slice %arg3[%multiple_of3A_335] : memref<640000xi32, #tpu.memory_space<hbm>> -> memref<80xi32, #tpu.memory_space<hbm>>
        %dma_start3A_418 = tpu.memref_slice %arg3[%multiple_of3A_335] : memref<640000xi32, #tpu.memory_space<hbm>> -> memref<80xi32, #tpu.memory_space<hbm>>
        tpu.enqueue_dma source(%dma_start3A_418 : memref<80xi32, #tpu.memory_space<hbm>>) target(%arg7 : memref<80xi32, #tpu.memory_space<vmem>>) target_semaphore(%run_scoped3A : memref<!tpu.dma_semaphore, #tpu.memory_space<semaphore_mem>>)
        %dma_wait3A_419 = tpu.memref_slice %arg3[%multiple_of3A_335] : memref<640000xi32, #tpu.memory_space<hbm>> -> memref<80xi32, #tpu.memory_space<hbm>>
        %dma_wait3A_420 = tpu.memref_slice %arg3[%multiple_of3A_335] : memref<640000xi32, #tpu.memory_space<hbm>> -> memref<80xi32, #tpu.memory_space<hbm>>
        tpu.wait_dma2 semaphore(%run_scoped3A : memref<!tpu.dma_semaphore, #tpu.memory_space<semaphore_mem>>) src(%dma_wait3A_420 : memref<80xi32, #tpu.memory_space<hbm>>) dst(%arg7 : memref<80xi32, #tpu.memory_space<vmem>>)
        tpu.yield
      }) : () -> ()
      "tpu.region"() ({
        %run_scoped3A = tpu.sem_alloc : memref<!tpu.dma_semaphore, #tpu.memory_space<semaphore_mem>>
        %dma_start3A_417 = tpu.memref_slice %arg4[%multiple_of3A_335] : memref<640000xi32, #tpu.memory_space<hbm>> -> memref<80xi32, #tpu.memory_space<hbm>>
        %dma_start3A_418 = tpu.memref_slice %arg4[%multiple_of3A_335] : memref<640000xi32, #tpu.memory_space<hbm>> -> memref<80xi32, #tpu.memory_space<hbm>>
        tpu.enqueue_dma source(%dma_start3A_418 : memref<80xi32, #tpu.memory_space<hbm>>) target(%arg11 : memref<80xi32, #tpu.memory_space<vmem>>) target_semaphore(%run_scoped3A : memref<!tpu.dma_semaphore, #tpu.memory_space<semaphore_mem>>)
        %dma_wait3A_419 = tpu.memref_slice %arg4[%multiple_of3A_335] : memref<640000xi32, #tpu.memory_space<hbm>> -> memref<80xi32, #tpu.memory_space<hbm>>
        %dma_wait3A_420 = tpu.memref_slice %arg4[%multiple_of3A_335] : memref<640000xi32, #tpu.memory_space<hbm>> -> memref<80xi32, #tpu.memory_space<hbm>>
        tpu.wait_dma2 semaphore(%run_scoped3A : memref<!tpu.dma_semaphore, #tpu.memory_space<semaphore_mem>>) src(%dma_wait3A_420 : memref<80xi32, #tpu.memory_space<hbm>>) dst(%arg11 : memref<80xi32, #tpu.memory_space<vmem>>)
        tpu.yield
      }) : () -> ()
      %dma_start3A_336 = arith.constant 0 : i32
      %dma_start3A_337 = arith.constant 0 : i32
      %dma_start3A_338 = tpu.memref_slice %arg2[%dma_start3A_336, %dma_start3A_337] : memref<10240x128xf32, #tpu.memory_space<hbm>> -> memref<10240x128xf32, #tpu.memory_space<hbm>>
      tpu.enqueue_indirect_dma source(%dma_start3A_338 : memref<10240x128xf32, #tpu.memory_space<hbm>>) target(%arg15 : memref<80x128xf32, #tpu.memory_space<vmem>>) offsets(%arg7 : memref<80xi32, #tpu.memory_space<vmem>>) semaphore(%arg22 : memref<!tpu.dma_semaphore, #tpu.memory_space<semaphore_mem>>)
      %dma_wait3A_339 = arith.constant 0 : i32
      %dma_wait3A_340 = arith.constant 0 : i32
      %dma_wait3A_341 = tpu.memref_slice %arg2[%dma_wait3A_339, %dma_wait3A_340] : memref<10240x128xf32, #tpu.memory_space<hbm>> -> memref<10240x128xf32, #tpu.memory_space<hbm>>
      tpu.wait_indirect_dma semaphore(%arg23 : memref<!tpu.dma_semaphore, #tpu.memory_space<semaphore_mem>>) src(%dma_wait3A_341 : memref<10240x128xf32, #tpu.memory_space<hbm>>) dst(%arg16 : memref<80x128xf32, #tpu.memory_space<vmem>>)
      %dma_start3A_342 = arith.constant 0 : i32
      %dma_start3A_343 = arith.constant 0 : i32
      %dma_start3A_344 = tpu.memref_slice %arg20[%dma_start3A_342, %dma_start3A_343] : memref<10240x128xf32, #tpu.memory_space<vmem_shared>> -> memref<10240x128xf32, #tpu.memory_space<vmem_shared>>
      tpu.enqueue_indirect_dma source(%arg16 : memref<80x128xf32, #tpu.memory_space<vmem>>) target(%dma_start3A_344 : memref<10240x128xf32, #tpu.memory_space<vmem_shared>>) offsets(%arg12 : memref<80xi32, #tpu.memory_space<vmem>>) semaphore(%arg27 : memref<!tpu.dma_semaphore, #tpu.memory_space<semaphore_mem>>) {add = true}
      %dma_start3A_345 = arith.constant 0 : i32
      %dma_start3A_346 = tpu.memref_slice %arg21[%dma_start3A_345] : memref<10240xf32, #tpu.memory_space<vmem_shared>> -> memref<10240xf32, #tpu.memory_space<vmem_shared>>
      tpu.enqueue_indirect_dma source(%arg19 : memref<80xf32, #tpu.memory_space<vmem>>) target(%dma_start3A_346 : memref<10240xf32, #tpu.memory_space<vmem_shared>>) offsets(%arg12 : memref<80xi32, #tpu.memory_space<vmem>>) semaphore(%arg27 : memref<!tpu.dma_semaphore, #tpu.memory_space<semaphore_mem>>) {add = true}
      %dma_wait3A_347 = arith.constant 0 : i32
      %dma_wait3A_348 = arith.constant 0 : i32
      %dma_wait3A_349 = tpu.memref_slice %arg20[%dma_wait3A_347, %dma_wait3A_348] : memref<10240x128xf32, #tpu.memory_space<vmem_shared>> -> memref<10240x128xf32, #tpu.memory_space<vmem_shared>>
      tpu.wait_indirect_dma semaphore(%arg27 : memref<!tpu.dma_semaphore, #tpu.memory_space<semaphore_mem>>) src(%arg16 : memref<80x128xf32, #tpu.memory_space<vmem>>) dst(%dma_wait3A_349 : memref<10240x128xf32, #tpu.memory_space<vmem_shared>>)
      %dma_wait3A_350 = arith.constant 0 : i32
      %dma_wait3A_351 = tpu.memref_slice %arg21[%dma_wait3A_350] : memref<10240xf32, #tpu.memory_space<vmem_shared>> -> memref<10240xf32, #tpu.memory_space<vmem_shared>>
      tpu.wait_indirect_dma semaphore(%arg27 : memref<!tpu.dma_semaphore, #tpu.memory_space<semaphore_mem>>) src(%arg19 : memref<80xf32, #tpu.memory_space<vmem>>) dst(%dma_wait3A_351 : memref<10240xf32, #tpu.memory_space<vmem_shared>>)
      %mul3A_352 = arith.constant 4 : i32
      %mul3A_353 = arith.muli %mul3A_352, %scan3A_312 : i32
      %add3A_354 = arith.constant 1 : i32
      %add3A_355 = arith.addi %mul3A_353, %add3A_354 : i32
      %add3A_356 = arith.constant 4 : i32
      %add3A_357 = arith.addi %add3A_355, %add3A_356 : i32
      %mul3A_358 = arith.constant 80 : i32
      %mul3A_359 = arith.muli %add3A_357, %mul3A_358 : i32
      %add3A_360 = arith.addi %mul3A_88, %mul3A_359 : i32
      %multiple_of3A_361 = tpu.assume_multiple %add3A_360, 8 : i32
      "tpu.region"() ({
        %run_scoped3A = tpu.sem_alloc : memref<!tpu.dma_semaphore, #tpu.memory_space<semaphore_mem>>
        %dma_start3A_417 = tpu.memref_slice %arg3[%multiple_of3A_361] : memref<640000xi32, #tpu.memory_space<hbm>> -> memref<80xi32, #tpu.memory_space<hbm>>
        %dma_start3A_418 = tpu.memref_slice %arg3[%multiple_of3A_361] : memref<640000xi32, #tpu.memory_space<hbm>> -> memref<80xi32, #tpu.memory_space<hbm>>
        tpu.enqueue_dma source(%dma_start3A_418 : memref<80xi32, #tpu.memory_space<hbm>>) target(%arg8 : memref<80xi32, #tpu.memory_space<vmem>>) target_semaphore(%run_scoped3A : memref<!tpu.dma_semaphore, #tpu.memory_space<semaphore_mem>>)
        %dma_wait3A_419 = tpu.memref_slice %arg3[%multiple_of3A_361] : memref<640000xi32, #tpu.memory_space<hbm>> -> memref<80xi32, #tpu.memory_space<hbm>>
        %dma_wait3A_420 = tpu.memref_slice %arg3[%multiple_of3A_361] : memref<640000xi32, #tpu.memory_space<hbm>> -> memref<80xi32, #tpu.memory_space<hbm>>
        tpu.wait_dma2 semaphore(%run_scoped3A : memref<!tpu.dma_semaphore, #tpu.memory_space<semaphore_mem>>) src(%dma_wait3A_420 : memref<80xi32, #tpu.memory_space<hbm>>) dst(%arg8 : memref<80xi32, #tpu.memory_space<vmem>>)
        tpu.yield
      }) : () -> ()
      "tpu.region"() ({
        %run_scoped3A = tpu.sem_alloc : memref<!tpu.dma_semaphore, #tpu.memory_space<semaphore_mem>>
        %dma_start3A_417 = tpu.memref_slice %arg4[%multiple_of3A_361] : memref<640000xi32, #tpu.memory_space<hbm>> -> memref<80xi32, #tpu.memory_space<hbm>>
        %dma_start3A_418 = tpu.memref_slice %arg4[%multiple_of3A_361] : memref<640000xi32, #tpu.memory_space<hbm>> -> memref<80xi32, #tpu.memory_space<hbm>>
        tpu.enqueue_dma source(%dma_start3A_418 : memref<80xi32, #tpu.memory_space<hbm>>) target(%arg12 : memref<80xi32, #tpu.memory_space<vmem>>) target_semaphore(%run_scoped3A : memref<!tpu.dma_semaphore, #tpu.memory_space<semaphore_mem>>)
        %dma_wait3A_419 = tpu.memref_slice %arg4[%multiple_of3A_361] : memref<640000xi32, #tpu.memory_space<hbm>> -> memref<80xi32, #tpu.memory_space<hbm>>
        %dma_wait3A_420 = tpu.memref_slice %arg4[%multiple_of3A_361] : memref<640000xi32, #tpu.memory_space<hbm>> -> memref<80xi32, #tpu.memory_space<hbm>>
        tpu.wait_dma2 semaphore(%run_scoped3A : memref<!tpu.dma_semaphore, #tpu.memory_space<semaphore_mem>>) src(%dma_wait3A_420 : memref<80xi32, #tpu.memory_space<hbm>>) dst(%arg12 : memref<80xi32, #tpu.memory_space<vmem>>)
        tpu.yield
      }) : () -> ()
      %dma_start3A_362 = arith.constant 0 : i32
      %dma_start3A_363 = arith.constant 0 : i32
      %dma_start3A_364 = tpu.memref_slice %arg2[%dma_start3A_362, %dma_start3A_363] : memref<10240x128xf32, #tpu.memory_space<hbm>> -> memref<10240x128xf32, #tpu.memory_space<hbm>>
      tpu.enqueue_indirect_dma source(%dma_start3A_364 : memref<10240x128xf32, #tpu.memory_space<hbm>>) target(%arg16 : memref<80x128xf32, #tpu.memory_space<vmem>>) offsets(%arg8 : memref<80xi32, #tpu.memory_space<vmem>>) semaphore(%arg23 : memref<!tpu.dma_semaphore, #tpu.memory_space<semaphore_mem>>)
      %dma_wait3A_365 = arith.constant 0 : i32
      %dma_wait3A_366 = arith.constant 0 : i32
      %dma_wait3A_367 = tpu.memref_slice %arg2[%dma_wait3A_365, %dma_wait3A_366] : memref<10240x128xf32, #tpu.memory_space<hbm>> -> memref<10240x128xf32, #tpu.memory_space<hbm>>
      tpu.wait_indirect_dma semaphore(%arg24 : memref<!tpu.dma_semaphore, #tpu.memory_space<semaphore_mem>>) src(%dma_wait3A_367 : memref<10240x128xf32, #tpu.memory_space<hbm>>) dst(%arg17 : memref<80x128xf32, #tpu.memory_space<vmem>>)
      %dma_start3A_368 = arith.constant 0 : i32
      %dma_start3A_369 = arith.constant 0 : i32
      %dma_start3A_370 = tpu.memref_slice %arg20[%dma_start3A_368, %dma_start3A_369] : memref<10240x128xf32, #tpu.memory_space<vmem_shared>> -> memref<10240x128xf32, #tpu.memory_space<vmem_shared>>
      tpu.enqueue_indirect_dma source(%arg17 : memref<80x128xf32, #tpu.memory_space<vmem>>) target(%dma_start3A_370 : memref<10240x128xf32, #tpu.memory_space<vmem_shared>>) offsets(%arg13 : memref<80xi32, #tpu.memory_space<vmem>>) semaphore(%arg28 : memref<!tpu.dma_semaphore, #tpu.memory_space<semaphore_mem>>) {add = true}
      %dma_start3A_371 = arith.constant 0 : i32
      %dma_start3A_372 = tpu.memref_slice %arg21[%dma_start3A_371] : memref<10240xf32, #tpu.memory_space<vmem_shared>> -> memref<10240xf32, #tpu.memory_space<vmem_shared>>
      tpu.enqueue_indirect_dma source(%arg19 : memref<80xf32, #tpu.memory_space<vmem>>) target(%dma_start3A_372 : memref<10240xf32, #tpu.memory_space<vmem_shared>>) offsets(%arg13 : memref<80xi32, #tpu.memory_space<vmem>>) semaphore(%arg28 : memref<!tpu.dma_semaphore, #tpu.memory_space<semaphore_mem>>) {add = true}
      %dma_wait3A_373 = arith.constant 0 : i32
      %dma_wait3A_374 = arith.constant 0 : i32
      %dma_wait3A_375 = tpu.memref_slice %arg20[%dma_wait3A_373, %dma_wait3A_374] : memref<10240x128xf32, #tpu.memory_space<vmem_shared>> -> memref<10240x128xf32, #tpu.memory_space<vmem_shared>>
      tpu.wait_indirect_dma semaphore(%arg28 : memref<!tpu.dma_semaphore, #tpu.memory_space<semaphore_mem>>) src(%arg17 : memref<80x128xf32, #tpu.memory_space<vmem>>) dst(%dma_wait3A_375 : memref<10240x128xf32, #tpu.memory_space<vmem_shared>>)
      %dma_wait3A_376 = arith.constant 0 : i32
      %dma_wait3A_377 = tpu.memref_slice %arg21[%dma_wait3A_376] : memref<10240xf32, #tpu.memory_space<vmem_shared>> -> memref<10240xf32, #tpu.memory_space<vmem_shared>>
      tpu.wait_indirect_dma semaphore(%arg28 : memref<!tpu.dma_semaphore, #tpu.memory_space<semaphore_mem>>) src(%arg19 : memref<80xf32, #tpu.memory_space<vmem>>) dst(%dma_wait3A_377 : memref<10240xf32, #tpu.memory_space<vmem_shared>>)
      %mul3A_378 = arith.constant 4 : i32
      %mul3A_379 = arith.muli %mul3A_378, %scan3A_312 : i32
      %add3A_380 = arith.constant 2 : i32
      %add3A_381 = arith.addi %mul3A_379, %add3A_380 : i32
      %add3A_382 = arith.constant 4 : i32
      %add3A_383 = arith.addi %add3A_381, %add3A_382 : i32
      %mul3A_384 = arith.constant 80 : i32
      %mul3A_385 = arith.muli %add3A_383, %mul3A_384 : i32
      %add3A_386 = arith.addi %mul3A_88, %mul3A_385 : i32
      %multiple_of3A_387 = tpu.assume_multiple %add3A_386, 8 : i32
      "tpu.region"() ({
        %run_scoped3A = tpu.sem_alloc : memref<!tpu.dma_semaphore, #tpu.memory_space<semaphore_mem>>
        %dma_start3A_417 = tpu.memref_slice %arg3[%multiple_of3A_387] : memref<640000xi32, #tpu.memory_space<hbm>> -> memref<80xi32, #tpu.memory_space<hbm>>
        %dma_start3A_418 = tpu.memref_slice %arg3[%multiple_of3A_387] : memref<640000xi32, #tpu.memory_space<hbm>> -> memref<80xi32, #tpu.memory_space<hbm>>
        tpu.enqueue_dma source(%dma_start3A_418 : memref<80xi32, #tpu.memory_space<hbm>>) target(%arg9 : memref<80xi32, #tpu.memory_space<vmem>>) target_semaphore(%run_scoped3A : memref<!tpu.dma_semaphore, #tpu.memory_space<semaphore_mem>>)
        %dma_wait3A_419 = tpu.memref_slice %arg3[%multiple_of3A_387] : memref<640000xi32, #tpu.memory_space<hbm>> -> memref<80xi32, #tpu.memory_space<hbm>>
        %dma_wait3A_420 = tpu.memref_slice %arg3[%multiple_of3A_387] : memref<640000xi32, #tpu.memory_space<hbm>> -> memref<80xi32, #tpu.memory_space<hbm>>
        tpu.wait_dma2 semaphore(%run_scoped3A : memref<!tpu.dma_semaphore, #tpu.memory_space<semaphore_mem>>) src(%dma_wait3A_420 : memref<80xi32, #tpu.memory_space<hbm>>) dst(%arg9 : memref<80xi32, #tpu.memory_space<vmem>>)
        tpu.yield
      }) : () -> ()
      "tpu.region"() ({
        %run_scoped3A = tpu.sem_alloc : memref<!tpu.dma_semaphore, #tpu.memory_space<semaphore_mem>>
        %dma_start3A_417 = tpu.memref_slice %arg4[%multiple_of3A_387] : memref<640000xi32, #tpu.memory_space<hbm>> -> memref<80xi32, #tpu.memory_space<hbm>>
        %dma_start3A_418 = tpu.memref_slice %arg4[%multiple_of3A_387] : memref<640000xi32, #tpu.memory_space<hbm>> -> memref<80xi32, #tpu.memory_space<hbm>>
        tpu.enqueue_dma source(%dma_start3A_418 : memref<80xi32, #tpu.memory_space<hbm>>) target(%arg13 : memref<80xi32, #tpu.memory_space<vmem>>) target_semaphore(%run_scoped3A : memref<!tpu.dma_semaphore, #tpu.memory_space<semaphore_mem>>)
        %dma_wait3A_419 = tpu.memref_slice %arg4[%multiple_of3A_387] : memref<640000xi32, #tpu.memory_space<hbm>> -> memref<80xi32, #tpu.memory_space<hbm>>
        %dma_wait3A_420 = tpu.memref_slice %arg4[%multiple_of3A_387] : memref<640000xi32, #tpu.memory_space<hbm>> -> memref<80xi32, #tpu.memory_space<hbm>>
        tpu.wait_dma2 semaphore(%run_scoped3A : memref<!tpu.dma_semaphore, #tpu.memory_space<semaphore_mem>>) src(%dma_wait3A_420 : memref<80xi32, #tpu.memory_space<hbm>>) dst(%arg13 : memref<80xi32, #tpu.memory_space<vmem>>)
        tpu.yield
      }) : () -> ()
      %dma_start3A_388 = arith.constant 0 : i32
      %dma_start3A_389 = arith.constant 0 : i32
      %dma_start3A_390 = tpu.memref_slice %arg2[%dma_start3A_388, %dma_start3A_389] : memref<10240x128xf32, #tpu.memory_space<hbm>> -> memref<10240x128xf32, #tpu.memory_space<hbm>>
      tpu.enqueue_indirect_dma source(%dma_start3A_390 : memref<10240x128xf32, #tpu.memory_space<hbm>>) target(%arg17 : memref<80x128xf32, #tpu.memory_space<vmem>>) offsets(%arg9 : memref<80xi32, #tpu.memory_space<vmem>>) semaphore(%arg24 : memref<!tpu.dma_semaphore, #tpu.memory_space<semaphore_mem>>)
      %dma_wait3A_391 = arith.constant 0 : i32
      %dma_wait3A_392 = arith.constant 0 : i32
      %dma_wait3A_393 = tpu.memref_slice %arg2[%dma_wait3A_391, %dma_wait3A_392] : memref<10240x128xf32, #tpu.memory_space<hbm>> -> memref<10240x128xf32, #tpu.memory_space<hbm>>
      tpu.wait_indirect_dma semaphore(%arg25 : memref<!tpu.dma_semaphore, #tpu.memory_space<semaphore_mem>>) src(%dma_wait3A_393 : memref<10240x128xf32, #tpu.memory_space<hbm>>) dst(%arg18 : memref<80x128xf32, #tpu.memory_space<vmem>>)
      %dma_start3A_394 = arith.constant 0 : i32
      %dma_start3A_395 = arith.constant 0 : i32
      %dma_start3A_396 = tpu.memref_slice %arg20[%dma_start3A_394, %dma_start3A_395] : memref<10240x128xf32, #tpu.memory_space<vmem_shared>> -> memref<10240x128xf32, #tpu.memory_space<vmem_shared>>
      tpu.enqueue_indirect_dma source(%arg18 : memref<80x128xf32, #tpu.memory_space<vmem>>) target(%dma_start3A_396 : memref<10240x128xf32, #tpu.memory_space<vmem_shared>>) offsets(%arg14 : memref<80xi32, #tpu.memory_space<vmem>>) semaphore(%arg29 : memref<!tpu.dma_semaphore, #tpu.memory_space<semaphore_mem>>) {add = true}
      %dma_start3A_397 = arith.constant 0 : i32
      %dma_start3A_398 = tpu.memref_slice %arg21[%dma_start3A_397] : memref<10240xf32, #tpu.memory_space<vmem_shared>> -> memref<10240xf32, #tpu.memory_space<vmem_shared>>
      tpu.enqueue_indirect_dma source(%arg19 : memref<80xf32, #tpu.memory_space<vmem>>) target(%dma_start3A_398 : memref<10240xf32, #tpu.memory_space<vmem_shared>>) offsets(%arg14 : memref<80xi32, #tpu.memory_space<vmem>>) semaphore(%arg29 : memref<!tpu.dma_semaphore, #tpu.memory_space<semaphore_mem>>) {add = true}
      %dma_wait3A_399 = arith.constant 0 : i32
      %dma_wait3A_400 = arith.constant 0 : i32
      %dma_wait3A_401 = tpu.memref_slice %arg20[%dma_wait3A_399, %dma_wait3A_400] : memref<10240x128xf32, #tpu.memory_space<vmem_shared>> -> memref<10240x128xf32, #tpu.memory_space<vmem_shared>>
      tpu.wait_indirect_dma semaphore(%arg29 : memref<!tpu.dma_semaphore, #tpu.memory_space<semaphore_mem>>) src(%arg18 : memref<80x128xf32, #tpu.memory_space<vmem>>) dst(%dma_wait3A_401 : memref<10240x128xf32, #tpu.memory_space<vmem_shared>>)
      %dma_wait3A_402 = arith.constant 0 : i32
      %dma_wait3A_403 = tpu.memref_slice %arg21[%dma_wait3A_402] : memref<10240xf32, #tpu.memory_space<vmem_shared>> -> memref<10240xf32, #tpu.memory_space<vmem_shared>>
      tpu.wait_indirect_dma semaphore(%arg29 : memref<!tpu.dma_semaphore, #tpu.memory_space<semaphore_mem>>) src(%arg19 : memref<80xf32, #tpu.memory_space<vmem>>) dst(%dma_wait3A_403 : memref<10240xf32, #tpu.memory_space<vmem_shared>>)
      %mul3A_404 = arith.constant 4 : i32
      %mul3A_405 = arith.muli %mul3A_404, %scan3A_312 : i32
      %add3A_406 = arith.constant 3 : i32
      %add3A_407 = arith.addi %mul3A_405, %add3A_406 : i32
      %add3A_408 = arith.constant 4 : i32
      %add3A_409 = arith.addi %add3A_407, %add3A_408 : i32
      %mul3A_410 = arith.constant 80 : i32
      %mul3A_411 = arith.muli %add3A_409, %mul3A_410 : i32
      %add3A_412 = arith.addi %mul3A_88, %mul3A_411 : i32
      %multiple_of3A_413 = tpu.assume_multiple %add3A_412, 8 : i32
      "tpu.region"() ({
        %run_scoped3A = tpu.sem_alloc : memref<!tpu.dma_semaphore, #tpu.memory_space<semaphore_mem>>
        %dma_start3A_417 = tpu.memref_slice %arg3[%multiple_of3A_413] : memref<640000xi32, #tpu.memory_space<hbm>> -> memref<80xi32, #tpu.memory_space<hbm>>
        %dma_start3A_418 = tpu.memref_slice %arg3[%multiple_of3A_413] : memref<640000xi32, #tpu.memory_space<hbm>> -> memref<80xi32, #tpu.memory_space<hbm>>
        tpu.enqueue_dma source(%dma_start3A_418 : memref<80xi32, #tpu.memory_space<hbm>>) target(%arg10 : memref<80xi32, #tpu.memory_space<vmem>>) target_semaphore(%run_scoped3A : memref<!tpu.dma_semaphore, #tpu.memory_space<semaphore_mem>>)
        %dma_wait3A_419 = tpu.memref_slice %arg3[%multiple_of3A_413] : memref<640000xi32, #tpu.memory_space<hbm>> -> memref<80xi32, #tpu.memory_space<hbm>>
        %dma_wait3A_420 = tpu.memref_slice %arg3[%multiple_of3A_413] : memref<640000xi32, #tpu.memory_space<hbm>> -> memref<80xi32, #tpu.memory_space<hbm>>
        tpu.wait_dma2 semaphore(%run_scoped3A : memref<!tpu.dma_semaphore, #tpu.memory_space<semaphore_mem>>) src(%dma_wait3A_420 : memref<80xi32, #tpu.memory_space<hbm>>) dst(%arg10 : memref<80xi32, #tpu.memory_space<vmem>>)
        tpu.yield
      }) : () -> ()
      "tpu.region"() ({
        %run_scoped3A = tpu.sem_alloc : memref<!tpu.dma_semaphore, #tpu.memory_space<semaphore_mem>>
        %dma_start3A_417 = tpu.memref_slice %arg4[%multiple_of3A_413] : memref<640000xi32, #tpu.memory_space<hbm>> -> memref<80xi32, #tpu.memory_space<hbm>>
        %dma_start3A_418 = tpu.memref_slice %arg4[%multiple_of3A_413] : memref<640000xi32, #tpu.memory_space<hbm>> -> memref<80xi32, #tpu.memory_space<hbm>>
        tpu.enqueue_dma source(%dma_start3A_418 : memref<80xi32, #tpu.memory_space<hbm>>) target(%arg14 : memref<80xi32, #tpu.memory_space<vmem>>) target_semaphore(%run_scoped3A : memref<!tpu.dma_semaphore, #tpu.memory_space<semaphore_mem>>)
        %dma_wait3A_419 = tpu.memref_slice %arg4[%multiple_of3A_413] : memref<640000xi32, #tpu.memory_space<hbm>> -> memref<80xi32, #tpu.memory_space<hbm>>
        %dma_wait3A_420 = tpu.memref_slice %arg4[%multiple_of3A_413] : memref<640000xi32, #tpu.memory_space<hbm>> -> memref<80xi32, #tpu.memory_space<hbm>>
        tpu.wait_dma2 semaphore(%run_scoped3A : memref<!tpu.dma_semaphore, #tpu.memory_space<semaphore_mem>>) src(%dma_wait3A_420 : memref<80xi32, #tpu.memory_space<hbm>>) dst(%arg14 : memref<80xi32, #tpu.memory_space<vmem>>)
        tpu.yield
      }) : () -> ()
      %dma_start3A_414 = arith.constant 0 : i32
      %dma_start3A_415 = arith.constant 0 : i32
      %dma_start3A_416 = tpu.memref_slice %arg2[%dma_start3A_414, %dma_start3A_415] : memref<10240x128xf32, #tpu.memory_space<hbm>> -> memref<10240x128xf32, #tpu.memory_space<hbm>>
      tpu.enqueue_indirect_dma source(%dma_start3A_416 : memref<10240x128xf32, #tpu.memory_space<hbm>>) target(%arg18 : memref<80x128xf32, #tpu.memory_space<vmem>>) offsets(%arg10 : memref<80xi32, #tpu.memory_space<vmem>>) semaphore(%arg25 : memref<!tpu.dma_semaphore, #tpu.memory_space<semaphore_mem>>)
    }
    %scan3A_117 = arith.constant 61 : i32
    %dma_wait3A = arith.constant 0 : i32
    %dma_wait3A_118 = arith.constant 0 : i32
    %dma_wait3A_119 = tpu.memref_slice %arg2[%dma_wait3A, %dma_wait3A_118] : memref<10240x128xf32, #tpu.memory_space<hbm>> -> memref<10240x128xf32, #tpu.memory_space<hbm>>
    tpu.wait_indirect_dma semaphore(%arg22 : memref<!tpu.dma_semaphore, #tpu.memory_space<semaphore_mem>>) src(%dma_wait3A_119 : memref<10240x128xf32, #tpu.memory_space<hbm>>) dst(%arg15 : memref<80x128xf32, #tpu.memory_space<vmem>>)
    %dma_start3A_120 = arith.constant 0 : i32
    %dma_start3A_121 = arith.constant 0 : i32
    %dma_start3A_122 = tpu.memref_slice %arg20[%dma_start3A_120, %dma_start3A_121] : memref<10240x128xf32, #tpu.memory_space<vmem_shared>> -> memref<10240x128xf32, #tpu.memory_space<vmem_shared>>
    tpu.enqueue_indirect_dma source(%arg15 : memref<80x128xf32, #tpu.memory_space<vmem>>) target(%dma_start3A_122 : memref<10240x128xf32, #tpu.memory_space<vmem_shared>>) offsets(%arg11 : memref<80xi32, #tpu.memory_space<vmem>>) semaphore(%arg26 : memref<!tpu.dma_semaphore, #tpu.memory_space<semaphore_mem>>) {add = true}
    %dma_start3A_123 = arith.constant 0 : i32
    %dma_start3A_124 = tpu.memref_slice %arg21[%dma_start3A_123] : memref<10240xf32, #tpu.memory_space<vmem_shared>> -> memref<10240xf32, #tpu.memory_space<vmem_shared>>
    tpu.enqueue_indirect_dma source(%arg19 : memref<80xf32, #tpu.memory_space<vmem>>) target(%dma_start3A_124 : memref<10240xf32, #tpu.memory_space<vmem_shared>>) offsets(%arg11 : memref<80xi32, #tpu.memory_space<vmem>>) semaphore(%arg26 : memref<!tpu.dma_semaphore, #tpu.memory_space<semaphore_mem>>) {add = true}
    %dma_wait3A_125 = arith.constant 0 : i32
    %dma_wait3A_126 = arith.constant 0 : i32
    %dma_wait3A_127 = tpu.memref_slice %arg2[%dma_wait3A_125, %dma_wait3A_126] : memref<10240x128xf32, #tpu.memory_space<hbm>> -> memref<10240x128xf32, #tpu.memory_space<hbm>>
    tpu.wait_indirect_dma semaphore(%arg23 : memref<!tpu.dma_semaphore, #tpu.memory_space<semaphore_mem>>) src(%dma_wait3A_127 : memref<10240x128xf32, #tpu.memory_space<hbm>>) dst(%arg16 : memref<80x128xf32, #tpu.memory_space<vmem>>)
    %dma_start3A_128 = arith.constant 0 : i32
    %dma_start3A_129 = arith.constant 0 : i32
    %dma_start3A_130 = tpu.memref_slice %arg20[%dma_start3A_128, %dma_start3A_129] : memref<10240x128xf32, #tpu.memory_space<vmem_shared>> -> memref<10240x128xf32, #tpu.memory_space<vmem_shared>>
    tpu.enqueue_indirect_dma source(%arg16 : memref<80x128xf32, #tpu.memory_space<vmem>>) target(%dma_start3A_130 : memref<10240x128xf32, #tpu.memory_space<vmem_shared>>) offsets(%arg12 : memref<80xi32, #tpu.memory_space<vmem>>) semaphore(%arg27 : memref<!tpu.dma_semaphore, #tpu.memory_space<semaphore_mem>>) {add = true}
    %dma_start3A_131 = arith.constant 0 : i32
    %dma_start3A_132 = tpu.memref_slice %arg21[%dma_start3A_131] : memref<10240xf32, #tpu.memory_space<vmem_shared>> -> memref<10240xf32, #tpu.memory_space<vmem_shared>>
    tpu.enqueue_indirect_dma source(%arg19 : memref<80xf32, #tpu.memory_space<vmem>>) target(%dma_start3A_132 : memref<10240xf32, #tpu.memory_space<vmem_shared>>) offsets(%arg12 : memref<80xi32, #tpu.memory_space<vmem>>) semaphore(%arg27 : memref<!tpu.dma_semaphore, #tpu.memory_space<semaphore_mem>>) {add = true}
    %dma_wait3A_133 = arith.constant 0 : i32
    %dma_wait3A_134 = arith.constant 0 : i32
    %dma_wait3A_135 = tpu.memref_slice %arg2[%dma_wait3A_133, %dma_wait3A_134] : memref<10240x128xf32, #tpu.memory_space<hbm>> -> memref<10240x128xf32, #tpu.memory_space<hbm>>
    tpu.wait_indirect_dma semaphore(%arg24 : memref<!tpu.dma_semaphore, #tpu.memory_space<semaphore_mem>>) src(%dma_wait3A_135 : memref<10240x128xf32, #tpu.memory_space<hbm>>) dst(%arg17 : memref<80x128xf32, #tpu.memory_space<vmem>>)
    %dma_start3A_136 = arith.constant 0 : i32
    %dma_start3A_137 = arith.constant 0 : i32
    %dma_start3A_138 = tpu.memref_slice %arg20[%dma_start3A_136, %dma_start3A_137] : memref<10240x128xf32, #tpu.memory_space<vmem_shared>> -> memref<10240x128xf32, #tpu.memory_space<vmem_shared>>
    tpu.enqueue_indirect_dma source(%arg17 : memref<80x128xf32, #tpu.memory_space<vmem>>) target(%dma_start3A_138 : memref<10240x128xf32, #tpu.memory_space<vmem_shared>>) offsets(%arg13 : memref<80xi32, #tpu.memory_space<vmem>>) semaphore(%arg28 : memref<!tpu.dma_semaphore, #tpu.memory_space<semaphore_mem>>) {add = true}
    %dma_start3A_139 = arith.constant 0 : i32
    %dma_start3A_140 = tpu.memref_slice %arg21[%dma_start3A_139] : memref<10240xf32, #tpu.memory_space<vmem_shared>> -> memref<10240xf32, #tpu.memory_space<vmem_shared>>
    tpu.enqueue_indirect_dma source(%arg19 : memref<80xf32, #tpu.memory_space<vmem>>) target(%dma_start3A_140 : memref<10240xf32, #tpu.memory_space<vmem_shared>>) offsets(%arg13 : memref<80xi32, #tpu.memory_space<vmem>>) semaphore(%arg28 : memref<!tpu.dma_semaphore, #tpu.memory_space<semaphore_mem>>) {add = true}
    %dma_wait3A_141 = arith.constant 0 : i32
    %dma_wait3A_142 = arith.constant 0 : i32
    %dma_wait3A_143 = tpu.memref_slice %arg2[%dma_wait3A_141, %dma_wait3A_142] : memref<10240x128xf32, #tpu.memory_space<hbm>> -> memref<10240x128xf32, #tpu.memory_space<hbm>>
    tpu.wait_indirect_dma semaphore(%arg25 : memref<!tpu.dma_semaphore, #tpu.memory_space<semaphore_mem>>) src(%dma_wait3A_143 : memref<10240x128xf32, #tpu.memory_space<hbm>>) dst(%arg18 : memref<80x128xf32, #tpu.memory_space<vmem>>)
    %dma_start3A_144 = arith.constant 0 : i32
    %dma_start3A_145 = arith.constant 0 : i32
    %dma_start3A_146 = tpu.memref_slice %arg20[%dma_start3A_144, %dma_start3A_145] : memref<10240x128xf32, #tpu.memory_space<vmem_shared>> -> memref<10240x128xf32, #tpu.memory_space<vmem_shared>>
    tpu.enqueue_indirect_dma source(%arg18 : memref<80x128xf32, #tpu.memory_space<vmem>>) target(%dma_start3A_146 : memref<10240x128xf32, #tpu.memory_space<vmem_shared>>) offsets(%arg14 : memref<80xi32, #tpu.memory_space<vmem>>) semaphore(%arg29 : memref<!tpu.dma_semaphore, #tpu.memory_space<semaphore_mem>>) {add = true}
    %dma_start3A_147 = arith.constant 0 : i32
    %dma_start3A_148 = tpu.memref_slice %arg21[%dma_start3A_147] : memref<10240xf32, #tpu.memory_space<vmem_shared>> -> memref<10240xf32, #tpu.memory_space<vmem_shared>>
    tpu.enqueue_indirect_dma source(%arg19 : memref<80xf32, #tpu.memory_space<vmem>>) target(%dma_start3A_148 : memref<10240xf32, #tpu.memory_space<vmem_shared>>) offsets(%arg14 : memref<80xi32, #tpu.memory_space<vmem>>) semaphore(%arg29 : memref<!tpu.dma_semaphore, #tpu.memory_space<semaphore_mem>>) {add = true}
    %dma_wait3A_149 = arith.constant 0 : i32
    %dma_wait3A_150 = arith.constant 0 : i32
    %dma_wait3A_151 = tpu.memref_slice %arg20[%dma_wait3A_149, %dma_wait3A_150] : memref<10240x128xf32, #tpu.memory_space<vmem_shared>> -> memref<10240x128xf32, #tpu.memory_space<vmem_shared>>
    tpu.wait_indirect_dma semaphore(%arg26 : memref<!tpu.dma_semaphore, #tpu.memory_space<semaphore_mem>>) src(%arg15 : memref<80x128xf32, #tpu.memory_space<vmem>>) dst(%dma_wait3A_151 : memref<10240x128xf32, #tpu.memory_space<vmem_shared>>)
    %dma_wait3A_152 = arith.constant 0 : i32
    %dma_wait3A_153 = tpu.memref_slice %arg21[%dma_wait3A_152] : memref<10240xf32, #tpu.memory_space<vmem_shared>> -> memref<10240xf32, #tpu.memory_space<vmem_shared>>
    tpu.wait_indirect_dma semaphore(%arg26 : memref<!tpu.dma_semaphore, #tpu.memory_space<semaphore_mem>>) src(%arg19 : memref<80xf32, #tpu.memory_space<vmem>>) dst(%dma_wait3A_153 : memref<10240xf32, #tpu.memory_space<vmem_shared>>)
    %dma_wait3A_154 = arith.constant 0 : i32
    %dma_wait3A_155 = arith.constant 0 : i32
    %dma_wait3A_156 = tpu.memref_slice %arg20[%dma_wait3A_154, %dma_wait3A_155] : memref<10240x128xf32, #tpu.memory_space<vmem_shared>> -> memref<10240x128xf32, #tpu.memory_space<vmem_shared>>
    tpu.wait_indirect_dma semaphore(%arg27 : memref<!tpu.dma_semaphore, #tpu.memory_space<semaphore_mem>>) src(%arg16 : memref<80x128xf32, #tpu.memory_space<vmem>>) dst(%dma_wait3A_156 : memref<10240x128xf32, #tpu.memory_space<vmem_shared>>)
    %dma_wait3A_157 = arith.constant 0 : i32
    %dma_wait3A_158 = tpu.memref_slice %arg21[%dma_wait3A_157] : memref<10240xf32, #tpu.memory_space<vmem_shared>> -> memref<10240xf32, #tpu.memory_space<vmem_shared>>
    tpu.wait_indirect_dma semaphore(%arg27 : memref<!tpu.dma_semaphore, #tpu.memory_space<semaphore_mem>>) src(%arg19 : memref<80xf32, #tpu.memory_space<vmem>>) dst(%dma_wait3A_158 : memref<10240xf32, #tpu.memory_space<vmem_shared>>)
    %dma_wait3A_159 = arith.constant 0 : i32
    %dma_wait3A_160 = arith.constant 0 : i32
    %dma_wait3A_161 = tpu.memref_slice %arg20[%dma_wait3A_159, %dma_wait3A_160] : memref<10240x128xf32, #tpu.memory_space<vmem_shared>> -> memref<10240x128xf32, #tpu.memory_space<vmem_shared>>
    tpu.wait_indirect_dma semaphore(%arg28 : memref<!tpu.dma_semaphore, #tpu.memory_space<semaphore_mem>>) src(%arg17 : memref<80x128xf32, #tpu.memory_space<vmem>>) dst(%dma_wait3A_161 : memref<10240x128xf32, #tpu.memory_space<vmem_shared>>)
    %dma_wait3A_162 = arith.constant 0 : i32
    %dma_wait3A_163 = tpu.memref_slice %arg21[%dma_wait3A_162] : memref<10240xf32, #tpu.memory_space<vmem_shared>> -> memref<10240xf32, #tpu.memory_space<vmem_shared>>
    tpu.wait_indirect_dma semaphore(%arg28 : memref<!tpu.dma_semaphore, #tpu.memory_space<semaphore_mem>>) src(%arg19 : memref<80xf32, #tpu.memory_space<vmem>>) dst(%dma_wait3A_163 : memref<10240xf32, #tpu.memory_space<vmem_shared>>)
    %dma_wait3A_164 = arith.constant 0 : i32
    %dma_wait3A_165 = arith.constant 0 : i32
    %dma_wait3A_166 = tpu.memref_slice %arg20[%dma_wait3A_164, %dma_wait3A_165] : memref<10240x128xf32, #tpu.memory_space<vmem_shared>> -> memref<10240x128xf32, #tpu.memory_space<vmem_shared>>
    tpu.wait_indirect_dma semaphore(%arg29 : memref<!tpu.dma_semaphore, #tpu.memory_space<semaphore_mem>>) src(%arg18 : memref<80x128xf32, #tpu.memory_space<vmem>>) dst(%dma_wait3A_166 : memref<10240x128xf32, #tpu.memory_space<vmem_shared>>)
    %dma_wait3A_167 = arith.constant 0 : i32
    %dma_wait3A_168 = tpu.memref_slice %arg21[%dma_wait3A_167] : memref<10240xf32, #tpu.memory_space<vmem_shared>> -> memref<10240xf32, #tpu.memory_space<vmem_shared>>
    tpu.wait_indirect_dma semaphore(%arg29 : memref<!tpu.dma_semaphore, #tpu.memory_space<semaphore_mem>>) src(%arg19 : memref<80xf32, #tpu.memory_space<vmem>>) dst(%dma_wait3A_168 : memref<10240xf32, #tpu.memory_space<vmem_shared>>)
    %add3A_169 = arith.constant 19840 : i32
    %add3A_170 = arith.addi %mul3A_88, %add3A_169 : i32
    %multiple_of3A_171 = tpu.assume_multiple %add3A_170, 8 : i32
    "tpu.region"() ({
      %run_scoped3A = tpu.sem_alloc : memref<!tpu.dma_semaphore, #tpu.memory_space<semaphore_mem>>
      %dma_start3A_312 = tpu.memref_slice %arg3[%multiple_of3A_171] : memref<640000xi32, #tpu.memory_space<hbm>> -> memref<80xi32, #tpu.memory_space<hbm>>
      %dma_start3A_313 = tpu.memref_slice %arg3[%multiple_of3A_171] : memref<640000xi32, #tpu.memory_space<hbm>> -> memref<80xi32, #tpu.memory_space<hbm>>
      tpu.enqueue_dma source(%dma_start3A_313 : memref<80xi32, #tpu.memory_space<hbm>>) target(%arg7 : memref<80xi32, #tpu.memory_space<vmem>>) target_semaphore(%run_scoped3A : memref<!tpu.dma_semaphore, #tpu.memory_space<semaphore_mem>>)
      %dma_wait3A_314 = tpu.memref_slice %arg3[%multiple_of3A_171] : memref<640000xi32, #tpu.memory_space<hbm>> -> memref<80xi32, #tpu.memory_space<hbm>>
      %dma_wait3A_315 = tpu.memref_slice %arg3[%multiple_of3A_171] : memref<640000xi32, #tpu.memory_space<hbm>> -> memref<80xi32, #tpu.memory_space<hbm>>
      tpu.wait_dma2 semaphore(%run_scoped3A : memref<!tpu.dma_semaphore, #tpu.memory_space<semaphore_mem>>) src(%dma_wait3A_315 : memref<80xi32, #tpu.memory_space<hbm>>) dst(%arg7 : memref<80xi32, #tpu.memory_space<vmem>>)
      tpu.yield
    }) : () -> ()
    "tpu.region"() ({
      %run_scoped3A = tpu.sem_alloc : memref<!tpu.dma_semaphore, #tpu.memory_space<semaphore_mem>>
      %dma_start3A_312 = tpu.memref_slice %arg4[%multiple_of3A_171] : memref<640000xi32, #tpu.memory_space<hbm>> -> memref<80xi32, #tpu.memory_space<hbm>>
      %dma_start3A_313 = tpu.memref_slice %arg4[%multiple_of3A_171] : memref<640000xi32, #tpu.memory_space<hbm>> -> memref<80xi32, #tpu.memory_space<hbm>>
      tpu.enqueue_dma source(%dma_start3A_313 : memref<80xi32, #tpu.memory_space<hbm>>) target(%arg11 : memref<80xi32, #tpu.memory_space<vmem>>) target_semaphore(%run_scoped3A : memref<!tpu.dma_semaphore, #tpu.memory_space<semaphore_mem>>)
      %dma_wait3A_314 = tpu.memref_slice %arg4[%multiple_of3A_171] : memref<640000xi32, #tpu.memory_space<hbm>> -> memref<80xi32, #tpu.memory_space<hbm>>
      %dma_wait3A_315 = tpu.memref_slice %arg4[%multiple_of3A_171] : memref<640000xi32, #tpu.memory_space<hbm>> -> memref<80xi32, #tpu.memory_space<hbm>>
      tpu.wait_dma2 semaphore(%run_scoped3A : memref<!tpu.dma_semaphore, #tpu.memory_space<semaphore_mem>>) src(%dma_wait3A_315 : memref<80xi32, #tpu.memory_space<hbm>>) dst(%arg11 : memref<80xi32, #tpu.memory_space<vmem>>)
      tpu.yield
    }) : () -> ()
    %dma_start3A_172 = arith.constant 0 : i32
    %dma_start3A_173 = arith.constant 0 : i32
    %dma_start3A_174 = tpu.memref_slice %arg2[%dma_start3A_172, %dma_start3A_173] : memref<10240x128xf32, #tpu.memory_space<hbm>> -> memref<10240x128xf32, #tpu.memory_space<hbm>>
    tpu.enqueue_indirect_dma source(%dma_start3A_174 : memref<10240x128xf32, #tpu.memory_space<hbm>>) target(%arg15 : memref<80x128xf32, #tpu.memory_space<vmem>>) offsets(%arg7 : memref<80xi32, #tpu.memory_space<vmem>>) semaphore(%arg22 : memref<!tpu.dma_semaphore, #tpu.memory_space<semaphore_mem>>)
    %dma_wait3A_175 = arith.constant 0 : i32
    %dma_wait3A_176 = arith.constant 0 : i32
    %dma_wait3A_177 = tpu.memref_slice %arg2[%dma_wait3A_175, %dma_wait3A_176] : memref<10240x128xf32, #tpu.memory_space<hbm>> -> memref<10240x128xf32, #tpu.memory_space<hbm>>
    tpu.wait_indirect_dma semaphore(%arg22 : memref<!tpu.dma_semaphore, #tpu.memory_space<semaphore_mem>>) src(%dma_wait3A_177 : memref<10240x128xf32, #tpu.memory_space<hbm>>) dst(%arg15 : memref<80x128xf32, #tpu.memory_space<vmem>>)
    %dma_start3A_178 = arith.constant 0 : i32
    %dma_start3A_179 = arith.constant 0 : i32
    %dma_start3A_180 = tpu.memref_slice %arg20[%dma_start3A_178, %dma_start3A_179] : memref<10240x128xf32, #tpu.memory_space<vmem_shared>> -> memref<10240x128xf32, #tpu.memory_space<vmem_shared>>
    tpu.enqueue_indirect_dma source(%arg15 : memref<80x128xf32, #tpu.memory_space<vmem>>) target(%dma_start3A_180 : memref<10240x128xf32, #tpu.memory_space<vmem_shared>>) offsets(%arg11 : memref<80xi32, #tpu.memory_space<vmem>>) semaphore(%arg26 : memref<!tpu.dma_semaphore, #tpu.memory_space<semaphore_mem>>) {add = true}
    %dma_start3A_181 = arith.constant 0 : i32
    %dma_start3A_182 = tpu.memref_slice %arg21[%dma_start3A_181] : memref<10240xf32, #tpu.memory_space<vmem_shared>> -> memref<10240xf32, #tpu.memory_space<vmem_shared>>
    tpu.enqueue_indirect_dma source(%arg19 : memref<80xf32, #tpu.memory_space<vmem>>) target(%dma_start3A_182 : memref<10240xf32, #tpu.memory_space<vmem_shared>>) offsets(%arg11 : memref<80xi32, #tpu.memory_space<vmem>>) semaphore(%arg26 : memref<!tpu.dma_semaphore, #tpu.memory_space<semaphore_mem>>) {add = true}
    %dma_wait3A_183 = arith.constant 0 : i32
    %dma_wait3A_184 = arith.constant 0 : i32
    %dma_wait3A_185 = tpu.memref_slice %arg20[%dma_wait3A_183, %dma_wait3A_184] : memref<10240x128xf32, #tpu.memory_space<vmem_shared>> -> memref<10240x128xf32, #tpu.memory_space<vmem_shared>>
    tpu.wait_indirect_dma semaphore(%arg26 : memref<!tpu.dma_semaphore, #tpu.memory_space<semaphore_mem>>) src(%arg15 : memref<80x128xf32, #tpu.memory_space<vmem>>) dst(%dma_wait3A_185 : memref<10240x128xf32, #tpu.memory_space<vmem_shared>>)
    %dma_wait3A_186 = arith.constant 0 : i32
    %dma_wait3A_187 = tpu.memref_slice %arg21[%dma_wait3A_186] : memref<10240xf32, #tpu.memory_space<vmem_shared>> -> memref<10240xf32, #tpu.memory_space<vmem_shared>>
    tpu.wait_indirect_dma semaphore(%arg26 : memref<!tpu.dma_semaphore, #tpu.memory_space<semaphore_mem>>) src(%arg19 : memref<80xf32, #tpu.memory_space<vmem>>) dst(%dma_wait3A_187 : memref<10240xf32, #tpu.memory_space<vmem_shared>>)
    %add3A_188 = arith.constant 19920 : i32
    %add3A_189 = arith.addi %mul3A_88, %add3A_188 : i32
    %multiple_of3A_190 = tpu.assume_multiple %add3A_189, 8 : i32
    "tpu.region"() ({
      %run_scoped3A = tpu.sem_alloc : memref<!tpu.dma_semaphore, #tpu.memory_space<semaphore_mem>>
      %dma_start3A_312 = tpu.memref_slice %arg3[%multiple_of3A_190] : memref<640000xi32, #tpu.memory_space<hbm>> -> memref<80xi32, #tpu.memory_space<hbm>>
      %dma_start3A_313 = tpu.memref_slice %arg3[%multiple_of3A_190] : memref<640000xi32, #tpu.memory_space<hbm>> -> memref<80xi32, #tpu.memory_space<hbm>>
      tpu.enqueue_dma source(%dma_start3A_313 : memref<80xi32, #tpu.memory_space<hbm>>) target(%arg7 : memref<80xi32, #tpu.memory_space<vmem>>) target_semaphore(%run_scoped3A : memref<!tpu.dma_semaphore, #tpu.memory_space<semaphore_mem>>)
      %dma_wait3A_314 = tpu.memref_slice %arg3[%multiple_of3A_190] : memref<640000xi32, #tpu.memory_space<hbm>> -> memref<80xi32, #tpu.memory_space<hbm>>
      %dma_wait3A_315 = tpu.memref_slice %arg3[%multiple_of3A_190] : memref<640000xi32, #tpu.memory_space<hbm>> -> memref<80xi32, #tpu.memory_space<hbm>>
      tpu.wait_dma2 semaphore(%run_scoped3A : memref<!tpu.dma_semaphore, #tpu.memory_space<semaphore_mem>>) src(%dma_wait3A_315 : memref<80xi32, #tpu.memory_space<hbm>>) dst(%arg7 : memref<80xi32, #tpu.memory_space<vmem>>)
      tpu.yield
    }) : () -> ()
    "tpu.region"() ({
      %run_scoped3A = tpu.sem_alloc : memref<!tpu.dma_semaphore, #tpu.memory_space<semaphore_mem>>
      %dma_start3A_312 = tpu.memref_slice %arg4[%multiple_of3A_190] : memref<640000xi32, #tpu.memory_space<hbm>> -> memref<80xi32, #tpu.memory_space<hbm>>
      %dma_start3A_313 = tpu.memref_slice %arg4[%multiple_of3A_190] : memref<640000xi32, #tpu.memory_space<hbm>> -> memref<80xi32, #tpu.memory_space<hbm>>
      tpu.enqueue_dma source(%dma_start3A_313 : memref<80xi32, #tpu.memory_space<hbm>>) target(%arg11 : memref<80xi32, #tpu.memory_space<vmem>>) target_semaphore(%run_scoped3A : memref<!tpu.dma_semaphore, #tpu.memory_space<semaphore_mem>>)
      %dma_wait3A_314 = tpu.memref_slice %arg4[%multiple_of3A_190] : memref<640000xi32, #tpu.memory_space<hbm>> -> memref<80xi32, #tpu.memory_space<hbm>>
      %dma_wait3A_315 = tpu.memref_slice %arg4[%multiple_of3A_190] : memref<640000xi32, #tpu.memory_space<hbm>> -> memref<80xi32, #tpu.memory_space<hbm>>
      tpu.wait_dma2 semaphore(%run_scoped3A : memref<!tpu.dma_semaphore, #tpu.memory_space<semaphore_mem>>) src(%dma_wait3A_315 : memref<80xi32, #tpu.memory_space<hbm>>) dst(%arg11 : memref<80xi32, #tpu.memory_space<vmem>>)
      tpu.yield
    }) : () -> ()
    %dma_start3A_191 = arith.constant 0 : i32
    %dma_start3A_192 = arith.constant 0 : i32
    %dma_start3A_193 = tpu.memref_slice %arg2[%dma_start3A_191, %dma_start3A_192] : memref<10240x128xf32, #tpu.memory_space<hbm>> -> memref<10240x128xf32, #tpu.memory_space<hbm>>
    tpu.enqueue_indirect_dma source(%dma_start3A_193 : memref<10240x128xf32, #tpu.memory_space<hbm>>) target(%arg15 : memref<80x128xf32, #tpu.memory_space<vmem>>) offsets(%arg7 : memref<80xi32, #tpu.memory_space<vmem>>) semaphore(%arg22 : memref<!tpu.dma_semaphore, #tpu.memory_space<semaphore_mem>>)
    %dma_wait3A_194 = arith.constant 0 : i32
    %dma_wait3A_195 = arith.constant 0 : i32
    %dma_wait3A_196 = tpu.memref_slice %arg2[%dma_wait3A_194, %dma_wait3A_195] : memref<10240x128xf32, #tpu.memory_space<hbm>> -> memref<10240x128xf32, #tpu.memory_space<hbm>>
    tpu.wait_indirect_dma semaphore(%arg22 : memref<!tpu.dma_semaphore, #tpu.memory_space<semaphore_mem>>) src(%dma_wait3A_196 : memref<10240x128xf32, #tpu.memory_space<hbm>>) dst(%arg15 : memref<80x128xf32, #tpu.memory_space<vmem>>)
    %dma_start3A_197 = arith.constant 0 : i32
    %dma_start3A_198 = arith.constant 0 : i32
    %dma_start3A_199 = tpu.memref_slice %arg20[%dma_start3A_197, %dma_start3A_198] : memref<10240x128xf32, #tpu.memory_space<vmem_shared>> -> memref<10240x128xf32, #tpu.memory_space<vmem_shared>>
    tpu.enqueue_indirect_dma source(%arg15 : memref<80x128xf32, #tpu.memory_space<vmem>>) target(%dma_start3A_199 : memref<10240x128xf32, #tpu.memory_space<vmem_shared>>) offsets(%arg11 : memref<80xi32, #tpu.memory_space<vmem>>) semaphore(%arg26 : memref<!tpu.dma_semaphore, #tpu.memory_space<semaphore_mem>>) {add = true}
    %dma_start3A_200 = arith.constant 0 : i32
    %dma_start3A_201 = tpu.memref_slice %arg21[%dma_start3A_200] : memref<10240xf32, #tpu.memory_space<vmem_shared>> -> memref<10240xf32, #tpu.memory_space<vmem_shared>>
    tpu.enqueue_indirect_dma source(%arg19 : memref<80xf32, #tpu.memory_space<vmem>>) target(%dma_start3A_201 : memref<10240xf32, #tpu.memory_space<vmem_shared>>) offsets(%arg11 : memref<80xi32, #tpu.memory_space<vmem>>) semaphore(%arg26 : memref<!tpu.dma_semaphore, #tpu.memory_space<semaphore_mem>>) {add = true}
    %dma_wait3A_202 = arith.constant 0 : i32
    %dma_wait3A_203 = arith.constant 0 : i32
    %dma_wait3A_204 = tpu.memref_slice %arg20[%dma_wait3A_202, %dma_wait3A_203] : memref<10240x128xf32, #tpu.memory_space<vmem_shared>> -> memref<10240x128xf32, #tpu.memory_space<vmem_shared>>
    tpu.wait_indirect_dma semaphore(%arg26 : memref<!tpu.dma_semaphore, #tpu.memory_space<semaphore_mem>>) src(%arg15 : memref<80x128xf32, #tpu.memory_space<vmem>>) dst(%dma_wait3A_204 : memref<10240x128xf32, #tpu.memory_space<vmem_shared>>)
    %dma_wait3A_205 = arith.constant 0 : i32
    %dma_wait3A_206 = tpu.memref_slice %arg21[%dma_wait3A_205] : memref<10240xf32, #tpu.memory_space<vmem_shared>> -> memref<10240xf32, #tpu.memory_space<vmem_shared>>
    tpu.wait_indirect_dma semaphore(%arg26 : memref<!tpu.dma_semaphore, #tpu.memory_space<semaphore_mem>>) src(%arg19 : memref<80xf32, #tpu.memory_space<vmem>>) dst(%dma_wait3A_206 : memref<10240xf32, #tpu.memory_space<vmem_shared>>)
    %barrier3A_207 = arith.constant 0 : index
    tpu.barrier barrier_id(%barrier3A_207)
    %mul3A_208 = arith.constant 640 : i32
    %mul3A_209 = arith.muli %arg1, %mul3A_208 : i32
    %add3A_210 = arith.constant 0 : i32
    %add3A_211 = arith.addi %mul3A_209, %add3A_210 : i32
    %multiple_of3A_212 = tpu.assume_multiple %add3A_211, 8 : i32
    %mul3A_213 = arith.constant 10240 : i32
    %mul3A_214 = arith.muli %arg0, %mul3A_213 : i32
    %mul3A_215 = arith.constant 640 : i32
    %mul3A_216 = arith.muli %arg1, %mul3A_215 : i32
    %add3A_217 = arith.addi %mul3A_214, %mul3A_216 : i32
    %add3A_218 = arith.constant 0 : i32
    %add3A_219 = arith.addi %add3A_217, %add3A_218 : i32
    %multiple_of3A_220 = tpu.assume_multiple %add3A_219, 8 : i32
    "tpu.region"() ({
      %run_scoped3A = tpu.sem_alloc : memref<!tpu.dma_semaphore, #tpu.memory_space<semaphore_mem>>
      %dma_start3A_312 = arith.constant 0 : i32
      %dma_start3A_313 = tpu.memref_slice %arg20[%multiple_of3A_212, %dma_start3A_312] : memref<10240x128xf32, #tpu.memory_space<vmem_shared>> -> memref<80x128xf32, #tpu.memory_space<vmem_shared>>
      %dma_start3A_314 = arith.constant 0 : i32
      %dma_start3A_315 = tpu.memref_slice %arg20[%multiple_of3A_212, %dma_start3A_314] : memref<10240x128xf32, #tpu.memory_space<vmem_shared>> -> memref<80x128xf32, #tpu.memory_space<vmem_shared>>
      tpu.enqueue_dma source(%dma_start3A_315 : memref<80x128xf32, #tpu.memory_space<vmem_shared>>) target(%arg15 : memref<80x128xf32, #tpu.memory_space<vmem>>) target_semaphore(%run_scoped3A : memref<!tpu.dma_semaphore, #tpu.memory_space<semaphore_mem>>)
      %dma_wait3A_316 = arith.constant 0 : i32
      %dma_wait3A_317 = tpu.memref_slice %arg20[%multiple_of3A_212, %dma_wait3A_316] : memref<10240x128xf32, #tpu.memory_space<vmem_shared>> -> memref<80x128xf32, #tpu.memory_space<vmem_shared>>
      %dma_wait3A_318 = arith.constant 0 : i32
      %dma_wait3A_319 = tpu.memref_slice %arg20[%multiple_of3A_212, %dma_wait3A_318] : memref<10240x128xf32, #tpu.memory_space<vmem_shared>> -> memref<80x128xf32, #tpu.memory_space<vmem_shared>>
      tpu.wait_dma2 semaphore(%run_scoped3A : memref<!tpu.dma_semaphore, #tpu.memory_space<semaphore_mem>>) src(%dma_wait3A_319 : memref<80x128xf32, #tpu.memory_space<vmem_shared>>) dst(%arg15 : memref<80x128xf32, #tpu.memory_space<vmem>>)
      tpu.yield
    }) : () -> ()
    "tpu.region"() ({
      %run_scoped3A = tpu.sem_alloc : memref<!tpu.dma_semaphore, #tpu.memory_space<semaphore_mem>>
      %dma_start3A_312 = arith.constant 0 : i32
      %dma_start3A_313 = tpu.memref_slice %arg5[%multiple_of3A_220, %dma_start3A_312] : memref<20480x128xf32, #tpu.memory_space<hbm>> -> memref<80x128xf32, #tpu.memory_space<hbm>>
      %dma_start3A_314 = arith.constant 0 : i32
      %dma_start3A_315 = tpu.memref_slice %arg5[%multiple_of3A_220, %dma_start3A_314] : memref<20480x128xf32, #tpu.memory_space<hbm>> -> memref<80x128xf32, #tpu.memory_space<hbm>>
      tpu.enqueue_dma source(%arg15 : memref<80x128xf32, #tpu.memory_space<vmem>>) target(%dma_start3A_315 : memref<80x128xf32, #tpu.memory_space<hbm>>) target_semaphore(%run_scoped3A : memref<!tpu.dma_semaphore, #tpu.memory_space<semaphore_mem>>)
      %dma_wait3A_316 = arith.constant 0 : i32
      %dma_wait3A_317 = tpu.memref_slice %arg5[%multiple_of3A_220, %dma_wait3A_316] : memref<20480x128xf32, #tpu.memory_space<hbm>> -> memref<80x128xf32, #tpu.memory_space<hbm>>
      %dma_wait3A_318 = arith.constant 0 : i32
      %dma_wait3A_319 = tpu.memref_slice %arg5[%multiple_of3A_220, %dma_wait3A_318] : memref<20480x128xf32, #tpu.memory_space<hbm>> -> memref<80x128xf32, #tpu.memory_space<hbm>>
      tpu.wait_dma2 semaphore(%run_scoped3A : memref<!tpu.dma_semaphore, #tpu.memory_space<semaphore_mem>>) src(%arg15 : memref<80x128xf32, #tpu.memory_space<vmem>>) dst(%dma_wait3A_319 : memref<80x128xf32, #tpu.memory_space<hbm>>)
      tpu.yield
    }) : () -> ()
    "tpu.region"() ({
      %run_scoped3A = tpu.sem_alloc : memref<!tpu.dma_semaphore, #tpu.memory_space<semaphore_mem>>
      %dma_start3A_312 = tpu.memref_slice %arg21[%multiple_of3A_212] : memref<10240xf32, #tpu.memory_space<vmem_shared>> -> memref<80xf32, #tpu.memory_space<vmem_shared>>
      %dma_start3A_313 = tpu.memref_slice %arg21[%multiple_of3A_212] : memref<10240xf32, #tpu.memory_space<vmem_shared>> -> memref<80xf32, #tpu.memory_space<vmem_shared>>
      tpu.enqueue_dma source(%dma_start3A_313 : memref<80xf32, #tpu.memory_space<vmem_shared>>) target(%arg19 : memref<80xf32, #tpu.memory_space<vmem>>) target_semaphore(%run_scoped3A : memref<!tpu.dma_semaphore, #tpu.memory_space<semaphore_mem>>)
      %dma_wait3A_314 = tpu.memref_slice %arg21[%multiple_of3A_212] : memref<10240xf32, #tpu.memory_space<vmem_shared>> -> memref<80xf32, #tpu.memory_space<vmem_shared>>
      %dma_wait3A_315 = tpu.memref_slice %arg21[%multiple_of3A_212] : memref<10240xf32, #tpu.memory_space<vmem_shared>> -> memref<80xf32, #tpu.memory_space<vmem_shared>>
      tpu.wait_dma2 semaphore(%run_scoped3A : memref<!tpu.dma_semaphore, #tpu.memory_space<semaphore_mem>>) src(%dma_wait3A_315 : memref<80xf32, #tpu.memory_space<vmem_shared>>) dst(%arg19 : memref<80xf32, #tpu.memory_space<vmem>>)
      tpu.yield
    }) : () -> ()
    "tpu.region"() ({
      %run_scoped3A = tpu.sem_alloc : memref<!tpu.dma_semaphore, #tpu.memory_space<semaphore_mem>>
      %dma_start3A_312 = tpu.memref_slice %arg6[%multiple_of3A_220] : memref<20480xf32, #tpu.memory_space<hbm>> -> memref<80xf32, #tpu.memory_space<hbm>>
      %dma_start3A_313 = tpu.memref_slice %arg6[%multiple_of3A_220] : memref<20480xf32, #tpu.memory_space<hbm>> -> memref<80xf32, #tpu.memory_space<hbm>>
      tpu.enqueue_dma source(%arg19 : memref<80xf32, #tpu.memory_space<vmem>>) target(%dma_start3A_313 : memref<80xf32, #tpu.memory_space<hbm>>) target_semaphore(%run_scoped3A : memref<!tpu.dma_semaphore, #tpu.memory_space<semaphore_mem>>)
      %dma_wait3A_314 = tpu.memref_slice %arg6[%multiple_of3A_220] : memref<20480xf32, #tpu.memory_space<hbm>> -> memref<80xf32, #tpu.memory_space<hbm>>
      %dma_wait3A_315 = tpu.memref_slice %arg6[%multiple_of3A_220] : memref<20480xf32, #tpu.memory_space<hbm>> -> memref<80xf32, #tpu.memory_space<hbm>>
      tpu.wait_dma2 semaphore(%run_scoped3A : memref<!tpu.dma_semaphore, #tpu.memory_space<semaphore_mem>>) src(%arg19 : memref<80xf32, #tpu.memory_space<vmem>>) dst(%dma_wait3A_315 : memref<80xf32, #tpu.memory_space<hbm>>)
      tpu.yield
    }) : () -> ()
    %mul3A_221 = arith.constant 640 : i32
    %mul3A_222 = arith.muli %arg1, %mul3A_221 : i32
    %add3A_223 = arith.constant 80 : i32
    %add3A_224 = arith.addi %mul3A_222, %add3A_223 : i32
    %multiple_of3A_225 = tpu.assume_multiple %add3A_224, 8 : i32
    %mul3A_226 = arith.constant 10240 : i32
    %mul3A_227 = arith.muli %arg0, %mul3A_226 : i32
    %mul3A_228 = arith.constant 640 : i32
    %mul3A_229 = arith.muli %arg1, %mul3A_228 : i32
    %add3A_230 = arith.addi %mul3A_227, %mul3A_229 : i32
    %add3A_231 = arith.constant 80 : i32
    %add3A_232 = arith.addi %add3A_230, %add3A_231 : i32
    %multiple_of3A_233 = tpu.assume_multiple %add3A_232, 8 : i32
    "tpu.region"() ({
      %run_scoped3A = tpu.sem_alloc : memref<!tpu.dma_semaphore, #tpu.memory_space<semaphore_mem>>
      %dma_start3A_312 = arith.constant 0 : i32
      %dma_start3A_313 = tpu.memref_slice %arg20[%multiple_of3A_225, %dma_start3A_312] : memref<10240x128xf32, #tpu.memory_space<vmem_shared>> -> memref<80x128xf32, #tpu.memory_space<vmem_shared>>
      %dma_start3A_314 = arith.constant 0 : i32
      %dma_start3A_315 = tpu.memref_slice %arg20[%multiple_of3A_225, %dma_start3A_314] : memref<10240x128xf32, #tpu.memory_space<vmem_shared>> -> memref<80x128xf32, #tpu.memory_space<vmem_shared>>
      tpu.enqueue_dma source(%dma_start3A_315 : memref<80x128xf32, #tpu.memory_space<vmem_shared>>) target(%arg15 : memref<80x128xf32, #tpu.memory_space<vmem>>) target_semaphore(%run_scoped3A : memref<!tpu.dma_semaphore, #tpu.memory_space<semaphore_mem>>)
      %dma_wait3A_316 = arith.constant 0 : i32
      %dma_wait3A_317 = tpu.memref_slice %arg20[%multiple_of3A_225, %dma_wait3A_316] : memref<10240x128xf32, #tpu.memory_space<vmem_shared>> -> memref<80x128xf32, #tpu.memory_space<vmem_shared>>
      %dma_wait3A_318 = arith.constant 0 : i32
      %dma_wait3A_319 = tpu.memref_slice %arg20[%multiple_of3A_225, %dma_wait3A_318] : memref<10240x128xf32, #tpu.memory_space<vmem_shared>> -> memref<80x128xf32, #tpu.memory_space<vmem_shared>>
      tpu.wait_dma2 semaphore(%run_scoped3A : memref<!tpu.dma_semaphore, #tpu.memory_space<semaphore_mem>>) src(%dma_wait3A_319 : memref<80x128xf32, #tpu.memory_space<vmem_shared>>) dst(%arg15 : memref<80x128xf32, #tpu.memory_space<vmem>>)
      tpu.yield
    }) : () -> ()
    "tpu.region"() ({
      %run_scoped3A = tpu.sem_alloc : memref<!tpu.dma_semaphore, #tpu.memory_space<semaphore_mem>>
      %dma_start3A_312 = arith.constant 0 : i32
      %dma_start3A_313 = tpu.memref_slice %arg5[%multiple_of3A_233, %dma_start3A_312] : memref<20480x128xf32, #tpu.memory_space<hbm>> -> memref<80x128xf32, #tpu.memory_space<hbm>>
      %dma_start3A_314 = arith.constant 0 : i32
      %dma_start3A_315 = tpu.memref_slice %arg5[%multiple_of3A_233, %dma_start3A_314] : memref<20480x128xf32, #tpu.memory_space<hbm>> -> memref<80x128xf32, #tpu.memory_space<hbm>>
      tpu.enqueue_dma source(%arg15 : memref<80x128xf32, #tpu.memory_space<vmem>>) target(%dma_start3A_315 : memref<80x128xf32, #tpu.memory_space<hbm>>) target_semaphore(%run_scoped3A : memref<!tpu.dma_semaphore, #tpu.memory_space<semaphore_mem>>)
      %dma_wait3A_316 = arith.constant 0 : i32
      %dma_wait3A_317 = tpu.memref_slice %arg5[%multiple_of3A_233, %dma_wait3A_316] : memref<20480x128xf32, #tpu.memory_space<hbm>> -> memref<80x128xf32, #tpu.memory_space<hbm>>
      %dma_wait3A_318 = arith.constant 0 : i32
      %dma_wait3A_319 = tpu.memref_slice %arg5[%multiple_of3A_233, %dma_wait3A_318] : memref<20480x128xf32, #tpu.memory_space<hbm>> -> memref<80x128xf32, #tpu.memory_space<hbm>>
      tpu.wait_dma2 semaphore(%run_scoped3A : memref<!tpu.dma_semaphore, #tpu.memory_space<semaphore_mem>>) src(%arg15 : memref<80x128xf32, #tpu.memory_space<vmem>>) dst(%dma_wait3A_319 : memref<80x128xf32, #tpu.memory_space<hbm>>)
      tpu.yield
    }) : () -> ()
    "tpu.region"() ({
      %run_scoped3A = tpu.sem_alloc : memref<!tpu.dma_semaphore, #tpu.memory_space<semaphore_mem>>
      %dma_start3A_312 = tpu.memref_slice %arg21[%multiple_of3A_225] : memref<10240xf32, #tpu.memory_space<vmem_shared>> -> memref<80xf32, #tpu.memory_space<vmem_shared>>
      %dma_start3A_313 = tpu.memref_slice %arg21[%multiple_of3A_225] : memref<10240xf32, #tpu.memory_space<vmem_shared>> -> memref<80xf32, #tpu.memory_space<vmem_shared>>
      tpu.enqueue_dma source(%dma_start3A_313 : memref<80xf32, #tpu.memory_space<vmem_shared>>) target(%arg19 : memref<80xf32, #tpu.memory_space<vmem>>) target_semaphore(%run_scoped3A : memref<!tpu.dma_semaphore, #tpu.memory_space<semaphore_mem>>)
      %dma_wait3A_314 = tpu.memref_slice %arg21[%multiple_of3A_225] : memref<10240xf32, #tpu.memory_space<vmem_shared>> -> memref<80xf32, #tpu.memory_space<vmem_shared>>
      %dma_wait3A_315 = tpu.memref_slice %arg21[%multiple_of3A_225] : memref<10240xf32, #tpu.memory_space<vmem_shared>> -> memref<80xf32, #tpu.memory_space<vmem_shared>>
      tpu.wait_dma2 semaphore(%run_scoped3A : memref<!tpu.dma_semaphore, #tpu.memory_space<semaphore_mem>>) src(%dma_wait3A_315 : memref<80xf32, #tpu.memory_space<vmem_shared>>) dst(%arg19 : memref<80xf32, #tpu.memory_space<vmem>>)
      tpu.yield
    }) : () -> ()
    "tpu.region"() ({
      %run_scoped3A = tpu.sem_alloc : memref<!tpu.dma_semaphore, #tpu.memory_space<semaphore_mem>>
      %dma_start3A_312 = tpu.memref_slice %arg6[%multiple_of3A_233] : memref<20480xf32, #tpu.memory_space<hbm>> -> memref<80xf32, #tpu.memory_space<hbm>>
      %dma_start3A_313 = tpu.memref_slice %arg6[%multiple_of3A_233] : memref<20480xf32, #tpu.memory_space<hbm>> -> memref<80xf32, #tpu.memory_space<hbm>>
      tpu.enqueue_dma source(%arg19 : memref<80xf32, #tpu.memory_space<vmem>>) target(%dma_start3A_313 : memref<80xf32, #tpu.memory_space<hbm>>) target_semaphore(%run_scoped3A : memref<!tpu.dma_semaphore, #tpu.memory_space<semaphore_mem>>)
      %dma_wait3A_314 = tpu.memref_slice %arg6[%multiple_of3A_233] : memref<20480xf32, #tpu.memory_space<hbm>> -> memref<80xf32, #tpu.memory_space<hbm>>
      %dma_wait3A_315 = tpu.memref_slice %arg6[%multiple_of3A_233] : memref<20480xf32, #tpu.memory_space<hbm>> -> memref<80xf32, #tpu.memory_space<hbm>>
      tpu.wait_dma2 semaphore(%run_scoped3A : memref<!tpu.dma_semaphore, #tpu.memory_space<semaphore_mem>>) src(%arg19 : memref<80xf32, #tpu.memory_space<vmem>>) dst(%dma_wait3A_315 : memref<80xf32, #tpu.memory_space<hbm>>)
      tpu.yield
    }) : () -> ()
    %mul3A_234 = arith.constant 640 : i32
    %mul3A_235 = arith.muli %arg1, %mul3A_234 : i32
    %add3A_236 = arith.constant 160 : i32
    %add3A_237 = arith.addi %mul3A_235, %add3A_236 : i32
    %multiple_of3A_238 = tpu.assume_multiple %add3A_237, 8 : i32
    %mul3A_239 = arith.constant 10240 : i32
    %mul3A_240 = arith.muli %arg0, %mul3A_239 : i32
    %mul3A_241 = arith.constant 640 : i32
    %mul3A_242 = arith.muli %arg1, %mul3A_241 : i32
    %add3A_243 = arith.addi %mul3A_240, %mul3A_242 : i32
    %add3A_244 = arith.constant 160 : i32
    %add3A_245 = arith.addi %add3A_243, %add3A_244 : i32
    %multiple_of3A_246 = tpu.assume_multiple %add3A_245, 8 : i32
    "tpu.region"() ({
      %run_scoped3A = tpu.sem_alloc : memref<!tpu.dma_semaphore, #tpu.memory_space<semaphore_mem>>
      %dma_start3A_312 = arith.constant 0 : i32
      %dma_start3A_313 = tpu.memref_slice %arg20[%multiple_of3A_238, %dma_start3A_312] : memref<10240x128xf32, #tpu.memory_space<vmem_shared>> -> memref<80x128xf32, #tpu.memory_space<vmem_shared>>
      %dma_start3A_314 = arith.constant 0 : i32
      %dma_start3A_315 = tpu.memref_slice %arg20[%multiple_of3A_238, %dma_start3A_314] : memref<10240x128xf32, #tpu.memory_space<vmem_shared>> -> memref<80x128xf32, #tpu.memory_space<vmem_shared>>
      tpu.enqueue_dma source(%dma_start3A_315 : memref<80x128xf32, #tpu.memory_space<vmem_shared>>) target(%arg15 : memref<80x128xf32, #tpu.memory_space<vmem>>) target_semaphore(%run_scoped3A : memref<!tpu.dma_semaphore, #tpu.memory_space<semaphore_mem>>)
      %dma_wait3A_316 = arith.constant 0 : i32
      %dma_wait3A_317 = tpu.memref_slice %arg20[%multiple_of3A_238, %dma_wait3A_316] : memref<10240x128xf32, #tpu.memory_space<vmem_shared>> -> memref<80x128xf32, #tpu.memory_space<vmem_shared>>
      %dma_wait3A_318 = arith.constant 0 : i32
      %dma_wait3A_319 = tpu.memref_slice %arg20[%multiple_of3A_238, %dma_wait3A_318] : memref<10240x128xf32, #tpu.memory_space<vmem_shared>> -> memref<80x128xf32, #tpu.memory_space<vmem_shared>>
      tpu.wait_dma2 semaphore(%run_scoped3A : memref<!tpu.dma_semaphore, #tpu.memory_space<semaphore_mem>>) src(%dma_wait3A_319 : memref<80x128xf32, #tpu.memory_space<vmem_shared>>) dst(%arg15 : memref<80x128xf32, #tpu.memory_space<vmem>>)
      tpu.yield
    }) : () -> ()
    "tpu.region"() ({
      %run_scoped3A = tpu.sem_alloc : memref<!tpu.dma_semaphore, #tpu.memory_space<semaphore_mem>>
      %dma_start3A_312 = arith.constant 0 : i32
      %dma_start3A_313 = tpu.memref_slice %arg5[%multiple_of3A_246, %dma_start3A_312] : memref<20480x128xf32, #tpu.memory_space<hbm>> -> memref<80x128xf32, #tpu.memory_space<hbm>>
      %dma_start3A_314 = arith.constant 0 : i32
      %dma_start3A_315 = tpu.memref_slice %arg5[%multiple_of3A_246, %dma_start3A_314] : memref<20480x128xf32, #tpu.memory_space<hbm>> -> memref<80x128xf32, #tpu.memory_space<hbm>>
      tpu.enqueue_dma source(%arg15 : memref<80x128xf32, #tpu.memory_space<vmem>>) target(%dma_start3A_315 : memref<80x128xf32, #tpu.memory_space<hbm>>) target_semaphore(%run_scoped3A : memref<!tpu.dma_semaphore, #tpu.memory_space<semaphore_mem>>)
      %dma_wait3A_316 = arith.constant 0 : i32
      %dma_wait3A_317 = tpu.memref_slice %arg5[%multiple_of3A_246, %dma_wait3A_316] : memref<20480x128xf32, #tpu.memory_space<hbm>> -> memref<80x128xf32, #tpu.memory_space<hbm>>
      %dma_wait3A_318 = arith.constant 0 : i32
      %dma_wait3A_319 = tpu.memref_slice %arg5[%multiple_of3A_246, %dma_wait3A_318] : memref<20480x128xf32, #tpu.memory_space<hbm>> -> memref<80x128xf32, #tpu.memory_space<hbm>>
      tpu.wait_dma2 semaphore(%run_scoped3A : memref<!tpu.dma_semaphore, #tpu.memory_space<semaphore_mem>>) src(%arg15 : memref<80x128xf32, #tpu.memory_space<vmem>>) dst(%dma_wait3A_319 : memref<80x128xf32, #tpu.memory_space<hbm>>)
      tpu.yield
    }) : () -> ()
    "tpu.region"() ({
      %run_scoped3A = tpu.sem_alloc : memref<!tpu.dma_semaphore, #tpu.memory_space<semaphore_mem>>
      %dma_start3A_312 = tpu.memref_slice %arg21[%multiple_of3A_238] : memref<10240xf32, #tpu.memory_space<vmem_shared>> -> memref<80xf32, #tpu.memory_space<vmem_shared>>
      %dma_start3A_313 = tpu.memref_slice %arg21[%multiple_of3A_238] : memref<10240xf32, #tpu.memory_space<vmem_shared>> -> memref<80xf32, #tpu.memory_space<vmem_shared>>
      tpu.enqueue_dma source(%dma_start3A_313 : memref<80xf32, #tpu.memory_space<vmem_shared>>) target(%arg19 : memref<80xf32, #tpu.memory_space<vmem>>) target_semaphore(%run_scoped3A : memref<!tpu.dma_semaphore, #tpu.memory_space<semaphore_mem>>)
      %dma_wait3A_314 = tpu.memref_slice %arg21[%multiple_of3A_238] : memref<10240xf32, #tpu.memory_space<vmem_shared>> -> memref<80xf32, #tpu.memory_space<vmem_shared>>
      %dma_wait3A_315 = tpu.memref_slice %arg21[%multiple_of3A_238] : memref<10240xf32, #tpu.memory_space<vmem_shared>> -> memref<80xf32, #tpu.memory_space<vmem_shared>>
      tpu.wait_dma2 semaphore(%run_scoped3A : memref<!tpu.dma_semaphore, #tpu.memory_space<semaphore_mem>>) src(%dma_wait3A_315 : memref<80xf32, #tpu.memory_space<vmem_shared>>) dst(%arg19 : memref<80xf32, #tpu.memory_space<vmem>>)
      tpu.yield
    }) : () -> ()
    "tpu.region"() ({
      %run_scoped3A = tpu.sem_alloc : memref<!tpu.dma_semaphore, #tpu.memory_space<semaphore_mem>>
      %dma_start3A_312 = tpu.memref_slice %arg6[%multiple_of3A_246] : memref<20480xf32, #tpu.memory_space<hbm>> -> memref<80xf32, #tpu.memory_space<hbm>>
      %dma_start3A_313 = tpu.memref_slice %arg6[%multiple_of3A_246] : memref<20480xf32, #tpu.memory_space<hbm>> -> memref<80xf32, #tpu.memory_space<hbm>>
      tpu.enqueue_dma source(%arg19 : memref<80xf32, #tpu.memory_space<vmem>>) target(%dma_start3A_313 : memref<80xf32, #tpu.memory_space<hbm>>) target_semaphore(%run_scoped3A : memref<!tpu.dma_semaphore, #tpu.memory_space<semaphore_mem>>)
      %dma_wait3A_314 = tpu.memref_slice %arg6[%multiple_of3A_246] : memref<20480xf32, #tpu.memory_space<hbm>> -> memref<80xf32, #tpu.memory_space<hbm>>
      %dma_wait3A_315 = tpu.memref_slice %arg6[%multiple_of3A_246] : memref<20480xf32, #tpu.memory_space<hbm>> -> memref<80xf32, #tpu.memory_space<hbm>>
      tpu.wait_dma2 semaphore(%run_scoped3A : memref<!tpu.dma_semaphore, #tpu.memory_space<semaphore_mem>>) src(%arg19 : memref<80xf32, #tpu.memory_space<vmem>>) dst(%dma_wait3A_315 : memref<80xf32, #tpu.memory_space<hbm>>)
      tpu.yield
    }) : () -> ()
    %mul3A_247 = arith.constant 640 : i32
    %mul3A_248 = arith.muli %arg1, %mul3A_247 : i32
    %add3A_249 = arith.constant 240 : i32
    %add3A_250 = arith.addi %mul3A_248, %add3A_249 : i32
    %multiple_of3A_251 = tpu.assume_multiple %add3A_250, 8 : i32
    %mul3A_252 = arith.constant 10240 : i32
    %mul3A_253 = arith.muli %arg0, %mul3A_252 : i32
    %mul3A_254 = arith.constant 640 : i32
    %mul3A_255 = arith.muli %arg1, %mul3A_254 : i32
    %add3A_256 = arith.addi %mul3A_253, %mul3A_255 : i32
    %add3A_257 = arith.constant 240 : i32
    %add3A_258 = arith.addi %add3A_256, %add3A_257 : i32
    %multiple_of3A_259 = tpu.assume_multiple %add3A_258, 8 : i32
    "tpu.region"() ({
      %run_scoped3A = tpu.sem_alloc : memref<!tpu.dma_semaphore, #tpu.memory_space<semaphore_mem>>
      %dma_start3A_312 = arith.constant 0 : i32
      %dma_start3A_313 = tpu.memref_slice %arg20[%multiple_of3A_251, %dma_start3A_312] : memref<10240x128xf32, #tpu.memory_space<vmem_shared>> -> memref<80x128xf32, #tpu.memory_space<vmem_shared>>
      %dma_start3A_314 = arith.constant 0 : i32
      %dma_start3A_315 = tpu.memref_slice %arg20[%multiple_of3A_251, %dma_start3A_314] : memref<10240x128xf32, #tpu.memory_space<vmem_shared>> -> memref<80x128xf32, #tpu.memory_space<vmem_shared>>
      tpu.enqueue_dma source(%dma_start3A_315 : memref<80x128xf32, #tpu.memory_space<vmem_shared>>) target(%arg15 : memref<80x128xf32, #tpu.memory_space<vmem>>) target_semaphore(%run_scoped3A : memref<!tpu.dma_semaphore, #tpu.memory_space<semaphore_mem>>)
      %dma_wait3A_316 = arith.constant 0 : i32
      %dma_wait3A_317 = tpu.memref_slice %arg20[%multiple_of3A_251, %dma_wait3A_316] : memref<10240x128xf32, #tpu.memory_space<vmem_shared>> -> memref<80x128xf32, #tpu.memory_space<vmem_shared>>
      %dma_wait3A_318 = arith.constant 0 : i32
      %dma_wait3A_319 = tpu.memref_slice %arg20[%multiple_of3A_251, %dma_wait3A_318] : memref<10240x128xf32, #tpu.memory_space<vmem_shared>> -> memref<80x128xf32, #tpu.memory_space<vmem_shared>>
      tpu.wait_dma2 semaphore(%run_scoped3A : memref<!tpu.dma_semaphore, #tpu.memory_space<semaphore_mem>>) src(%dma_wait3A_319 : memref<80x128xf32, #tpu.memory_space<vmem_shared>>) dst(%arg15 : memref<80x128xf32, #tpu.memory_space<vmem>>)
      tpu.yield
    }) : () -> ()
    "tpu.region"() ({
      %run_scoped3A = tpu.sem_alloc : memref<!tpu.dma_semaphore, #tpu.memory_space<semaphore_mem>>
      %dma_start3A_312 = arith.constant 0 : i32
      %dma_start3A_313 = tpu.memref_slice %arg5[%multiple_of3A_259, %dma_start3A_312] : memref<20480x128xf32, #tpu.memory_space<hbm>> -> memref<80x128xf32, #tpu.memory_space<hbm>>
      %dma_start3A_314 = arith.constant 0 : i32
      %dma_start3A_315 = tpu.memref_slice %arg5[%multiple_of3A_259, %dma_start3A_314] : memref<20480x128xf32, #tpu.memory_space<hbm>> -> memref<80x128xf32, #tpu.memory_space<hbm>>
      tpu.enqueue_dma source(%arg15 : memref<80x128xf32, #tpu.memory_space<vmem>>) target(%dma_start3A_315 : memref<80x128xf32, #tpu.memory_space<hbm>>) target_semaphore(%run_scoped3A : memref<!tpu.dma_semaphore, #tpu.memory_space<semaphore_mem>>)
      %dma_wait3A_316 = arith.constant 0 : i32
      %dma_wait3A_317 = tpu.memref_slice %arg5[%multiple_of3A_259, %dma_wait3A_316] : memref<20480x128xf32, #tpu.memory_space<hbm>> -> memref<80x128xf32, #tpu.memory_space<hbm>>
      %dma_wait3A_318 = arith.constant 0 : i32
      %dma_wait3A_319 = tpu.memref_slice %arg5[%multiple_of3A_259, %dma_wait3A_318] : memref<20480x128xf32, #tpu.memory_space<hbm>> -> memref<80x128xf32, #tpu.memory_space<hbm>>
      tpu.wait_dma2 semaphore(%run_scoped3A : memref<!tpu.dma_semaphore, #tpu.memory_space<semaphore_mem>>) src(%arg15 : memref<80x128xf32, #tpu.memory_space<vmem>>) dst(%dma_wait3A_319 : memref<80x128xf32, #tpu.memory_space<hbm>>)
      tpu.yield
    }) : () -> ()
    "tpu.region"() ({
      %run_scoped3A = tpu.sem_alloc : memref<!tpu.dma_semaphore, #tpu.memory_space<semaphore_mem>>
      %dma_start3A_312 = tpu.memref_slice %arg21[%multiple_of3A_251] : memref<10240xf32, #tpu.memory_space<vmem_shared>> -> memref<80xf32, #tpu.memory_space<vmem_shared>>
      %dma_start3A_313 = tpu.memref_slice %arg21[%multiple_of3A_251] : memref<10240xf32, #tpu.memory_space<vmem_shared>> -> memref<80xf32, #tpu.memory_space<vmem_shared>>
      tpu.enqueue_dma source(%dma_start3A_313 : memref<80xf32, #tpu.memory_space<vmem_shared>>) target(%arg19 : memref<80xf32, #tpu.memory_space<vmem>>) target_semaphore(%run_scoped3A : memref<!tpu.dma_semaphore, #tpu.memory_space<semaphore_mem>>)
      %dma_wait3A_314 = tpu.memref_slice %arg21[%multiple_of3A_251] : memref<10240xf32, #tpu.memory_space<vmem_shared>> -> memref<80xf32, #tpu.memory_space<vmem_shared>>
      %dma_wait3A_315 = tpu.memref_slice %arg21[%multiple_of3A_251] : memref<10240xf32, #tpu.memory_space<vmem_shared>> -> memref<80xf32, #tpu.memory_space<vmem_shared>>
      tpu.wait_dma2 semaphore(%run_scoped3A : memref<!tpu.dma_semaphore, #tpu.memory_space<semaphore_mem>>) src(%dma_wait3A_315 : memref<80xf32, #tpu.memory_space<vmem_shared>>) dst(%arg19 : memref<80xf32, #tpu.memory_space<vmem>>)
      tpu.yield
    }) : () -> ()
    "tpu.region"() ({
      %run_scoped3A = tpu.sem_alloc : memref<!tpu.dma_semaphore, #tpu.memory_space<semaphore_mem>>
      %dma_start3A_312 = tpu.memref_slice %arg6[%multiple_of3A_259] : memref<20480xf32, #tpu.memory_space<hbm>> -> memref<80xf32, #tpu.memory_space<hbm>>
      %dma_start3A_313 = tpu.memref_slice %arg6[%multiple_of3A_259] : memref<20480xf32, #tpu.memory_space<hbm>> -> memref<80xf32, #tpu.memory_space<hbm>>
      tpu.enqueue_dma source(%arg19 : memref<80xf32, #tpu.memory_space<vmem>>) target(%dma_start3A_313 : memref<80xf32, #tpu.memory_space<hbm>>) target_semaphore(%run_scoped3A : memref<!tpu.dma_semaphore, #tpu.memory_space<semaphore_mem>>)
      %dma_wait3A_314 = tpu.memref_slice %arg6[%multiple_of3A_259] : memref<20480xf32, #tpu.memory_space<hbm>> -> memref<80xf32, #tpu.memory_space<hbm>>
      %dma_wait3A_315 = tpu.memref_slice %arg6[%multiple_of3A_259] : memref<20480xf32, #tpu.memory_space<hbm>> -> memref<80xf32, #tpu.memory_space<hbm>>
      tpu.wait_dma2 semaphore(%run_scoped3A : memref<!tpu.dma_semaphore, #tpu.memory_space<semaphore_mem>>) src(%arg19 : memref<80xf32, #tpu.memory_space<vmem>>) dst(%dma_wait3A_315 : memref<80xf32, #tpu.memory_space<hbm>>)
      tpu.yield
    }) : () -> ()
    %mul3A_260 = arith.constant 640 : i32
    %mul3A_261 = arith.muli %arg1, %mul3A_260 : i32
    %add3A_262 = arith.constant 320 : i32
    %add3A_263 = arith.addi %mul3A_261, %add3A_262 : i32
    %multiple_of3A_264 = tpu.assume_multiple %add3A_263, 8 : i32
    %mul3A_265 = arith.constant 10240 : i32
    %mul3A_266 = arith.muli %arg0, %mul3A_265 : i32
    %mul3A_267 = arith.constant 640 : i32
    %mul3A_268 = arith.muli %arg1, %mul3A_267 : i32
    %add3A_269 = arith.addi %mul3A_266, %mul3A_268 : i32
    %add3A_270 = arith.constant 320 : i32
    %add3A_271 = arith.addi %add3A_269, %add3A_270 : i32
    %multiple_of3A_272 = tpu.assume_multiple %add3A_271, 8 : i32
    "tpu.region"() ({
      %run_scoped3A = tpu.sem_alloc : memref<!tpu.dma_semaphore, #tpu.memory_space<semaphore_mem>>
      %dma_start3A_312 = arith.constant 0 : i32
      %dma_start3A_313 = tpu.memref_slice %arg20[%multiple_of3A_264, %dma_start3A_312] : memref<10240x128xf32, #tpu.memory_space<vmem_shared>> -> memref<80x128xf32, #tpu.memory_space<vmem_shared>>
      %dma_start3A_314 = arith.constant 0 : i32
      %dma_start3A_315 = tpu.memref_slice %arg20[%multiple_of3A_264, %dma_start3A_314] : memref<10240x128xf32, #tpu.memory_space<vmem_shared>> -> memref<80x128xf32, #tpu.memory_space<vmem_shared>>
      tpu.enqueue_dma source(%dma_start3A_315 : memref<80x128xf32, #tpu.memory_space<vmem_shared>>) target(%arg15 : memref<80x128xf32, #tpu.memory_space<vmem>>) target_semaphore(%run_scoped3A : memref<!tpu.dma_semaphore, #tpu.memory_space<semaphore_mem>>)
      %dma_wait3A_316 = arith.constant 0 : i32
      %dma_wait3A_317 = tpu.memref_slice %arg20[%multiple_of3A_264, %dma_wait3A_316] : memref<10240x128xf32, #tpu.memory_space<vmem_shared>> -> memref<80x128xf32, #tpu.memory_space<vmem_shared>>
      %dma_wait3A_318 = arith.constant 0 : i32
      %dma_wait3A_319 = tpu.memref_slice %arg20[%multiple_of3A_264, %dma_wait3A_318] : memref<10240x128xf32, #tpu.memory_space<vmem_shared>> -> memref<80x128xf32, #tpu.memory_space<vmem_shared>>
      tpu.wait_dma2 semaphore(%run_scoped3A : memref<!tpu.dma_semaphore, #tpu.memory_space<semaphore_mem>>) src(%dma_wait3A_319 : memref<80x128xf32, #tpu.memory_space<vmem_shared>>) dst(%arg15 : memref<80x128xf32, #tpu.memory_space<vmem>>)
      tpu.yield
    }) : () -> ()
    "tpu.region"() ({
      %run_scoped3A = tpu.sem_alloc : memref<!tpu.dma_semaphore, #tpu.memory_space<semaphore_mem>>
      %dma_start3A_312 = arith.constant 0 : i32
      %dma_start3A_313 = tpu.memref_slice %arg5[%multiple_of3A_272, %dma_start3A_312] : memref<20480x128xf32, #tpu.memory_space<hbm>> -> memref<80x128xf32, #tpu.memory_space<hbm>>
      %dma_start3A_314 = arith.constant 0 : i32
      %dma_start3A_315 = tpu.memref_slice %arg5[%multiple_of3A_272, %dma_start3A_314] : memref<20480x128xf32, #tpu.memory_space<hbm>> -> memref<80x128xf32, #tpu.memory_space<hbm>>
      tpu.enqueue_dma source(%arg15 : memref<80x128xf32, #tpu.memory_space<vmem>>) target(%dma_start3A_315 : memref<80x128xf32, #tpu.memory_space<hbm>>) target_semaphore(%run_scoped3A : memref<!tpu.dma_semaphore, #tpu.memory_space<semaphore_mem>>)
      %dma_wait3A_316 = arith.constant 0 : i32
      %dma_wait3A_317 = tpu.memref_slice %arg5[%multiple_of3A_272, %dma_wait3A_316] : memref<20480x128xf32, #tpu.memory_space<hbm>> -> memref<80x128xf32, #tpu.memory_space<hbm>>
      %dma_wait3A_318 = arith.constant 0 : i32
      %dma_wait3A_319 = tpu.memref_slice %arg5[%multiple_of3A_272, %dma_wait3A_318] : memref<20480x128xf32, #tpu.memory_space<hbm>> -> memref<80x128xf32, #tpu.memory_space<hbm>>
      tpu.wait_dma2 semaphore(%run_scoped3A : memref<!tpu.dma_semaphore, #tpu.memory_space<semaphore_mem>>) src(%arg15 : memref<80x128xf32, #tpu.memory_space<vmem>>) dst(%dma_wait3A_319 : memref<80x128xf32, #tpu.memory_space<hbm>>)
      tpu.yield
    }) : () -> ()
    "tpu.region"() ({
      %run_scoped3A = tpu.sem_alloc : memref<!tpu.dma_semaphore, #tpu.memory_space<semaphore_mem>>
      %dma_start3A_312 = tpu.memref_slice %arg21[%multiple_of3A_264] : memref<10240xf32, #tpu.memory_space<vmem_shared>> -> memref<80xf32, #tpu.memory_space<vmem_shared>>
      %dma_start3A_313 = tpu.memref_slice %arg21[%multiple_of3A_264] : memref<10240xf32, #tpu.memory_space<vmem_shared>> -> memref<80xf32, #tpu.memory_space<vmem_shared>>
      tpu.enqueue_dma source(%dma_start3A_313 : memref<80xf32, #tpu.memory_space<vmem_shared>>) target(%arg19 : memref<80xf32, #tpu.memory_space<vmem>>) target_semaphore(%run_scoped3A : memref<!tpu.dma_semaphore, #tpu.memory_space<semaphore_mem>>)
      %dma_wait3A_314 = tpu.memref_slice %arg21[%multiple_of3A_264] : memref<10240xf32, #tpu.memory_space<vmem_shared>> -> memref<80xf32, #tpu.memory_space<vmem_shared>>
      %dma_wait3A_315 = tpu.memref_slice %arg21[%multiple_of3A_264] : memref<10240xf32, #tpu.memory_space<vmem_shared>> -> memref<80xf32, #tpu.memory_space<vmem_shared>>
      tpu.wait_dma2 semaphore(%run_scoped3A : memref<!tpu.dma_semaphore, #tpu.memory_space<semaphore_mem>>) src(%dma_wait3A_315 : memref<80xf32, #tpu.memory_space<vmem_shared>>) dst(%arg19 : memref<80xf32, #tpu.memory_space<vmem>>)
      tpu.yield
    }) : () -> ()
    "tpu.region"() ({
      %run_scoped3A = tpu.sem_alloc : memref<!tpu.dma_semaphore, #tpu.memory_space<semaphore_mem>>
      %dma_start3A_312 = tpu.memref_slice %arg6[%multiple_of3A_272] : memref<20480xf32, #tpu.memory_space<hbm>> -> memref<80xf32, #tpu.memory_space<hbm>>
      %dma_start3A_313 = tpu.memref_slice %arg6[%multiple_of3A_272] : memref<20480xf32, #tpu.memory_space<hbm>> -> memref<80xf32, #tpu.memory_space<hbm>>
      tpu.enqueue_dma source(%arg19 : memref<80xf32, #tpu.memory_space<vmem>>) target(%dma_start3A_313 : memref<80xf32, #tpu.memory_space<hbm>>) target_semaphore(%run_scoped3A : memref<!tpu.dma_semaphore, #tpu.memory_space<semaphore_mem>>)
      %dma_wait3A_314 = tpu.memref_slice %arg6[%multiple_of3A_272] : memref<20480xf32, #tpu.memory_space<hbm>> -> memref<80xf32, #tpu.memory_space<hbm>>
      %dma_wait3A_315 = tpu.memref_slice %arg6[%multiple_of3A_272] : memref<20480xf32, #tpu.memory_space<hbm>> -> memref<80xf32, #tpu.memory_space<hbm>>
      tpu.wait_dma2 semaphore(%run_scoped3A : memref<!tpu.dma_semaphore, #tpu.memory_space<semaphore_mem>>) src(%arg19 : memref<80xf32, #tpu.memory_space<vmem>>) dst(%dma_wait3A_315 : memref<80xf32, #tpu.memory_space<hbm>>)
      tpu.yield
    }) : () -> ()
    %mul3A_273 = arith.constant 640 : i32
    %mul3A_274 = arith.muli %arg1, %mul3A_273 : i32
    %add3A_275 = arith.constant 400 : i32
    %add3A_276 = arith.addi %mul3A_274, %add3A_275 : i32
    %multiple_of3A_277 = tpu.assume_multiple %add3A_276, 8 : i32
    %mul3A_278 = arith.constant 10240 : i32
    %mul3A_279 = arith.muli %arg0, %mul3A_278 : i32
    %mul3A_280 = arith.constant 640 : i32
    %mul3A_281 = arith.muli %arg1, %mul3A_280 : i32
    %add3A_282 = arith.addi %mul3A_279, %mul3A_281 : i32
    %add3A_283 = arith.constant 400 : i32
    %add3A_284 = arith.addi %add3A_282, %add3A_283 : i32
    %multiple_of3A_285 = tpu.assume_multiple %add3A_284, 8 : i32
    "tpu.region"() ({
      %run_scoped3A = tpu.sem_alloc : memref<!tpu.dma_semaphore, #tpu.memory_space<semaphore_mem>>
      %dma_start3A_312 = arith.constant 0 : i32
      %dma_start3A_313 = tpu.memref_slice %arg20[%multiple_of3A_277, %dma_start3A_312] : memref<10240x128xf32, #tpu.memory_space<vmem_shared>> -> memref<80x128xf32, #tpu.memory_space<vmem_shared>>
      %dma_start3A_314 = arith.constant 0 : i32
      %dma_start3A_315 = tpu.memref_slice %arg20[%multiple_of3A_277, %dma_start3A_314] : memref<10240x128xf32, #tpu.memory_space<vmem_shared>> -> memref<80x128xf32, #tpu.memory_space<vmem_shared>>
      tpu.enqueue_dma source(%dma_start3A_315 : memref<80x128xf32, #tpu.memory_space<vmem_shared>>) target(%arg15 : memref<80x128xf32, #tpu.memory_space<vmem>>) target_semaphore(%run_scoped3A : memref<!tpu.dma_semaphore, #tpu.memory_space<semaphore_mem>>)
      %dma_wait3A_316 = arith.constant 0 : i32
      %dma_wait3A_317 = tpu.memref_slice %arg20[%multiple_of3A_277, %dma_wait3A_316] : memref<10240x128xf32, #tpu.memory_space<vmem_shared>> -> memref<80x128xf32, #tpu.memory_space<vmem_shared>>
      %dma_wait3A_318 = arith.constant 0 : i32
      %dma_wait3A_319 = tpu.memref_slice %arg20[%multiple_of3A_277, %dma_wait3A_318] : memref<10240x128xf32, #tpu.memory_space<vmem_shared>> -> memref<80x128xf32, #tpu.memory_space<vmem_shared>>
      tpu.wait_dma2 semaphore(%run_scoped3A : memref<!tpu.dma_semaphore, #tpu.memory_space<semaphore_mem>>) src(%dma_wait3A_319 : memref<80x128xf32, #tpu.memory_space<vmem_shared>>) dst(%arg15 : memref<80x128xf32, #tpu.memory_space<vmem>>)
      tpu.yield
    }) : () -> ()
    "tpu.region"() ({
      %run_scoped3A = tpu.sem_alloc : memref<!tpu.dma_semaphore, #tpu.memory_space<semaphore_mem>>
      %dma_start3A_312 = arith.constant 0 : i32
      %dma_start3A_313 = tpu.memref_slice %arg5[%multiple_of3A_285, %dma_start3A_312] : memref<20480x128xf32, #tpu.memory_space<hbm>> -> memref<80x128xf32, #tpu.memory_space<hbm>>
      %dma_start3A_314 = arith.constant 0 : i32
      %dma_start3A_315 = tpu.memref_slice %arg5[%multiple_of3A_285, %dma_start3A_314] : memref<20480x128xf32, #tpu.memory_space<hbm>> -> memref<80x128xf32, #tpu.memory_space<hbm>>
      tpu.enqueue_dma source(%arg15 : memref<80x128xf32, #tpu.memory_space<vmem>>) target(%dma_start3A_315 : memref<80x128xf32, #tpu.memory_space<hbm>>) target_semaphore(%run_scoped3A : memref<!tpu.dma_semaphore, #tpu.memory_space<semaphore_mem>>)
      %dma_wait3A_316 = arith.constant 0 : i32
      %dma_wait3A_317 = tpu.memref_slice %arg5[%multiple_of3A_285, %dma_wait3A_316] : memref<20480x128xf32, #tpu.memory_space<hbm>> -> memref<80x128xf32, #tpu.memory_space<hbm>>
      %dma_wait3A_318 = arith.constant 0 : i32
      %dma_wait3A_319 = tpu.memref_slice %arg5[%multiple_of3A_285, %dma_wait3A_318] : memref<20480x128xf32, #tpu.memory_space<hbm>> -> memref<80x128xf32, #tpu.memory_space<hbm>>
      tpu.wait_dma2 semaphore(%run_scoped3A : memref<!tpu.dma_semaphore, #tpu.memory_space<semaphore_mem>>) src(%arg15 : memref<80x128xf32, #tpu.memory_space<vmem>>) dst(%dma_wait3A_319 : memref<80x128xf32, #tpu.memory_space<hbm>>)
      tpu.yield
    }) : () -> ()
    "tpu.region"() ({
      %run_scoped3A = tpu.sem_alloc : memref<!tpu.dma_semaphore, #tpu.memory_space<semaphore_mem>>
      %dma_start3A_312 = tpu.memref_slice %arg21[%multiple_of3A_277] : memref<10240xf32, #tpu.memory_space<vmem_shared>> -> memref<80xf32, #tpu.memory_space<vmem_shared>>
      %dma_start3A_313 = tpu.memref_slice %arg21[%multiple_of3A_277] : memref<10240xf32, #tpu.memory_space<vmem_shared>> -> memref<80xf32, #tpu.memory_space<vmem_shared>>
      tpu.enqueue_dma source(%dma_start3A_313 : memref<80xf32, #tpu.memory_space<vmem_shared>>) target(%arg19 : memref<80xf32, #tpu.memory_space<vmem>>) target_semaphore(%run_scoped3A : memref<!tpu.dma_semaphore, #tpu.memory_space<semaphore_mem>>)
      %dma_wait3A_314 = tpu.memref_slice %arg21[%multiple_of3A_277] : memref<10240xf32, #tpu.memory_space<vmem_shared>> -> memref<80xf32, #tpu.memory_space<vmem_shared>>
      %dma_wait3A_315 = tpu.memref_slice %arg21[%multiple_of3A_277] : memref<10240xf32, #tpu.memory_space<vmem_shared>> -> memref<80xf32, #tpu.memory_space<vmem_shared>>
      tpu.wait_dma2 semaphore(%run_scoped3A : memref<!tpu.dma_semaphore, #tpu.memory_space<semaphore_mem>>) src(%dma_wait3A_315 : memref<80xf32, #tpu.memory_space<vmem_shared>>) dst(%arg19 : memref<80xf32, #tpu.memory_space<vmem>>)
      tpu.yield
    }) : () -> ()
    "tpu.region"() ({
      %run_scoped3A = tpu.sem_alloc : memref<!tpu.dma_semaphore, #tpu.memory_space<semaphore_mem>>
      %dma_start3A_312 = tpu.memref_slice %arg6[%multiple_of3A_285] : memref<20480xf32, #tpu.memory_space<hbm>> -> memref<80xf32, #tpu.memory_space<hbm>>
      %dma_start3A_313 = tpu.memref_slice %arg6[%multiple_of3A_285] : memref<20480xf32, #tpu.memory_space<hbm>> -> memref<80xf32, #tpu.memory_space<hbm>>
      tpu.enqueue_dma source(%arg19 : memref<80xf32, #tpu.memory_space<vmem>>) target(%dma_start3A_313 : memref<80xf32, #tpu.memory_space<hbm>>) target_semaphore(%run_scoped3A : memref<!tpu.dma_semaphore, #tpu.memory_space<semaphore_mem>>)
      %dma_wait3A_314 = tpu.memref_slice %arg6[%multiple_of3A_285] : memref<20480xf32, #tpu.memory_space<hbm>> -> memref<80xf32, #tpu.memory_space<hbm>>
      %dma_wait3A_315 = tpu.memref_slice %arg6[%multiple_of3A_285] : memref<20480xf32, #tpu.memory_space<hbm>> -> memref<80xf32, #tpu.memory_space<hbm>>
      tpu.wait_dma2 semaphore(%run_scoped3A : memref<!tpu.dma_semaphore, #tpu.memory_space<semaphore_mem>>) src(%arg19 : memref<80xf32, #tpu.memory_space<vmem>>) dst(%dma_wait3A_315 : memref<80xf32, #tpu.memory_space<hbm>>)
      tpu.yield
    }) : () -> ()
    %mul3A_286 = arith.constant 640 : i32
    %mul3A_287 = arith.muli %arg1, %mul3A_286 : i32
    %add3A_288 = arith.constant 480 : i32
    %add3A_289 = arith.addi %mul3A_287, %add3A_288 : i32
    %multiple_of3A_290 = tpu.assume_multiple %add3A_289, 8 : i32
    %mul3A_291 = arith.constant 10240 : i32
    %mul3A_292 = arith.muli %arg0, %mul3A_291 : i32
    %mul3A_293 = arith.constant 640 : i32
    %mul3A_294 = arith.muli %arg1, %mul3A_293 : i32
    %add3A_295 = arith.addi %mul3A_292, %mul3A_294 : i32
    %add3A_296 = arith.constant 480 : i32
    %add3A_297 = arith.addi %add3A_295, %add3A_296 : i32
    %multiple_of3A_298 = tpu.assume_multiple %add3A_297, 8 : i32
    "tpu.region"() ({
      %run_scoped3A = tpu.sem_alloc : memref<!tpu.dma_semaphore, #tpu.memory_space<semaphore_mem>>
      %dma_start3A_312 = arith.constant 0 : i32
      %dma_start3A_313 = tpu.memref_slice %arg20[%multiple_of3A_290, %dma_start3A_312] : memref<10240x128xf32, #tpu.memory_space<vmem_shared>> -> memref<80x128xf32, #tpu.memory_space<vmem_shared>>
      %dma_start3A_314 = arith.constant 0 : i32
      %dma_start3A_315 = tpu.memref_slice %arg20[%multiple_of3A_290, %dma_start3A_314] : memref<10240x128xf32, #tpu.memory_space<vmem_shared>> -> memref<80x128xf32, #tpu.memory_space<vmem_shared>>
      tpu.enqueue_dma source(%dma_start3A_315 : memref<80x128xf32, #tpu.memory_space<vmem_shared>>) target(%arg15 : memref<80x128xf32, #tpu.memory_space<vmem>>) target_semaphore(%run_scoped3A : memref<!tpu.dma_semaphore, #tpu.memory_space<semaphore_mem>>)
      %dma_wait3A_316 = arith.constant 0 : i32
      %dma_wait3A_317 = tpu.memref_slice %arg20[%multiple_of3A_290, %dma_wait3A_316] : memref<10240x128xf32, #tpu.memory_space<vmem_shared>> -> memref<80x128xf32, #tpu.memory_space<vmem_shared>>
      %dma_wait3A_318 = arith.constant 0 : i32
      %dma_wait3A_319 = tpu.memref_slice %arg20[%multiple_of3A_290, %dma_wait3A_318] : memref<10240x128xf32, #tpu.memory_space<vmem_shared>> -> memref<80x128xf32, #tpu.memory_space<vmem_shared>>
      tpu.wait_dma2 semaphore(%run_scoped3A : memref<!tpu.dma_semaphore, #tpu.memory_space<semaphore_mem>>) src(%dma_wait3A_319 : memref<80x128xf32, #tpu.memory_space<vmem_shared>>) dst(%arg15 : memref<80x128xf32, #tpu.memory_space<vmem>>)
      tpu.yield
    }) : () -> ()
    "tpu.region"() ({
      %run_scoped3A = tpu.sem_alloc : memref<!tpu.dma_semaphore, #tpu.memory_space<semaphore_mem>>
      %dma_start3A_312 = arith.constant 0 : i32
      %dma_start3A_313 = tpu.memref_slice %arg5[%multiple_of3A_298, %dma_start3A_312] : memref<20480x128xf32, #tpu.memory_space<hbm>> -> memref<80x128xf32, #tpu.memory_space<hbm>>
      %dma_start3A_314 = arith.constant 0 : i32
      %dma_start3A_315 = tpu.memref_slice %arg5[%multiple_of3A_298, %dma_start3A_314] : memref<20480x128xf32, #tpu.memory_space<hbm>> -> memref<80x128xf32, #tpu.memory_space<hbm>>
      tpu.enqueue_dma source(%arg15 : memref<80x128xf32, #tpu.memory_space<vmem>>) target(%dma_start3A_315 : memref<80x128xf32, #tpu.memory_space<hbm>>) target_semaphore(%run_scoped3A : memref<!tpu.dma_semaphore, #tpu.memory_space<semaphore_mem>>)
      %dma_wait3A_316 = arith.constant 0 : i32
      %dma_wait3A_317 = tpu.memref_slice %arg5[%multiple_of3A_298, %dma_wait3A_316] : memref<20480x128xf32, #tpu.memory_space<hbm>> -> memref<80x128xf32, #tpu.memory_space<hbm>>
      %dma_wait3A_318 = arith.constant 0 : i32
      %dma_wait3A_319 = tpu.memref_slice %arg5[%multiple_of3A_298, %dma_wait3A_318] : memref<20480x128xf32, #tpu.memory_space<hbm>> -> memref<80x128xf32, #tpu.memory_space<hbm>>
      tpu.wait_dma2 semaphore(%run_scoped3A : memref<!tpu.dma_semaphore, #tpu.memory_space<semaphore_mem>>) src(%arg15 : memref<80x128xf32, #tpu.memory_space<vmem>>) dst(%dma_wait3A_319 : memref<80x128xf32, #tpu.memory_space<hbm>>)
      tpu.yield
    }) : () -> ()
    "tpu.region"() ({
      %run_scoped3A = tpu.sem_alloc : memref<!tpu.dma_semaphore, #tpu.memory_space<semaphore_mem>>
      %dma_start3A_312 = tpu.memref_slice %arg21[%multiple_of3A_290] : memref<10240xf32, #tpu.memory_space<vmem_shared>> -> memref<80xf32, #tpu.memory_space<vmem_shared>>
      %dma_start3A_313 = tpu.memref_slice %arg21[%multiple_of3A_290] : memref<10240xf32, #tpu.memory_space<vmem_shared>> -> memref<80xf32, #tpu.memory_space<vmem_shared>>
      tpu.enqueue_dma source(%dma_start3A_313 : memref<80xf32, #tpu.memory_space<vmem_shared>>) target(%arg19 : memref<80xf32, #tpu.memory_space<vmem>>) target_semaphore(%run_scoped3A : memref<!tpu.dma_semaphore, #tpu.memory_space<semaphore_mem>>)
      %dma_wait3A_314 = tpu.memref_slice %arg21[%multiple_of3A_290] : memref<10240xf32, #tpu.memory_space<vmem_shared>> -> memref<80xf32, #tpu.memory_space<vmem_shared>>
      %dma_wait3A_315 = tpu.memref_slice %arg21[%multiple_of3A_290] : memref<10240xf32, #tpu.memory_space<vmem_shared>> -> memref<80xf32, #tpu.memory_space<vmem_shared>>
      tpu.wait_dma2 semaphore(%run_scoped3A : memref<!tpu.dma_semaphore, #tpu.memory_space<semaphore_mem>>) src(%dma_wait3A_315 : memref<80xf32, #tpu.memory_space<vmem_shared>>) dst(%arg19 : memref<80xf32, #tpu.memory_space<vmem>>)
      tpu.yield
    }) : () -> ()
    "tpu.region"() ({
      %run_scoped3A = tpu.sem_alloc : memref<!tpu.dma_semaphore, #tpu.memory_space<semaphore_mem>>
      %dma_start3A_312 = tpu.memref_slice %arg6[%multiple_of3A_298] : memref<20480xf32, #tpu.memory_space<hbm>> -> memref<80xf32, #tpu.memory_space<hbm>>
      %dma_start3A_313 = tpu.memref_slice %arg6[%multiple_of3A_298] : memref<20480xf32, #tpu.memory_space<hbm>> -> memref<80xf32, #tpu.memory_space<hbm>>
      tpu.enqueue_dma source(%arg19 : memref<80xf32, #tpu.memory_space<vmem>>) target(%dma_start3A_313 : memref<80xf32, #tpu.memory_space<hbm>>) target_semaphore(%run_scoped3A : memref<!tpu.dma_semaphore, #tpu.memory_space<semaphore_mem>>)
      %dma_wait3A_314 = tpu.memref_slice %arg6[%multiple_of3A_298] : memref<20480xf32, #tpu.memory_space<hbm>> -> memref<80xf32, #tpu.memory_space<hbm>>
      %dma_wait3A_315 = tpu.memref_slice %arg6[%multiple_of3A_298] : memref<20480xf32, #tpu.memory_space<hbm>> -> memref<80xf32, #tpu.memory_space<hbm>>
      tpu.wait_dma2 semaphore(%run_scoped3A : memref<!tpu.dma_semaphore, #tpu.memory_space<semaphore_mem>>) src(%arg19 : memref<80xf32, #tpu.memory_space<vmem>>) dst(%dma_wait3A_315 : memref<80xf32, #tpu.memory_space<hbm>>)
      tpu.yield
    }) : () -> ()
    %mul3A_299 = arith.constant 640 : i32
    %mul3A_300 = arith.muli %arg1, %mul3A_299 : i32
    %add3A_301 = arith.constant 560 : i32
    %add3A_302 = arith.addi %mul3A_300, %add3A_301 : i32
    %multiple_of3A_303 = tpu.assume_multiple %add3A_302, 8 : i32
    %mul3A_304 = arith.constant 10240 : i32
    %mul3A_305 = arith.muli %arg0, %mul3A_304 : i32
    %mul3A_306 = arith.constant 640 : i32
    %mul3A_307 = arith.muli %arg1, %mul3A_306 : i32
    %add3A_308 = arith.addi %mul3A_305, %mul3A_307 : i32
    %add3A_309 = arith.constant 560 : i32
    %add3A_310 = arith.addi %add3A_308, %add3A_309 : i32
    %multiple_of3A_311 = tpu.assume_multiple %add3A_310, 8 : i32
    "tpu.region"() ({
      %run_scoped3A = tpu.sem_alloc : memref<!tpu.dma_semaphore, #tpu.memory_space<semaphore_mem>>
      %dma_start3A_312 = arith.constant 0 : i32
      %dma_start3A_313 = tpu.memref_slice %arg20[%multiple_of3A_303, %dma_start3A_312] : memref<10240x128xf32, #tpu.memory_space<vmem_shared>> -> memref<80x128xf32, #tpu.memory_space<vmem_shared>>
      %dma_start3A_314 = arith.constant 0 : i32
      %dma_start3A_315 = tpu.memref_slice %arg20[%multiple_of3A_303, %dma_start3A_314] : memref<10240x128xf32, #tpu.memory_space<vmem_shared>> -> memref<80x128xf32, #tpu.memory_space<vmem_shared>>
      tpu.enqueue_dma source(%dma_start3A_315 : memref<80x128xf32, #tpu.memory_space<vmem_shared>>) target(%arg15 : memref<80x128xf32, #tpu.memory_space<vmem>>) target_semaphore(%run_scoped3A : memref<!tpu.dma_semaphore, #tpu.memory_space<semaphore_mem>>)
      %dma_wait3A_316 = arith.constant 0 : i32
      %dma_wait3A_317 = tpu.memref_slice %arg20[%multiple_of3A_303, %dma_wait3A_316] : memref<10240x128xf32, #tpu.memory_space<vmem_shared>> -> memref<80x128xf32, #tpu.memory_space<vmem_shared>>
      %dma_wait3A_318 = arith.constant 0 : i32
      %dma_wait3A_319 = tpu.memref_slice %arg20[%multiple_of3A_303, %dma_wait3A_318] : memref<10240x128xf32, #tpu.memory_space<vmem_shared>> -> memref<80x128xf32, #tpu.memory_space<vmem_shared>>
      tpu.wait_dma2 semaphore(%run_scoped3A : memref<!tpu.dma_semaphore, #tpu.memory_space<semaphore_mem>>) src(%dma_wait3A_319 : memref<80x128xf32, #tpu.memory_space<vmem_shared>>) dst(%arg15 : memref<80x128xf32, #tpu.memory_space<vmem>>)
      tpu.yield
    }) : () -> ()
    "tpu.region"() ({
      %run_scoped3A = tpu.sem_alloc : memref<!tpu.dma_semaphore, #tpu.memory_space<semaphore_mem>>
      %dma_start3A_312 = arith.constant 0 : i32
      %dma_start3A_313 = tpu.memref_slice %arg5[%multiple_of3A_311, %dma_start3A_312] : memref<20480x128xf32, #tpu.memory_space<hbm>> -> memref<80x128xf32, #tpu.memory_space<hbm>>
      %dma_start3A_314 = arith.constant 0 : i32
      %dma_start3A_315 = tpu.memref_slice %arg5[%multiple_of3A_311, %dma_start3A_314] : memref<20480x128xf32, #tpu.memory_space<hbm>> -> memref<80x128xf32, #tpu.memory_space<hbm>>
      tpu.enqueue_dma source(%arg15 : memref<80x128xf32, #tpu.memory_space<vmem>>) target(%dma_start3A_315 : memref<80x128xf32, #tpu.memory_space<hbm>>) target_semaphore(%run_scoped3A : memref<!tpu.dma_semaphore, #tpu.memory_space<semaphore_mem>>)
      %dma_wait3A_316 = arith.constant 0 : i32
      %dma_wait3A_317 = tpu.memref_slice %arg5[%multiple_of3A_311, %dma_wait3A_316] : memref<20480x128xf32, #tpu.memory_space<hbm>> -> memref<80x128xf32, #tpu.memory_space<hbm>>
      %dma_wait3A_318 = arith.constant 0 : i32
      %dma_wait3A_319 = tpu.memref_slice %arg5[%multiple_of3A_311, %dma_wait3A_318] : memref<20480x128xf32, #tpu.memory_space<hbm>> -> memref<80x128xf32, #tpu.memory_space<hbm>>
      tpu.wait_dma2 semaphore(%run_scoped3A : memref<!tpu.dma_semaphore, #tpu.memory_space<semaphore_mem>>) src(%arg15 : memref<80x128xf32, #tpu.memory_space<vmem>>) dst(%dma_wait3A_319 : memref<80x128xf32, #tpu.memory_space<hbm>>)
      tpu.yield
    }) : () -> ()
    "tpu.region"() ({
      %run_scoped3A = tpu.sem_alloc : memref<!tpu.dma_semaphore, #tpu.memory_space<semaphore_mem>>
      %dma_start3A_312 = tpu.memref_slice %arg21[%multiple_of3A_303] : memref<10240xf32, #tpu.memory_space<vmem_shared>> -> memref<80xf32, #tpu.memory_space<vmem_shared>>
      %dma_start3A_313 = tpu.memref_slice %arg21[%multiple_of3A_303] : memref<10240xf32, #tpu.memory_space<vmem_shared>> -> memref<80xf32, #tpu.memory_space<vmem_shared>>
      tpu.enqueue_dma source(%dma_start3A_313 : memref<80xf32, #tpu.memory_space<vmem_shared>>) target(%arg19 : memref<80xf32, #tpu.memory_space<vmem>>) target_semaphore(%run_scoped3A : memref<!tpu.dma_semaphore, #tpu.memory_space<semaphore_mem>>)
      %dma_wait3A_314 = tpu.memref_slice %arg21[%multiple_of3A_303] : memref<10240xf32, #tpu.memory_space<vmem_shared>> -> memref<80xf32, #tpu.memory_space<vmem_shared>>
      %dma_wait3A_315 = tpu.memref_slice %arg21[%multiple_of3A_303] : memref<10240xf32, #tpu.memory_space<vmem_shared>> -> memref<80xf32, #tpu.memory_space<vmem_shared>>
      tpu.wait_dma2 semaphore(%run_scoped3A : memref<!tpu.dma_semaphore, #tpu.memory_space<semaphore_mem>>) src(%dma_wait3A_315 : memref<80xf32, #tpu.memory_space<vmem_shared>>) dst(%arg19 : memref<80xf32, #tpu.memory_space<vmem>>)
      tpu.yield
    }) : () -> ()
    "tpu.region"() ({
      %run_scoped3A = tpu.sem_alloc : memref<!tpu.dma_semaphore, #tpu.memory_space<semaphore_mem>>
      %dma_start3A_312 = tpu.memref_slice %arg6[%multiple_of3A_311] : memref<20480xf32, #tpu.memory_space<hbm>> -> memref<80xf32, #tpu.memory_space<hbm>>
      %dma_start3A_313 = tpu.memref_slice %arg6[%multiple_of3A_311] : memref<20480xf32, #tpu.memory_space<hbm>> -> memref<80xf32, #tpu.memory_space<hbm>>
      tpu.enqueue_dma source(%arg19 : memref<80xf32, #tpu.memory_space<vmem>>) target(%dma_start3A_313 : memref<80xf32, #tpu.memory_space<hbm>>) target_semaphore(%run_scoped3A : memref<!tpu.dma_semaphore, #tpu.memory_space<semaphore_mem>>)
      %dma_wait3A_314 = tpu.memref_slice %arg6[%multiple_of3A_311] : memref<20480xf32, #tpu.memory_space<hbm>> -> memref<80xf32, #tpu.memory_space<hbm>>
      %dma_wait3A_315 = tpu.memref_slice %arg6[%multiple_of3A_311] : memref<20480xf32, #tpu.memory_space<hbm>> -> memref<80xf32, #tpu.memory_space<hbm>>
      tpu.wait_dma2 semaphore(%run_scoped3A : memref<!tpu.dma_semaphore, #tpu.memory_space<semaphore_mem>>) src(%arg19 : memref<80xf32, #tpu.memory_space<vmem>>) dst(%dma_wait3A_315 : memref<80xf32, #tpu.memory_space<hbm>>)
      tpu.yield
    }) : () -> ()
    return
  }
}

module attributes {stable_mosaic.version = 14 : i64} {
  func.func @body(%arg0: i32, %arg1: memref<1280x16xf32, #tpu.memory_space<vmem>>, %arg2: memref<16x128xf32, #tpu.memory_space<vmem>>, %arg3: memref<1x128xf32, #tpu.memory_space<vmem>>, %arg4: memref<1280x128xf32, #tpu.memory_space<vmem>>) attributes {dimension_semantics = [#tpu.dimension_semantics<arbitrary>], iteration_bounds = array<i64: 8>, scalar_prefetch = 0 : i64, scratch_operands = 0 : i64, tpu.core_type = #tpu.core_type<tc>, window_params = [{transform_indices = @transform_0, window_bounds = array<i64: 1280, 16>}, {pipeline_mode = #tpu.pipeline_mode<synchronous>, transform_indices = @transform_1, window_bounds = array<i64: 16, 128>}, {pipeline_mode = #tpu.pipeline_mode<synchronous>, transform_indices = @transform_2, window_bounds = array<i64: 1, 128>}, {transform_indices = @transform_3, window_bounds = array<i64: 1280, 128>}]} {
    %get3A = arith.constant 0 : index
    %get3A_0 = arith.constant 0 : index
    %get3A_1 = vector.load %arg1[%get3A, %get3A_0] : memref<1280x16xf32, #tpu.memory_space<vmem>>, vector<1280x16xf32>
    %get3A_2 = arith.constant 0 : index
    %get3A_3 = arith.constant 0 : index
    %get3A_4 = vector.load %arg2[%get3A_2, %get3A_3] : memref<16x128xf32, #tpu.memory_space<vmem>>, vector<16x128xf32>
    %dot_general3A = arith.constant dense<0.000000e+00> : vector<1280x128xf32>
    %dot_general3A_5 = tpu.matmul %get3A_1, %get3A_4, %dot_general3A {dimension_numbers = #tpu.dot_dimension_numbers<[1], [0], [0], [1], [0, 0, 1, 1], [], []>, transpose_lhs_hint = false} : vector<1280x16xf32>, vector<16x128xf32>, vector<1280x128xf32> -> vector<1280x128xf32>
    %get3A_6 = arith.constant 0 : index
    %get3A_7 = arith.constant 0 : index
    %get3A_8 = vector.load %arg3[%get3A_6, %get3A_7] : memref<1x128xf32, #tpu.memory_space<vmem>>, vector<1x128xf32>
    %add3A = vector.broadcast %get3A_8 : vector<1x128xf32> to vector<1280x128xf32>
    %add3A_9 = arith.addf %dot_general3A_5, %add3A : vector<1280x128xf32>
    %max3A = arith.constant 0.000000e+00 : f32
    %max3A_10 = vector.broadcast %max3A : f32 to vector<1280x128xf32>
    %max3A_11 = arith.maximumf %add3A_9, %max3A_10 : vector<1280x128xf32>
    %swap3A = arith.constant 0 : index
    %swap3A_12 = arith.constant 0 : index
    %swap3A_13 = vector.load %arg4[%swap3A, %swap3A_12] : memref<1280x128xf32, #tpu.memory_space<vmem>>, vector<1280x128xf32>
    tpu.vector_store %arg4[%swap3A, %swap3A_12], %max3A_11 {strides = array<i32>} : memref<1280x128xf32, #tpu.memory_space<vmem>>, vector<1280x128xf32>,
    return
  }
  func.func @transform_0(%arg0: i32) -> (i32, i32) {
    %c0_i32 = arith.constant 0 : i32
    %c0_i32_0 = arith.constant 0 : i32
    return %arg0, %c0_i32 : i32, i32
  }
  func.func @transform_1(%arg0: i32) -> (i32, i32) {
    %c0_i32 = arith.constant 0 : i32
    %c0_i32_0 = arith.constant 0 : i32
    %c0_i32_1 = arith.constant 0 : i32
    return %c0_i32, %c0_i32_0 : i32, i32
  }
  func.func @transform_2(%arg0: i32) -> (i32, i32) {
    %c0_i32 = arith.constant 0 : i32
    %c0_i32_0 = arith.constant 0 : i32
    %c0_i32_1 = arith.constant 0 : i32
    return %c0_i32, %c0_i32_0 : i32, i32
  }
  func.func @transform_3(%arg0: i32) -> (i32, i32) {
    %c0_i32 = arith.constant 0 : i32
    %c0_i32_0 = arith.constant 0 : i32
    return %arg0, %c0_i32 : i32, i32
  }
}

module attributes {stable_mosaic.version = 14 : i64} {
  func.func @body(%arg0: i32, %arg1: memref<1280x128xf32, #tpu.memory_space<vmem>>, %arg2: memref<2x1280x128xf32, #tpu.memory_space<vmem>>, %arg3: memref<2x1x1x1280xf32, #tpu.memory_space<vmem>>, %arg4: memref<128x128xf32, #tpu.memory_space<vmem>>, %arg5: memref<1x128xf32, #tpu.memory_space<vmem>>, %arg6: memref<128x128xf32, #tpu.memory_space<vmem>>, %arg7: memref<1x128xf32, #tpu.memory_space<vmem>>, %arg8: memref<1280x128xf32, #tpu.memory_space<vmem>>) attributes {dimension_semantics = [#tpu.dimension_semantics<arbitrary>], iteration_bounds = array<i64: 8>, scalar_prefetch = 0 : i64, scratch_operands = 0 : i64, tpu.core_type = #tpu.core_type<tc>, window_params = [{transform_indices = @transform_0, window_bounds = array<i64: 1280, 128>}, {transform_indices = @transform_1, window_bounds = array<i64: 2, 1280, 128>}, {transform_indices = @transform_2, window_bounds = array<i64: 2, 1, 1, 1280>}, {pipeline_mode = #tpu.pipeline_mode<synchronous>, transform_indices = @transform_3, window_bounds = array<i64: 128, 128>}, {pipeline_mode = #tpu.pipeline_mode<synchronous>, transform_indices = @transform_4, window_bounds = array<i64: 1, 128>}, {pipeline_mode = #tpu.pipeline_mode<synchronous>, transform_indices = @transform_5, window_bounds = array<i64: 128, 128>}, {pipeline_mode = #tpu.pipeline_mode<synchronous>, transform_indices = @transform_6, window_bounds = array<i64: 1, 128>}, {transform_indices = @transform_7, window_bounds = array<i64: 1280, 128>}]} {
    %get3A = arith.constant 0 : index
    %get3A_0 = arith.constant 0 : index
    %get3A_1 = arith.constant 0 : index
    %get3A_2 = vector.load %arg2[%get3A, %get3A_0, %get3A_1] : memref<2x1280x128xf32, #tpu.memory_space<vmem>>, vector<1x1280x128xf32>
    %get3A_3 = vector.shape_cast %get3A_2 : vector<1x1280x128xf32> to vector<1280x128xf32>
    %get3A_4 = arith.constant 1 : index
    %get3A_5 = arith.constant 0 : index
    %get3A_6 = arith.constant 0 : index
    %get3A_7 = vector.load %arg2[%get3A_4, %get3A_5, %get3A_6] : memref<2x1280x128xf32, #tpu.memory_space<vmem>>, vector<1x1280x128xf32>
    %get3A_8 = vector.shape_cast %get3A_7 : vector<1x1280x128xf32> to vector<1280x128xf32>
    %add3A = arith.addf %get3A_3, %get3A_8 : vector<1280x128xf32>
    %get3A_9 = arith.constant 0 : index
    %get3A_10 = arith.constant 0 : index
    %get3A_11 = arith.constant 0 : index
    %get3A_12 = arith.constant 0 : index
    %get3A_13 = vector.load %arg3[%get3A_9, %get3A_10, %get3A_11, %get3A_12] : memref<2x1x1x1280xf32, #tpu.memory_space<vmem>>, vector<1x1x1x1280xf32>
    %get3A_14 = vector.shape_cast %get3A_13 : vector<1x1x1x1280xf32> to vector<1280xf32>
    %get3A_15 = arith.constant 1 : index
    %get3A_16 = arith.constant 0 : index
    %get3A_17 = arith.constant 0 : index
    %get3A_18 = arith.constant 0 : index
    %get3A_19 = vector.load %arg3[%get3A_15, %get3A_16, %get3A_17, %get3A_18] : memref<2x1x1x1280xf32, #tpu.memory_space<vmem>>, vector<1x1x1x1280xf32>
    %get3A_20 = vector.shape_cast %get3A_19 : vector<1x1x1x1280xf32> to vector<1280xf32>
    %add3A_21 = arith.addf %get3A_14, %get3A_20 : vector<1280xf32>
    %max3A = arith.constant 1.000000e+00 : f32
    %max3A_22 = vector.broadcast %max3A : f32 to vector<1280xf32>
    %max3A_23 = arith.maximumf %add3A_21, %max3A_22 : vector<1280xf32>
    %div3A = arith.constant 1.000000e+00 : f32
    %div3A_24 = vector.broadcast %div3A : f32 to vector<1280xf32>
    %div3A_25 = arith.divf %div3A_24, %max3A_23 : vector<1280xf32>
    %broadcast_in_dim3A = vector.shape_cast %div3A_25 : vector<1280xf32> to vector<1280x1xf32>
    %mul3A = vector.broadcast %broadcast_in_dim3A : vector<1280x1xf32> to vector<1280x128xf32>
    %mul3A_26 = arith.mulf %add3A, %mul3A : vector<1280x128xf32>
    %get3A_27 = arith.constant 0 : index
    %get3A_28 = arith.constant 0 : index
    %get3A_29 = vector.load %arg1[%get3A_27, %get3A_28] : memref<1280x128xf32, #tpu.memory_space<vmem>>, vector<1280x128xf32>
    %get3A_30 = arith.constant 0 : index
    %get3A_31 = arith.constant 0 : index
    %get3A_32 = vector.load %arg4[%get3A_30, %get3A_31] : memref<128x128xf32, #tpu.memory_space<vmem>>, vector<128x128xf32>
    %dot_general3A = arith.constant dense<0.000000e+00> : vector<1280x128xf32>
    %dot_general3A_33 = tpu.matmul %get3A_29, %get3A_32, %dot_general3A {dimension_numbers = #tpu.dot_dimension_numbers<[1], [0], [0], [1], [0, 0, 1, 1], [], []>, transpose_lhs_hint = false} : vector<1280x128xf32>, vector<128x128xf32>, vector<1280x128xf32> -> vector<1280x128xf32>
    %get3A_34 = arith.constant 0 : index
    %get3A_35 = arith.constant 0 : index
    %get3A_36 = vector.load %arg6[%get3A_34, %get3A_35] : memref<128x128xf32, #tpu.memory_space<vmem>>, vector<128x128xf32>
    %dot_general3A_37 = arith.constant dense<0.000000e+00> : vector<1280x128xf32>
    %dot_general3A_38 = tpu.matmul %mul3A_26, %get3A_36, %dot_general3A_37 {dimension_numbers = #tpu.dot_dimension_numbers<[1], [0], [0], [1], [0, 0, 1, 1], [], []>, transpose_lhs_hint = false} : vector<1280x128xf32>, vector<128x128xf32>, vector<1280x128xf32> -> vector<1280x128xf32>
    %add3A_39 = arith.addf %dot_general3A_33, %dot_general3A_38 : vector<1280x128xf32>
    %get3A_40 = arith.constant 0 : index
    %get3A_41 = arith.constant 0 : index
    %get3A_42 = vector.load %arg5[%get3A_40, %get3A_41] : memref<1x128xf32, #tpu.memory_space<vmem>>, vector<1x128xf32>
    %add3A_43 = vector.broadcast %get3A_42 : vector<1x128xf32> to vector<1280x128xf32>
    %add3A_44 = arith.addf %add3A_39, %add3A_43 : vector<1280x128xf32>
    %get3A_45 = arith.constant 0 : index
    %get3A_46 = arith.constant 0 : index
    %get3A_47 = vector.load %arg7[%get3A_45, %get3A_46] : memref<1x128xf32, #tpu.memory_space<vmem>>, vector<1x128xf32>
    %add3A_48 = vector.broadcast %get3A_47 : vector<1x128xf32> to vector<1280x128xf32>
    %add3A_49 = arith.addf %add3A_44, %add3A_48 : vector<1280x128xf32>
    %max3A_50 = arith.constant 0.000000e+00 : f32
    %max3A_51 = vector.broadcast %max3A_50 : f32 to vector<1280x128xf32>
    %max3A_52 = arith.maximumf %add3A_49, %max3A_51 : vector<1280x128xf32>
    %swap3A = arith.constant 0 : index
    %swap3A_53 = arith.constant 0 : index
    %swap3A_54 = vector.load %arg8[%swap3A, %swap3A_53] : memref<1280x128xf32, #tpu.memory_space<vmem>>, vector<1280x128xf32>
    tpu.vector_store %arg8[%swap3A, %swap3A_53], %max3A_52 {strides = array<i32>} : memref<1280x128xf32, #tpu.memory_space<vmem>>, vector<1280x128xf32>,
    return
  }
  func.func @transform_0(%arg0: i32) -> (i32, i32) {
    %c0_i32 = arith.constant 0 : i32
    %c0_i32_0 = arith.constant 0 : i32
    return %arg0, %c0_i32 : i32, i32
  }
  func.func @transform_1(%arg0: i32) -> (i32, i32, i32) {
    %c0_i32 = arith.constant 0 : i32
    %c0_i32_0 = arith.constant 0 : i32
    %c0_i32_1 = arith.constant 0 : i32
    return %c0_i32, %arg0, %c0_i32_0 : i32, i32, i32
  }
  func.func @transform_2(%arg0: i32) -> (i32, i32, i32, i32) {
    %c0_i32 = arith.constant 0 : i32
    %c0_i32_0 = arith.constant 0 : i32
    %c0_i32_1 = arith.constant 0 : i32
    %c0_i32_2 = arith.constant 0 : i32
    return %c0_i32, %arg0, %c0_i32_0, %c0_i32_1 : i32, i32, i32, i32
  }
  func.func @transform_3(%arg0: i32) -> (i32, i32) {
    %c0_i32 = arith.constant 0 : i32
    %c0_i32_0 = arith.constant 0 : i32
    %c0_i32_1 = arith.constant 0 : i32
    return %c0_i32, %c0_i32_0 : i32, i32
  }
  func.func @transform_4(%arg0: i32) -> (i32, i32) {
    %c0_i32 = arith.constant 0 : i32
    %c0_i32_0 = arith.constant 0 : i32
    %c0_i32_1 = arith.constant 0 : i32
    return %c0_i32, %c0_i32_0 : i32, i32
  }
  func.func @transform_5(%arg0: i32) -> (i32, i32) {
    %c0_i32 = arith.constant 0 : i32
    %c0_i32_0 = arith.constant 0 : i32
    %c0_i32_1 = arith.constant 0 : i32
    return %c0_i32, %c0_i32_0 : i32, i32
  }
  func.func @transform_6(%arg0: i32) -> (i32, i32) {
    %c0_i32 = arith.constant 0 : i32
    %c0_i32_0 = arith.constant 0 : i32
    %c0_i32_1 = arith.constant 0 : i32
    return %c0_i32, %c0_i32_0 : i32, i32
  }
  func.func @transform_7(%arg0: i32) -> (i32, i32) {
    %c0_i32 = arith.constant 0 : i32
    %c0_i32_0 = arith.constant 0 : i32
    return %arg0, %c0_i32 : i32, i32
  }
}

module attributes {stable_mosaic.version = 14 : i64} {
  func.func @body(%arg0: i32, %arg1: memref<1280x128xf32, #tpu.memory_space<vmem>>, %arg2: memref<2x1280x128xf32, #tpu.memory_space<vmem>>, %arg3: memref<2x1x1x1280xf32, #tpu.memory_space<vmem>>, %arg4: memref<128x128xf32, #tpu.memory_space<vmem>>, %arg5: memref<1x128xf32, #tpu.memory_space<vmem>>, %arg6: memref<128x128xf32, #tpu.memory_space<vmem>>, %arg7: memref<1x128xf32, #tpu.memory_space<vmem>>, %arg8: memref<1280x128xf32, #tpu.memory_space<vmem>>) attributes {dimension_semantics = [#tpu.dimension_semantics<arbitrary>], iteration_bounds = array<i64: 8>, scalar_prefetch = 0 : i64, scratch_operands = 0 : i64, tpu.core_type = #tpu.core_type<tc>, window_params = [{transform_indices = @transform_0, window_bounds = array<i64: 1280, 128>}, {transform_indices = @transform_1, window_bounds = array<i64: 2, 1280, 128>}, {transform_indices = @transform_2, window_bounds = array<i64: 2, 1, 1, 1280>}, {pipeline_mode = #tpu.pipeline_mode<synchronous>, transform_indices = @transform_3, window_bounds = array<i64: 128, 128>}, {pipeline_mode = #tpu.pipeline_mode<synchronous>, transform_indices = @transform_4, window_bounds = array<i64: 1, 128>}, {pipeline_mode = #tpu.pipeline_mode<synchronous>, transform_indices = @transform_5, window_bounds = array<i64: 128, 128>}, {pipeline_mode = #tpu.pipeline_mode<synchronous>, transform_indices = @transform_6, window_bounds = array<i64: 1, 128>}, {transform_indices = @transform_7, window_bounds = array<i64: 1280, 128>}]} {
    %get3A = arith.constant 0 : index
    %get3A_0 = arith.constant 0 : index
    %get3A_1 = arith.constant 0 : index
    %get3A_2 = vector.load %arg2[%get3A, %get3A_0, %get3A_1] : memref<2x1280x128xf32, #tpu.memory_space<vmem>>, vector<1x1280x128xf32>
    %get3A_3 = vector.shape_cast %get3A_2 : vector<1x1280x128xf32> to vector<1280x128xf32>
    %get3A_4 = arith.constant 1 : index
    %get3A_5 = arith.constant 0 : index
    %get3A_6 = arith.constant 0 : index
    %get3A_7 = vector.load %arg2[%get3A_4, %get3A_5, %get3A_6] : memref<2x1280x128xf32, #tpu.memory_space<vmem>>, vector<1x1280x128xf32>
    %get3A_8 = vector.shape_cast %get3A_7 : vector<1x1280x128xf32> to vector<1280x128xf32>
    %add3A = arith.addf %get3A_3, %get3A_8 : vector<1280x128xf32>
    %get3A_9 = arith.constant 0 : index
    %get3A_10 = arith.constant 0 : index
    %get3A_11 = arith.constant 0 : index
    %get3A_12 = arith.constant 0 : index
    %get3A_13 = vector.load %arg3[%get3A_9, %get3A_10, %get3A_11, %get3A_12] : memref<2x1x1x1280xf32, #tpu.memory_space<vmem>>, vector<1x1x1x1280xf32>
    %get3A_14 = vector.shape_cast %get3A_13 : vector<1x1x1x1280xf32> to vector<1280xf32>
    %get3A_15 = arith.constant 1 : index
    %get3A_16 = arith.constant 0 : index
    %get3A_17 = arith.constant 0 : index
    %get3A_18 = arith.constant 0 : index
    %get3A_19 = vector.load %arg3[%get3A_15, %get3A_16, %get3A_17, %get3A_18] : memref<2x1x1x1280xf32, #tpu.memory_space<vmem>>, vector<1x1x1x1280xf32>
    %get3A_20 = vector.shape_cast %get3A_19 : vector<1x1x1x1280xf32> to vector<1280xf32>
    %add3A_21 = arith.addf %get3A_14, %get3A_20 : vector<1280xf32>
    %max3A = arith.constant 1.000000e+00 : f32
    %max3A_22 = vector.broadcast %max3A : f32 to vector<1280xf32>
    %max3A_23 = arith.maximumf %add3A_21, %max3A_22 : vector<1280xf32>
    %div3A = arith.constant 1.000000e+00 : f32
    %div3A_24 = vector.broadcast %div3A : f32 to vector<1280xf32>
    %div3A_25 = arith.divf %div3A_24, %max3A_23 : vector<1280xf32>
    %broadcast_in_dim3A = vector.shape_cast %div3A_25 : vector<1280xf32> to vector<1280x1xf32>
    %mul3A = vector.broadcast %broadcast_in_dim3A : vector<1280x1xf32> to vector<1280x128xf32>
    %mul3A_26 = arith.mulf %add3A, %mul3A : vector<1280x128xf32>
    %get3A_27 = arith.constant 0 : index
    %get3A_28 = arith.constant 0 : index
    %get3A_29 = vector.load %arg1[%get3A_27, %get3A_28] : memref<1280x128xf32, #tpu.memory_space<vmem>>, vector<1280x128xf32>
    %get3A_30 = arith.constant 0 : index
    %get3A_31 = arith.constant 0 : index
    %get3A_32 = vector.load %arg4[%get3A_30, %get3A_31] : memref<128x128xf32, #tpu.memory_space<vmem>>, vector<128x128xf32>
    %dot_general3A = arith.constant dense<0.000000e+00> : vector<1280x128xf32>
    %dot_general3A_33 = tpu.matmul %get3A_29, %get3A_32, %dot_general3A {dimension_numbers = #tpu.dot_dimension_numbers<[1], [0], [0], [1], [0, 0, 1, 1], [], []>, transpose_lhs_hint = false} : vector<1280x128xf32>, vector<128x128xf32>, vector<1280x128xf32> -> vector<1280x128xf32>
    %get3A_34 = arith.constant 0 : index
    %get3A_35 = arith.constant 0 : index
    %get3A_36 = vector.load %arg6[%get3A_34, %get3A_35] : memref<128x128xf32, #tpu.memory_space<vmem>>, vector<128x128xf32>
    %dot_general3A_37 = arith.constant dense<0.000000e+00> : vector<1280x128xf32>
    %dot_general3A_38 = tpu.matmul %mul3A_26, %get3A_36, %dot_general3A_37 {dimension_numbers = #tpu.dot_dimension_numbers<[1], [0], [0], [1], [0, 0, 1, 1], [], []>, transpose_lhs_hint = false} : vector<1280x128xf32>, vector<128x128xf32>, vector<1280x128xf32> -> vector<1280x128xf32>
    %add3A_39 = arith.addf %dot_general3A_33, %dot_general3A_38 : vector<1280x128xf32>
    %get3A_40 = arith.constant 0 : index
    %get3A_41 = arith.constant 0 : index
    %get3A_42 = vector.load %arg5[%get3A_40, %get3A_41] : memref<1x128xf32, #tpu.memory_space<vmem>>, vector<1x128xf32>
    %add3A_43 = vector.broadcast %get3A_42 : vector<1x128xf32> to vector<1280x128xf32>
    %add3A_44 = arith.addf %add3A_39, %add3A_43 : vector<1280x128xf32>
    %get3A_45 = arith.constant 0 : index
    %get3A_46 = arith.constant 0 : index
    %get3A_47 = vector.load %arg7[%get3A_45, %get3A_46] : memref<1x128xf32, #tpu.memory_space<vmem>>, vector<1x128xf32>
    %add3A_48 = vector.broadcast %get3A_47 : vector<1x128xf32> to vector<1280x128xf32>
    %add3A_49 = arith.addf %add3A_44, %add3A_48 : vector<1280x128xf32>
    %swap3A = arith.constant 0 : index
    %swap3A_50 = arith.constant 0 : index
    %swap3A_51 = vector.load %arg8[%swap3A, %swap3A_50] : memref<1280x128xf32, #tpu.memory_space<vmem>>, vector<1280x128xf32>
    tpu.vector_store %arg8[%swap3A, %swap3A_50], %add3A_49 {strides = array<i32>} : memref<1280x128xf32, #tpu.memory_space<vmem>>, vector<1280x128xf32>,
    return
  }
  func.func @transform_0(%arg0: i32) -> (i32, i32) {
    %c0_i32 = arith.constant 0 : i32
    %c0_i32_0 = arith.constant 0 : i32
    return %arg0, %c0_i32 : i32, i32
  }
  func.func @transform_1(%arg0: i32) -> (i32, i32, i32) {
    %c0_i32 = arith.constant 0 : i32
    %c0_i32_0 = arith.constant 0 : i32
    %c0_i32_1 = arith.constant 0 : i32
    return %c0_i32, %arg0, %c0_i32_0 : i32, i32, i32
  }
  func.func @transform_2(%arg0: i32) -> (i32, i32, i32, i32) {
    %c0_i32 = arith.constant 0 : i32
    %c0_i32_0 = arith.constant 0 : i32
    %c0_i32_1 = arith.constant 0 : i32
    %c0_i32_2 = arith.constant 0 : i32
    return %c0_i32, %arg0, %c0_i32_0, %c0_i32_1 : i32, i32, i32, i32
  }
  func.func @transform_3(%arg0: i32) -> (i32, i32) {
    %c0_i32 = arith.constant 0 : i32
    %c0_i32_0 = arith.constant 0 : i32
    %c0_i32_1 = arith.constant 0 : i32
    return %c0_i32, %c0_i32_0 : i32, i32
  }
  func.func @transform_4(%arg0: i32) -> (i32, i32) {
    %c0_i32 = arith.constant 0 : i32
    %c0_i32_0 = arith.constant 0 : i32
    %c0_i32_1 = arith.constant 0 : i32
    return %c0_i32, %c0_i32_0 : i32, i32
  }
  func.func @transform_5(%arg0: i32) -> (i32, i32) {
    %c0_i32 = arith.constant 0 : i32
    %c0_i32_0 = arith.constant 0 : i32
    %c0_i32_1 = arith.constant 0 : i32
    return %c0_i32, %c0_i32_0 : i32, i32
  }
  func.func @transform_6(%arg0: i32) -> (i32, i32) {
    %c0_i32 = arith.constant 0 : i32
    %c0_i32_0 = arith.constant 0 : i32
    %c0_i32_1 = arith.constant 0 : i32
    return %c0_i32, %c0_i32_0 : i32, i32
  }
  func.func @transform_7(%arg0: i32) -> (i32, i32) {
    %c0_i32 = arith.constant 0 : i32
    %c0_i32_0 = arith.constant 0 : i32
    return %arg0, %c0_i32 : i32, i32
  }
}

</mosaic_0001>

<sc_bundles>
// kernel: kernel.10.cloned.1.call-start
scs
__scs_entry_jumppad:
0x0: {  	(pc) =	sbr.rel $0x88, $3  }
0x1: {  	(tag) =	ssettag $0x0;
	lr =	simm.s32 $0x1  }
0x2: {  	[smem:$0x3F98] =	sst lr;
	_ =	strace $0xD0000000  }
0x3: {  	_ = 	snop  }
0x4: {  	_ = 	snop  }
0x5: {  	_ = 	snop  }
0x6: {  	_ = 	snop  }
0x7: {  	_ = 	snop  }
__scs_overlays_trampoline_lowered:
0x8: {  	[smem:$0x3FA7] =	sst s0  }
0x9: {  	[smem:$0x3FA8] =	sst s1  }
0xa: {  	[smem:$0x3FA9] =	sst s2  }
0xb: {  	[smem:$0x3FAA] =	sst s3  }
0xc: {  	[smem:$0x3FAB] =	sst s4  }
0xd: {  	[smem:$0x3FAC] =	sst s5  }
0xe: {  	[smem:$0x3FAD] =	sst s6  }
0xf: {  	[smem:$0x3FAE] =	sst s7  }
0x10: {  	[smem:$0x3FAF] =	sst s8  }
0x11: {  	[smem:$0x3FB0] =	sst s9;
	s0 =	simm.s32 @!p0 $0x0  }
0x12: {  	s1 =	sld [smem:$0x3F96];
	s0 =	simm.s32 @p0 $0x1  }
0x13: {  	[smem:$0x3FB1] =	sst s0;
	s0 =	simm.s32 @!p1 $0x0  }
0x14: {  	s2 =	sld [smem:$0x3F95];
	s0 =	simm.s32 @p1 $0x1  }
0x15: {  	[smem:$0x3FB2] =	sst s0;
	s0 =	simm.s32 @!p2 $0x0  }
0x16: {  	s3 =	sld [smem:$0x3FDB];
	s0 =	simm.s32 @p2 $0x1  }
0x17: {  	s4 =	simm.s32 $0x1BF5;
	[smem:$0x3FB4] =	sst s0  }
0x18: {  	s0 =	sld [smem:$0x3F97];
	_ =	swait.ge [sflag:s4], $0x0  }
0x19: {  	s7 =	sld [smem:$0x3F98]  }
0x1a: {  	s8 =	sadd.s32 $0xFFFFE003, lr  }
0x1b: {  	s9 =	sadd.s32 $0xFFFFFEF7, lr;
	s5 =	simm.s32 $0xFFFFFFFF;
	p2 =	slt.u32 s8, $0xFFFFF086  }
0x1c: {  	p1 =	slt.u32 s9, $0xF7A;
	s5 =	simm.s32 @!p2 $0x0  }
0x1d: {  	s5 =	simm.s32 @p1 $0x1;
	p0 =	seq.s32 s7, s2  }
0x1e: {  	s7 =	smul.u32 @!p0 $0xF7A, s2;
	p2 =	seq.s32 @!p0 s5, $0x0  }
0x1f: {  	s9 =	smul.u32 $0xF7A, s1;
	s8 =	simm.s32 @!p0 $0x1BF5;
	p2 =	por !p2, p0  }
0x20: {  	[sflag:s8] =	ssyncset.s32 @!p0 $0xFFFFF086;
	s6 =	sadd.s32 @!p0 s3, s7;
	s7 =	simm.s32 @!p0 $0x108  }
0x21: {  	s3 =	sadd.s32 s3, s9;
	s6 =	sadd.s32 @!p0 $0x88, s6;
	s7 =	simm.s32 @p2 $0x1082  }
0x22: {  	[simem:s7], [sflag:s8] =	dma.local @!p0 [hbm:s6], $0xF7A  }
0x23: {  	s9 =	sor.u32 $0xD0000000, s2;
	s6 =	simm.s32 $0x108;
	_ =	swait.ge @!p0 [sflag:s8], $0x0  }
0x24: {  	s3 =	sadd.s32 $0x88, s3;
	s6 =	simm.s32 @!p1 $0x1082;
	[sflag:s4] =	ssyncset.s32 $0xFFFFF086  }
0x25: {  	[simem:s6], [sflag:s4] =	dma.local [hbm:s3], $0xF7A  }
0x26: {  	[smem:$0x3F98] =	sst s1;
	(tag) =	ssettag s2;
	_ =	strace s9  }
0x27: {  	s1 =	sld [smem:$0x3FA8]  }
0x28: {  	s2 =	sld [smem:$0x3FA9]  }
0x29: {  	s4 =	sld [smem:$0x3FAB]  }
0x2a: {  	p0 =	seq.s32 s5, $0x0;
	s5 =	sld [smem:$0x3FAC]  }
0x2b: {  	s6 =	sld [smem:$0x3FAD]  }
0x2c: {  	s7 =	sld [smem:$0x3FAE]  }
0x2d: {  	s3 =	simm.s32 $0x108;
	s8 =	sld [smem:$0x3FAF]  }
0x2e: {  	s3 =	simm.s32 @!p0 $0x1082;
	s9 =	sld [smem:$0x3FB0]  }
0x2f: {  	lr =	sadd.s32 s0, s3;
	s0 =	sld [smem:$0x3FA7]  }
0x30: {  	s3 =	sld [smem:$0x3FAA]  }
0x31: {  	[smem:$0x3FB3] =	sst s10  }
0x32: {  	s10 =	sld [smem:$0x3FB1];
	_ =	sdelay $0x3  }
0x33: {  	p0 =	seq.s32 s10, $0x1;
	s10 =	sld [smem:$0x3FB3];
	_ =	sdelay $0x3  }
0x34: {  	[smem:$0x3FB3] =	sst s10  }
0x35: {  	s10 =	sld [smem:$0x3FB2];
	_ =	sdelay $0x3  }
0x36: {  	p1 =	seq.s32 s10, $0x1;
	s10 =	sld [smem:$0x3FB3];
	_ =	sdelay $0x3  }
0x37: {  	[smem:$0x3FB3] =	sst s10  }
0x38: {  	s10 =	sld [smem:$0x3FB4]  }
0x39: {  	_ = 	snop;
	(pc) =	sbr.ind lr, $3  }
0x3a: {  	_ = 	snop  }
0x3b: {  	_ = 	snop  }
0x3c: {  	p2 =	seq.s32 s10, $0x1;
	s10 =	sld [smem:$0x3FB3]  }
0x3d: {  	_ =	shalt  }
0x3e: {  	_ =	shalt  }
0x3f: {  	_ =	shalt  }
0x40: {  	_ =	shalt  }
0x41: {  	_ =	shalt  }
0x42: {  	_ =	shalt  }
0x43: {  	_ =	shalt  }
0x44: {  	_ =	shalt  }
0x45: {  	_ =	shalt  }
0x46: {  	_ =	shalt  }
0x47: {  	_ =	shalt  }
0x48: {  	_ =	shalt  }
0x49: {  	_ =	shalt  }
0x4a: {  	_ =	shalt  }
0x4b: {  	_ =	shalt  }
0x4c: {  	_ =	shalt  }
0x4d: {  	_ =	shalt  }
0x4e: {  	_ =	shalt  }
0x4f: {  	_ =	shalt  }
0x50: {  	_ =	shalt  }
0x51: {  	_ =	shalt  }
0x52: {  	_ =	shalt  }
0x53: {  	_ =	shalt  }
0x54: {  	_ =	shalt  }
0x55: {  	_ =	shalt  }
0x56: {  	_ =	shalt  }
0x57: {  	_ =	shalt  }
0x58: {  	_ =	shalt  }
0x59: {  	_ =	shalt  }
0x5a: {  	_ =	shalt  }
0x5b: {  	_ =	shalt  }
0x5c: {  	_ =	shalt  }
0x5d: {  	_ =	shalt  }
0x5e: {  	_ =	shalt  }
0x5f: {  	_ =	shalt  }
0x60: {  	_ =	shalt  }
0x61: {  	_ =	shalt  }
0x62: {  	_ =	shalt  }
0x63: {  	_ =	shalt  }
0x64: {  	_ =	shalt  }
0x65: {  	_ =	shalt  }
0x66: {  	_ =	shalt  }
0x67: {  	_ =	shalt  }
0x68: {  	_ =	shalt  }
0x69: {  	_ =	shalt  }
0x6a: {  	_ =	shalt  }
0x6b: {  	_ =	shalt  }
0x6c: {  	_ =	shalt  }
0x6d: {  	_ =	shalt  }
0x6e: {  	_ =	shalt  }
0x6f: {  	_ =	shalt  }
0x70: {  	_ =	shalt  }
0x71: {  	_ =	shalt  }
0x72: {  	_ =	shalt  }
0x73: {  	_ =	shalt  }
0x74: {  	_ =	shalt  }
0x75: {  	_ =	shalt  }
0x76: {  	_ =	shalt  }
0x77: {  	_ =	shalt  }
0x78: {  	_ =	shalt  }
0x79: {  	_ =	shalt  }
0x7a: {  	_ =	shalt  }
0x7b: {  	_ =	shalt  }
0x7c: {  	_ =	shalt  }
0x7d: {  	_ =	shalt  }
0x7e: {  	_ =	shalt  }
0x7f: {  	_ =	shalt  }
0x80: {  	_ =	shalt  }
0x81: {  	_ =	shalt  }
0x82: {  	_ =	shalt  }
0x83: {  	_ =	shalt  }
0x84: {  	_ =	shalt  }
0x85: {  	_ =	shalt  }
0x86: {  	_ =	shalt  }
0x87: {  	_ =	shalt  }
.Lfunc_end0:
.L_simem_size_0:
called_computation.1_lowered:
.L_overlay_start_0:
0x88: {  	s2 =	sld [smem:$0x3FD9]  }
0x89: {  	s3 =	sld [smem:$0x3FFE];
	_ =	sdelay $0x1  }
0x8a: {  	s1 =	srdreg.scid  }
0x8b: {  	s0 =	sand.u32 $0x1, s1  }
0x8c: {  	s17 =	sshll.u32 s0, $0xA;
	s2 =	sadd.s32 s3, s2  }
0x8d: {  	s2 =	sadd.s32 s2, s17  }
0x8e: {  	[smem:$0x3FBF] =	sst s2  }
0x8f: {  	_ = 	snop  }
0x90: {  	s2 =	sld [smem:$0x3FD0];
	(tm) =	ssettm $0x1  }
0x91: {  	s18 =	sld [smem:$0x3FFB];
	_ =	sdelay $0x3  }
0x92: {  	_ =	strace s18  }
0x93: {  	s3 =	sld [smem:$0x3FFC];
	_ =	sdelay $0x3  }
0x94: {  	_ =	strace s3  }
0x95: {  	s3 =	sld [smem:$0x3FFD];
	_ =	sdelay $0x3  }
0x96: {  	_ =	strace s3  }
0x97: {  	_ =	strace $0x8FFFFFFF  }
0x98: {  	s19 =	sld [smem:$0x3FDB];
	_ =	sdelay $0x1  }
0x99: {  	s4 =	simm.s32 $_scs_section_size  }
0x9a: {  	s5 =	simm.s32 $_size__tile_overlayer_lowered;
	s6 =	simm.s32 $_tile_overlayer_lowered  }
0x9b: {  	s22 =	simm.s32 $0x1BFF;
	s21 =	sshll.u32 s6, $0x1;
	s3 =	sadd.s32 s4, s19  }
0x9c: {  	s7 =	simm.s32 $0x0;
	s20 =	sshll.u32 s5, $0x1;
	s5 =	sadd.s32 s21, s3  }
0x9d: {  	[timem:s7], [sflag:s22] =	dma.local [hbm:s5], s20  }
0x9e: {  	_ =	swait.ge [sflag:s22], s20  }
0x9f: {  	s4 =	ssub.s32 $0x0, s20;
	[sflag:s22] =	ssyncset.done $0x0  }
0xa0: {  	[sflag:s22] =	ssyncadd.s32 s4;
	_ =	sdelay $0x1  }
0xa1: {  	s23 =	simm.s32 $0x1B8B  }
0xa2: {  	_ =	swait.ge [sflag:s23], $0x1  }
0xa3: {  	[sflag:s23] =	ssyncset.done $0x0  }
0xa4: {  	s25 =	simm.s32 $0x1B8E;
	s24 =	sld [smem:$0x3FFE];
	[sflag:s23] =	ssyncadd.s32 $0xFFFFFFFF  }
0xa5: {  	s26 =	simm.s32 $execute0_lowered;
	[smem:$0x3FD2] =	sst s25  }
0xa6: {  	s5 =	sshll.u32 s26, $0x1;
	_ =	strace $0x80000049;
	[dreg:$0x1] =	wrdreg $0xFFFFFFFF  }
0xa7: {  	s28 =	simm.s32 $_size_execute0_lowered;
	s3 =	sadd.s32 s3, s5;
	[dreg:$0x0] =	wrdreg $0x0  }
0xa8: {  	s5 =	sshll.u32 s28, $0x1;
	[dreg:$0x2] =	wrdreg s3  }
0xa9: {  	[dreg:$0x3] =	wrdreg s5  }
0xaa: {  	[dreg:$0x4] =	wrdreg $0xC0  }
0xab: {  	_ =	task [dreg:s7], $0x5FFFF  }
0xac: {  	[dreg:$0x1] =	wrdreg $0xFFFFFFFF  }
0xad: {  	[dreg:$0x0] =	wrdreg $0x60  }
0xae: {  	[dreg:$0x2] =	wrdreg s24  }
0xaf: {  	[dreg:$0x3] =	wrdreg s2  }
0xb0: {  	[dreg:$0x4] =	wrdreg $0xA4800  }
0xb1: {  	[dreg:$0x5] =	wrdreg $0x1E4800  }
0xb2: {  	[dreg:$0x6] =	wrdreg $0x9  }
0xb3: {  	_ =	task.clear_ibuf [dreg:s7], $0x7FFFF;
	_ =	strace $0x90000049  }
0xb4: {  	s29 =	simm.s32 $0x9;
	_ =	strace $0x8000004B  }
0xb5: {  	_ =	swait.ge [sflag:s29], $0x1  }
0xb6: {  	[sflag:s29] =	ssyncadd.s32 $0xFFFFFFFF  }
0xb7: {  	_ =	strace $0x9000004B  }
0xb8: {  	_ =	sfence  }
0xb9: {  	s30 =	sld [smem:$0x0];
	_ =	sdelay $0x2  }
0xba: {  	s31 =	sshll.u32 s1, $0xD;
	s1 =	sshrl.u32 s1, $0x2  }
0xbb: {  	s3 =	sand.u32 $0x4000, s31;
	s1 =	sadd.s32 s1, s30  }
0xbc: {  	s0 =	sor.u32 s3, s0;
	s1 =	sshll.u32 s1, $0x11  }
0xbd: {  	s0 =	sor.u32 s1, s0  }
0xbe: {  	s0 =	sadd.s32 $0x8F2B, s0  }
0xbf: {  	[sflag:s0] =	ssyncadd.remote.s32 $0x1  }
0xc0: {  	_ =	sfence.sel $0xFFFF  }
0xc1: {  	[dreg:$0x0] =	wrdreg $0xFFFFFFFF;
	(pc) =	sbr.abs _section_cstart, $3  }
0xc2: {  	[dreg:$0x1] =	wrdreg $0xFFFFFFFF  }
0xc3: {  	_ =	task.clear_ibuf [dreg:s7], $0x2FFFF;
	_ =	strace $0x9FFFFFFF  }
0xc4: {  	(tm) =	ssettm $0x7FFFFFFF  }
0xc5: {  	_ =	shalt  }
tec
execute0_lowered:
.L_overlay_start_1:
0x0: {  	(tag) =	ssettag $0x1  }
0x1: {  	s8 =	rddreg [dreg:$0x0]  }
0x2: {  	s10 =	rddreg [dreg:$0x1]  }
0x3: {  	s1 =	rddreg [dreg:$0x2]  }
0x4: {  	s2 =	rddreg [dreg:$0x3];
	s4 =	simm.s32 $0x0;
	s0 =	srdreg.scid  }
0x5: {  	s5 =	stileid.u32;
	[smem:$0x7FF] =	sst s4  }
0x6: {  	s3 =	sand.u32 $0x1, s0;
	s7 =	smul.u32 $0x280, s5;
	s6 =	sadd.s32 $0xA3800, s8  }
0x7: {  	s23 =	sadd.s32 $0x8FE00, s8;
	s11 =	sadd.s32 $0x2BA00, s8;
	s13 =	smul.u32 $0x9C40, s5  }
0x8: {  	s20 =	sshll.u32 s5, $0x1;
	s0 =	ssub.s32 $0x2, s3;
	s9 =	smul.u32 $0x2800, s3  }
0x9: {  	_ =	strace $0x8000004A;
	s15 =	smul.u32 $0x4E20, s3;
	s12 =	sshrl.u32 s0, $0x1  }
0xa: {  	s0 =	ssub.s32 s0, s12;
	s12 =	sadd.s32 s7, s9;
	s9 =	sor.u32 s3, s20  }
0xb: {  	s3 =	sadd.s32 s15, s13;
	s14 =	sshll.u32 s12, $0x4;
	s17 =	sadd.s32 $0xA0, s12  }
0xc: {  	s15 =	sadd.s32 $0x230, s3;
	s19 =	sadd.s32 $0x1E0, s3;
	s20 =	sadd.s32 $0x190, s12  }
0xd: {  	s9 =	smul.u32 $0x4E20, s9;
	s0 =	smax.u32 s0, $0x1;
	s21 =	sadd.s32 s11, s14  }
0xe: {  	s14 =	sor.u32 $0x50, s12;
	s24 =	sshll.u32 s17, $0x4;
	s15 =	sshrl.u32 s15, $0x3  }
0xf: {  	s25 =	sshrl.u32 s19, $0x3;
	s19 =	sadd.s32 $0x140, s12;
	[smem:$0x7FC] =	sst s0  }
0x10: {  	s17 =	sshrl.u32 s17, $0x3;
	[dreg:$0xb] =	wrdreg s21;
	s13 =	sadd.s32 s11, s24  }
0x11: {  	s16 =	sshll.u32 s14, $0x4;
	s18 =	sadd.s32 s15, s23;
	[dreg:$0xd] =	wrdreg s13  }
0x12: {  	s15 =	sadd.s32 s15, s6;
	s26 =	sadd.s32 s25, s23;
	[dreg:$0x5] =	wrdreg s18  }
0x13: {  	s21 =	sadd.s32 s25, s6;
	s24 =	sshll.u32 s20, $0x4;
	[dreg:$0x6] =	wrdreg s15  }
0x14: {  	s22 =	sadd.s32 s11, s16;
	s13 =	sadd.s32 $0xF0, s12;
	[dreg:$0x7] =	wrdreg s26  }
0x15: {  	[dreg:$0x8] =	wrdreg s21;
	s15 =	sadd.s32 s11, s24;
	s26 =	sshrl.u32 s12, $0x3  }
0x16: {  	s24 =	sadd.s32 $0x190, s3;
	[dreg:$0xc] =	wrdreg s22;
	s16 =	sshll.u32 s13, $0x4  }
0x17: {  	s22 =	sshll.u32 s19, $0x4;
	[dreg:$0x10] =	wrdreg s15;
	s18 =	sshrl.u32 s24, $0x3  }
0x18: {  	s26 =	sadd.s32 s10, s26;
	s15 =	smov.u32 s23;
	s13 =	sshrl.u32 s13, $0x3  }
0x19: {  	s24 =	sshrl.u32 s20, $0x3;
	s16 =	sadd.s32 s11, s16;
	[dreg:$0x13] =	wrdreg s26  }
0x1a: {  	s25 =	sadd.s32 s11, s22;
	s22 =	sadd.s32 s18, s23;
	[dreg:$0xe] =	wrdreg s16  }
0x1b: {  	s23 =	sshrl.u32 s19, $0x3;
	s26 =	sadd.s32 s10, s24;
	[dreg:$0xf] =	wrdreg s25  }
0x1c: {  	s19 =	sor.u32 $0x50, s7;
	s16 =	sadd.s32 $0x1E0, s12;
	[dreg:$0x9] =	wrdreg s22  }
0x1d: {  	s12 =	sadd.s32 $0x230, s12;
	s22 =	sadd.s32 s10, s13;
	[dreg:$0x18] =	wrdreg s26  }
0x1e: {  	s24 =	sadd.s32 s19, s2;
	s21 =	sshll.u32 s16, $0x4;
	[dreg:$0x16] =	wrdreg s22  }
0x1f: {  	s25 =	sshll.u32 s12, $0x4;
	[dreg:$0x1d] =	wrdreg s24;
	s21 =	sadd.s32 s11, s21  }
0x20: {  	s14 =	sshrl.u32 s14, $0x3;
	s11 =	sadd.s32 s11, s25;
	[dreg:$0x11] =	wrdreg s21  }
0x21: {  	s25 =	sshrl.u32 s16, $0x3;
	s16 =	sadd.s32 s18, s6;
	[dreg:$0x12] =	wrdreg s11  }
0x22: {  	s26 =	sadd.s32 $0xF0, s7;
	s11 =	sadd.s32 s10, s14;
	[dreg:$0xa] =	wrdreg s16  }
0x23: {  	s22 =	sadd.s32 $0xA0, s7;
	s21 =	sadd.s32 s10, s17;
	[dreg:$0x14] =	wrdreg s11  }
0x24: {  	s13 =	sadd.s32 s10, s25;
	s14 =	sshrl.u32 s12, $0x3;
	[dreg:$0x15] =	wrdreg s21  }
0x25: {  	s17 =	smul.u32 $0x50000, s5;
	s12 =	sadd.s32 s22, s2;
	[dreg:$0x19] =	wrdreg s13  }
0x26: {  	s25 =	sshll.u32 s22, $0x7;
	s11 =	sadd.s32 s10, s23;
	[dreg:$0x1f] =	wrdreg s12  }
0x27: {  	s16 =	sadd.s32 $0x140, s7;
	s18 =	sadd.s32 s10, s14;
	[dreg:$0x17] =	wrdreg s11  }
0x28: {  	s23 =	sadd.s32 $0x3A00, s8;
	s10 =	sadd.s32 s25, s1;
	[dreg:$0x1a] =	wrdreg s18  }
0x29: {  	s21 =	sshll.u32 s19, $0x7;
	s25 =	sadd.s32 s16, s2;
	[dreg:$0x1e] =	wrdreg s10  }
0x2a: {  	s13 =	sshll.u32 s26, $0x7;
	s12 =	sadd.s32 s7, s2;
	[smem:$0x7E8] =	sst s25  }
0x2b: {  	s19 =	sadd.s32 $0x190, s7;
	s14 =	sadd.s32 s13, s1;
	[smem:$0x7EB] =	sst s12  }
0x2c: {  	s20 =	sshrl.u32 s17, $0x2;
	s8 =	sadd.s32 s19, s2;
	[smem:$0x7E5] =	sst s14  }
0x2d: {  	s18 =	sadd.s32 s21, s1;
	s21 =	sshll.u32 s16, $0x7;
	[smem:$0x7EA] =	sst s8  }
0x2e: {  	s17 =	sadd.s32 s20, s1;
	s20 =	sadd.s32 s26, s2;
	[dreg:$0x1c] =	wrdreg s18  }
0x2f: {  	s22 =	sshll.u32 s19, $0x7;
	s24 =	sadd.s32 s21, s1;
	[smem:$0x7E6] =	sst s20  }
0x30: {  	s11 =	sadd.s32 $0x1E0, s7;
	s26 =	sadd.s32 s22, s1;
	[smem:$0x7E7] =	sst s24  }
0x31: {  	s7 =	sadd.s32 $0x230, s7;
	s19 =	sadd.s32 s11, s2;
	[smem:$0x7E9] =	sst s26  }
0x32: {  	s29 =	simm.s32 $0x380;
	s22 =	sadd.s32 s7, s2;
	[smem:$0x7ED] =	sst s19  }
0x33: {  	s13 =	sshll.u32 s11, $0x7;
	s8 =	sshrl.u32 s9, $0x3;
	[smem:$0x7EF] =	sst s22  }
0x34: {  	s16 =	sshll.u32 s7, $0x7;
	s14 =	sadd.s32 s13, s1;
	[dreg:$0x1b] =	wrdreg s17  }
0x35: {  	s20 =	sadd.s32 s16, s1;
	s21 =	sadd.s32 $0xA, s8;
	[smem:$0x7EC] =	sst s14  }
0x36: {  	s31 =	simm.s32 $0x1;
	[smem:$0x7EE] =	sst s20;
	s24 =	sadd.s32 s6, s21  }
0x37: {  	s25 =	sadd.s32 $0x14, s8;
	s26 =	sadd.s32 s15, s21;
	[smem:$0x7F0] =	sst s24  }
0x38: {  	s28 =	simm.s32 $0x5400;
	s9 =	sadd.s32 s6, s25;
	[smem:$0x7F1] =	sst s26  }
0x39: {  	s10 =	sadd.s32 $0x1E, s8;
	s11 =	sadd.s32 s15, s25;
	[smem:$0x7F2] =	sst s9  }
0x3a: {  	s30 =	simm.s32 $0x180;
	s12 =	sadd.s32 s6, s10;
	[smem:$0x7F3] =	sst s11  }
0x3b: {  	s13 =	sadd.s32 $0x9B0, s8;
	s14 =	sadd.s32 s15, s10;
	[smem:$0x7F4] =	sst s12  }
0x3c: {  	s0 =	simm.s32 $0x5;
	s16 =	sadd.s32 s6, s13;
	[smem:$0x7F5] =	sst s14  }
0x3d: {  	s7 =	simm.s32 $0x6;
	s19 =	sadd.s32 s15, s13;
	[smem:$0x7F6] =	sst s16  }
0x3e: {  	s22 =	sadd.s32 $0x9BA, s8;
	s20 =	sadd.s32 s6, s8;
	[smem:$0x7F7] =	sst s19  }
0x3f: {  	s21 =	sadd.s32 s15, s8;
	s25 =	sadd.s32 s15, s22;
	[smem:$0x7F8] =	sst s20  }
0x40: {  	s8 =	simm.s32 $0x3;
	s10 =	simm.s32 $0x4;
	[smem:$0x7F9] =	sst s21  }
0x41: {  	s24 =	sadd.s32 s6, s22;
	[smem:$0x7FB] =	sst s25;
	s26 =	sadd.s32 $0x140, s3  }
0x42: {  	s19 =	simm.s32 $0x400;
	s20 =	simm.s32 $0x9;
	s21 =	simm.s32 $0xA400  }
0x43: {  	s16 =	simm.s32 $0x200;
	s14 =	simm.s32 $0x50;
	s22 =	simm.s32 $0x280  }
0x44: {  	s25 =	simm.s32 $0x300;
	s3 =	simm.s32 $0x2;
	s9 =	simm.s32 $0x7  }
0x45: {  	s11 =	simm.s32 $0x8;
	s12 =	simm.s32 $0x0;
	[smem:$0x7FA] =	sst s24  }
0x46: {  	v0 =	vimm.f32 $0.0e+00;
	v1 =	vimm.f32 $1.000000000e+00;
	[smem:$0x7FD] =	sst s26;
	s24 =	simm.s32 $0x80;
	s26 =	simm.s32 $0x7C00  }
.LBB2_1:
0x47: {  	[smem:$0x7E4] =	sst s12;
	s12 =	simm.s32 $0x0;
	s13 =	simm.s32 $0x200  }
.LBB2_2:
0x48: {  	p0 =	sne.s32 s13, $0x9E00;
	[tilespmem:s12+$0x470] =	vst v0  }
0x49: {  	[tilespmem:s12+$0x400] =	vst v0  }
0x4a: {  	[tilespmem:s12+$0x410] =	vst v0  }
.Ltmp0:
0x4b: {  	[tilespmem:s12+$0x420] =	vst v0;
	(pc) =	sbr.rel @p0 .LBB2_2-.Ltmp0, $4  }
0x4c: {  	[tilespmem:s12+$0x430] =	vst v0  }
0x4d: {  	[tilespmem:s12+$0x440] =	vst v0  }
0x4e: {  	[tilespmem:s12+$0x450] =	vst v0  }
0x4f: {  	[tilespmem:s12+$0x460] =	vst v0;
	s12 =	sshra.s32 s13, $0x2;
	s13 =	sadd.s32 $0x200, s13  }
0x50: {  	[tilespmem:s12+$0x470] =	vst v0  }
0x51: {  	[tilespmem:s12+$0x400] =	vst v0  }
0x52: {  	[tilespmem:s12+$0x410] =	vst v0  }
0x53: {  	[tilespmem:s12+$0x420] =	vst v0  }
0x54: {  	[tilespmem:s12+$0x430] =	vst v0  }
0x55: {  	[tilespmem:s12+$0x440] =	vst v0  }
0x56: {  	[tilespmem:s12+$0x450] =	vst v0  }
0x57: {  	[tilespmem:s12+$0x460] =	vst v0  }
0x58: {  	[tilespmem:$0xA400] =	vst v0  }
0x59: {  	[tilespmem:$0xA410] =	vst v0  }
0x5a: {  	[tilespmem:$0xA420] =	vst v0  }
0x5b: {  	[tilespmem:$0xA430] =	vst v0  }
0x5c: {  	[tilespmem:$0xA440] =	vst v0  }
0x5d: {  	[spmem:s17] =	stream.linear.scatter [tilespmem:s19], [sflag:$0x9], $0x2800, $0x38;
	[tilespmem:$0x1E700] =	vst v63  }
0x5e: {  	_ =	swait.ge [sflag:s20], $0x2800  }
0x5f: {  	s5 =	sld [smem:$0x7EB]  }
0x60: {  	[sflag:s20] =	ssyncset.done $0x0  }
0x61: {  	[sflag:s20] =	ssyncadd.s32 $0xFFFFD800  }
0x62: {  	[spmem:s5] =	stream.linear.scatter [tilespmem:s21], [sflag:$0x9], $0x50, $0x38;
	[tilespmem:$0x1E700] =	vst v63  }
0x63: {  	_ =	swait.ge [sflag:s20], $0x50  }
0x64: {  	[sflag:s20] =	ssyncset.done $0x0  }
0x65: {  	[sflag:s20] =	ssyncadd.s32 $0xFFFFFFB0  }
0x66: {  	[spmem:s18] =	stream.linear.scatter [tilespmem:s19], [sflag:$0x9], $0x2800, $0x38;
	[tilespmem:$0x1E700] =	vst v63  }
0x67: {  	_ =	swait.ge [sflag:s20], $0x2800  }
0x68: {  	[sflag:s20] =	ssyncset.done $0x0  }
0x69: {  	s12 =	rddreg [dreg:$0x1d];
	[sflag:s20] =	ssyncadd.s32 $0xFFFFD800  }
0x6a: {  	[spmem:s12] =	stream.linear.scatter [tilespmem:s21], [sflag:$0x9], $0x50, $0x38;
	[tilespmem:$0x1E700] =	vst v63  }
0x6b: {  	_ =	swait.ge [sflag:s20], $0x50  }
0x6c: {  	[sflag:s20] =	ssyncset.done $0x0  }
0x6d: {  	s13 =	rddreg [dreg:$0x1e];
	[sflag:s20] =	ssyncadd.s32 $0xFFFFFFB0  }
0x6e: {  	[spmem:s13] =	stream.linear.scatter [tilespmem:s19], [sflag:$0x9], $0x2800, $0x38;
	[tilespmem:$0x1E700] =	vst v63  }
0x6f: {  	_ =	swait.ge [sflag:s20], $0x2800  }
0x70: {  	[sflag:s20] =	ssyncset.done $0x0  }
0x71: {  	s17 =	rddreg [dreg:$0x1f];
	[sflag:s20] =	ssyncadd.s32 $0xFFFFD800  }
0x72: {  	[spmem:s17] =	stream.linear.scatter [tilespmem:s21], [sflag:$0x9], $0x50, $0x38;
	[tilespmem:$0x1E700] =	vst v63  }
0x73: {  	_ =	swait.ge [sflag:s20], $0x50  }
0x74: {  	s18 =	sld [smem:$0x7E5]  }
0x75: {  	[sflag:s20] =	ssyncset.done $0x0  }
0x76: {  	[sflag:s20] =	ssyncadd.s32 $0xFFFFFFB0  }
0x77: {  	[spmem:s18] =	stream.linear.scatter [tilespmem:s19], [sflag:$0x9], $0x2800, $0x38;
	[tilespmem:$0x1E700] =	vst v63  }
0x78: {  	_ =	swait.ge [sflag:s20], $0x2800  }
0x79: {  	s12 =	sld [smem:$0x7E6]  }
0x7a: {  	[sflag:s20] =	ssyncset.done $0x0  }
0x7b: {  	[sflag:s20] =	ssyncadd.s32 $0xFFFFD800  }
0x7c: {  	[spmem:s12] =	stream.linear.scatter [tilespmem:s21], [sflag:$0x9], $0x50, $0x38;
	[tilespmem:$0x1E700] =	vst v63  }
0x7d: {  	_ =	swait.ge [sflag:s20], $0x50  }
0x7e: {  	s13 =	sld [smem:$0x7E7]  }
0x7f: {  	[sflag:s20] =	ssyncset.done $0x0  }
0x80: {  	[sflag:s20] =	ssyncadd.s32 $0xFFFFFFB0  }
0x81: {  	[spmem:s13] =	stream.linear.scatter [tilespmem:s19], [sflag:$0x9], $0x2800, $0x38;
	[tilespmem:$0x1E700] =	vst v63  }
0x82: {  	_ =	swait.ge [sflag:s20], $0x2800  }
0x83: {  	s17 =	sld [smem:$0x7E8]  }
0x84: {  	[sflag:s20] =	ssyncset.done $0x0  }
0x85: {  	[sflag:s20] =	ssyncadd.s32 $0xFFFFD800  }
0x86: {  	[spmem:s17] =	stream.linear.scatter [tilespmem:s21], [sflag:$0x9], $0x50, $0x38;
	[tilespmem:$0x1E700] =	vst v63  }
0x87: {  	_ =	swait.ge [sflag:s20], $0x50  }
0x88: {  	s18 =	sld [smem:$0x7E9]  }
0x89: {  	[sflag:s20] =	ssyncset.done $0x0  }
0x8a: {  	[sflag:s20] =	ssyncadd.s32 $0xFFFFFFB0  }
0x8b: {  	[spmem:s18] =	stream.linear.scatter [tilespmem:s19], [sflag:$0x9], $0x2800, $0x38;
	[tilespmem:$0x1E700] =	vst v63  }
0x8c: {  	_ =	swait.ge [sflag:s20], $0x2800  }
0x8d: {  	s12 =	sld [smem:$0x7EA]  }
0x8e: {  	[sflag:s20] =	ssyncset.done $0x0  }
0x8f: {  	[sflag:s20] =	ssyncadd.s32 $0xFFFFD800  }
0x90: {  	[spmem:s12] =	stream.linear.scatter [tilespmem:s21], [sflag:$0x9], $0x50, $0x38;
	[tilespmem:$0x1E700] =	vst v63  }
0x91: {  	_ =	swait.ge [sflag:s20], $0x50  }
0x92: {  	s13 =	sld [smem:$0x7EC]  }
0x93: {  	[sflag:s20] =	ssyncset.done $0x0  }
0x94: {  	[sflag:s20] =	ssyncadd.s32 $0xFFFFFFB0  }
0x95: {  	[spmem:s13] =	stream.linear.scatter [tilespmem:s19], [sflag:$0x9], $0x2800, $0x38;
	[tilespmem:$0x1E700] =	vst v63  }
0x96: {  	_ =	swait.ge [sflag:s20], $0x2800  }
0x97: {  	s17 =	sld [smem:$0x7ED]  }
0x98: {  	[sflag:s20] =	ssyncset.done $0x0  }
0x99: {  	[sflag:s20] =	ssyncadd.s32 $0xFFFFD800  }
0x9a: {  	[spmem:s17] =	stream.linear.scatter [tilespmem:s21], [sflag:$0x9], $0x50, $0x38;
	[tilespmem:$0x1E700] =	vst v63  }
0x9b: {  	_ =	swait.ge [sflag:s20], $0x50  }
0x9c: {  	s18 =	sld [smem:$0x7EE]  }
0x9d: {  	[sflag:s20] =	ssyncset.done $0x0  }
0x9e: {  	[sflag:s20] =	ssyncadd.s32 $0xFFFFFFB0  }
0x9f: {  	[spmem:s18] =	stream.linear.scatter [tilespmem:s19], [sflag:$0x9], $0x2800, $0x38;
	[tilespmem:$0x1E700] =	vst v63  }
0xa0: {  	_ =	swait.ge [sflag:s20], $0x2800  }
0xa1: {  	s12 =	sld [smem:$0x7EF]  }
0xa2: {  	[sflag:s20] =	ssyncset.done $0x0  }
0xa3: {  	[sflag:s20] =	ssyncadd.s32 $0xFFFFD800  }
0xa4: {  	[spmem:s12] =	stream.linear.scatter [tilespmem:s21], [sflag:$0x9], $0x50, $0x38;
	[tilespmem:$0x1E700] =	vst v63  }
0xa5: {  	_ =	swait.ge [sflag:s20], $0x50  }
0xa6: {  	[sflag:s20] =	ssyncset.done $0x0  }
0xa7: {  	[sflag:s20] =	ssyncadd.s32 $0xFFFFFFB0  }
0xa8: {  	[tilespmem:$0xA400] =	vst v1  }
0xa9: {  	[tilespmem:$0xA410] =	vst v1  }
0xaa: {  	[tilespmem:$0xA420] =	vst v1  }
0xab: {  	[tilespmem:$0xA430] =	vst v1  }
0xac: {  	[tilespmem:$0xA440] =	vst v1  }
0xad: {  	[bflag:$0x0] =	sbarrier.arrive $0xFFFF  }
0xae: {  	s13 =	sld [smem:$0x7F8];
	_ =	sdelay $0x1  }
0xaf: {  	s12 =	simm.s32 $0x0  }
0xb0: {  	[tilespmem:s12], [sflag:$0x9] =	stream.linear.gather [hbm4b:s13+s12], $0x50, $0x38;
	[tilespmem:$0x1E700] =	vst v63  }
0xb1: {  	_ =	swait.ge [sflag:s20], $0x50  }
0xb2: {  	s17 =	sld [smem:$0x7F9]  }
0xb3: {  	[sflag:s20] =	ssyncset.done $0x0  }
0xb4: {  	[sflag:s20] =	ssyncadd.s32 $0xFFFFFFB0  }
0xb5: {  	[tilespmem:s16], [sflag:$0x9] =	stream.linear.gather [hbm4b:s17+s12], $0x50, $0x38;
	[tilespmem:$0x1E700] =	vst v63  }
0xb6: {  	_ =	swait.ge [sflag:s20], $0x50  }
0xb7: {  	[sflag:s20] =	ssyncset.done $0x0  }
0xb8: {  	s18 =	sld [smem:$0x7F0];
	[sflag:s20] =	ssyncadd.s32 $0xFFFFFFB0  }
0xb9: {  	[tilespmem:s19], [sflag:$0x1] =	stream.indirect.gather [hbm4b:s23+s14], $0x80, s12, s14, $0xb8;
	[tilespmem:$0x1E700] =	vst v63  }
0xba: {  	_ = 	snop  }
0xbb: {  	[tilespmem:s24], [sflag:$0x9] =	stream.linear.gather [hbm4b:s18+s12], $0x50, $0x38;
	[tilespmem:$0x1E700] =	vst v63  }
0xbc: {  	_ =	swait.ge [sflag:s20], $0x50  }
0xbd: {  	s19 =	sld [smem:$0x7F1]  }
0xbe: {  	[sflag:s20] =	ssyncset.done $0x0  }
0xbf: {  	[sflag:s20] =	ssyncadd.s32 $0xFFFFFFB0  }
0xc0: {  	[tilespmem:s22], [sflag:$0x9] =	stream.linear.gather [hbm4b:s19+s12], $0x50, $0x38;
	[tilespmem:$0x1E700] =	vst v63  }
0xc1: {  	_ =	swait.ge [sflag:s20], $0x50  }
0xc2: {  	[sflag:s20] =	ssyncset.done $0x0  }
0xc3: {  	s17 =	simm.s32 $0x2C00;
	s13 =	sld [smem:$0x7F2];
	[sflag:s20] =	ssyncadd.s32 $0xFFFFFFB0  }
0xc4: {  	[tilespmem:s17], [sflag:$0x2] =	stream.indirect.gather [hbm4b:s23+s14], $0x80, s24, s14, $0xb8;
	[tilespmem:$0x1E700] =	vst v63  }
0xc5: {  	s19 =	simm.s32 $0x100  }
0xc6: {  	[tilespmem:s19], [sflag:$0x9] =	stream.linear.gather [hbm4b:s13+s12], $0x50, $0x38;
	[tilespmem:$0x1E700] =	vst v63  }
0xc7: {  	_ =	swait.ge [sflag:s20], $0x50  }
0xc8: {  	s13 =	sld [smem:$0x7F3]  }
0xc9: {  	[sflag:s20] =	ssyncset.done $0x0  }
0xca: {  	[sflag:s20] =	ssyncadd.s32 $0xFFFFFFB0  }
0xcb: {  	[tilespmem:s25], [sflag:$0x9] =	stream.linear.gather [hbm4b:s13+s12], $0x50, $0x38;
	[tilespmem:$0x1E700] =	vst v63  }
0xcc: {  	_ =	swait.ge [sflag:s20], $0x50  }
0xcd: {  	[sflag:s20] =	ssyncset.done $0x0  }
0xce: {  	s13 =	sld [smem:$0x7F4];
	[sflag:s20] =	ssyncadd.s32 $0xFFFFFFB0  }
0xcf: {  	[tilespmem:s28], [sflag:$0x3] =	stream.indirect.gather [hbm4b:s23+s14], $0x80, s19, s14, $0xb8;
	[tilespmem:$0x1E700] =	vst v63  }
0xd0: {  	_ = 	snop  }
0xd1: {  	[tilespmem:s30], [sflag:$0x9] =	stream.linear.gather [hbm4b:s13+s12], $0x50, $0x38;
	[tilespmem:$0x1E700] =	vst v63  }
0xd2: {  	_ =	swait.ge [sflag:s20], $0x50  }
0xd3: {  	s13 =	sld [smem:$0x7F5]  }
0xd4: {  	[sflag:s20] =	ssyncset.done $0x0  }
0xd5: {  	[sflag:s20] =	ssyncadd.s32 $0xFFFFFFB0  }
0xd6: {  	[tilespmem:s29], [sflag:$0x9] =	stream.linear.gather [hbm4b:s13+s12], $0x50, $0x38;
	[tilespmem:$0x1E700] =	vst v63  }
0xd7: {  	_ =	swait.ge [sflag:s20], $0x50  }
0xd8: {  	[sflag:s20] =	ssyncset.done $0x0  }
0xd9: {  	[sflag:s20] =	ssyncadd.s32 $0xFFFFFFB0  }
0xda: {  	[tilespmem:s26], [sflag:$0x4] =	stream.indirect.gather [hbm4b:s23+s14], $0x80, s30, s14, $0xb8;
	[tilespmem:$0x1E700] =	vst v63  }
0xdb: {  	_ =	swait.ge [sflag:s31], $0x2800  }
0xdc: {  	[sflag:s31] =	ssyncset.done $0x0  }
0xdd: {  	s18 =	simm.s32 $0x400;
	[sflag:s31] =	ssyncadd.s32 $0xFFFFD800  }
0xde: {  	[spmem:s1] =	stream.indirect.scatter.add.f32 [tilespmem:s18], [sflag:$0x5], $0x80, s16, s14, $0xb8;
	[tilespmem:$0x1E700] =	vst v63  }
0xdf: {  	_ = 	snop  }
0xe0: {  	[spmem:s2] =	stream.indirect.scatter.add.f32 [tilespmem:s21], [sflag:$0x5], $0x1, s16, s14, $0xb8;
	[tilespmem:$0x1E700] =	vst v63  }
0xe1: {  	_ =	swait.ge [sflag:s0], $0x2800  }
0xe2: {  	[sflag:s0] =	ssyncset.done $0x0  }
0xe3: {  	[sflag:s0] =	ssyncadd.s32 $0xFFFFD800  }
0xe4: {  	_ =	swait.ge [sflag:s0], $0x50  }
0xe5: {  	s5 =	sld [smem:$0x7FD];
	_ =	sdelay $0x2  }
0xe6: {  	[sflag:s0] =	ssyncset.done $0x0;
	s12 =	sshrl.u32 s5, $0x3  }
0xe7: {  	[sflag:s0] =	ssyncadd.s32 $0xFFFFFFB0;
	s13 =	sadd.s32 s6, s12  }
0xe8: {  	[tilespmem:s4], [sflag:$0x9] =	stream.linear.gather [hbm4b:s13+s4], $0x50, $0x38;
	[tilespmem:$0x1E700] =	vst v63  }
0xe9: {  	_ =	swait.ge [sflag:s20], $0x50  }
0xea: {  	[sflag:s20] =	ssyncset.done $0x0  }
0xeb: {  	s12 =	sadd.s32 s15, s12;
	[sflag:s20] =	ssyncadd.s32 $0xFFFFFFB0  }
0xec: {  	[tilespmem:s16], [sflag:$0x9] =	stream.linear.gather [hbm4b:s12+s4], $0x50, $0x38;
	[tilespmem:$0x1E700] =	vst v63  }
0xed: {  	_ =	swait.ge [sflag:s20], $0x50  }
0xee: {  	[sflag:s20] =	ssyncset.done $0x0  }
0xef: {  	[sflag:s20] =	ssyncadd.s32 $0xFFFFFFB0  }
0xf0: {  	[tilespmem:s18], [sflag:$0x1] =	stream.indirect.gather [hbm4b:s23+s14], $0x80, s4, s14, $0xb8;
	[tilespmem:$0x1E700] =	vst v63  }
0xf1: {  	_ =	swait.ge [sflag:s3], $0x2800  }
0xf2: {  	[sflag:s3] =	ssyncset.done $0x0  }
0xf3: {  	[sflag:s3] =	ssyncadd.s32 $0xFFFFD800  }
0xf4: {  	[spmem:s1] =	stream.indirect.scatter.add.f32 [tilespmem:s17], [sflag:$0x6], $0x80, s22, s14, $0xb8;
	[tilespmem:$0x1E700] =	vst v63  }
0xf5: {  	_ = 	snop  }
0xf6: {  	[spmem:s2] =	stream.indirect.scatter.add.f32 [tilespmem:s21], [sflag:$0x6], $0x1, s22, s14, $0xb8;
	[tilespmem:$0x1E700] =	vst v63  }
0xf7: {  	_ =	swait.ge [sflag:s7], $0x2800  }
0xf8: {  	[sflag:s7] =	ssyncset.done $0x0  }
0xf9: {  	[sflag:s7] =	ssyncadd.s32 $0xFFFFD800  }
0xfa: {  	_ =	swait.ge [sflag:s7], $0x50  }
0xfb: {  	s18 =	rddreg [dreg:$0xa];
	[sflag:s7] =	ssyncset.done $0x0  }
0xfc: {  	[sflag:s7] =	ssyncadd.s32 $0xFFFFFFB0;
	s12 =	sadd.s32 $0x0, s18  }
0xfd: {  	[tilespmem:s24], [sflag:$0x9] =	stream.linear.gather [hbm4b:s12+s4], $0x50, $0x38;
	[tilespmem:$0x1E700] =	vst v63  }
0xfe: {  	_ =	swait.ge [sflag:s20], $0x50  }
0xff: {  	s13 =	rddreg [dreg:$0x9];
	[sflag:s20] =	ssyncset.done $0x0  }
0x100: {  	[sflag:s20] =	ssyncadd.s32 $0xFFFFFFB0;
	s12 =	sadd.s32 $0x0, s13  }
0x101: {  	[tilespmem:s22], [sflag:$0x9] =	stream.linear.gather [hbm4b:s12+s4], $0x50, $0x38;
	[tilespmem:$0x1E700] =	vst v63  }
0x102: {  	_ =	swait.ge [sflag:s20], $0x50  }
0x103: {  	[sflag:s20] =	ssyncset.done $0x0  }
0x104: {  	[sflag:s20] =	ssyncadd.s32 $0xFFFFFFB0  }
0x105: {  	[tilespmem:s17], [sflag:$0x2] =	stream.indirect.gather [hbm4b:s23+s14], $0x80, s24, s14, $0xb8;
	[tilespmem:$0x1E700] =	vst v63  }
0x106: {  	_ =	swait.ge [sflag:s8], $0x2800  }
0x107: {  	[sflag:s8] =	ssyncset.done $0x0  }
0x108: {  	[sflag:s8] =	ssyncadd.s32 $0xFFFFD800  }
0x109: {  	[spmem:s1] =	stream.indirect.scatter.add.f32 [tilespmem:s28], [sflag:$0x7], $0x80, s25, s14, $0xb8;
	[tilespmem:$0x1E700] =	vst v63  }
0x10a: {  	_ = 	snop  }
0x10b: {  	[spmem:s2] =	stream.indirect.scatter.add.f32 [tilespmem:s21], [sflag:$0x7], $0x1, s25, s14, $0xb8;
	[tilespmem:$0x1E700] =	vst v63  }
0x10c: {  	_ =	swait.ge [sflag:s9], $0x2800  }
0x10d: {  	[sflag:s9] =	ssyncset.done $0x0  }
0x10e: {  	[sflag:s9] =	ssyncadd.s32 $0xFFFFD800  }
0x10f: {  	_ =	swait.ge [sflag:s9], $0x50  }
0x110: {  	s16 =	rddreg [dreg:$0x8];
	[sflag:s9] =	ssyncset.done $0x0  }
0x111: {  	[sflag:s9] =	ssyncadd.s32 $0xFFFFFFB0;
	s12 =	sadd.s32 $0x0, s16  }
0x112: {  	[tilespmem:s19], [sflag:$0x9] =	stream.linear.gather [hbm4b:s12+s4], $0x50, $0x38;
	[tilespmem:$0x1E700] =	vst v63  }
0x113: {  	_ =	swait.ge [sflag:s20], $0x50  }
0x114: {  	s17 =	rddreg [dreg:$0x7];
	[sflag:s20] =	ssyncset.done $0x0  }
0x115: {  	[sflag:s20] =	ssyncadd.s32 $0xFFFFFFB0;
	s12 =	sadd.s32 $0x0, s17  }
0x116: {  	[tilespmem:s25], [sflag:$0x9] =	stream.linear.gather [hbm4b:s12+s4], $0x50, $0x38;
	[tilespmem:$0x1E700] =	vst v63  }
0x117: {  	_ =	swait.ge [sflag:s20], $0x50  }
0x118: {  	[sflag:s20] =	ssyncset.done $0x0  }
0x119: {  	[sflag:s20] =	ssyncadd.s32 $0xFFFFFFB0  }
0x11a: {  	[tilespmem:s28], [sflag:$0x3] =	stream.indirect.gather [hbm4b:s23+s14], $0x80, s19, s14, $0xb8;
	[tilespmem:$0x1E700] =	vst v63  }
0x11b: {  	_ =	swait.ge [sflag:s10], $0x2800  }
0x11c: {  	[sflag:s10] =	ssyncset.done $0x0  }
0x11d: {  	[sflag:s10] =	ssyncadd.s32 $0xFFFFD800  }
0x11e: {  	[spmem:s1] =	stream.indirect.scatter.add.f32 [tilespmem:s26], [sflag:$0x8], $0x80, s29, s14, $0xb8;
	[tilespmem:$0x1E700] =	vst v63  }
0x11f: {  	_ = 	snop  }
0x120: {  	[spmem:s2] =	stream.indirect.scatter.add.f32 [tilespmem:s21], [sflag:$0x8], $0x1, s29, s14, $0xb8;
	[tilespmem:$0x1E700] =	vst v63  }
0x121: {  	_ =	swait.ge [sflag:s11], $0x2800  }
0x122: {  	[sflag:s11] =	ssyncset.done $0x0  }
0x123: {  	[sflag:s11] =	ssyncadd.s32 $0xFFFFD800  }
0x124: {  	_ =	swait.ge [sflag:s11], $0x50  }
0x125: {  	s18 =	rddreg [dreg:$0x6];
	[sflag:s11] =	ssyncset.done $0x0  }
0x126: {  	[sflag:s11] =	ssyncadd.s32 $0xFFFFFFB0;
	s12 =	sadd.s32 $0x0, s18  }
0x127: {  	[tilespmem:s30], [sflag:$0x9] =	stream.linear.gather [hbm4b:s12+s4], $0x50, $0x38;
	[tilespmem:$0x1E700] =	vst v63  }
0x128: {  	_ =	swait.ge [sflag:s20], $0x50  }
0x129: {  	s22 =	rddreg [dreg:$0x5];
	[sflag:s20] =	ssyncset.done $0x0  }
0x12a: {  	[sflag:s20] =	ssyncadd.s32 $0xFFFFFFB0;
	s12 =	sadd.s32 $0x0, s22  }
0x12b: {  	[tilespmem:s29], [sflag:$0x9] =	stream.linear.gather [hbm4b:s12+s4], $0x50, $0x38;
	[tilespmem:$0x1E700] =	vst v63  }
0x12c: {  	_ =	swait.ge [sflag:s20], $0x50  }
0x12d: {  	s13 =	simm.s32 $0x28;
	[sflag:s20] =	ssyncset.done $0x0  }
0x12e: {  	s16 =	simm.s32 $0x200;
	s18 =	sadd.s32 $0x140, s5;
	[sflag:s20] =	ssyncadd.s32 $0xFFFFFFB0  }
.LBB2_4:
0x12f: {  	[tilespmem:s26], [sflag:$0x4] =	stream.indirect.gather [hbm4b:s23+s14], $0x80, s30, s14, $0xb8;
	[tilespmem:$0x1E700] =	vst v63  }
0x130: {  	_ =	swait.ge [sflag:s31], $0x2800  }
0x131: {  	[sflag:s31] =	ssyncset.done $0x0  }
0x132: {  	s22 =	simm.s32 $0x400;
	[sflag:s31] =	ssyncadd.s32 $0xFFFFD800  }
0x133: {  	[spmem:s1] =	stream.indirect.scatter.add.f32 [tilespmem:s22], [sflag:$0x5], $0x80, s16, s14, $0xb8;
	[tilespmem:$0x1E700] =	vst v63  }
0x134: {  	_ = 	snop  }
0x135: {  	[spmem:s2] =	stream.indirect.scatter.add.f32 [tilespmem:s21], [sflag:$0x5], $0x1, s16, s14, $0xb8;
	[tilespmem:$0x1E700] =	vst v63  }
0x136: {  	_ =	swait.ge [sflag:s0], $0x2800  }
0x137: {  	[sflag:s0] =	ssyncset.done $0x0  }
0x138: {  	[sflag:s0] =	ssyncadd.s32 $0xFFFFD800  }
0x139: {  	_ =	swait.ge [sflag:s0], $0x50  }
0x13a: {  	s5 =	sshrl.u32 s18, $0x3;
	[sflag:s0] =	ssyncset.done $0x0  }
0x13b: {  	s17 =	smov.u32 s15;
	s15 =	sadd.s32 s6, s5;
	[sflag:s0] =	ssyncadd.s32 $0xFFFFFFB0  }
0x13c: {  	[tilespmem:s4], [sflag:$0x9] =	stream.linear.gather [hbm4b:s15+s4], $0x50, $0x38;
	[tilespmem:$0x1E700] =	vst v63  }
0x13d: {  	_ =	swait.ge [sflag:s20], $0x50  }
0x13e: {  	s15 =	smov.u32 s17;
	[sflag:s20] =	ssyncset.done $0x0  }
0x13f: {  	s5 =	sadd.s32 s15, s5;
	[sflag:s20] =	ssyncadd.s32 $0xFFFFFFB0  }
0x140: {  	[tilespmem:s16], [sflag:$0x9] =	stream.linear.gather [hbm4b:s5+s4], $0x50, $0x38;
	[tilespmem:$0x1E700] =	vst v63  }
0x141: {  	_ =	swait.ge [sflag:s20], $0x50  }
0x142: {  	[sflag:s20] =	ssyncset.done $0x0  }
0x143: {  	[sflag:s20] =	ssyncadd.s32 $0xFFFFFFB0  }
0x144: {  	[tilespmem:s22], [sflag:$0x1] =	stream.indirect.gather [hbm4b:s23+s14], $0x80, s4, s14, $0xb8;
	[tilespmem:$0x1E700] =	vst v63  }
0x145: {  	_ =	swait.ge [sflag:s3], $0x2800  }
0x146: {  	[sflag:s3] =	ssyncset.done $0x0  }
0x147: {  	s17 =	simm.s32 $0x2C00;
	s22 =	simm.s32 $0x280;
	[sflag:s3] =	ssyncadd.s32 $0xFFFFD800  }
0x148: {  	[spmem:s1] =	stream.indirect.scatter.add.f32 [tilespmem:s17], [sflag:$0x6], $0x80, s22, s14, $0xb8;
	[tilespmem:$0x1E700] =	vst v63  }
0x149: {  	_ = 	snop  }
0x14a: {  	[spmem:s2] =	stream.indirect.scatter.add.f32 [tilespmem:s21], [sflag:$0x6], $0x1, s22, s14, $0xb8;
	[tilespmem:$0x1E700] =	vst v63  }
0x14b: {  	_ =	swait.ge [sflag:s7], $0x2800  }
0x14c: {  	[sflag:s7] =	ssyncset.done $0x0  }
0x14d: {  	[sflag:s7] =	ssyncadd.s32 $0xFFFFD800  }
0x14e: {  	_ =	swait.ge [sflag:s7], $0x50  }
0x14f: {  	s12 =	smov.u32 s13;
	s5 =	rddreg [dreg:$0xa];
	[sflag:s7] =	ssyncset.done $0x0  }
0x150: {  	[sflag:s7] =	ssyncadd.s32 $0xFFFFFFB0;
	s5 =	sadd.s32 s12, s5  }
0x151: {  	[tilespmem:s24], [sflag:$0x9] =	stream.linear.gather [hbm4b:s5+s4], $0x50, $0x38;
	[tilespmem:$0x1E700] =	vst v63  }
0x152: {  	_ =	swait.ge [sflag:s20], $0x50  }
0x153: {  	s5 =	rddreg [dreg:$0x9];
	[sflag:s20] =	ssyncset.done $0x0  }
0x154: {  	[sflag:s20] =	ssyncadd.s32 $0xFFFFFFB0;
	s5 =	sadd.s32 s12, s5  }
0x155: {  	[tilespmem:s22], [sflag:$0x9] =	stream.linear.gather [hbm4b:s5+s4], $0x50, $0x38;
	[tilespmem:$0x1E700] =	vst v63  }
0x156: {  	_ =	swait.ge [sflag:s20], $0x50  }
0x157: {  	[sflag:s20] =	ssyncset.done $0x0  }
0x158: {  	[sflag:s20] =	ssyncadd.s32 $0xFFFFFFB0  }
0x159: {  	[tilespmem:s17], [sflag:$0x2] =	stream.indirect.gather [hbm4b:s23+s14], $0x80, s24, s14, $0xb8;
	[tilespmem:$0x1E700] =	vst v63  }
0x15a: {  	_ =	swait.ge [sflag:s8], $0x2800  }
0x15b: {  	[sflag:s8] =	ssyncset.done $0x0  }
0x15c: {  	[sflag:s8] =	ssyncadd.s32 $0xFFFFD800  }
0x15d: {  	[spmem:s1] =	stream.indirect.scatter.add.f32 [tilespmem:s28], [sflag:$0x7], $0x80, s25, s14, $0xb8;
	[tilespmem:$0x1E700] =	vst v63  }
0x15e: {  	_ = 	snop  }
0x15f: {  	[spmem:s2] =	stream.indirect.scatter.add.f32 [tilespmem:s21], [sflag:$0x7], $0x1, s25, s14, $0xb8;
	[tilespmem:$0x1E700] =	vst v63  }
0x160: {  	_ =	swait.ge [sflag:s9], $0x2800  }
0x161: {  	[sflag:s9] =	ssyncset.done $0x0  }
0x162: {  	[sflag:s9] =	ssyncadd.s32 $0xFFFFD800  }
0x163: {  	_ =	swait.ge [sflag:s9], $0x50  }
0x164: {  	s5 =	rddreg [dreg:$0x8];
	[sflag:s9] =	ssyncset.done $0x0  }
0x165: {  	[sflag:s9] =	ssyncadd.s32 $0xFFFFFFB0;
	s5 =	sadd.s32 s12, s5  }
0x166: {  	[tilespmem:s19], [sflag:$0x9] =	stream.linear.gather [hbm4b:s5+s4], $0x50, $0x38;
	[tilespmem:$0x1E700] =	vst v63  }
0x167: {  	_ =	swait.ge [sflag:s20], $0x50  }
0x168: {  	s5 =	rddreg [dreg:$0x7];
	[sflag:s20] =	ssyncset.done $0x0  }
0x169: {  	[sflag:s20] =	ssyncadd.s32 $0xFFFFFFB0;
	s5 =	sadd.s32 s12, s5  }
0x16a: {  	[tilespmem:s25], [sflag:$0x9] =	stream.linear.gather [hbm4b:s5+s4], $0x50, $0x38;
	[tilespmem:$0x1E700] =	vst v63  }
0x16b: {  	_ =	swait.ge [sflag:s20], $0x50  }
0x16c: {  	[sflag:s20] =	ssyncset.done $0x0  }
0x16d: {  	[sflag:s20] =	ssyncadd.s32 $0xFFFFFFB0  }
0x16e: {  	[tilespmem:s28], [sflag:$0x3] =	stream.indirect.gather [hbm4b:s23+s14], $0x80, s19, s14, $0xb8;
	[tilespmem:$0x1E700] =	vst v63  }
0x16f: {  	_ =	swait.ge [sflag:s10], $0x2800  }
0x170: {  	[sflag:s10] =	ssyncset.done $0x0  }
0x171: {  	[sflag:s10] =	ssyncadd.s32 $0xFFFFD800  }
0x172: {  	[spmem:s1] =	stream.indirect.scatter.add.f32 [tilespmem:s26], [sflag:$0x8], $0x80, s29, s14, $0xb8;
	[tilespmem:$0x1E700] =	vst v63  }
0x173: {  	_ = 	snop  }
0x174: {  	[spmem:s2] =	stream.indirect.scatter.add.f32 [tilespmem:s21], [sflag:$0x8], $0x1, s29, s14, $0xb8;
	[tilespmem:$0x1E700] =	vst v63  }
0x175: {  	_ =	swait.ge [sflag:s11], $0x2800  }
0x176: {  	[sflag:s11] =	ssyncset.done $0x0  }
0x177: {  	[sflag:s11] =	ssyncadd.s32 $0xFFFFD800  }
0x178: {  	_ =	swait.ge [sflag:s11], $0x50  }
0x179: {  	s5 =	rddreg [dreg:$0x6];
	[sflag:s11] =	ssyncset.done $0x0  }
0x17a: {  	[sflag:s11] =	ssyncadd.s32 $0xFFFFFFB0;
	s5 =	sadd.s32 s12, s5  }
0x17b: {  	[tilespmem:s30], [sflag:$0x9] =	stream.linear.gather [hbm4b:s5+s4], $0x50, $0x38;
	[tilespmem:$0x1E700] =	vst v63  }
0x17c: {  	_ =	swait.ge [sflag:s20], $0x50  }
0x17d: {  	p0 =	sne.s32 s13, $0x960;
	s5 =	rddreg [dreg:$0x5];
	[sflag:s20] =	ssyncset.done $0x0  }
.Ltmp1:
0x17e: {  	[sflag:s20] =	ssyncadd.s32 $0xFFFFFFB0;
	s5 =	sadd.s32 s12, s5;
	(pc) =	sbr.rel @p0 .LBB2_4-.Ltmp1, $4  }
0x17f: {  	[tilespmem:s29], [sflag:$0x9] =	stream.linear.gather [hbm4b:s5+s4], $0x50, $0x38;
	[tilespmem:$0x1E700] =	vst v63  }
0x180: {  	_ =	swait.ge [sflag:s20], $0x50  }
0x181: {  	[sflag:s20] =	ssyncset.done $0x0  }
0x182: {  	s13 =	sadd.s32 $0x28, s13;
	s18 =	sadd.s32 $0x140, s18;
	[sflag:s20] =	ssyncadd.s32 $0xFFFFFFB0  }
0x183: {  	[tilespmem:s26], [sflag:$0x4] =	stream.indirect.gather [hbm4b:s23+s14], $0x80, s30, s14, $0xb8;
	[tilespmem:$0x1E700] =	vst v63  }
0x184: {  	_ =	swait.ge [sflag:s31], $0x2800  }
0x185: {  	[sflag:s31] =	ssyncset.done $0x0  }
0x186: {  	s12 =	simm.s32 $0x400;
	[sflag:s31] =	ssyncadd.s32 $0xFFFFD800  }
0x187: {  	[spmem:s1] =	stream.indirect.scatter.add.f32 [tilespmem:s12], [sflag:$0x5], $0x80, s16, s14, $0xb8;
	[tilespmem:$0x1E700] =	vst v63  }
0x188: {  	_ = 	snop  }
0x189: {  	[spmem:s2] =	stream.indirect.scatter.add.f32 [tilespmem:s21], [sflag:$0x5], $0x1, s16, s14, $0xb8;
	[tilespmem:$0x1E700] =	vst v63  }
0x18a: {  	_ =	swait.ge [sflag:s3], $0x2800  }
0x18b: {  	[sflag:s3] =	ssyncset.done $0x0  }
0x18c: {  	[sflag:s3] =	ssyncadd.s32 $0xFFFFD800  }
0x18d: {  	[spmem:s1] =	stream.indirect.scatter.add.f32 [tilespmem:s17], [sflag:$0x6], $0x80, s22, s14, $0xb8;
	[tilespmem:$0x1E700] =	vst v63  }
0x18e: {  	_ = 	snop  }
0x18f: {  	[spmem:s2] =	stream.indirect.scatter.add.f32 [tilespmem:s21], [sflag:$0x6], $0x1, s22, s14, $0xb8;
	[tilespmem:$0x1E700] =	vst v63  }
0x190: {  	_ =	swait.ge [sflag:s8], $0x2800  }
0x191: {  	[sflag:s8] =	ssyncset.done $0x0  }
0x192: {  	[sflag:s8] =	ssyncadd.s32 $0xFFFFD800  }
0x193: {  	[spmem:s1] =	stream.indirect.scatter.add.f32 [tilespmem:s28], [sflag:$0x7], $0x80, s25, s14, $0xb8;
	[tilespmem:$0x1E700] =	vst v63  }
0x194: {  	_ = 	snop  }
0x195: {  	[spmem:s2] =	stream.indirect.scatter.add.f32 [tilespmem:s21], [sflag:$0x7], $0x1, s25, s14, $0xb8;
	[tilespmem:$0x1E700] =	vst v63  }
0x196: {  	_ =	swait.ge [sflag:s10], $0x2800  }
0x197: {  	[sflag:s10] =	ssyncset.done $0x0  }
0x198: {  	[sflag:s10] =	ssyncadd.s32 $0xFFFFD800  }
0x199: {  	[spmem:s1] =	stream.indirect.scatter.add.f32 [tilespmem:s26], [sflag:$0x8], $0x80, s29, s14, $0xb8;
	[tilespmem:$0x1E700] =	vst v63  }
0x19a: {  	_ = 	snop  }
0x19b: {  	[spmem:s2] =	stream.indirect.scatter.add.f32 [tilespmem:s21], [sflag:$0x8], $0x1, s29, s14, $0xb8;
	[tilespmem:$0x1E700] =	vst v63  }
0x19c: {  	_ =	swait.ge [sflag:s0], $0x2800  }
0x19d: {  	[sflag:s0] =	ssyncset.done $0x0  }
0x19e: {  	[sflag:s0] =	ssyncadd.s32 $0xFFFFD800  }
0x19f: {  	_ =	swait.ge [sflag:s0], $0x50  }
0x1a0: {  	[sflag:s0] =	ssyncset.done $0x0  }
0x1a1: {  	[sflag:s0] =	ssyncadd.s32 $0xFFFFFFB0  }
0x1a2: {  	_ =	swait.ge [sflag:s7], $0x2800  }
0x1a3: {  	[sflag:s7] =	ssyncset.done $0x0  }
0x1a4: {  	[sflag:s7] =	ssyncadd.s32 $0xFFFFD800  }
0x1a5: {  	_ =	swait.ge [sflag:s7], $0x50  }
0x1a6: {  	[sflag:s7] =	ssyncset.done $0x0  }
0x1a7: {  	[sflag:s7] =	ssyncadd.s32 $0xFFFFFFB0  }
0x1a8: {  	_ =	swait.ge [sflag:s9], $0x2800  }
0x1a9: {  	[sflag:s9] =	ssyncset.done $0x0  }
0x1aa: {  	[sflag:s9] =	ssyncadd.s32 $0xFFFFD800  }
0x1ab: {  	_ =	swait.ge [sflag:s9], $0x50  }
0x1ac: {  	[sflag:s9] =	ssyncset.done $0x0  }
0x1ad: {  	[sflag:s9] =	ssyncadd.s32 $0xFFFFFFB0  }
0x1ae: {  	_ =	swait.ge [sflag:s11], $0x2800  }
0x1af: {  	[sflag:s11] =	ssyncset.done $0x0  }
0x1b0: {  	[sflag:s11] =	ssyncadd.s32 $0xFFFFD800  }
0x1b1: {  	_ =	swait.ge [sflag:s11], $0x50  }
0x1b2: {  	s5 =	sld [smem:$0x7F6]  }
0x1b3: {  	[sflag:s11] =	ssyncset.done $0x0  }
0x1b4: {  	[sflag:s11] =	ssyncadd.s32 $0xFFFFFFB0  }
0x1b5: {  	[tilespmem:s4], [sflag:$0x9] =	stream.linear.gather [hbm4b:s5+s4], $0x50, $0x38;
	[tilespmem:$0x1E700] =	vst v63  }
0x1b6: {  	_ =	swait.ge [sflag:s20], $0x50  }
0x1b7: {  	s17 =	sld [smem:$0x7F7]  }
0x1b8: {  	[sflag:s20] =	ssyncset.done $0x0  }
0x1b9: {  	[sflag:s20] =	ssyncadd.s32 $0xFFFFFFB0  }
0x1ba: {  	[tilespmem:s16], [sflag:$0x9] =	stream.linear.gather [hbm4b:s17+s4], $0x50, $0x38;
	[tilespmem:$0x1E700] =	vst v63  }
0x1bb: {  	_ =	swait.ge [sflag:s20], $0x50  }
0x1bc: {  	[sflag:s20] =	ssyncset.done $0x0  }
0x1bd: {  	[sflag:s20] =	ssyncadd.s32 $0xFFFFFFB0  }
0x1be: {  	[tilespmem:s12], [sflag:$0x1] =	stream.indirect.gather [hbm4b:s23+s14], $0x80, s4, s14, $0xb8;
	[tilespmem:$0x1E700] =	vst v63  }
0x1bf: {  	_ =	swait.ge [sflag:s31], $0x2800  }
0x1c0: {  	[sflag:s31] =	ssyncset.done $0x0  }
0x1c1: {  	[sflag:s31] =	ssyncadd.s32 $0xFFFFD800  }
0x1c2: {  	[spmem:s1] =	stream.indirect.scatter.add.f32 [tilespmem:s12], [sflag:$0x5], $0x80, s16, s14, $0xb8;
	[tilespmem:$0x1E700] =	vst v63  }
0x1c3: {  	_ = 	snop  }
0x1c4: {  	[spmem:s2] =	stream.indirect.scatter.add.f32 [tilespmem:s21], [sflag:$0x5], $0x1, s16, s14, $0xb8;
	[tilespmem:$0x1E700] =	vst v63  }
0x1c5: {  	_ =	swait.ge [sflag:s0], $0x2800  }
0x1c6: {  	[sflag:s0] =	ssyncset.done $0x0  }
0x1c7: {  	[sflag:s0] =	ssyncadd.s32 $0xFFFFD800  }
0x1c8: {  	_ =	swait.ge [sflag:s0], $0x50  }
0x1c9: {  	s18 =	sld [smem:$0x7FA]  }
0x1ca: {  	[sflag:s0] =	ssyncset.done $0x0  }
0x1cb: {  	[sflag:s0] =	ssyncadd.s32 $0xFFFFFFB0  }
0x1cc: {  	[tilespmem:s4], [sflag:$0x9] =	stream.linear.gather [hbm4b:s18+s4], $0x50, $0x38;
	[tilespmem:$0x1E700] =	vst v63  }
0x1cd: {  	_ =	swait.ge [sflag:s20], $0x50  }
0x1ce: {  	s19 =	sld [smem:$0x7FB]  }
0x1cf: {  	[sflag:s20] =	ssyncset.done $0x0  }
0x1d0: {  	[sflag:s20] =	ssyncadd.s32 $0xFFFFFFB0  }
0x1d1: {  	[tilespmem:s16], [sflag:$0x9] =	stream.linear.gather [hbm4b:s19+s4], $0x50, $0x38;
	[tilespmem:$0x1E700] =	vst v63  }
0x1d2: {  	_ =	swait.ge [sflag:s20], $0x50  }
0x1d3: {  	[sflag:s20] =	ssyncset.done $0x0  }
0x1d4: {  	[sflag:s20] =	ssyncadd.s32 $0xFFFFFFB0  }
0x1d5: {  	[tilespmem:s12], [sflag:$0x1] =	stream.indirect.gather [hbm4b:s23+s14], $0x80, s4, s14, $0xb8;
	[tilespmem:$0x1E700] =	vst v63  }
0x1d6: {  	_ =	swait.ge [sflag:s31], $0x2800  }
0x1d7: {  	[sflag:s31] =	ssyncset.done $0x0  }
0x1d8: {  	[sflag:s31] =	ssyncadd.s32 $0xFFFFD800  }
0x1d9: {  	[spmem:s1] =	stream.indirect.scatter.add.f32 [tilespmem:s12], [sflag:$0x5], $0x80, s16, s14, $0xb8;
	[tilespmem:$0x1E700] =	vst v63  }
0x1da: {  	_ = 	snop  }
0x1db: {  	[spmem:s2] =	stream.indirect.scatter.add.f32 [tilespmem:s21], [sflag:$0x5], $0x1, s16, s14, $0xb8;
	[tilespmem:$0x1E700] =	vst v63  }
0x1dc: {  	_ =	swait.ge [sflag:s0], $0x2800  }
0x1dd: {  	[sflag:s0] =	ssyncset.done $0x0  }
0x1de: {  	[sflag:s0] =	ssyncadd.s32 $0xFFFFD800  }
0x1df: {  	_ =	swait.ge [sflag:s0], $0x50  }
0x1e0: {  	[sflag:s0] =	ssyncset.done $0x0  }
0x1e1: {  	[sflag:s0] =	ssyncadd.s32 $0xFFFFFFB0  }
0x1e2: {  	[bflag:$0x0] =	sbarrier.arrive $0xFFFF  }
0x1e3: {  	s17 =	rddreg [dreg:$0x1b]  }
0x1e4: {  	[tilespmem:s12], [sflag:$0x9] =	stream.linear.gather [spmem:s17], $0x2800, $0x38;
	[tilespmem:$0x1E700] =	vst v63  }
0x1e5: {  	_ =	swait.ge [sflag:s20], $0x2800  }
0x1e6: {  	[sflag:s20] =	ssyncset.done $0x0  }
0x1e7: {  	s13 =	rddreg [dreg:$0xb];
	[sflag:s20] =	ssyncadd.s32 $0xFFFFD800  }
0x1e8: {  	[hbm4b:s13+s4] =	stream.linear.scatter [tilespmem:s12], [sflag:$0x9], $0x2800, $0x38;
	[tilespmem:$0x1E700] =	vst v63  }
0x1e9: {  	_ =	swait.ge [sflag:s20], $0x2800  }
0x1ea: {  	s16 =	sld [smem:$0x7EB]  }
0x1eb: {  	[sflag:s20] =	ssyncset.done $0x0  }
0x1ec: {  	[sflag:s20] =	ssyncadd.s32 $0xFFFFD800  }
0x1ed: {  	[tilespmem:s21], [sflag:$0x9] =	stream.linear.gather [spmem:s16], $0x50, $0x38;
	[tilespmem:$0x1E700] =	vst v63  }
0x1ee: {  	_ =	swait.ge [sflag:s20], $0x50  }
0x1ef: {  	[sflag:s20] =	ssyncset.done $0x0  }
0x1f0: {  	s18 =	rddreg [dreg:$0x13];
	[sflag:s20] =	ssyncadd.s32 $0xFFFFFFB0  }
0x1f1: {  	[hbm4b:s18+s4] =	stream.linear.scatter [tilespmem:s21], [sflag:$0x9], $0x50, $0x38;
	[tilespmem:$0x1E700] =	vst v63  }
0x1f2: {  	_ =	swait.ge [sflag:s20], $0x50  }
0x1f3: {  	[sflag:s20] =	ssyncset.done $0x0  }
0x1f4: {  	s18 =	rddreg [dreg:$0x1c];
	[sflag:s20] =	ssyncadd.s32 $0xFFFFFFB0  }
0x1f5: {  	[tilespmem:s12], [sflag:$0x9] =	stream.linear.gather [spmem:s18], $0x2800, $0x38;
	[tilespmem:$0x1E700] =	vst v63  }
0x1f6: {  	_ =	swait.ge [sflag:s20], $0x2800  }
0x1f7: {  	[sflag:s20] =	ssyncset.done $0x0  }
0x1f8: {  	s19 =	rddreg [dreg:$0xc];
	[sflag:s20] =	ssyncadd.s32 $0xFFFFD800  }
0x1f9: {  	[hbm4b:s19+s4] =	stream.linear.scatter [tilespmem:s12], [sflag:$0x9], $0x2800, $0x38;
	[tilespmem:$0x1E700] =	vst v63  }
0x1fa: {  	_ =	swait.ge [sflag:s20], $0x2800  }
0x1fb: {  	[sflag:s20] =	ssyncset.done $0x0  }
0x1fc: {  	s13 =	rddreg [dreg:$0x1d];
	[sflag:s20] =	ssyncadd.s32 $0xFFFFD800  }
0x1fd: {  	[tilespmem:s21], [sflag:$0x9] =	stream.linear.gather [spmem:s13], $0x50, $0x38;
	[tilespmem:$0x1E700] =	vst v63  }
0x1fe: {  	_ =	swait.ge [sflag:s20], $0x50  }
0x1ff: {  	[sflag:s20] =	ssyncset.done $0x0  }
0x200: {  	s16 =	rddreg [dreg:$0x14];
	[sflag:s20] =	ssyncadd.s32 $0xFFFFFFB0  }
0x201: {  	[hbm4b:s16+s4] =	stream.linear.scatter [tilespmem:s21], [sflag:$0x9], $0x50, $0x38;
	[tilespmem:$0x1E700] =	vst v63  }
0x202: {  	_ =	swait.ge [sflag:s20], $0x50  }
0x203: {  	[sflag:s20] =	ssyncset.done $0x0  }
0x204: {  	s19 =	rddreg [dreg:$0x1e];
	[sflag:s20] =	ssyncadd.s32 $0xFFFFFFB0  }
0x205: {  	[tilespmem:s12], [sflag:$0x9] =	stream.linear.gather [spmem:s19], $0x2800, $0x38;
	[tilespmem:$0x1E700] =	vst v63  }
0x206: {  	_ =	swait.ge [sflag:s20], $0x2800  }
0x207: {  	[sflag:s20] =	ssyncset.done $0x0  }
0x208: {  	s13 =	rddreg [dreg:$0xd];
	[sflag:s20] =	ssyncadd.s32 $0xFFFFD800  }
0x209: {  	[hbm4b:s13+s4] =	stream.linear.scatter [tilespmem:s12], [sflag:$0x9], $0x2800, $0x38;
	[tilespmem:$0x1E700] =	vst v63  }
0x20a: {  	_ =	swait.ge [sflag:s20], $0x2800  }
0x20b: {  	[sflag:s20] =	ssyncset.done $0x0  }
0x20c: {  	s16 =	rddreg [dreg:$0x1f];
	[sflag:s20] =	ssyncadd.s32 $0xFFFFD800  }
0x20d: {  	[tilespmem:s21], [sflag:$0x9] =	stream.linear.gather [spmem:s16], $0x50, $0x38;
	[tilespmem:$0x1E700] =	vst v63  }
0x20e: {  	_ =	swait.ge [sflag:s20], $0x50  }
0x20f: {  	[sflag:s20] =	ssyncset.done $0x0  }
0x210: {  	s19 =	rddreg [dreg:$0x15];
	[sflag:s20] =	ssyncadd.s32 $0xFFFFFFB0  }
0x211: {  	[hbm4b:s19+s4] =	stream.linear.scatter [tilespmem:s21], [sflag:$0x9], $0x50, $0x38;
	[tilespmem:$0x1E700] =	vst v63  }
0x212: {  	_ =	swait.ge [sflag:s20], $0x50  }
0x213: {  	s13 =	sld [smem:$0x7E5]  }
0x214: {  	[sflag:s20] =	ssyncset.done $0x0  }
0x215: {  	[sflag:s20] =	ssyncadd.s32 $0xFFFFFFB0  }
0x216: {  	[tilespmem:s12], [sflag:$0x9] =	stream.linear.gather [spmem:s13], $0x2800, $0x38;
	[tilespmem:$0x1E700] =	vst v63  }
0x217: {  	_ =	swait.ge [sflag:s20], $0x2800  }
0x218: {  	[sflag:s20] =	ssyncset.done $0x0  }
0x219: {  	s16 =	rddreg [dreg:$0xe];
	[sflag:s20] =	ssyncadd.s32 $0xFFFFD800  }
0x21a: {  	[hbm4b:s16+s4] =	stream.linear.scatter [tilespmem:s12], [sflag:$0x9], $0x2800, $0x38;
	[tilespmem:$0x1E700] =	vst v63  }
0x21b: {  	_ =	swait.ge [sflag:s20], $0x2800  }
0x21c: {  	s19 =	sld [smem:$0x7E6]  }
0x21d: {  	[sflag:s20] =	ssyncset.done $0x0  }
0x21e: {  	[sflag:s20] =	ssyncadd.s32 $0xFFFFD800  }
0x21f: {  	[tilespmem:s21], [sflag:$0x9] =	stream.linear.gather [spmem:s19], $0x50, $0x38;
	[tilespmem:$0x1E700] =	vst v63  }
0x220: {  	_ =	swait.ge [sflag:s20], $0x50  }
0x221: {  	[sflag:s20] =	ssyncset.done $0x0  }
0x222: {  	s13 =	rddreg [dreg:$0x16];
	[sflag:s20] =	ssyncadd.s32 $0xFFFFFFB0  }
0x223: {  	[hbm4b:s13+s4] =	stream.linear.scatter [tilespmem:s21], [sflag:$0x9], $0x50, $0x38;
	[tilespmem:$0x1E700] =	vst v63  }
0x224: {  	_ =	swait.ge [sflag:s20], $0x50  }
0x225: {  	s16 =	sld [smem:$0x7E7]  }
0x226: {  	[sflag:s20] =	ssyncset.done $0x0  }
0x227: {  	[sflag:s20] =	ssyncadd.s32 $0xFFFFFFB0  }
0x228: {  	[tilespmem:s12], [sflag:$0x9] =	stream.linear.gather [spmem:s16], $0x2800, $0x38;
	[tilespmem:$0x1E700] =	vst v63  }
0x229: {  	_ =	swait.ge [sflag:s20], $0x2800  }
0x22a: {  	[sflag:s20] =	ssyncset.done $0x0  }
0x22b: {  	s19 =	rddreg [dreg:$0xf];
	[sflag:s20] =	ssyncadd.s32 $0xFFFFD800  }
0x22c: {  	[hbm4b:s19+s4] =	stream.linear.scatter [tilespmem:s12], [sflag:$0x9], $0x2800, $0x38;
	[tilespmem:$0x1E700] =	vst v63  }
0x22d: {  	_ =	swait.ge [sflag:s20], $0x2800  }
0x22e: {  	s13 =	sld [smem:$0x7E8]  }
0x22f: {  	[sflag:s20] =	ssyncset.done $0x0  }
0x230: {  	[sflag:s20] =	ssyncadd.s32 $0xFFFFD800  }
0x231: {  	[tilespmem:s21], [sflag:$0x9] =	stream.linear.gather [spmem:s13], $0x50, $0x38;
	[tilespmem:$0x1E700] =	vst v63  }
0x232: {  	_ =	swait.ge [sflag:s20], $0x50  }
0x233: {  	[sflag:s20] =	ssyncset.done $0x0  }
0x234: {  	s16 =	rddreg [dreg:$0x17];
	[sflag:s20] =	ssyncadd.s32 $0xFFFFFFB0  }
0x235: {  	[hbm4b:s16+s4] =	stream.linear.scatter [tilespmem:s21], [sflag:$0x9], $0x50, $0x38;
	[tilespmem:$0x1E700] =	vst v63  }
0x236: {  	_ =	swait.ge [sflag:s20], $0x50  }
0x237: {  	s19 =	sld [smem:$0x7E9]  }
0x238: {  	[sflag:s20] =	ssyncset.done $0x0  }
0x239: {  	[sflag:s20] =	ssyncadd.s32 $0xFFFFFFB0  }
0x23a: {  	[tilespmem:s12], [sflag:$0x9] =	stream.linear.gather [spmem:s19], $0x2800, $0x38;
	[tilespmem:$0x1E700] =	vst v63  }
0x23b: {  	_ =	swait.ge [sflag:s20], $0x2800  }
0x23c: {  	[sflag:s20] =	ssyncset.done $0x0  }
0x23d: {  	s13 =	rddreg [dreg:$0x10];
	[sflag:s20] =	ssyncadd.s32 $0xFFFFD800  }
0x23e: {  	[hbm4b:s13+s4] =	stream.linear.scatter [tilespmem:s12], [sflag:$0x9], $0x2800, $0x38;
	[tilespmem:$0x1E700] =	vst v63  }
0x23f: {  	_ =	swait.ge [sflag:s20], $0x2800  }
0x240: {  	s16 =	sld [smem:$0x7EA]  }
0x241: {  	[sflag:s20] =	ssyncset.done $0x0  }
0x242: {  	[sflag:s20] =	ssyncadd.s32 $0xFFFFD800  }
0x243: {  	[tilespmem:s21], [sflag:$0x9] =	stream.linear.gather [spmem:s16], $0x50, $0x38;
	[tilespmem:$0x1E700] =	vst v63  }
0x244: {  	_ =	swait.ge [sflag:s20], $0x50  }
0x245: {  	[sflag:s20] =	ssyncset.done $0x0  }
0x246: {  	s19 =	rddreg [dreg:$0x18];
	[sflag:s20] =	ssyncadd.s32 $0xFFFFFFB0  }
0x247: {  	[hbm4b:s19+s4] =	stream.linear.scatter [tilespmem:s21], [sflag:$0x9], $0x50, $0x38;
	[tilespmem:$0x1E700] =	vst v63  }
0x248: {  	_ =	swait.ge [sflag:s20], $0x50  }
0x249: {  	s13 =	sld [smem:$0x7EC]  }
0x24a: {  	[sflag:s20] =	ssyncset.done $0x0  }
0x24b: {  	[sflag:s20] =	ssyncadd.s32 $0xFFFFFFB0  }
0x24c: {  	[tilespmem:s12], [sflag:$0x9] =	stream.linear.gather [spmem:s13], $0x2800, $0x38;
	[tilespmem:$0x1E700] =	vst v63  }
0x24d: {  	_ =	swait.ge [sflag:s20], $0x2800  }
0x24e: {  	[sflag:s20] =	ssyncset.done $0x0  }
0x24f: {  	s16 =	rddreg [dreg:$0x11];
	[sflag:s20] =	ssyncadd.s32 $0xFFFFD800  }
0x250: {  	[hbm4b:s16+s4] =	stream.linear.scatter [tilespmem:s12], [sflag:$0x9], $0x2800, $0x38;
	[tilespmem:$0x1E700] =	vst v63  }
0x251: {  	_ =	swait.ge [sflag:s20], $0x2800  }
0x252: {  	s19 =	sld [smem:$0x7ED]  }
0x253: {  	[sflag:s20] =	ssyncset.done $0x0  }
0x254: {  	[sflag:s20] =	ssyncadd.s32 $0xFFFFD800  }
0x255: {  	[tilespmem:s21], [sflag:$0x9] =	stream.linear.gather [spmem:s19], $0x50, $0x38;
	[tilespmem:$0x1E700] =	vst v63  }
0x256: {  	_ =	swait.ge [sflag:s20], $0x50  }
0x257: {  	[sflag:s20] =	ssyncset.done $0x0  }
0x258: {  	s13 =	rddreg [dreg:$0x19];
	[sflag:s20] =	ssyncadd.s32 $0xFFFFFFB0  }
0x259: {  	[hbm4b:s13+s4] =	stream.linear.scatter [tilespmem:s21], [sflag:$0x9], $0x50, $0x38;
	[tilespmem:$0x1E700] =	vst v63  }
0x25a: {  	_ =	swait.ge [sflag:s20], $0x50  }
0x25b: {  	s16 =	sld [smem:$0x7EE]  }
0x25c: {  	[sflag:s20] =	ssyncset.done $0x0  }
0x25d: {  	[sflag:s20] =	ssyncadd.s32 $0xFFFFFFB0  }
0x25e: {  	[tilespmem:s12], [sflag:$0x9] =	stream.linear.gather [spmem:s16], $0x2800, $0x38;
	[tilespmem:$0x1E700] =	vst v63  }
0x25f: {  	_ =	swait.ge [sflag:s20], $0x2800  }
0x260: {  	[sflag:s20] =	ssyncset.done $0x0  }
0x261: {  	s19 =	rddreg [dreg:$0x12];
	[sflag:s20] =	ssyncadd.s32 $0xFFFFD800  }
0x262: {  	[hbm4b:s19+s4] =	stream.linear.scatter [tilespmem:s12], [sflag:$0x9], $0x2800, $0x38;
	[tilespmem:$0x1E700] =	vst v63  }
0x263: {  	_ =	swait.ge [sflag:s20], $0x2800  }
0x264: {  	s12 =	sld [smem:$0x7EF]  }
0x265: {  	[sflag:s20] =	ssyncset.done $0x0  }
0x266: {  	[sflag:s20] =	ssyncadd.s32 $0xFFFFD800  }
0x267: {  	[tilespmem:s21], [sflag:$0x9] =	stream.linear.gather [spmem:s12], $0x50, $0x38;
	[tilespmem:$0x1E700] =	vst v63  }
0x268: {  	_ =	swait.ge [sflag:s20], $0x50  }
0x269: {  	[sflag:s20] =	ssyncset.done $0x0  }
0x26a: {  	s13 =	rddreg [dreg:$0x1a];
	[sflag:s20] =	ssyncadd.s32 $0xFFFFFFB0  }
0x26b: {  	[hbm4b:s13+s4] =	stream.linear.scatter [tilespmem:s21], [sflag:$0x9], $0x50, $0x38;
	[tilespmem:$0x1E700] =	vst v63  }
0x26c: {  	_ =	swait.ge [sflag:s20], $0x50  }
0x26d: {  	s16 =	sld [smem:$0x7E4]  }
0x26e: {  	s19 =	sld [smem:$0x7FC];
	_ =	sdelay $0x1  }
0x26f: {  	s12 =	sadd.s32 $0x1, s16  }
0x270: {  	p0 =	sne.s32 s12, s19  }
.Ltmp2:
0x271: {  	_ = 	snop;
	(pc) =	sbr.rel @p0 .LBB2_1-.Ltmp2, $3  }
0x272: {  	_ =	sdelay $0x1  }
0x273: {  	[sflag:s20] =	ssyncset.done $0x0  }
0x274: {  	[sflag:s20] =	ssyncadd.s32 $0xFFFFFFB0;
	s16 =	simm.s32 $0x200;
	s19 =	simm.s32 $0x400  }
0x275: {  	_ =	sfence.sel $0x180000  }
0x276: {  	[bflag:$0x0] =	sbarrier.arrive $0xFFFF  }
0x277: {  	_ =	strace $0x9000004A  }
0x278: {  	s0 =	stileid.u32;
	[bflag:$0x2] =	sbarrier.arrive $0xFFFF  }
0x279: {  	p0 =	sne.s32 s0, $0x0;
	s0 =	rddreg [dreg:$0x4]  }
0x27a: {  	s0 =	sadd.s32 @!p0 $0x100000, s0  }
0x27b: {  	[sflag:s0] =	ssyncadd.tile.s32 @!p0 $0x1;
	_ =	shalt  }
.Lfunc_end2:
_tile_overlayer_lowered:
.L_overlay_start_2:
0x27c: {  	(tag) =	ssettag $0x2  }
0x27d: {  	s0 =	rddreg [dreg:$0x0];
	s2 =	stileid.u32  }
0x27e: {  	s1 =	rddreg [dreg:$0x1];
	p0 =	sne.s32 s2, $0x0  }
0x27f: {  	s3 =	rddreg [dreg:$0x2];
	[bflag:$0x3] =	sbarrier.arrive $0xFFFF;
	s2 =	simm.s32 @!p0 $0x1C09  }
0x280: {  	[timem:s3], [sflag:s2] =	dma.local @!p0 [hbm:s0], s1  }
0x281: {  	s0 =	simm.s32 @!p0 $0x9  }
0x282: {  	_ =	swait.ge @!p0 [sflag:s0], s1  }
0x283: {  	s1 =	ssub.s32 @!p0 $0x0, s1;
	[sflag:s0] =	ssyncset.done @!p0 $0x0  }
0x284: {  	[sflag:s0] =	ssyncadd.s32 @!p0 s1  }
0x285: {  	[bflag:$0x3] =	sbarrier.arrive $0xFFFF  }
0x286: {  	_ =	shalt  }

// kernel: kernel.7.cloned.1.call-start
scs
__scs_entry_jumppad:
0x0: {  	(pc) =	sbr.rel $0x88, $3  }
0x1: {  	(tag) =	ssettag $0x0;
	lr =	simm.s32 $0x1  }
0x2: {  	[smem:$0x3F98] =	sst lr;
	_ =	strace $0xD0000000  }
0x3: {  	_ = 	snop  }
0x4: {  	_ = 	snop  }
0x5: {  	_ = 	snop  }
0x6: {  	_ = 	snop  }
0x7: {  	_ = 	snop  }
__scs_overlays_trampoline_lowered:
0x8: {  	[smem:$0x3FA7] =	sst s0  }
0x9: {  	[smem:$0x3FA8] =	sst s1  }
0xa: {  	[smem:$0x3FA9] =	sst s2  }
0xb: {  	[smem:$0x3FAA] =	sst s3  }
0xc: {  	[smem:$0x3FAB] =	sst s4  }
0xd: {  	[smem:$0x3FAC] =	sst s5  }
0xe: {  	[smem:$0x3FAD] =	sst s6  }
0xf: {  	[smem:$0x3FAE] =	sst s7  }
0x10: {  	[smem:$0x3FAF] =	sst s8  }
0x11: {  	[smem:$0x3FB0] =	sst s9;
	s0 =	simm.s32 @!p0 $0x0  }
0x12: {  	s1 =	sld [smem:$0x3F96];
	s0 =	simm.s32 @p0 $0x1  }
0x13: {  	[smem:$0x3FB1] =	sst s0;
	s0 =	simm.s32 @!p1 $0x0  }
0x14: {  	s2 =	sld [smem:$0x3F95];
	s0 =	simm.s32 @p1 $0x1  }
0x15: {  	[smem:$0x3FB2] =	sst s0;
	s0 =	simm.s32 @!p2 $0x0  }
0x16: {  	s3 =	sld [smem:$0x3FDB];
	s0 =	simm.s32 @p2 $0x1  }
0x17: {  	s4 =	simm.s32 $0x1BF5;
	[smem:$0x3FB4] =	sst s0  }
0x18: {  	s0 =	sld [smem:$0x3F97];
	_ =	swait.ge [sflag:s4], $0x0  }
0x19: {  	s7 =	sld [smem:$0x3F98]  }
0x1a: {  	s8 =	sadd.s32 $0xFFFFE003, lr  }
0x1b: {  	s9 =	sadd.s32 $0xFFFFFEF7, lr;
	s5 =	simm.s32 $0xFFFFFFFF;
	p2 =	slt.u32 s8, $0xFFFFF086  }
0x1c: {  	p1 =	slt.u32 s9, $0xF7A;
	s5 =	simm.s32 @!p2 $0x0  }
0x1d: {  	s5 =	simm.s32 @p1 $0x1;
	p0 =	seq.s32 s7, s2  }
0x1e: {  	s7 =	smul.u32 @!p0 $0xF7A, s2;
	p2 =	seq.s32 @!p0 s5, $0x0  }
0x1f: {  	s9 =	smul.u32 $0xF7A, s1;
	s8 =	simm.s32 @!p0 $0x1BF5;
	p2 =	por !p2, p0  }
0x20: {  	[sflag:s8] =	ssyncset.s32 @!p0 $0xFFFFF086;
	s6 =	sadd.s32 @!p0 s3, s7;
	s7 =	simm.s32 @!p0 $0x108  }
0x21: {  	s3 =	sadd.s32 s3, s9;
	s6 =	sadd.s32 @!p0 $0x88, s6;
	s7 =	simm.s32 @p2 $0x1082  }
0x22: {  	[simem:s7], [sflag:s8] =	dma.local @!p0 [hbm:s6], $0xF7A  }
0x23: {  	s9 =	sor.u32 $0xD0000000, s2;
	s6 =	simm.s32 $0x108;
	_ =	swait.ge @!p0 [sflag:s8], $0x0  }
0x24: {  	s3 =	sadd.s32 $0x88, s3;
	s6 =	simm.s32 @!p1 $0x1082;
	[sflag:s4] =	ssyncset.s32 $0xFFFFF086  }
0x25: {  	[simem:s6], [sflag:s4] =	dma.local [hbm:s3], $0xF7A  }
0x26: {  	[smem:$0x3F98] =	sst s1;
	(tag) =	ssettag s2;
	_ =	strace s9  }
0x27: {  	s1 =	sld [smem:$0x3FA8]  }
0x28: {  	s2 =	sld [smem:$0x3FA9]  }
0x29: {  	s4 =	sld [smem:$0x3FAB]  }
0x2a: {  	p0 =	seq.s32 s5, $0x0;
	s5 =	sld [smem:$0x3FAC]  }
0x2b: {  	s6 =	sld [smem:$0x3FAD]  }
0x2c: {  	s7 =	sld [smem:$0x3FAE]  }
0x2d: {  	s3 =	simm.s32 $0x108;
	s8 =	sld [smem:$0x3FAF]  }
0x2e: {  	s3 =	simm.s32 @!p0 $0x1082;
	s9 =	sld [smem:$0x3FB0]  }
0x2f: {  	lr =	sadd.s32 s0, s3;
	s0 =	sld [smem:$0x3FA7]  }
0x30: {  	s3 =	sld [smem:$0x3FAA]  }
0x31: {  	[smem:$0x3FB3] =	sst s10  }
0x32: {  	s10 =	sld [smem:$0x3FB1];
	_ =	sdelay $0x3  }
0x33: {  	p0 =	seq.s32 s10, $0x1;
	s10 =	sld [smem:$0x3FB3];
	_ =	sdelay $0x3  }
0x34: {  	[smem:$0x3FB3] =	sst s10  }
0x35: {  	s10 =	sld [smem:$0x3FB2];
	_ =	sdelay $0x3  }
0x36: {  	p1 =	seq.s32 s10, $0x1;
	s10 =	sld [smem:$0x3FB3];
	_ =	sdelay $0x3  }
0x37: {  	[smem:$0x3FB3] =	sst s10  }
0x38: {  	s10 =	sld [smem:$0x3FB4]  }
0x39: {  	_ = 	snop;
	(pc) =	sbr.ind lr, $3  }
0x3a: {  	_ = 	snop  }
0x3b: {  	_ = 	snop  }
0x3c: {  	p2 =	seq.s32 s10, $0x1;
	s10 =	sld [smem:$0x3FB3]  }
0x3d: {  	_ =	shalt  }
0x3e: {  	_ =	shalt  }
0x3f: {  	_ =	shalt  }
0x40: {  	_ =	shalt  }
0x41: {  	_ =	shalt  }
0x42: {  	_ =	shalt  }
0x43: {  	_ =	shalt  }
0x44: {  	_ =	shalt  }
0x45: {  	_ =	shalt  }
0x46: {  	_ =	shalt  }
0x47: {  	_ =	shalt  }
0x48: {  	_ =	shalt  }
0x49: {  	_ =	shalt  }
0x4a: {  	_ =	shalt  }
0x4b: {  	_ =	shalt  }
0x4c: {  	_ =	shalt  }
0x4d: {  	_ =	shalt  }
0x4e: {  	_ =	shalt  }
0x4f: {  	_ =	shalt  }
0x50: {  	_ =	shalt  }
0x51: {  	_ =	shalt  }
0x52: {  	_ =	shalt  }
0x53: {  	_ =	shalt  }
0x54: {  	_ =	shalt  }
0x55: {  	_ =	shalt  }
0x56: {  	_ =	shalt  }
0x57: {  	_ =	shalt  }
0x58: {  	_ =	shalt  }
0x59: {  	_ =	shalt  }
0x5a: {  	_ =	shalt  }
0x5b: {  	_ =	shalt  }
0x5c: {  	_ =	shalt  }
0x5d: {  	_ =	shalt  }
0x5e: {  	_ =	shalt  }
0x5f: {  	_ =	shalt  }
0x60: {  	_ =	shalt  }
0x61: {  	_ =	shalt  }
0x62: {  	_ =	shalt  }
0x63: {  	_ =	shalt  }
0x64: {  	_ =	shalt  }
0x65: {  	_ =	shalt  }
0x66: {  	_ =	shalt  }
0x67: {  	_ =	shalt  }
0x68: {  	_ =	shalt  }
0x69: {  	_ =	shalt  }
0x6a: {  	_ =	shalt  }
0x6b: {  	_ =	shalt  }
0x6c: {  	_ =	shalt  }
0x6d: {  	_ =	shalt  }
0x6e: {  	_ =	shalt  }
0x6f: {  	_ =	shalt  }
0x70: {  	_ =	shalt  }
0x71: {  	_ =	shalt  }
0x72: {  	_ =	shalt  }
0x73: {  	_ =	shalt  }
0x74: {  	_ =	shalt  }
0x75: {  	_ =	shalt  }
0x76: {  	_ =	shalt  }
0x77: {  	_ =	shalt  }
0x78: {  	_ =	shalt  }
0x79: {  	_ =	shalt  }
0x7a: {  	_ =	shalt  }
0x7b: {  	_ =	shalt  }
0x7c: {  	_ =	shalt  }
0x7d: {  	_ =	shalt  }
0x7e: {  	_ =	shalt  }
0x7f: {  	_ =	shalt  }
0x80: {  	_ =	shalt  }
0x81: {  	_ =	shalt  }
0x82: {  	_ =	shalt  }
0x83: {  	_ =	shalt  }
0x84: {  	_ =	shalt  }
0x85: {  	_ =	shalt  }
0x86: {  	_ =	shalt  }
0x87: {  	_ =	shalt  }
.Lfunc_end0:
.L_simem_size_0:
called_computation_lowered:
.L_overlay_start_0:
0x88: {  	s2 =	sld [smem:$0x3FD9]  }
0x89: {  	s3 =	sld [smem:$0x3FFE];
	_ =	sdelay $0x1  }
0x8a: {  	s1 =	srdreg.scid  }
0x8b: {  	s0 =	sand.u32 $0x1, s1  }
0x8c: {  	s17 =	sshll.u32 s0, $0xA;
	s2 =	sadd.s32 s3, s2  }
0x8d: {  	s2 =	sadd.s32 s2, s17  }
0x8e: {  	[smem:$0x3FBF] =	sst s2  }
0x8f: {  	_ = 	snop  }
0x90: {  	s2 =	sld [smem:$0x3FD0];
	(tm) =	ssettm $0x1  }
0x91: {  	s18 =	sld [smem:$0x3FFB];
	_ =	sdelay $0x3  }
0x92: {  	_ =	strace s18  }
0x93: {  	s3 =	sld [smem:$0x3FFC];
	_ =	sdelay $0x3  }
0x94: {  	_ =	strace s3  }
0x95: {  	s3 =	sld [smem:$0x3FFD];
	_ =	sdelay $0x3  }
0x96: {  	_ =	strace s3  }
0x97: {  	_ =	strace $0x8FFFFFFF  }
0x98: {  	s19 =	sld [smem:$0x3FDB];
	_ =	sdelay $0x1  }
0x99: {  	s4 =	simm.s32 $_scs_section_size  }
0x9a: {  	s5 =	simm.s32 $_size__tile_overlayer_lowered;
	s6 =	simm.s32 $_tile_overlayer_lowered  }
0x9b: {  	s22 =	simm.s32 $0x1BFF;
	s21 =	sshll.u32 s6, $0x1;
	s3 =	sadd.s32 s4, s19  }
0x9c: {  	s7 =	simm.s32 $0x0;
	s20 =	sshll.u32 s5, $0x1;
	s5 =	sadd.s32 s21, s3  }
0x9d: {  	[timem:s7], [sflag:s22] =	dma.local [hbm:s5], s20  }
0x9e: {  	_ =	swait.ge [sflag:s22], s20  }
0x9f: {  	s4 =	ssub.s32 $0x0, s20;
	[sflag:s22] =	ssyncset.done $0x0  }
0xa0: {  	[sflag:s22] =	ssyncadd.s32 s4;
	_ =	sdelay $0x1  }
0xa1: {  	s23 =	simm.s32 $0x1B8B  }
0xa2: {  	_ =	swait.ge [sflag:s23], $0x1  }
0xa3: {  	[sflag:s23] =	ssyncset.done $0x0  }
0xa4: {  	s25 =	simm.s32 $0x1B8E;
	s24 =	sld [smem:$0x3FFE];
	[sflag:s23] =	ssyncadd.s32 $0xFFFFFFFF  }
0xa5: {  	s26 =	simm.s32 $execute0_lowered;
	[smem:$0x3FD2] =	sst s25  }
0xa6: {  	s5 =	sshll.u32 s26, $0x1;
	_ =	strace $0x80000046;
	[dreg:$0x1] =	wrdreg $0xFFFFFFFF  }
0xa7: {  	s28 =	simm.s32 $_size_execute0_lowered;
	s3 =	sadd.s32 s3, s5;
	[dreg:$0x0] =	wrdreg $0x0  }
0xa8: {  	s5 =	sshll.u32 s28, $0x1;
	[dreg:$0x2] =	wrdreg s3  }
0xa9: {  	[dreg:$0x3] =	wrdreg s5  }
0xaa: {  	[dreg:$0x4] =	wrdreg $0xC0  }
0xab: {  	_ =	task [dreg:s7], $0x5FFFF  }
0xac: {  	[dreg:$0x1] =	wrdreg $0xFFFFFFFF  }
0xad: {  	[dreg:$0x0] =	wrdreg $0x60  }
0xae: {  	[dreg:$0x2] =	wrdreg s24  }
0xaf: {  	[dreg:$0x3] =	wrdreg s2  }
0xb0: {  	[dreg:$0x4] =	wrdreg $0xA4800  }
0xb1: {  	[dreg:$0x5] =	wrdreg $0x1E4800  }
0xb2: {  	[dreg:$0x6] =	wrdreg $0x9  }
0xb3: {  	_ =	task.clear_ibuf [dreg:s7], $0x7FFFF;
	_ =	strace $0x90000046  }
0xb4: {  	s29 =	simm.s32 $0x9;
	_ =	strace $0x80000048  }
0xb5: {  	_ =	swait.ge [sflag:s29], $0x1  }
0xb6: {  	[sflag:s29] =	ssyncadd.s32 $0xFFFFFFFF  }
0xb7: {  	_ =	strace $0x90000048  }
0xb8: {  	_ =	sfence  }
0xb9: {  	s30 =	sld [smem:$0x0];
	_ =	sdelay $0x2  }
0xba: {  	s31 =	sshll.u32 s1, $0xD;
	s1 =	sshrl.u32 s1, $0x2  }
0xbb: {  	s3 =	sand.u32 $0x4000, s31;
	s1 =	sadd.s32 s1, s30  }
0xbc: {  	s0 =	sor.u32 s3, s0;
	s1 =	sshll.u32 s1, $0x11  }
0xbd: {  	s0 =	sor.u32 s1, s0  }
0xbe: {  	s0 =	sadd.s32 $0x8F2B, s0  }
0xbf: {  	[sflag:s0] =	ssyncadd.remote.s32 $0x1  }
0xc0: {  	_ =	sfence.sel $0xFFFF  }
0xc1: {  	[dreg:$0x0] =	wrdreg $0xFFFFFFFF;
	(pc) =	sbr.abs _section_cstart, $3  }
0xc2: {  	[dreg:$0x1] =	wrdreg $0xFFFFFFFF  }
0xc3: {  	_ =	task.clear_ibuf [dreg:s7], $0x2FFFF;
	_ =	strace $0x9FFFFFFF  }
0xc4: {  	(tm) =	ssettm $0x7FFFFFFF  }
0xc5: {  	_ =	shalt  }
tec
execute0_lowered:
.L_overlay_start_1:
0x0: {  	(tag) =	ssettag $0x1  }
0x1: {  	s9 =	rddreg [dreg:$0x0]  }
0x2: {  	s6 =	rddreg [dreg:$0x1]  }
0x3: {  	s2 =	rddreg [dreg:$0x2]  }
0x4: {  	s3 =	rddreg [dreg:$0x3];
	s5 =	simm.s32 $0x0  }
0x5: {  	s0 =	srdreg.scid;
	s1 =	stileid.u32;
	s29 =	simm.s32 $0x380  }
0x6: {  	s31 =	simm.s32 $0x1;
	s28 =	simm.s32 $0x5400;
	s30 =	simm.s32 $0x180  }
0x7: {  	[smem:$0x7FF] =	sst s5;
	s4 =	sand.u32 $0x1, s0;
	s7 =	smul.u32 $0x280, s1  }
0x8: {  	s23 =	sadd.s32 $0x3A00, s9;
	s11 =	sadd.s32 $0x3F400, s9;
	s0 =	ssub.s32 $0x2, s4  }
0x9: {  	s12 =	sshll.u32 s1, $0x1;
	s10 =	smul.u32 $0x2800, s4;
	s8 =	sshrl.u32 s0, $0x1  }
0xa: {  	s14 =	smul.u32 $0x9C40, s1;
	_ =	strace $0x80000047;
	s0 =	ssub.s32 s0, s8  }
0xb: {  	s8 =	sor.u32 s4, s12;
	s10 =	sadd.s32 s7, s10;
	s4 =	smul.u32 $0x4E20, s4  }
0xc: {  	s20 =	sshll.u32 s10, $0x4;
	s13 =	sor.u32 $0x50, s10;
	s16 =	sadd.s32 $0xA0, s10  }
0xd: {  	s8 =	smul.u32 $0x4E20, s8;
	s0 =	smax.u32 s0, $0x1;
	s15 =	sshll.u32 s13, $0x4  }
0xe: {  	s12 =	sadd.s32 s11, s20;
	s22 =	sshll.u32 s16, $0x4;
	s4 =	sadd.s32 s4, s14  }
0xf: {  	s13 =	sshrl.u32 s13, $0x3;
	[smem:$0x7FC] =	sst s0;
	s0 =	simm.s32 $0x5  }
0x10: {  	[dreg:$0xb] =	wrdreg s12;
	s21 =	sadd.s32 s11, s15;
	s12 =	sadd.s32 s11, s22  }
0x11: {  	s15 =	sadd.s32 $0x140, s10;
	s17 =	sadd.s32 $0x230, s4;
	[dreg:$0xc] =	wrdreg s21  }
0x12: {  	s18 =	sadd.s32 $0x1E0, s4;
	s8 =	sshrl.u32 s8, $0x3;
	[dreg:$0xd] =	wrdreg s12  }
0x13: {  	s12 =	sadd.s32 $0xF0, s10;
	s25 =	sshll.u32 s15, $0x4;
	s17 =	sshrl.u32 s17, $0x3  }
0x14: {  	s19 =	sshrl.u32 s18, $0x3;
	s18 =	sadd.s32 $0x190, s10;
	s26 =	sadd.s32 s17, s6  }
0x15: {  	s24 =	sshll.u32 s12, $0x4;
	s17 =	sadd.s32 s17, s23;
	[dreg:$0x5] =	wrdreg s26  }
0x16: {  	s20 =	sadd.s32 s19, s6;
	s21 =	sshll.u32 s18, $0x4;
	[dreg:$0x6] =	wrdreg s17  }
0x17: {  	s12 =	sshrl.u32 s12, $0x3;
	s14 =	sadd.s32 s11, s24;
	[dreg:$0x7] =	wrdreg s20  }
0x18: {  	s17 =	sadd.s32 s19, s23;
	s24 =	sadd.s32 $0x190, s4;
	[dreg:$0xe] =	wrdreg s14  }
0x19: {  	s20 =	sadd.s32 $0x8F400, s9;
	s14 =	sadd.s32 s11, s25;
	[dreg:$0x8] =	wrdreg s17  }
0x1a: {  	s17 =	sadd.s32 s11, s21;
	s25 =	sshrl.u32 s10, $0x3;
	[dreg:$0xf] =	wrdreg s14  }
0x1b: {  	s14 =	sadd.s32 $0x1E0, s10;
	[dreg:$0x10] =	wrdreg s17;
	s10 =	sadd.s32 $0x230, s10  }
0x1c: {  	s17 =	sshrl.u32 s24, $0x3;
	s26 =	sadd.s32 s20, s25;
	s24 =	sshrl.u32 s15, $0x3  }
0x1d: {  	s19 =	sshll.u32 s14, $0x4;
	[dreg:$0x13] =	wrdreg s26;
	s15 =	sadd.s32 s17, s23  }
0x1e: {  	s21 =	sshll.u32 s10, $0x4;
	s22 =	sadd.s32 s11, s19;
	[dreg:$0xa] =	wrdreg s15  }
0x1f: {  	s26 =	sshrl.u32 s14, $0x3;
	s11 =	sadd.s32 s11, s21;
	[dreg:$0x11] =	wrdreg s22  }
0x20: {  	s10 =	sshrl.u32 s10, $0x3;
	s14 =	sadd.s32 s20, s26;
	[dreg:$0x12] =	wrdreg s11  }
0x21: {  	s25 =	sshrl.u32 s18, $0x3;
	s18 =	sadd.s32 s20, s10;
	[dreg:$0x19] =	wrdreg s14  }
0x22: {  	s19 =	sshrl.u32 s16, $0x3;
	s22 =	sadd.s32 s17, s6;
	[dreg:$0x1a] =	wrdreg s18  }
0x23: {  	s16 =	smul.u32 $0x50000, s1;
	s11 =	sadd.s32 s20, s13;
	[dreg:$0x9] =	wrdreg s22  }
0x24: {  	s26 =	sadd.s32 $0xF0, s7;
	s21 =	sadd.s32 s20, s19;
	[dreg:$0x14] =	wrdreg s11  }
0x25: {  	s19 =	sor.u32 $0x50, s7;
	[dreg:$0x15] =	wrdreg s21;
	s22 =	sadd.s32 s20, s12  }
0x26: {  	s14 =	sshll.u32 s26, $0x7;
	s11 =	sadd.s32 s20, s24;
	[dreg:$0x16] =	wrdreg s22  }
0x27: {  	s12 =	sadd.s32 s20, s25;
	s20 =	sshrl.u32 s16, $0x2;
	[dreg:$0x17] =	wrdreg s11  }
0x28: {  	s21 =	sshll.u32 s19, $0x7;
	s24 =	sadd.s32 s19, s3;
	[dreg:$0x18] =	wrdreg s12  }
0x29: {  	s16 =	sadd.s32 s14, s2;
	s19 =	sadd.s32 $0x140, s7;
	[dreg:$0x1d] =	wrdreg s24  }
0x2a: {  	s18 =	sadd.s32 s21, s2;
	[smem:$0x7E5] =	sst s16;
	s21 =	sadd.s32 s26, s3  }
0x2b: {  	s17 =	smov.u32 s23;
	s26 =	sadd.s32 s19, s3;
	[smem:$0x7E6] =	sst s21  }
0x2c: {  	s23 =	sadd.s32 $0x17400, s9;
	s15 =	sadd.s32 s20, s2;
	[smem:$0x7E8] =	sst s26  }
0x2d: {  	s22 =	sadd.s32 $0xA0, s7;
	s20 =	sadd.s32 $0x190, s7;
	[dreg:$0x1b] =	wrdreg s15  }
0x2e: {  	s11 =	sadd.s32 $0x1E0, s7;
	s13 =	sadd.s32 s22, s3;
	[dreg:$0x1c] =	wrdreg s18  }
0x2f: {  	s25 =	sshll.u32 s22, $0x7;
	s10 =	sadd.s32 s20, s3;
	[dreg:$0x1f] =	wrdreg s13  }
0x30: {  	s22 =	sshll.u32 s19, $0x7;
	s19 =	sadd.s32 s11, s3;
	[smem:$0x7EA] =	sst s10  }
0x31: {  	s24 =	sshll.u32 s20, $0x7;
	s12 =	sadd.s32 s25, s2;
	[smem:$0x7ED] =	sst s19  }
0x32: {  	s21 =	sadd.s32 $0xA, s8;
	s25 =	sadd.s32 s22, s2;
	[dreg:$0x1e] =	wrdreg s12  }
0x33: {  	s9 =	sadd.s32 s24, s2;
	s13 =	sshll.u32 s11, $0x7;
	[smem:$0x7E7] =	sst s25  }
0x34: {  	s24 =	sadd.s32 s17, s21;
	s26 =	sadd.s32 s6, s21;
	[smem:$0x7E9] =	sst s9  }
0x35: {  	s10 =	sadd.s32 $0x1E, s8;
	s21 =	sadd.s32 s6, s8;
	[smem:$0x7F0] =	sst s24  }
0x36: {  	s12 =	sadd.s32 s7, s3;
	s7 =	sadd.s32 $0x230, s7;
	[smem:$0x7F1] =	sst s26  }
0x37: {  	s14 =	sadd.s32 s13, s2;
	s25 =	sadd.s32 $0x14, s8;
	[smem:$0x7F9] =	sst s21  }
0x38: {  	s13 =	sadd.s32 $0x9B0, s8;
	s26 =	sadd.s32 $0x140, s4;
	[smem:$0x7EB] =	sst s12  }
0x39: {  	s21 =	simm.s32 $0xA400;
	s4 =	simm.s32 $0x2;
	[smem:$0x7EC] =	sst s14  }
0x3a: {  	s16 =	sshll.u32 s7, $0x7;
	s22 =	sadd.s32 s7, s3;
	[smem:$0x7FD] =	sst s26  }
0x3b: {  	s9 =	sadd.s32 s17, s25;
	s11 =	sadd.s32 s6, s25;
	[smem:$0x7EF] =	sst s22  }
0x3c: {  	s12 =	sadd.s32 s17, s10;
	s14 =	sadd.s32 s6, s10;
	[smem:$0x7F2] =	sst s9  }
0x3d: {  	s19 =	sadd.s32 s6, s13;
	s7 =	simm.s32 $0x6;
	[smem:$0x7F3] =	sst s11  }
0x3e: {  	s10 =	simm.s32 $0x4;
	s26 =	simm.s32 $0x7C00;
	[smem:$0x7F4] =	sst s12  }
0x3f: {  	s20 =	sadd.s32 s16, s2;
	[smem:$0x7F5] =	sst s14;
	s16 =	sadd.s32 s17, s13  }
0x40: {  	[smem:$0x7F7] =	sst s19;
	s22 =	sadd.s32 $0x9BA, s8;
	s19 =	simm.s32 $0x400  }
0x41: {  	s14 =	simm.s32 $0x50;
	s9 =	simm.s32 $0x7;
	[smem:$0x7EE] =	sst s20  }
0x42: {  	s11 =	simm.s32 $0x8;
	[smem:$0x7F6] =	sst s16;
	s20 =	sadd.s32 s17, s8  }
0x43: {  	s12 =	simm.s32 $0x0;
	s24 =	sadd.s32 s17, s22;
	[smem:$0x7F8] =	sst s20  }
0x44: {  	s25 =	sadd.s32 s6, s22;
	s16 =	simm.s32 $0x200;
	[smem:$0x7FA] =	sst s24  }
0x45: {  	s22 =	simm.s32 $0x280;
	s8 =	simm.s32 $0x3;
	[smem:$0x7FB] =	sst s25  }
0x46: {  	v0 =	vimm.f32 $0.0e+00;
	v1 =	vimm.f32 $1.000000000e+00;
	s20 =	simm.s32 $0x9;
	s25 =	simm.s32 $0x300;
	s24 =	simm.s32 $0x80  }
.LBB2_1:
0x47: {  	[smem:$0x7E4] =	sst s12;
	s12 =	simm.s32 $0x0;
	s13 =	simm.s32 $0x200  }
.LBB2_2:
0x48: {  	p0 =	sne.s32 s13, $0x9E00;
	[tilespmem:s12+$0x470] =	vst v0  }
0x49: {  	[tilespmem:s12+$0x400] =	vst v0  }
0x4a: {  	[tilespmem:s12+$0x410] =	vst v0  }
.Ltmp0:
0x4b: {  	[tilespmem:s12+$0x420] =	vst v0;
	(pc) =	sbr.rel @p0 .LBB2_2-.Ltmp0, $4  }
0x4c: {  	[tilespmem:s12+$0x430] =	vst v0  }
0x4d: {  	[tilespmem:s12+$0x440] =	vst v0  }
0x4e: {  	[tilespmem:s12+$0x450] =	vst v0  }
0x4f: {  	[tilespmem:s12+$0x460] =	vst v0;
	s12 =	sshra.s32 s13, $0x2;
	s13 =	sadd.s32 $0x200, s13  }
0x50: {  	[tilespmem:s12+$0x470] =	vst v0  }
0x51: {  	[tilespmem:s12+$0x400] =	vst v0  }
0x52: {  	[tilespmem:s12+$0x410] =	vst v0  }
0x53: {  	[tilespmem:s12+$0x420] =	vst v0  }
0x54: {  	[tilespmem:s12+$0x430] =	vst v0  }
0x55: {  	[tilespmem:s12+$0x440] =	vst v0  }
0x56: {  	[tilespmem:s12+$0x450] =	vst v0  }
0x57: {  	[tilespmem:s12+$0x460] =	vst v0  }
0x58: {  	[tilespmem:$0xA400] =	vst v0  }
0x59: {  	[tilespmem:$0xA410] =	vst v0  }
0x5a: {  	[tilespmem:$0xA420] =	vst v0  }
0x5b: {  	[tilespmem:$0xA430] =	vst v0  }
0x5c: {  	[tilespmem:$0xA440] =	vst v0  }
0x5d: {  	[spmem:s15] =	stream.linear.scatter [tilespmem:s19], [sflag:$0x9], $0x2800, $0x38;
	[tilespmem:$0x1E700] =	vst v63  }
0x5e: {  	_ =	swait.ge [sflag:s20], $0x2800  }
0x5f: {  	s1 =	sld [smem:$0x7EB]  }
0x60: {  	[sflag:s20] =	ssyncset.done $0x0  }
0x61: {  	[sflag:s20] =	ssyncadd.s32 $0xFFFFD800  }
0x62: {  	[spmem:s1] =	stream.linear.scatter [tilespmem:s21], [sflag:$0x9], $0x50, $0x38;
	[tilespmem:$0x1E700] =	vst v63  }
0x63: {  	_ =	swait.ge [sflag:s20], $0x50  }
0x64: {  	[sflag:s20] =	ssyncset.done $0x0  }
0x65: {  	[sflag:s20] =	ssyncadd.s32 $0xFFFFFFB0  }
0x66: {  	[spmem:s18] =	stream.linear.scatter [tilespmem:s19], [sflag:$0x9], $0x2800, $0x38;
	[tilespmem:$0x1E700] =	vst v63  }
0x67: {  	_ =	swait.ge [sflag:s20], $0x2800  }
0x68: {  	[sflag:s20] =	ssyncset.done $0x0  }
0x69: {  	s12 =	rddreg [dreg:$0x1d];
	[sflag:s20] =	ssyncadd.s32 $0xFFFFD800  }
0x6a: {  	[spmem:s12] =	stream.linear.scatter [tilespmem:s21], [sflag:$0x9], $0x50, $0x38;
	[tilespmem:$0x1E700] =	vst v63  }
0x6b: {  	_ =	swait.ge [sflag:s20], $0x50  }
0x6c: {  	[sflag:s20] =	ssyncset.done $0x0  }
0x6d: {  	s13 =	rddreg [dreg:$0x1e];
	[sflag:s20] =	ssyncadd.s32 $0xFFFFFFB0  }
0x6e: {  	[spmem:s13] =	stream.linear.scatter [tilespmem:s19], [sflag:$0x9], $0x2800, $0x38;
	[tilespmem:$0x1E700] =	vst v63  }
0x6f: {  	_ =	swait.ge [sflag:s20], $0x2800  }
0x70: {  	[sflag:s20] =	ssyncset.done $0x0  }
0x71: {  	s15 =	rddreg [dreg:$0x1f];
	[sflag:s20] =	ssyncadd.s32 $0xFFFFD800  }
0x72: {  	[spmem:s15] =	stream.linear.scatter [tilespmem:s21], [sflag:$0x9], $0x50, $0x38;
	[tilespmem:$0x1E700] =	vst v63  }
0x73: {  	_ =	swait.ge [sflag:s20], $0x50  }
0x74: {  	s18 =	sld [smem:$0x7E5]  }
0x75: {  	[sflag:s20] =	ssyncset.done $0x0  }
0x76: {  	[sflag:s20] =	ssyncadd.s32 $0xFFFFFFB0  }
0x77: {  	[spmem:s18] =	stream.linear.scatter [tilespmem:s19], [sflag:$0x9], $0x2800, $0x38;
	[tilespmem:$0x1E700] =	vst v63  }
0x78: {  	_ =	swait.ge [sflag:s20], $0x2800  }
0x79: {  	s12 =	sld [smem:$0x7E6]  }
0x7a: {  	[sflag:s20] =	ssyncset.done $0x0  }
0x7b: {  	[sflag:s20] =	ssyncadd.s32 $0xFFFFD800  }
0x7c: {  	[spmem:s12] =	stream.linear.scatter [tilespmem:s21], [sflag:$0x9], $0x50, $0x38;
	[tilespmem:$0x1E700] =	vst v63  }
0x7d: {  	_ =	swait.ge [sflag:s20], $0x50  }
0x7e: {  	s13 =	sld [smem:$0x7E7]  }
0x7f: {  	[sflag:s20] =	ssyncset.done $0x0  }
0x80: {  	[sflag:s20] =	ssyncadd.s32 $0xFFFFFFB0  }
0x81: {  	[spmem:s13] =	stream.linear.scatter [tilespmem:s19], [sflag:$0x9], $0x2800, $0x38;
	[tilespmem:$0x1E700] =	vst v63  }
0x82: {  	_ =	swait.ge [sflag:s20], $0x2800  }
0x83: {  	s15 =	sld [smem:$0x7E8]  }
0x84: {  	[sflag:s20] =	ssyncset.done $0x0  }
0x85: {  	[sflag:s20] =	ssyncadd.s32 $0xFFFFD800  }
0x86: {  	[spmem:s15] =	stream.linear.scatter [tilespmem:s21], [sflag:$0x9], $0x50, $0x38;
	[tilespmem:$0x1E700] =	vst v63  }
0x87: {  	_ =	swait.ge [sflag:s20], $0x50  }
0x88: {  	s18 =	sld [smem:$0x7E9]  }
0x89: {  	[sflag:s20] =	ssyncset.done $0x0  }
0x8a: {  	[sflag:s20] =	ssyncadd.s32 $0xFFFFFFB0  }
0x8b: {  	[spmem:s18] =	stream.linear.scatter [tilespmem:s19], [sflag:$0x9], $0x2800, $0x38;
	[tilespmem:$0x1E700] =	vst v63  }
0x8c: {  	_ =	swait.ge [sflag:s20], $0x2800  }
0x8d: {  	s12 =	sld [smem:$0x7EA]  }
0x8e: {  	[sflag:s20] =	ssyncset.done $0x0  }
0x8f: {  	[sflag:s20] =	ssyncadd.s32 $0xFFFFD800  }
0x90: {  	[spmem:s12] =	stream.linear.scatter [tilespmem:s21], [sflag:$0x9], $0x50, $0x38;
	[tilespmem:$0x1E700] =	vst v63  }
0x91: {  	_ =	swait.ge [sflag:s20], $0x50  }
0x92: {  	s13 =	sld [smem:$0x7EC]  }
0x93: {  	[sflag:s20] =	ssyncset.done $0x0  }
0x94: {  	[sflag:s20] =	ssyncadd.s32 $0xFFFFFFB0  }
0x95: {  	[spmem:s13] =	stream.linear.scatter [tilespmem:s19], [sflag:$0x9], $0x2800, $0x38;
	[tilespmem:$0x1E700] =	vst v63  }
0x96: {  	_ =	swait.ge [sflag:s20], $0x2800  }
0x97: {  	s15 =	sld [smem:$0x7ED]  }
0x98: {  	[sflag:s20] =	ssyncset.done $0x0  }
0x99: {  	[sflag:s20] =	ssyncadd.s32 $0xFFFFD800  }
0x9a: {  	[spmem:s15] =	stream.linear.scatter [tilespmem:s21], [sflag:$0x9], $0x50, $0x38;
	[tilespmem:$0x1E700] =	vst v63  }
0x9b: {  	_ =	swait.ge [sflag:s20], $0x50  }
0x9c: {  	s18 =	sld [smem:$0x7EE]  }
0x9d: {  	[sflag:s20] =	ssyncset.done $0x0  }
0x9e: {  	[sflag:s20] =	ssyncadd.s32 $0xFFFFFFB0  }
0x9f: {  	[spmem:s18] =	stream.linear.scatter [tilespmem:s19], [sflag:$0x9], $0x2800, $0x38;
	[tilespmem:$0x1E700] =	vst v63  }
0xa0: {  	_ =	swait.ge [sflag:s20], $0x2800  }
0xa1: {  	s12 =	sld [smem:$0x7EF]  }
0xa2: {  	[sflag:s20] =	ssyncset.done $0x0  }
0xa3: {  	[sflag:s20] =	ssyncadd.s32 $0xFFFFD800  }
0xa4: {  	[spmem:s12] =	stream.linear.scatter [tilespmem:s21], [sflag:$0x9], $0x50, $0x38;
	[tilespmem:$0x1E700] =	vst v63  }
0xa5: {  	_ =	swait.ge [sflag:s20], $0x50  }
0xa6: {  	[sflag:s20] =	ssyncset.done $0x0  }
0xa7: {  	[sflag:s20] =	ssyncadd.s32 $0xFFFFFFB0  }
0xa8: {  	[tilespmem:$0xA400] =	vst v1  }
0xa9: {  	[tilespmem:$0xA410] =	vst v1  }
0xaa: {  	[tilespmem:$0xA420] =	vst v1  }
0xab: {  	[tilespmem:$0xA430] =	vst v1  }
0xac: {  	[tilespmem:$0xA440] =	vst v1  }
0xad: {  	[bflag:$0x0] =	sbarrier.arrive $0xFFFF  }
0xae: {  	s13 =	sld [smem:$0x7F8];
	_ =	sdelay $0x1  }
0xaf: {  	s12 =	simm.s32 $0x0  }
0xb0: {  	[tilespmem:s12], [sflag:$0x9] =	stream.linear.gather [hbm4b:s13+s12], $0x50, $0x38;
	[tilespmem:$0x1E700] =	vst v63  }
0xb1: {  	_ =	swait.ge [sflag:s20], $0x50  }
0xb2: {  	s15 =	sld [smem:$0x7F9]  }
0xb3: {  	[sflag:s20] =	ssyncset.done $0x0  }
0xb4: {  	[sflag:s20] =	ssyncadd.s32 $0xFFFFFFB0  }
0xb5: {  	[tilespmem:s16], [sflag:$0x9] =	stream.linear.gather [hbm4b:s15+s12], $0x50, $0x38;
	[tilespmem:$0x1E700] =	vst v63  }
0xb6: {  	_ =	swait.ge [sflag:s20], $0x50  }
0xb7: {  	[sflag:s20] =	ssyncset.done $0x0  }
0xb8: {  	s18 =	sld [smem:$0x7F0];
	[sflag:s20] =	ssyncadd.s32 $0xFFFFFFB0  }
0xb9: {  	[tilespmem:s19], [sflag:$0x1] =	stream.indirect.gather [hbm4b:s23+s14], $0x80, s12, s14, $0xb8;
	[tilespmem:$0x1E700] =	vst v63  }
0xba: {  	_ = 	snop  }
0xbb: {  	[tilespmem:s24], [sflag:$0x9] =	stream.linear.gather [hbm4b:s18+s12], $0x50, $0x38;
	[tilespmem:$0x1E700] =	vst v63  }
0xbc: {  	_ =	swait.ge [sflag:s20], $0x50  }
0xbd: {  	s19 =	sld [smem:$0x7F1]  }
0xbe: {  	[sflag:s20] =	ssyncset.done $0x0  }
0xbf: {  	[sflag:s20] =	ssyncadd.s32 $0xFFFFFFB0  }
0xc0: {  	[tilespmem:s22], [sflag:$0x9] =	stream.linear.gather [hbm4b:s19+s12], $0x50, $0x38;
	[tilespmem:$0x1E700] =	vst v63  }
0xc1: {  	_ =	swait.ge [sflag:s20], $0x50  }
0xc2: {  	[sflag:s20] =	ssyncset.done $0x0  }
0xc3: {  	s15 =	simm.s32 $0x2C00;
	s13 =	sld [smem:$0x7F2];
	[sflag:s20] =	ssyncadd.s32 $0xFFFFFFB0  }
0xc4: {  	[tilespmem:s15], [sflag:$0x2] =	stream.indirect.gather [hbm4b:s23+s14], $0x80, s24, s14, $0xb8;
	[tilespmem:$0x1E700] =	vst v63  }
0xc5: {  	s19 =	simm.s32 $0x100  }
0xc6: {  	[tilespmem:s19], [sflag:$0x9] =	stream.linear.gather [hbm4b:s13+s12], $0x50, $0x38;
	[tilespmem:$0x1E700] =	vst v63  }
0xc7: {  	_ =	swait.ge [sflag:s20], $0x50  }
0xc8: {  	s13 =	sld [smem:$0x7F3]  }
0xc9: {  	[sflag:s20] =	ssyncset.done $0x0  }
0xca: {  	[sflag:s20] =	ssyncadd.s32 $0xFFFFFFB0  }
0xcb: {  	[tilespmem:s25], [sflag:$0x9] =	stream.linear.gather [hbm4b:s13+s12], $0x50, $0x38;
	[tilespmem:$0x1E700] =	vst v63  }
0xcc: {  	_ =	swait.ge [sflag:s20], $0x50  }
0xcd: {  	[sflag:s20] =	ssyncset.done $0x0  }
0xce: {  	s13 =	sld [smem:$0x7F4];
	[sflag:s20] =	ssyncadd.s32 $0xFFFFFFB0  }
0xcf: {  	[tilespmem:s28], [sflag:$0x3] =	stream.indirect.gather [hbm4b:s23+s14], $0x80, s19, s14, $0xb8;
	[tilespmem:$0x1E700] =	vst v63  }
0xd0: {  	_ = 	snop  }
0xd1: {  	[tilespmem:s30], [sflag:$0x9] =	stream.linear.gather [hbm4b:s13+s12], $0x50, $0x38;
	[tilespmem:$0x1E700] =	vst v63  }
0xd2: {  	_ =	swait.ge [sflag:s20], $0x50  }
0xd3: {  	s13 =	sld [smem:$0x7F5]  }
0xd4: {  	[sflag:s20] =	ssyncset.done $0x0  }
0xd5: {  	[sflag:s20] =	ssyncadd.s32 $0xFFFFFFB0  }
0xd6: {  	[tilespmem:s29], [sflag:$0x9] =	stream.linear.gather [hbm4b:s13+s12], $0x50, $0x38;
	[tilespmem:$0x1E700] =	vst v63  }
0xd7: {  	_ =	swait.ge [sflag:s20], $0x50  }
0xd8: {  	[sflag:s20] =	ssyncset.done $0x0  }
0xd9: {  	[sflag:s20] =	ssyncadd.s32 $0xFFFFFFB0  }
0xda: {  	[tilespmem:s26], [sflag:$0x4] =	stream.indirect.gather [hbm4b:s23+s14], $0x80, s30, s14, $0xb8;
	[tilespmem:$0x1E700] =	vst v63  }
0xdb: {  	_ =	swait.ge [sflag:s31], $0x2800  }
0xdc: {  	[sflag:s31] =	ssyncset.done $0x0  }
0xdd: {  	s18 =	simm.s32 $0x400;
	[sflag:s31] =	ssyncadd.s32 $0xFFFFD800  }
0xde: {  	[spmem:s2] =	stream.indirect.scatter.add.f32 [tilespmem:s18], [sflag:$0x5], $0x80, s16, s14, $0xb8;
	[tilespmem:$0x1E700] =	vst v63  }
0xdf: {  	_ = 	snop  }
0xe0: {  	[spmem:s3] =	stream.indirect.scatter.add.f32 [tilespmem:s21], [sflag:$0x5], $0x1, s16, s14, $0xb8;
	[tilespmem:$0x1E700] =	vst v63  }
0xe1: {  	_ =	swait.ge [sflag:s0], $0x2800  }
0xe2: {  	[sflag:s0] =	ssyncset.done $0x0  }
0xe3: {  	[sflag:s0] =	ssyncadd.s32 $0xFFFFD800  }
0xe4: {  	_ =	swait.ge [sflag:s0], $0x50  }
0xe5: {  	s1 =	sld [smem:$0x7FD];
	_ =	sdelay $0x2  }
0xe6: {  	[sflag:s0] =	ssyncset.done $0x0;
	s12 =	sshrl.u32 s1, $0x3  }
0xe7: {  	[sflag:s0] =	ssyncadd.s32 $0xFFFFFFB0;
	s13 =	sadd.s32 s17, s12  }
0xe8: {  	[tilespmem:s5], [sflag:$0x9] =	stream.linear.gather [hbm4b:s13+s5], $0x50, $0x38;
	[tilespmem:$0x1E700] =	vst v63  }
0xe9: {  	_ =	swait.ge [sflag:s20], $0x50  }
0xea: {  	[sflag:s20] =	ssyncset.done $0x0  }
0xeb: {  	s12 =	sadd.s32 s6, s12;
	[sflag:s20] =	ssyncadd.s32 $0xFFFFFFB0  }
0xec: {  	[tilespmem:s16], [sflag:$0x9] =	stream.linear.gather [hbm4b:s12+s5], $0x50, $0x38;
	[tilespmem:$0x1E700] =	vst v63  }
0xed: {  	_ =	swait.ge [sflag:s20], $0x50  }
0xee: {  	[sflag:s20] =	ssyncset.done $0x0  }
0xef: {  	[sflag:s20] =	ssyncadd.s32 $0xFFFFFFB0  }
0xf0: {  	[tilespmem:s18], [sflag:$0x1] =	stream.indirect.gather [hbm4b:s23+s14], $0x80, s5, s14, $0xb8;
	[tilespmem:$0x1E700] =	vst v63  }
0xf1: {  	_ =	swait.ge [sflag:s4], $0x2800  }
0xf2: {  	[sflag:s4] =	ssyncset.done $0x0  }
0xf3: {  	[sflag:s4] =	ssyncadd.s32 $0xFFFFD800  }
0xf4: {  	[spmem:s2] =	stream.indirect.scatter.add.f32 [tilespmem:s15], [sflag:$0x6], $0x80, s22, s14, $0xb8;
	[tilespmem:$0x1E700] =	vst v63  }
0xf5: {  	_ = 	snop  }
0xf6: {  	[spmem:s3] =	stream.indirect.scatter.add.f32 [tilespmem:s21], [sflag:$0x6], $0x1, s22, s14, $0xb8;
	[tilespmem:$0x1E700] =	vst v63  }
0xf7: {  	_ =	swait.ge [sflag:s7], $0x2800  }
0xf8: {  	[sflag:s7] =	ssyncset.done $0x0  }
0xf9: {  	[sflag:s7] =	ssyncadd.s32 $0xFFFFD800  }
0xfa: {  	_ =	swait.ge [sflag:s7], $0x50  }
0xfb: {  	s18 =	rddreg [dreg:$0xa];
	[sflag:s7] =	ssyncset.done $0x0  }
0xfc: {  	[sflag:s7] =	ssyncadd.s32 $0xFFFFFFB0;
	s12 =	sadd.s32 $0x0, s18  }
0xfd: {  	[tilespmem:s24], [sflag:$0x9] =	stream.linear.gather [hbm4b:s12+s5], $0x50, $0x38;
	[tilespmem:$0x1E700] =	vst v63  }
0xfe: {  	_ =	swait.ge [sflag:s20], $0x50  }
0xff: {  	s13 =	rddreg [dreg:$0x9];
	[sflag:s20] =	ssyncset.done $0x0  }
0x100: {  	[sflag:s20] =	ssyncadd.s32 $0xFFFFFFB0;
	s12 =	sadd.s32 $0x0, s13  }
0x101: {  	[tilespmem:s22], [sflag:$0x9] =	stream.linear.gather [hbm4b:s12+s5], $0x50, $0x38;
	[tilespmem:$0x1E700] =	vst v63  }
0x102: {  	_ =	swait.ge [sflag:s20], $0x50  }
0x103: {  	[sflag:s20] =	ssyncset.done $0x0  }
0x104: {  	[sflag:s20] =	ssyncadd.s32 $0xFFFFFFB0  }
0x105: {  	[tilespmem:s15], [sflag:$0x2] =	stream.indirect.gather [hbm4b:s23+s14], $0x80, s24, s14, $0xb8;
	[tilespmem:$0x1E700] =	vst v63  }
0x106: {  	_ =	swait.ge [sflag:s8], $0x2800  }
0x107: {  	[sflag:s8] =	ssyncset.done $0x0  }
0x108: {  	[sflag:s8] =	ssyncadd.s32 $0xFFFFD800  }
0x109: {  	[spmem:s2] =	stream.indirect.scatter.add.f32 [tilespmem:s28], [sflag:$0x7], $0x80, s25, s14, $0xb8;
	[tilespmem:$0x1E700] =	vst v63  }
0x10a: {  	_ = 	snop  }
0x10b: {  	[spmem:s3] =	stream.indirect.scatter.add.f32 [tilespmem:s21], [sflag:$0x7], $0x1, s25, s14, $0xb8;
	[tilespmem:$0x1E700] =	vst v63  }
0x10c: {  	_ =	swait.ge [sflag:s9], $0x2800  }
0x10d: {  	[sflag:s9] =	ssyncset.done $0x0  }
0x10e: {  	[sflag:s9] =	ssyncadd.s32 $0xFFFFD800  }
0x10f: {  	_ =	swait.ge [sflag:s9], $0x50  }
0x110: {  	s15 =	rddreg [dreg:$0x8];
	[sflag:s9] =	ssyncset.done $0x0  }
0x111: {  	[sflag:s9] =	ssyncadd.s32 $0xFFFFFFB0;
	s12 =	sadd.s32 $0x0, s15  }
0x112: {  	[tilespmem:s19], [sflag:$0x9] =	stream.linear.gather [hbm4b:s12+s5], $0x50, $0x38;
	[tilespmem:$0x1E700] =	vst v63  }
0x113: {  	_ =	swait.ge [sflag:s20], $0x50  }
0x114: {  	s16 =	rddreg [dreg:$0x7];
	[sflag:s20] =	ssyncset.done $0x0  }
0x115: {  	[sflag:s20] =	ssyncadd.s32 $0xFFFFFFB0;
	s12 =	sadd.s32 $0x0, s16  }
0x116: {  	[tilespmem:s25], [sflag:$0x9] =	stream.linear.gather [hbm4b:s12+s5], $0x50, $0x38;
	[tilespmem:$0x1E700] =	vst v63  }
0x117: {  	_ =	swait.ge [sflag:s20], $0x50  }
0x118: {  	[sflag:s20] =	ssyncset.done $0x0  }
0x119: {  	[sflag:s20] =	ssyncadd.s32 $0xFFFFFFB0  }
0x11a: {  	[tilespmem:s28], [sflag:$0x3] =	stream.indirect.gather [hbm4b:s23+s14], $0x80, s19, s14, $0xb8;
	[tilespmem:$0x1E700] =	vst v63  }
0x11b: {  	_ =	swait.ge [sflag:s10], $0x2800  }
0x11c: {  	[sflag:s10] =	ssyncset.done $0x0  }
0x11d: {  	[sflag:s10] =	ssyncadd.s32 $0xFFFFD800  }
0x11e: {  	[spmem:s2] =	stream.indirect.scatter.add.f32 [tilespmem:s26], [sflag:$0x8], $0x80, s29, s14, $0xb8;
	[tilespmem:$0x1E700] =	vst v63  }
0x11f: {  	_ = 	snop  }
0x120: {  	[spmem:s3] =	stream.indirect.scatter.add.f32 [tilespmem:s21], [sflag:$0x8], $0x1, s29, s14, $0xb8;
	[tilespmem:$0x1E700] =	vst v63  }
0x121: {  	_ =	swait.ge [sflag:s11], $0x2800  }
0x122: {  	[sflag:s11] =	ssyncset.done $0x0  }
0x123: {  	[sflag:s11] =	ssyncadd.s32 $0xFFFFD800  }
0x124: {  	_ =	swait.ge [sflag:s11], $0x50  }
0x125: {  	s18 =	rddreg [dreg:$0x6];
	[sflag:s11] =	ssyncset.done $0x0  }
0x126: {  	[sflag:s11] =	ssyncadd.s32 $0xFFFFFFB0;
	s12 =	sadd.s32 $0x0, s18  }
0x127: {  	[tilespmem:s30], [sflag:$0x9] =	stream.linear.gather [hbm4b:s12+s5], $0x50, $0x38;
	[tilespmem:$0x1E700] =	vst v63  }
0x128: {  	_ =	swait.ge [sflag:s20], $0x50  }
0x129: {  	s22 =	rddreg [dreg:$0x5];
	[sflag:s20] =	ssyncset.done $0x0  }
0x12a: {  	[sflag:s20] =	ssyncadd.s32 $0xFFFFFFB0;
	s12 =	sadd.s32 $0x0, s22  }
0x12b: {  	[tilespmem:s29], [sflag:$0x9] =	stream.linear.gather [hbm4b:s12+s5], $0x50, $0x38;
	[tilespmem:$0x1E700] =	vst v63  }
0x12c: {  	_ =	swait.ge [sflag:s20], $0x50  }
0x12d: {  	s13 =	simm.s32 $0x28;
	[sflag:s20] =	ssyncset.done $0x0  }
0x12e: {  	s16 =	simm.s32 $0x200;
	s18 =	sadd.s32 $0x140, s1;
	[sflag:s20] =	ssyncadd.s32 $0xFFFFFFB0  }
.LBB2_4:
0x12f: {  	[tilespmem:s26], [sflag:$0x4] =	stream.indirect.gather [hbm4b:s23+s14], $0x80, s30, s14, $0xb8;
	[tilespmem:$0x1E700] =	vst v63  }
0x130: {  	_ =	swait.ge [sflag:s31], $0x2800  }
0x131: {  	[sflag:s31] =	ssyncset.done $0x0  }
0x132: {  	s22 =	simm.s32 $0x400;
	[sflag:s31] =	ssyncadd.s32 $0xFFFFD800  }
0x133: {  	[spmem:s2] =	stream.indirect.scatter.add.f32 [tilespmem:s22], [sflag:$0x5], $0x80, s16, s14, $0xb8;
	[tilespmem:$0x1E700] =	vst v63  }
0x134: {  	_ = 	snop  }
0x135: {  	[spmem:s3] =	stream.indirect.scatter.add.f32 [tilespmem:s21], [sflag:$0x5], $0x1, s16, s14, $0xb8;
	[tilespmem:$0x1E700] =	vst v63  }
0x136: {  	_ =	swait.ge [sflag:s0], $0x2800  }
0x137: {  	[sflag:s0] =	ssyncset.done $0x0  }
0x138: {  	[sflag:s0] =	ssyncadd.s32 $0xFFFFD800  }
0x139: {  	_ =	swait.ge [sflag:s0], $0x50  }
0x13a: {  	s1 =	sshrl.u32 s18, $0x3;
	[sflag:s0] =	ssyncset.done $0x0  }
0x13b: {  	s15 =	smov.u32 s6;
	s6 =	sadd.s32 s17, s1;
	[sflag:s0] =	ssyncadd.s32 $0xFFFFFFB0  }
0x13c: {  	[tilespmem:s5], [sflag:$0x9] =	stream.linear.gather [hbm4b:s6+s5], $0x50, $0x38;
	[tilespmem:$0x1E700] =	vst v63  }
0x13d: {  	_ =	swait.ge [sflag:s20], $0x50  }
0x13e: {  	s6 =	smov.u32 s15;
	[sflag:s20] =	ssyncset.done $0x0  }
0x13f: {  	s1 =	sadd.s32 s6, s1;
	[sflag:s20] =	ssyncadd.s32 $0xFFFFFFB0  }
0x140: {  	[tilespmem:s16], [sflag:$0x9] =	stream.linear.gather [hbm4b:s1+s5], $0x50, $0x38;
	[tilespmem:$0x1E700] =	vst v63  }
0x141: {  	_ =	swait.ge [sflag:s20], $0x50  }
0x142: {  	[sflag:s20] =	ssyncset.done $0x0  }
0x143: {  	[sflag:s20] =	ssyncadd.s32 $0xFFFFFFB0  }
0x144: {  	[tilespmem:s22], [sflag:$0x1] =	stream.indirect.gather [hbm4b:s23+s14], $0x80, s5, s14, $0xb8;
	[tilespmem:$0x1E700] =	vst v63  }
0x145: {  	_ =	swait.ge [sflag:s4], $0x2800  }
0x146: {  	[sflag:s4] =	ssyncset.done $0x0  }
0x147: {  	s15 =	simm.s32 $0x2C00;
	s22 =	simm.s32 $0x280;
	[sflag:s4] =	ssyncadd.s32 $0xFFFFD800  }
0x148: {  	[spmem:s2] =	stream.indirect.scatter.add.f32 [tilespmem:s15], [sflag:$0x6], $0x80, s22, s14, $0xb8;
	[tilespmem:$0x1E700] =	vst v63  }
0x149: {  	_ = 	snop  }
0x14a: {  	[spmem:s3] =	stream.indirect.scatter.add.f32 [tilespmem:s21], [sflag:$0x6], $0x1, s22, s14, $0xb8;
	[tilespmem:$0x1E700] =	vst v63  }
0x14b: {  	_ =	swait.ge [sflag:s7], $0x2800  }
0x14c: {  	[sflag:s7] =	ssyncset.done $0x0  }
0x14d: {  	[sflag:s7] =	ssyncadd.s32 $0xFFFFD800  }
0x14e: {  	_ =	swait.ge [sflag:s7], $0x50  }
0x14f: {  	s12 =	smov.u32 s13;
	s1 =	rddreg [dreg:$0xa];
	[sflag:s7] =	ssyncset.done $0x0  }
0x150: {  	[sflag:s7] =	ssyncadd.s32 $0xFFFFFFB0;
	s1 =	sadd.s32 s12, s1  }
0x151: {  	[tilespmem:s24], [sflag:$0x9] =	stream.linear.gather [hbm4b:s1+s5], $0x50, $0x38;
	[tilespmem:$0x1E700] =	vst v63  }
0x152: {  	_ =	swait.ge [sflag:s20], $0x50  }
0x153: {  	s1 =	rddreg [dreg:$0x9];
	[sflag:s20] =	ssyncset.done $0x0  }
0x154: {  	[sflag:s20] =	ssyncadd.s32 $0xFFFFFFB0;
	s1 =	sadd.s32 s12, s1  }
0x155: {  	[tilespmem:s22], [sflag:$0x9] =	stream.linear.gather [hbm4b:s1+s5], $0x50, $0x38;
	[tilespmem:$0x1E700] =	vst v63  }
0x156: {  	_ =	swait.ge [sflag:s20], $0x50  }
0x157: {  	[sflag:s20] =	ssyncset.done $0x0  }
0x158: {  	[sflag:s20] =	ssyncadd.s32 $0xFFFFFFB0  }
0x159: {  	[tilespmem:s15], [sflag:$0x2] =	stream.indirect.gather [hbm4b:s23+s14], $0x80, s24, s14, $0xb8;
	[tilespmem:$0x1E700] =	vst v63  }
0x15a: {  	_ =	swait.ge [sflag:s8], $0x2800  }
0x15b: {  	[sflag:s8] =	ssyncset.done $0x0  }
0x15c: {  	[sflag:s8] =	ssyncadd.s32 $0xFFFFD800  }
0x15d: {  	[spmem:s2] =	stream.indirect.scatter.add.f32 [tilespmem:s28], [sflag:$0x7], $0x80, s25, s14, $0xb8;
	[tilespmem:$0x1E700] =	vst v63  }
0x15e: {  	_ = 	snop  }
0x15f: {  	[spmem:s3] =	stream.indirect.scatter.add.f32 [tilespmem:s21], [sflag:$0x7], $0x1, s25, s14, $0xb8;
	[tilespmem:$0x1E700] =	vst v63  }
0x160: {  	_ =	swait.ge [sflag:s9], $0x2800  }
0x161: {  	[sflag:s9] =	ssyncset.done $0x0  }
0x162: {  	[sflag:s9] =	ssyncadd.s32 $0xFFFFD800  }
0x163: {  	_ =	swait.ge [sflag:s9], $0x50  }
0x164: {  	s1 =	rddreg [dreg:$0x8];
	[sflag:s9] =	ssyncset.done $0x0  }
0x165: {  	[sflag:s9] =	ssyncadd.s32 $0xFFFFFFB0;
	s1 =	sadd.s32 s12, s1  }
0x166: {  	[tilespmem:s19], [sflag:$0x9] =	stream.linear.gather [hbm4b:s1+s5], $0x50, $0x38;
	[tilespmem:$0x1E700] =	vst v63  }
0x167: {  	_ =	swait.ge [sflag:s20], $0x50  }
0x168: {  	s1 =	rddreg [dreg:$0x7];
	[sflag:s20] =	ssyncset.done $0x0  }
0x169: {  	[sflag:s20] =	ssyncadd.s32 $0xFFFFFFB0;
	s1 =	sadd.s32 s12, s1  }
0x16a: {  	[tilespmem:s25], [sflag:$0x9] =	stream.linear.gather [hbm4b:s1+s5], $0x50, $0x38;
	[tilespmem:$0x1E700] =	vst v63  }
0x16b: {  	_ =	swait.ge [sflag:s20], $0x50  }
0x16c: {  	[sflag:s20] =	ssyncset.done $0x0  }
0x16d: {  	[sflag:s20] =	ssyncadd.s32 $0xFFFFFFB0  }
0x16e: {  	[tilespmem:s28], [sflag:$0x3] =	stream.indirect.gather [hbm4b:s23+s14], $0x80, s19, s14, $0xb8;
	[tilespmem:$0x1E700] =	vst v63  }
0x16f: {  	_ =	swait.ge [sflag:s10], $0x2800  }
0x170: {  	[sflag:s10] =	ssyncset.done $0x0  }
0x171: {  	[sflag:s10] =	ssyncadd.s32 $0xFFFFD800  }
0x172: {  	[spmem:s2] =	stream.indirect.scatter.add.f32 [tilespmem:s26], [sflag:$0x8], $0x80, s29, s14, $0xb8;
	[tilespmem:$0x1E700] =	vst v63  }
0x173: {  	_ = 	snop  }
0x174: {  	[spmem:s3] =	stream.indirect.scatter.add.f32 [tilespmem:s21], [sflag:$0x8], $0x1, s29, s14, $0xb8;
	[tilespmem:$0x1E700] =	vst v63  }
0x175: {  	_ =	swait.ge [sflag:s11], $0x2800  }
0x176: {  	[sflag:s11] =	ssyncset.done $0x0  }
0x177: {  	[sflag:s11] =	ssyncadd.s32 $0xFFFFD800  }
0x178: {  	_ =	swait.ge [sflag:s11], $0x50  }
0x179: {  	s1 =	rddreg [dreg:$0x6];
	[sflag:s11] =	ssyncset.done $0x0  }
0x17a: {  	[sflag:s11] =	ssyncadd.s32 $0xFFFFFFB0;
	s1 =	sadd.s32 s12, s1  }
0x17b: {  	[tilespmem:s30], [sflag:$0x9] =	stream.linear.gather [hbm4b:s1+s5], $0x50, $0x38;
	[tilespmem:$0x1E700] =	vst v63  }
0x17c: {  	_ =	swait.ge [sflag:s20], $0x50  }
0x17d: {  	p0 =	sne.s32 s13, $0x960;
	s1 =	rddreg [dreg:$0x5];
	[sflag:s20] =	ssyncset.done $0x0  }
.Ltmp1:
0x17e: {  	[sflag:s20] =	ssyncadd.s32 $0xFFFFFFB0;
	s1 =	sadd.s32 s12, s1;
	(pc) =	sbr.rel @p0 .LBB2_4-.Ltmp1, $4  }
0x17f: {  	[tilespmem:s29], [sflag:$0x9] =	stream.linear.gather [hbm4b:s1+s5], $0x50, $0x38;
	[tilespmem:$0x1E700] =	vst v63  }
0x180: {  	_ =	swait.ge [sflag:s20], $0x50  }
0x181: {  	[sflag:s20] =	ssyncset.done $0x0  }
0x182: {  	s13 =	sadd.s32 $0x28, s13;
	s18 =	sadd.s32 $0x140, s18;
	[sflag:s20] =	ssyncadd.s32 $0xFFFFFFB0  }
0x183: {  	[tilespmem:s26], [sflag:$0x4] =	stream.indirect.gather [hbm4b:s23+s14], $0x80, s30, s14, $0xb8;
	[tilespmem:$0x1E700] =	vst v63  }
0x184: {  	_ =	swait.ge [sflag:s31], $0x2800  }
0x185: {  	[sflag:s31] =	ssyncset.done $0x0  }
0x186: {  	s12 =	simm.s32 $0x400;
	[sflag:s31] =	ssyncadd.s32 $0xFFFFD800  }
0x187: {  	[spmem:s2] =	stream.indirect.scatter.add.f32 [tilespmem:s12], [sflag:$0x5], $0x80, s16, s14, $0xb8;
	[tilespmem:$0x1E700] =	vst v63  }
0x188: {  	_ = 	snop  }
0x189: {  	[spmem:s3] =	stream.indirect.scatter.add.f32 [tilespmem:s21], [sflag:$0x5], $0x1, s16, s14, $0xb8;
	[tilespmem:$0x1E700] =	vst v63  }
0x18a: {  	_ =	swait.ge [sflag:s4], $0x2800  }
0x18b: {  	[sflag:s4] =	ssyncset.done $0x0  }
0x18c: {  	[sflag:s4] =	ssyncadd.s32 $0xFFFFD800  }
0x18d: {  	[spmem:s2] =	stream.indirect.scatter.add.f32 [tilespmem:s15], [sflag:$0x6], $0x80, s22, s14, $0xb8;
	[tilespmem:$0x1E700] =	vst v63  }
0x18e: {  	_ = 	snop  }
0x18f: {  	[spmem:s3] =	stream.indirect.scatter.add.f32 [tilespmem:s21], [sflag:$0x6], $0x1, s22, s14, $0xb8;
	[tilespmem:$0x1E700] =	vst v63  }
0x190: {  	_ =	swait.ge [sflag:s8], $0x2800  }
0x191: {  	[sflag:s8] =	ssyncset.done $0x0  }
0x192: {  	[sflag:s8] =	ssyncadd.s32 $0xFFFFD800  }
0x193: {  	[spmem:s2] =	stream.indirect.scatter.add.f32 [tilespmem:s28], [sflag:$0x7], $0x80, s25, s14, $0xb8;
	[tilespmem:$0x1E700] =	vst v63  }
0x194: {  	_ = 	snop  }
0x195: {  	[spmem:s3] =	stream.indirect.scatter.add.f32 [tilespmem:s21], [sflag:$0x7], $0x1, s25, s14, $0xb8;
	[tilespmem:$0x1E700] =	vst v63  }
0x196: {  	_ =	swait.ge [sflag:s10], $0x2800  }
0x197: {  	[sflag:s10] =	ssyncset.done $0x0  }
0x198: {  	[sflag:s10] =	ssyncadd.s32 $0xFFFFD800  }
0x199: {  	[spmem:s2] =	stream.indirect.scatter.add.f32 [tilespmem:s26], [sflag:$0x8], $0x80, s29, s14, $0xb8;
	[tilespmem:$0x1E700] =	vst v63  }
0x19a: {  	_ = 	snop  }
0x19b: {  	[spmem:s3] =	stream.indirect.scatter.add.f32 [tilespmem:s21], [sflag:$0x8], $0x1, s29, s14, $0xb8;
	[tilespmem:$0x1E700] =	vst v63  }
0x19c: {  	_ =	swait.ge [sflag:s0], $0x2800  }
0x19d: {  	[sflag:s0] =	ssyncset.done $0x0  }
0x19e: {  	[sflag:s0] =	ssyncadd.s32 $0xFFFFD800  }
0x19f: {  	_ =	swait.ge [sflag:s0], $0x50  }
0x1a0: {  	[sflag:s0] =	ssyncset.done $0x0  }
0x1a1: {  	[sflag:s0] =	ssyncadd.s32 $0xFFFFFFB0  }
0x1a2: {  	_ =	swait.ge [sflag:s7], $0x2800  }
0x1a3: {  	[sflag:s7] =	ssyncset.done $0x0  }
0x1a4: {  	[sflag:s7] =	ssyncadd.s32 $0xFFFFD800  }
0x1a5: {  	_ =	swait.ge [sflag:s7], $0x50  }
0x1a6: {  	[sflag:s7] =	ssyncset.done $0x0  }
0x1a7: {  	[sflag:s7] =	ssyncadd.s32 $0xFFFFFFB0  }
0x1a8: {  	_ =	swait.ge [sflag:s9], $0x2800  }
0x1a9: {  	[sflag:s9] =	ssyncset.done $0x0  }
0x1aa: {  	[sflag:s9] =	ssyncadd.s32 $0xFFFFD800  }
0x1ab: {  	_ =	swait.ge [sflag:s9], $0x50  }
0x1ac: {  	[sflag:s9] =	ssyncset.done $0x0  }
0x1ad: {  	[sflag:s9] =	ssyncadd.s32 $0xFFFFFFB0  }
0x1ae: {  	_ =	swait.ge [sflag:s11], $0x2800  }
0x1af: {  	[sflag:s11] =	ssyncset.done $0x0  }
0x1b0: {  	[sflag:s11] =	ssyncadd.s32 $0xFFFFD800  }
0x1b1: {  	_ =	swait.ge [sflag:s11], $0x50  }
0x1b2: {  	s1 =	sld [smem:$0x7F6]  }
0x1b3: {  	[sflag:s11] =	ssyncset.done $0x0  }
0x1b4: {  	[sflag:s11] =	ssyncadd.s32 $0xFFFFFFB0  }
0x1b5: {  	[tilespmem:s5], [sflag:$0x9] =	stream.linear.gather [hbm4b:s1+s5], $0x50, $0x38;
	[tilespmem:$0x1E700] =	vst v63  }
0x1b6: {  	_ =	swait.ge [sflag:s20], $0x50  }
0x1b7: {  	s15 =	sld [smem:$0x7F7]  }
0x1b8: {  	[sflag:s20] =	ssyncset.done $0x0  }
0x1b9: {  	[sflag:s20] =	ssyncadd.s32 $0xFFFFFFB0  }
0x1ba: {  	[tilespmem:s16], [sflag:$0x9] =	stream.linear.gather [hbm4b:s15+s5], $0x50, $0x38;
	[tilespmem:$0x1E700] =	vst v63  }
0x1bb: {  	_ =	swait.ge [sflag:s20], $0x50  }
0x1bc: {  	[sflag:s20] =	ssyncset.done $0x0  }
0x1bd: {  	[sflag:s20] =	ssyncadd.s32 $0xFFFFFFB0  }
0x1be: {  	[tilespmem:s12], [sflag:$0x1] =	stream.indirect.gather [hbm4b:s23+s14], $0x80, s5, s14, $0xb8;
	[tilespmem:$0x1E700] =	vst v63  }
0x1bf: {  	_ =	swait.ge [sflag:s31], $0x2800  }
0x1c0: {  	[sflag:s31] =	ssyncset.done $0x0  }
0x1c1: {  	[sflag:s31] =	ssyncadd.s32 $0xFFFFD800  }
0x1c2: {  	[spmem:s2] =	stream.indirect.scatter.add.f32 [tilespmem:s12], [sflag:$0x5], $0x80, s16, s14, $0xb8;
	[tilespmem:$0x1E700] =	vst v63  }
0x1c3: {  	_ = 	snop  }
0x1c4: {  	[spmem:s3] =	stream.indirect.scatter.add.f32 [tilespmem:s21], [sflag:$0x5], $0x1, s16, s14, $0xb8;
	[tilespmem:$0x1E700] =	vst v63  }
0x1c5: {  	_ =	swait.ge [sflag:s0], $0x2800  }
0x1c6: {  	[sflag:s0] =	ssyncset.done $0x0  }
0x1c7: {  	[sflag:s0] =	ssyncadd.s32 $0xFFFFD800  }
0x1c8: {  	_ =	swait.ge [sflag:s0], $0x50  }
0x1c9: {  	s18 =	sld [smem:$0x7FA]  }
0x1ca: {  	[sflag:s0] =	ssyncset.done $0x0  }
0x1cb: {  	[sflag:s0] =	ssyncadd.s32 $0xFFFFFFB0  }
0x1cc: {  	[tilespmem:s5], [sflag:$0x9] =	stream.linear.gather [hbm4b:s18+s5], $0x50, $0x38;
	[tilespmem:$0x1E700] =	vst v63  }
0x1cd: {  	_ =	swait.ge [sflag:s20], $0x50  }
0x1ce: {  	s19 =	sld [smem:$0x7FB]  }
0x1cf: {  	[sflag:s20] =	ssyncset.done $0x0  }
0x1d0: {  	[sflag:s20] =	ssyncadd.s32 $0xFFFFFFB0  }
0x1d1: {  	[tilespmem:s16], [sflag:$0x9] =	stream.linear.gather [hbm4b:s19+s5], $0x50, $0x38;
	[tilespmem:$0x1E700] =	vst v63  }
0x1d2: {  	_ =	swait.ge [sflag:s20], $0x50  }
0x1d3: {  	[sflag:s20] =	ssyncset.done $0x0  }
0x1d4: {  	[sflag:s20] =	ssyncadd.s32 $0xFFFFFFB0  }
0x1d5: {  	[tilespmem:s12], [sflag:$0x1] =	stream.indirect.gather [hbm4b:s23+s14], $0x80, s5, s14, $0xb8;
	[tilespmem:$0x1E700] =	vst v63  }
0x1d6: {  	_ =	swait.ge [sflag:s31], $0x2800  }
0x1d7: {  	[sflag:s31] =	ssyncset.done $0x0  }
0x1d8: {  	[sflag:s31] =	ssyncadd.s32 $0xFFFFD800  }
0x1d9: {  	[spmem:s2] =	stream.indirect.scatter.add.f32 [tilespmem:s12], [sflag:$0x5], $0x80, s16, s14, $0xb8;
	[tilespmem:$0x1E700] =	vst v63  }
0x1da: {  	_ = 	snop  }
0x1db: {  	[spmem:s3] =	stream.indirect.scatter.add.f32 [tilespmem:s21], [sflag:$0x5], $0x1, s16, s14, $0xb8;
	[tilespmem:$0x1E700] =	vst v63  }
0x1dc: {  	_ =	swait.ge [sflag:s0], $0x2800  }
0x1dd: {  	[sflag:s0] =	ssyncset.done $0x0  }
0x1de: {  	[sflag:s0] =	ssyncadd.s32 $0xFFFFD800  }
0x1df: {  	_ =	swait.ge [sflag:s0], $0x50  }
0x1e0: {  	[sflag:s0] =	ssyncset.done $0x0  }
0x1e1: {  	[sflag:s0] =	ssyncadd.s32 $0xFFFFFFB0  }
0x1e2: {  	[bflag:$0x0] =	sbarrier.arrive $0xFFFF  }
0x1e3: {  	s15 =	rddreg [dreg:$0x1b]  }
0x1e4: {  	[tilespmem:s12], [sflag:$0x9] =	stream.linear.gather [spmem:s15], $0x2800, $0x38;
	[tilespmem:$0x1E700] =	vst v63  }
0x1e5: {  	_ =	swait.ge [sflag:s20], $0x2800  }
0x1e6: {  	[sflag:s20] =	ssyncset.done $0x0  }
0x1e7: {  	s13 =	rddreg [dreg:$0xb];
	[sflag:s20] =	ssyncadd.s32 $0xFFFFD800  }
0x1e8: {  	[hbm4b:s13+s5] =	stream.linear.scatter [tilespmem:s12], [sflag:$0x9], $0x2800, $0x38;
	[tilespmem:$0x1E700] =	vst v63  }
0x1e9: {  	_ =	swait.ge [sflag:s20], $0x2800  }
0x1ea: {  	s16 =	sld [smem:$0x7EB]  }
0x1eb: {  	[sflag:s20] =	ssyncset.done $0x0  }
0x1ec: {  	[sflag:s20] =	ssyncadd.s32 $0xFFFFD800  }
0x1ed: {  	[tilespmem:s21], [sflag:$0x9] =	stream.linear.gather [spmem:s16], $0x50, $0x38;
	[tilespmem:$0x1E700] =	vst v63  }
0x1ee: {  	_ =	swait.ge [sflag:s20], $0x50  }
0x1ef: {  	[sflag:s20] =	ssyncset.done $0x0  }
0x1f0: {  	s18 =	rddreg [dreg:$0x13];
	[sflag:s20] =	ssyncadd.s32 $0xFFFFFFB0  }
0x1f1: {  	[hbm4b:s18+s5] =	stream.linear.scatter [tilespmem:s21], [sflag:$0x9], $0x50, $0x38;
	[tilespmem:$0x1E700] =	vst v63  }
0x1f2: {  	_ =	swait.ge [sflag:s20], $0x50  }
0x1f3: {  	[sflag:s20] =	ssyncset.done $0x0  }
0x1f4: {  	s18 =	rddreg [dreg:$0x1c];
	[sflag:s20] =	ssyncadd.s32 $0xFFFFFFB0  }
0x1f5: {  	[tilespmem:s12], [sflag:$0x9] =	stream.linear.gather [spmem:s18], $0x2800, $0x38;
	[tilespmem:$0x1E700] =	vst v63  }
0x1f6: {  	_ =	swait.ge [sflag:s20], $0x2800  }
0x1f7: {  	[sflag:s20] =	ssyncset.done $0x0  }
0x1f8: {  	s19 =	rddreg [dreg:$0xc];
	[sflag:s20] =	ssyncadd.s32 $0xFFFFD800  }
0x1f9: {  	[hbm4b:s19+s5] =	stream.linear.scatter [tilespmem:s12], [sflag:$0x9], $0x2800, $0x38;
	[tilespmem:$0x1E700] =	vst v63  }
0x1fa: {  	_ =	swait.ge [sflag:s20], $0x2800  }
0x1fb: {  	[sflag:s20] =	ssyncset.done $0x0  }
0x1fc: {  	s13 =	rddreg [dreg:$0x1d];
	[sflag:s20] =	ssyncadd.s32 $0xFFFFD800  }
0x1fd: {  	[tilespmem:s21], [sflag:$0x9] =	stream.linear.gather [spmem:s13], $0x50, $0x38;
	[tilespmem:$0x1E700] =	vst v63  }
0x1fe: {  	_ =	swait.ge [sflag:s20], $0x50  }
0x1ff: {  	[sflag:s20] =	ssyncset.done $0x0  }
0x200: {  	s16 =	rddreg [dreg:$0x14];
	[sflag:s20] =	ssyncadd.s32 $0xFFFFFFB0  }
0x201: {  	[hbm4b:s16+s5] =	stream.linear.scatter [tilespmem:s21], [sflag:$0x9], $0x50, $0x38;
	[tilespmem:$0x1E700] =	vst v63  }
0x202: {  	_ =	swait.ge [sflag:s20], $0x50  }
0x203: {  	[sflag:s20] =	ssyncset.done $0x0  }
0x204: {  	s19 =	rddreg [dreg:$0x1e];
	[sflag:s20] =	ssyncadd.s32 $0xFFFFFFB0  }
0x205: {  	[tilespmem:s12], [sflag:$0x9] =	stream.linear.gather [spmem:s19], $0x2800, $0x38;
	[tilespmem:$0x1E700] =	vst v63  }
0x206: {  	_ =	swait.ge [sflag:s20], $0x2800  }
0x207: {  	[sflag:s20] =	ssyncset.done $0x0  }
0x208: {  	s13 =	rddreg [dreg:$0xd];
	[sflag:s20] =	ssyncadd.s32 $0xFFFFD800  }
0x209: {  	[hbm4b:s13+s5] =	stream.linear.scatter [tilespmem:s12], [sflag:$0x9], $0x2800, $0x38;
	[tilespmem:$0x1E700] =	vst v63  }
0x20a: {  	_ =	swait.ge [sflag:s20], $0x2800  }
0x20b: {  	[sflag:s20] =	ssyncset.done $0x0  }
0x20c: {  	s16 =	rddreg [dreg:$0x1f];
	[sflag:s20] =	ssyncadd.s32 $0xFFFFD800  }
0x20d: {  	[tilespmem:s21], [sflag:$0x9] =	stream.linear.gather [spmem:s16], $0x50, $0x38;
	[tilespmem:$0x1E700] =	vst v63  }
0x20e: {  	_ =	swait.ge [sflag:s20], $0x50  }
0x20f: {  	[sflag:s20] =	ssyncset.done $0x0  }
0x210: {  	s19 =	rddreg [dreg:$0x15];
	[sflag:s20] =	ssyncadd.s32 $0xFFFFFFB0  }
0x211: {  	[hbm4b:s19+s5] =	stream.linear.scatter [tilespmem:s21], [sflag:$0x9], $0x50, $0x38;
	[tilespmem:$0x1E700] =	vst v63  }
0x212: {  	_ =	swait.ge [sflag:s20], $0x50  }
0x213: {  	s13 =	sld [smem:$0x7E5]  }
0x214: {  	[sflag:s20] =	ssyncset.done $0x0  }
0x215: {  	[sflag:s20] =	ssyncadd.s32 $0xFFFFFFB0  }
0x216: {  	[tilespmem:s12], [sflag:$0x9] =	stream.linear.gather [spmem:s13], $0x2800, $0x38;
	[tilespmem:$0x1E700] =	vst v63  }
0x217: {  	_ =	swait.ge [sflag:s20], $0x2800  }
0x218: {  	[sflag:s20] =	ssyncset.done $0x0  }
0x219: {  	s16 =	rddreg [dreg:$0xe];
	[sflag:s20] =	ssyncadd.s32 $0xFFFFD800  }
0x21a: {  	[hbm4b:s16+s5] =	stream.linear.scatter [tilespmem:s12], [sflag:$0x9], $0x2800, $0x38;
	[tilespmem:$0x1E700] =	vst v63  }
0x21b: {  	_ =	swait.ge [sflag:s20], $0x2800  }
0x21c: {  	s19 =	sld [smem:$0x7E6]  }
0x21d: {  	[sflag:s20] =	ssyncset.done $0x0  }
0x21e: {  	[sflag:s20] =	ssyncadd.s32 $0xFFFFD800  }
0x21f: {  	[tilespmem:s21], [sflag:$0x9] =	stream.linear.gather [spmem:s19], $0x50, $0x38;
	[tilespmem:$0x1E700] =	vst v63  }
0x220: {  	_ =	swait.ge [sflag:s20], $0x50  }
0x221: {  	[sflag:s20] =	ssyncset.done $0x0  }
0x222: {  	s13 =	rddreg [dreg:$0x16];
	[sflag:s20] =	ssyncadd.s32 $0xFFFFFFB0  }
0x223: {  	[hbm4b:s13+s5] =	stream.linear.scatter [tilespmem:s21], [sflag:$0x9], $0x50, $0x38;
	[tilespmem:$0x1E700] =	vst v63  }
0x224: {  	_ =	swait.ge [sflag:s20], $0x50  }
0x225: {  	s16 =	sld [smem:$0x7E7]  }
0x226: {  	[sflag:s20] =	ssyncset.done $0x0  }
0x227: {  	[sflag:s20] =	ssyncadd.s32 $0xFFFFFFB0  }
0x228: {  	[tilespmem:s12], [sflag:$0x9] =	stream.linear.gather [spmem:s16], $0x2800, $0x38;
	[tilespmem:$0x1E700] =	vst v63  }
0x229: {  	_ =	swait.ge [sflag:s20], $0x2800  }
0x22a: {  	[sflag:s20] =	ssyncset.done $0x0  }
0x22b: {  	s19 =	rddreg [dreg:$0xf];
	[sflag:s20] =	ssyncadd.s32 $0xFFFFD800  }
0x22c: {  	[hbm4b:s19+s5] =	stream.linear.scatter [tilespmem:s12], [sflag:$0x9], $0x2800, $0x38;
	[tilespmem:$0x1E700] =	vst v63  }
0x22d: {  	_ =	swait.ge [sflag:s20], $0x2800  }
0x22e: {  	s13 =	sld [smem:$0x7E8]  }
0x22f: {  	[sflag:s20] =	ssyncset.done $0x0  }
0x230: {  	[sflag:s20] =	ssyncadd.s32 $0xFFFFD800  }
0x231: {  	[tilespmem:s21], [sflag:$0x9] =	stream.linear.gather [spmem:s13], $0x50, $0x38;
	[tilespmem:$0x1E700] =	vst v63  }
0x232: {  	_ =	swait.ge [sflag:s20], $0x50  }
0x233: {  	[sflag:s20] =	ssyncset.done $0x0  }
0x234: {  	s16 =	rddreg [dreg:$0x17];
	[sflag:s20] =	ssyncadd.s32 $0xFFFFFFB0  }
0x235: {  	[hbm4b:s16+s5] =	stream.linear.scatter [tilespmem:s21], [sflag:$0x9], $0x50, $0x38;
	[tilespmem:$0x1E700] =	vst v63  }
0x236: {  	_ =	swait.ge [sflag:s20], $0x50  }
0x237: {  	s19 =	sld [smem:$0x7E9]  }
0x238: {  	[sflag:s20] =	ssyncset.done $0x0  }
0x239: {  	[sflag:s20] =	ssyncadd.s32 $0xFFFFFFB0  }
0x23a: {  	[tilespmem:s12], [sflag:$0x9] =	stream.linear.gather [spmem:s19], $0x2800, $0x38;
	[tilespmem:$0x1E700] =	vst v63  }
0x23b: {  	_ =	swait.ge [sflag:s20], $0x2800  }
0x23c: {  	[sflag:s20] =	ssyncset.done $0x0  }
0x23d: {  	s13 =	rddreg [dreg:$0x10];
	[sflag:s20] =	ssyncadd.s32 $0xFFFFD800  }
0x23e: {  	[hbm4b:s13+s5] =	stream.linear.scatter [tilespmem:s12], [sflag:$0x9], $0x2800, $0x38;
	[tilespmem:$0x1E700] =	vst v63  }
0x23f: {  	_ =	swait.ge [sflag:s20], $0x2800  }
0x240: {  	s16 =	sld [smem:$0x7EA]  }
0x241: {  	[sflag:s20] =	ssyncset.done $0x0  }
0x242: {  	[sflag:s20] =	ssyncadd.s32 $0xFFFFD800  }
0x243: {  	[tilespmem:s21], [sflag:$0x9] =	stream.linear.gather [spmem:s16], $0x50, $0x38;
	[tilespmem:$0x1E700] =	vst v63  }
0x244: {  	_ =	swait.ge [sflag:s20], $0x50  }
0x245: {  	[sflag:s20] =	ssyncset.done $0x0  }
0x246: {  	s19 =	rddreg [dreg:$0x18];
	[sflag:s20] =	ssyncadd.s32 $0xFFFFFFB0  }
0x247: {  	[hbm4b:s19+s5] =	stream.linear.scatter [tilespmem:s21], [sflag:$0x9], $0x50, $0x38;
	[tilespmem:$0x1E700] =	vst v63  }
0x248: {  	_ =	swait.ge [sflag:s20], $0x50  }
0x249: {  	s13 =	sld [smem:$0x7EC]  }
0x24a: {  	[sflag:s20] =	ssyncset.done $0x0  }
0x24b: {  	[sflag:s20] =	ssyncadd.s32 $0xFFFFFFB0  }
0x24c: {  	[tilespmem:s12], [sflag:$0x9] =	stream.linear.gather [spmem:s13], $0x2800, $0x38;
	[tilespmem:$0x1E700] =	vst v63  }
0x24d: {  	_ =	swait.ge [sflag:s20], $0x2800  }
0x24e: {  	[sflag:s20] =	ssyncset.done $0x0  }
0x24f: {  	s16 =	rddreg [dreg:$0x11];
	[sflag:s20] =	ssyncadd.s32 $0xFFFFD800  }
0x250: {  	[hbm4b:s16+s5] =	stream.linear.scatter [tilespmem:s12], [sflag:$0x9], $0x2800, $0x38;
	[tilespmem:$0x1E700] =	vst v63  }
0x251: {  	_ =	swait.ge [sflag:s20], $0x2800  }
0x252: {  	s19 =	sld [smem:$0x7ED]  }
0x253: {  	[sflag:s20] =	ssyncset.done $0x0  }
0x254: {  	[sflag:s20] =	ssyncadd.s32 $0xFFFFD800  }
0x255: {  	[tilespmem:s21], [sflag:$0x9] =	stream.linear.gather [spmem:s19], $0x50, $0x38;
	[tilespmem:$0x1E700] =	vst v63  }
0x256: {  	_ =	swait.ge [sflag:s20], $0x50  }
0x257: {  	[sflag:s20] =	ssyncset.done $0x0  }
0x258: {  	s13 =	rddreg [dreg:$0x19];
	[sflag:s20] =	ssyncadd.s32 $0xFFFFFFB0  }
0x259: {  	[hbm4b:s13+s5] =	stream.linear.scatter [tilespmem:s21], [sflag:$0x9], $0x50, $0x38;
	[tilespmem:$0x1E700] =	vst v63  }
0x25a: {  	_ =	swait.ge [sflag:s20], $0x50  }
0x25b: {  	s16 =	sld [smem:$0x7EE]  }
0x25c: {  	[sflag:s20] =	ssyncset.done $0x0  }
0x25d: {  	[sflag:s20] =	ssyncadd.s32 $0xFFFFFFB0  }
0x25e: {  	[tilespmem:s12], [sflag:$0x9] =	stream.linear.gather [spmem:s16], $0x2800, $0x38;
	[tilespmem:$0x1E700] =	vst v63  }
0x25f: {  	_ =	swait.ge [sflag:s20], $0x2800  }
0x260: {  	[sflag:s20] =	ssyncset.done $0x0  }
0x261: {  	s19 =	rddreg [dreg:$0x12];
	[sflag:s20] =	ssyncadd.s32 $0xFFFFD800  }
0x262: {  	[hbm4b:s19+s5] =	stream.linear.scatter [tilespmem:s12], [sflag:$0x9], $0x2800, $0x38;
	[tilespmem:$0x1E700] =	vst v63  }
0x263: {  	_ =	swait.ge [sflag:s20], $0x2800  }
0x264: {  	s12 =	sld [smem:$0x7EF]  }
0x265: {  	[sflag:s20] =	ssyncset.done $0x0  }
0x266: {  	[sflag:s20] =	ssyncadd.s32 $0xFFFFD800  }
0x267: {  	[tilespmem:s21], [sflag:$0x9] =	stream.linear.gather [spmem:s12], $0x50, $0x38;
	[tilespmem:$0x1E700] =	vst v63  }
0x268: {  	_ =	swait.ge [sflag:s20], $0x50  }
0x269: {  	[sflag:s20] =	ssyncset.done $0x0  }
0x26a: {  	s13 =	rddreg [dreg:$0x1a];
	[sflag:s20] =	ssyncadd.s32 $0xFFFFFFB0  }
0x26b: {  	[hbm4b:s13+s5] =	stream.linear.scatter [tilespmem:s21], [sflag:$0x9], $0x50, $0x38;
	[tilespmem:$0x1E700] =	vst v63  }
0x26c: {  	_ =	swait.ge [sflag:s20], $0x50  }
0x26d: {  	s16 =	sld [smem:$0x7E4]  }
0x26e: {  	s19 =	sld [smem:$0x7FC];
	_ =	sdelay $0x1  }
0x26f: {  	s12 =	sadd.s32 $0x1, s16  }
0x270: {  	p0 =	sne.s32 s12, s19  }
.Ltmp2:
0x271: {  	_ = 	snop;
	(pc) =	sbr.rel @p0 .LBB2_1-.Ltmp2, $3  }
0x272: {  	_ =	sdelay $0x1  }
0x273: {  	[sflag:s20] =	ssyncset.done $0x0  }
0x274: {  	[sflag:s20] =	ssyncadd.s32 $0xFFFFFFB0;
	s16 =	simm.s32 $0x200;
	s19 =	simm.s32 $0x400  }
0x275: {  	_ =	sfence.sel $0x180000  }
0x276: {  	[bflag:$0x0] =	sbarrier.arrive $0xFFFF  }
0x277: {  	_ =	strace $0x90000047  }
0x278: {  	s0 =	stileid.u32;
	[bflag:$0x2] =	sbarrier.arrive $0xFFFF  }
0x279: {  	p0 =	sne.s32 s0, $0x0;
	s0 =	rddreg [dreg:$0x4]  }
0x27a: {  	s0 =	sadd.s32 @!p0 $0x100000, s0  }
0x27b: {  	[sflag:s0] =	ssyncadd.tile.s32 @!p0 $0x1;
	_ =	shalt  }
.Lfunc_end2:
_tile_overlayer_lowered:
.L_overlay_start_2:
0x27c: {  	(tag) =	ssettag $0x2  }
0x27d: {  	s0 =	rddreg [dreg:$0x0];
	s2 =	stileid.u32  }
0x27e: {  	s1 =	rddreg [dreg:$0x1];
	p0 =	sne.s32 s2, $0x0  }
0x27f: {  	s3 =	rddreg [dreg:$0x2];
	[bflag:$0x3] =	sbarrier.arrive $0xFFFF;
	s2 =	simm.s32 @!p0 $0x1C09  }
0x280: {  	[timem:s3], [sflag:s2] =	dma.local @!p0 [hbm:s0], s1  }
0x281: {  	s0 =	simm.s32 @!p0 $0x9  }
0x282: {  	_ =	swait.ge @!p0 [sflag:s0], s1  }
0x283: {  	s1 =	ssub.s32 @!p0 $0x0, s1;
	[sflag:s0] =	ssyncset.done @!p0 $0x0  }
0x284: {  	[sflag:s0] =	ssyncadd.s32 @!p0 s1  }
0x285: {  	[bflag:$0x3] =	sbarrier.arrive $0xFFFF  }
0x286: {  	_ =	shalt  }

</sc_bundles>
